<compile_context>
chip_gen: v7x
topology: tpu7x:2x2x1
jax: 0.10.2.dev20260603
libtpu: 0.0.44.dev20260713+nightly
codegen_flags: <defaults>
</compile_context>

<pallas_src>
import jax
import jax.numpy as jnp
from jax import lax
from jax.experimental import pallas as pl
from jax.experimental.pallas import tpu as pltpu
from jax.experimental.pallas import tpu_sc as plsc

N, C = 10000, 128
NC, M = 160000, 512
NPAD, EPAD = 10240, 640
NT = 32
NB, KB = 40, 128
PB = NB * KB
NCPAD = NT * PB

_MESH = plsc.VectorSubcoreMesh(core_axis_name="c", subcore_axis_name="s")


def _wid():
    return lax.axis_index("s") * 2 + lax.axis_index("c")


def _zero16():
    return jnp.zeros((16,), jnp.float32)


def _zero_1d(ref, nwords):
    def body(i, _):
        ref[pl.ds(i * 16, 16)] = _zero16()
        return 0
    lax.fori_loop(0, nwords // 16, body, 0)


def _zero_2d(ref, nrows):
    def body(i, _):
        for j in range(8):
            ref[i, pl.ds(j * 16, 16)] = _zero16()
        return 0
    lax.fori_loop(0, nrows, body, 0)


def _sum_tables(dst, src1, nwords):
    def body(i, _):
        s = pl.ds(i * 16, 16)
        dst[s] = dst[s] + src1[s]
        return 0
    lax.fori_loop(0, nwords // 16, body, 0)


def _core_write(cid, src, dst0, dst1):
    @pl.when(cid == 0)
    def _():
        pltpu.sync_copy(src, dst0)

    @pl.when(cid == 1)
    def _():
        pltpu.sync_copy(src, dst1)



def _tca_body(x_ref, w_ref, a_ref, xp_ref, aux_ref):
    p = jnp.dot(x_ref[...], w_ref[...], preferred_element_type=jnp.float32)
    xp_ref[...] = p
    aux_ref[...] = lax.dot_general(
        a_ref[...], p, (((0,), (1,)), ((), ())),
        preferred_element_type=jnp.float32,
        precision=lax.Precision.HIGHEST)


def _run_tca(xpad, weight, acat):
    blk = 1024
    return pl.pallas_call(
        _tca_body,
        grid=(NPAD // blk,),
        in_specs=[
            pl.BlockSpec((blk, C), lambda i: (i, 0)),
            pl.BlockSpec((C, C), lambda i: (0, 0)),
            pl.BlockSpec((C, 8), lambda i: (0, 0)),
        ],
        out_specs=[
            pl.BlockSpec((blk, C), lambda i: (i, 0)),
            pl.BlockSpec((8, blk), lambda i: (0, i)),
        ],
        out_shape=[
            jax.ShapeDtypeStruct((NPAD, C), jnp.float32),
            jax.ShapeDtypeStruct((8, NPAD), jnp.float32),
        ],
    )(xpad, weight, acat)



def _sc1_body(node3_hbm, edge3_hbm, nd2_hbm,
              dp0_hbm, dp1_hbm, ep0_hbm, ep1_hbm, tp0_hbm, tp1_hbm,
              idxn, idxe, val, ones_v, nd2_tab, z1d,
              acc_d, acc_e, acc_t,
              sem_a, sem_b, sem_c):
    cid = lax.axis_index("c")
    sid = lax.axis_index("s")
    wid = _wid()

    _zero_1d(z1d, 640)
    pltpu.sync_copy(z1d, acc_d.at[pl.ds(sid * 640, 640)])

    @pl.when(sid == 0)
    def _():
        pltpu.sync_copy(z1d, acc_e)
        pltpu.sync_copy(z1d, acc_t)

    pltpu.sync_copy(node3_hbm.at[wid], idxn)
    pltpu.sync_copy(edge3_hbm.at[wid], idxe)
    pltpu.sync_copy(nd2_hbm, nd2_tab)

    def gbody(b, _):
        for k in range(8):
            s = pl.ds(k * 16, 16)
            val[b, s] = plsc.load_gather(nd2_tab, [idxn[b, s]])
            ones_v[b, s] = jnp.full((16,), 1.0, jnp.float32)
        return 0
    lax.fori_loop(0, NB, gbody, 0)

    plsc.subcore_barrier()

    def sbody(b, _):
        d1 = pltpu.async_copy(ones_v.at[b], acc_d.at[idxn.at[b]], sem_a,
                              add=True)
        d2 = pltpu.async_copy(ones_v.at[b], acc_e.at[idxe.at[b]], sem_b,
                              add=True)
        d3 = pltpu.async_copy(val.at[b], acc_t.at[idxe.at[b]], sem_c,
                              add=True)
        d1.wait()
        d2.wait()
        d3.wait()
        return 0
    lax.fori_loop(0, NB, sbody, 0)

    plsc.subcore_barrier()
    plsc.subcore_barrier()

    _core_write(cid, acc_d.at[pl.ds(sid * 640, 640)],
                dp0_hbm.at[pl.ds(sid * 640, 640)],
                dp1_hbm.at[pl.ds(sid * 640, 640)])

    @pl.when(sid == 0)
    def _():
        _core_write(cid, acc_e, ep0_hbm, ep1_hbm)
        _core_write(cid, acc_t, tp0_hbm, tp1_hbm)


def _run_sc1(node3, edge3, nd2):
    fn = pl.kernel(
        _sc1_body,
        out_type=[
            jax.ShapeDtypeStruct((NPAD,), jnp.float32),
            jax.ShapeDtypeStruct((NPAD,), jnp.float32),
            jax.ShapeDtypeStruct((EPAD,), jnp.float32),
            jax.ShapeDtypeStruct((EPAD,), jnp.float32),
            jax.ShapeDtypeStruct((EPAD,), jnp.float32),
            jax.ShapeDtypeStruct((EPAD,), jnp.float32),
        ],
        mesh=_MESH,
        compiler_params=pltpu.CompilerParams(needs_layout_passes=False),
        scratch_types=[
            pltpu.VMEM((NB, KB), jnp.int32),
            pltpu.VMEM((NB, KB), jnp.int32),
            pltpu.VMEM((NB, KB), jnp.float32),
            pltpu.VMEM((NB, KB), jnp.float32),
            pltpu.VMEM((NPAD,), jnp.float32),
            pltpu.VMEM((640,), jnp.float32),
            pltpu.VMEM_SHARED((NPAD,), jnp.float32),
            pltpu.VMEM_SHARED((EPAD,), jnp.float32),
            pltpu.VMEM_SHARED((EPAD,), jnp.float32),
            pltpu.SemaphoreType.DMA,
            pltpu.SemaphoreType.DMA,
            pltpu.SemaphoreType.DMA,
        ],
    )
    return fn(node3, edge3, nd2)



def _sc2_body(node3_hbm, edge3_hbm, tp0_hbm, tp1_hbm,
              d2p0_hbm, d2p1_hbm,
              idxn, idxe, val, t0, t1, z1d, acc,
              sem_a):
    cid = lax.axis_index("c")
    sid = lax.axis_index("s")
    wid = _wid()

    _zero_1d(z1d, 640)
    pltpu.sync_copy(z1d, acc.at[pl.ds(sid * 640, 640)])

    pltpu.sync_copy(node3_hbm.at[wid], idxn)
    pltpu.sync_copy(edge3_hbm.at[wid], idxe)
    pltpu.sync_copy(tp0_hbm, t0)
    pltpu.sync_copy(tp1_hbm, t1)
    _sum_tables(t0, t1, EPAD)

    def mbody(i, m):
        return jnp.maximum(m, t0[pl.ds(i * 16, 16)])
    m16 = lax.fori_loop(0, EPAD // 16, mbody,
                        jnp.full((16,), -3.4e38, jnp.float32))
    gmax = jnp.max(m16)

    def gbody(b, _):
        for k in range(8):
            s = pl.ds(k * 16, 16)
            ed = plsc.load_gather(t0, [idxe[b, s]])
            val[b, s] = jnp.exp(jnp.maximum(ed - gmax, -80.0))
        return 0
    lax.fori_loop(0, NB, gbody, 0)

    plsc.subcore_barrier()

    def sbody(b, _):
        pltpu.async_copy(val.at[b], acc.at[idxn.at[b]], sem_a,
                         add=True).wait()
        return 0
    lax.fori_loop(0, NB, sbody, 0)

    plsc.subcore_barrier()
    plsc.subcore_barrier()
    plsc.subcore_barrier()
    _core_write(cid, acc.at[pl.ds(sid * 640, 640)],
                d2p0_hbm.at[pl.ds(sid * 640, 640)],
                d2p1_hbm.at[pl.ds(sid * 640, 640)])


def _run_sc2(node3, edge3, tp0, tp1):
    fn = pl.kernel(
        _sc2_body,
        out_type=[
            jax.ShapeDtypeStruct((NPAD,), jnp.float32),
            jax.ShapeDtypeStruct((NPAD,), jnp.float32),
        ],
        mesh=_MESH,
        compiler_params=pltpu.CompilerParams(needs_layout_passes=False),
        scratch_types=[
            pltpu.VMEM((NB, KB), jnp.int32),
            pltpu.VMEM((NB, KB), jnp.int32),
            pltpu.VMEM((NB, KB), jnp.float32),
            pltpu.VMEM((EPAD,), jnp.float32),
            pltpu.VMEM((EPAD,), jnp.float32),
            pltpu.VMEM((640,), jnp.float32),
            pltpu.VMEM_SHARED((NPAD,), jnp.float32),
            pltpu.SemaphoreType.DMA,
        ],
    )
    return fn(node3, edge3, tp0, tp1)



def _tcc_body(nd1_ref, d2a_ref, d2b_ref, ta_ref, tb_ref, v_ref):
    ed2 = ta_ref[...] + tb_ref[...]
    gmax = jnp.max(ed2)
    d2 = d2a_ref[...] + d2b_ref[...]
    z = nd1_ref[...] + gmax + jnp.log(jnp.maximum(d2, 1e-38))
    v_ref[...] = jnp.maximum(z, 0.2 * z)


def _run_tcc(nd1_2d, d2p0, d2p1, tp0, tp1):
    return pl.pallas_call(
        _tcc_body,
        out_shape=jax.ShapeDtypeStruct((80, 128), jnp.float32),
    )(nd1_2d, d2p0.reshape(80, 128), d2p1.reshape(80, 128),
      tp0.reshape(5, 128), tp1.reshape(5, 128))



def _sc3_body(node3_hbm, edge3_hbm, nd1_hbm, v_hbm, tp0_hbm, tp1_hbm,
              ex_hbm, dap0_hbm, dap1_hbm,
              idxn, idxe, exbuf, nd1_tab, v_tab, t0, t1, z1d, acc,
              sem_a):
    cid = lax.axis_index("c")
    sid = lax.axis_index("s")
    wid = _wid()

    _zero_1d(z1d, 640)
    pltpu.sync_copy(z1d, acc.at[pl.ds(sid * 640, 640)])

    pltpu.sync_copy(node3_hbm.at[wid], idxn)
    pltpu.sync_copy(edge3_hbm.at[wid], idxe)
    pltpu.sync_copy(nd1_hbm, nd1_tab)
    pltpu.sync_copy(v_hbm, v_tab)
    pltpu.sync_copy(tp0_hbm, t0)
    pltpu.sync_copy(tp1_hbm, t1)
    _sum_tables(t0, t1, EPAD)

    def gbody(b, _):
        for k in range(8):
            s = pl.ds(k * 16, 16)
            ii = idxn[b, s]
            z = plsc.load_gather(nd1_tab, [ii]) + plsc.load_gather(
                t0, [idxe[b, s]])
            e = jnp.maximum(z, 0.2 * z)
            exbuf[b, s] = jnp.exp(
                jnp.maximum(e - plsc.load_gather(v_tab, [ii]), -80.0))
        return 0
    lax.fori_loop(0, NB, gbody, 0)

    pltpu.sync_copy(exbuf, ex_hbm.at[wid])

    plsc.subcore_barrier()

    def sbody(b, _):
        pltpu.async_copy(exbuf.at[b], acc.at[idxn.at[b]], sem_a,
                         add=True).wait()
        return 0
    lax.fori_loop(0, NB, sbody, 0)

    plsc.subcore_barrier()
    plsc.subcore_barrier()
    plsc.subcore_barrier()
    _core_write(cid, acc.at[pl.ds(sid * 640, 640)],
                dap0_hbm.at[pl.ds(sid * 640, 640)],
                dap1_hbm.at[pl.ds(sid * 640, 640)])


def _run_sc3(node3, edge3, nd1, v, tp0, tp1):
    fn = pl.kernel(
        _sc3_body,
        out_type=[
            jax.ShapeDtypeStruct((NT, NB, KB), jnp.float32),
            jax.ShapeDtypeStruct((NPAD,), jnp.float32),
            jax.ShapeDtypeStruct((NPAD,), jnp.float32),
        ],
        mesh=_MESH,
        compiler_params=pltpu.CompilerParams(needs_layout_passes=False),
        scratch_types=[
            pltpu.VMEM((NB, KB), jnp.int32),
            pltpu.VMEM((NB, KB), jnp.int32),
            pltpu.VMEM((NB, KB), jnp.float32),
            pltpu.VMEM((NPAD,), jnp.float32),
            pltpu.VMEM((NPAD,), jnp.float32),
            pltpu.VMEM((EPAD,), jnp.float32),
            pltpu.VMEM((EPAD,), jnp.float32),
            pltpu.VMEM((640,), jnp.float32),
            pltpu.VMEM_SHARED((NPAD,), jnp.float32),
            pltpu.SemaphoreType.DMA,
        ],
    )
    return fn(node3, edge3, nd1, v, tp0, tp1)



def _sc4_body(node3_hbm, edge3_hbm, ex_hbm, ra_hbm, bn_hbm, xproj_hbm,
              xepart_hbm, alpha_hbm, espart_hbm,
              idxn, idxe, ab, ra_tab, bn_tab,
              rb0, rb1, sb0, sb1, acc_xe, acc_es,
              sem_g0, sem_g1, sem_s0, sem_s1, sem_u0, sem_u1):
    cid = lax.axis_index("c")
    sid = lax.axis_index("s")
    wid = _wid()

    _zero_2d(rb0, KB)
    pltpu.sync_copy(rb0.at[pl.ds(0, 40)], acc_xe.at[pl.ds(sid * 40, 40)])
    pltpu.sync_copy(rb0.at[pl.ds(0, 40)], acc_es.at[pl.ds(sid * 40, 40)])

    pltpu.sync_copy(node3_hbm.at[wid], idxn)
    pltpu.sync_copy(edge3_hbm.at[wid], idxe)
    pltpu.sync_copy(ex_hbm.at[wid], ab)
    pltpu.sync_copy(ra_hbm, ra_tab)
    pltpu.sync_copy(bn_hbm, bn_tab)

    def abody(b, _):
        for k in range(8):
            s = pl.ds(k * 16, 16)
            ab[b, s] = ab[b, s] * plsc.load_gather(ra_tab, [idxn[b, s]])
        return 0
    lax.fori_loop(0, NB, abody, 0)
    pltpu.sync_copy(ab, alpha_hbm.at[wid])

    def bbody(b, _):
        for k in range(8):
            s = pl.ds(k * 16, 16)
            ab[b, s] = ab[b, s] * plsc.load_gather(bn_tab, [idxe[b, s]])
        return 0
    lax.fori_loop(0, NB, bbody, 0)

    plsc.subcore_barrier()

    bufs = ((rb0, sb0, sem_g0, sem_s0, sem_u0),
            (rb1, sb1, sem_g1, sem_s1, sem_u1))
    pltpu.async_copy(xproj_hbm.at[idxn.at[0]], rb0, sem_g0)
    pltpu.async_copy(xproj_hbm.at[idxn.at[1]], rb1, sem_g1)

    def rbody(bb, _):
        for p in range(2):
            b = bb * 2 + p
            rb, sb, sg, ss, su = bufs[p]
            pltpu.make_async_copy(xproj_hbm.at[idxn.at[b]], rb, sg).wait()
            un = pltpu.async_copy(rb, acc_es.at[idxe.at[b]], su, add=True)

            def scale(r, _):
                a16 = plsc.load_gather(ab, [jnp.full((16,), b, jnp.int32),
                                            jnp.full((16,), r, jnp.int32)])
                for j in range(8):
                    s = pl.ds(j * 16, 16)
                    sb[r, s] = rb[r, s] * a16
                return 0
            lax.fori_loop(0, KB, scale, 0)
            sc = pltpu.async_copy(sb, acc_xe.at[idxe.at[b]], ss, add=True)
            un.wait()
            sc.wait()

            @pl.when(b + 2 < NB)
            def _():
                pltpu.async_copy(xproj_hbm.at[idxn.at[b + 2]], rb, sg)
        return 0
    lax.fori_loop(0, NB // 2, rbody, 0)

    plsc.subcore_barrier()
    plsc.subcore_barrier()
    pltpu.sync_copy(acc_xe.at[pl.ds(sid * 40, 40)],
                    xepart_hbm.at[cid, pl.ds(sid * 40, 40)])
    pltpu.sync_copy(acc_es.at[pl.ds(sid * 40, 40)],
                    espart_hbm.at[cid, pl.ds(sid * 40, 40)])


def _run_sc4(node3, edge3, ex, ra, bn, xproj):
    fn = pl.kernel(
        _sc4_body,
        out_type=[
            jax.ShapeDtypeStruct((2, EPAD, C), jnp.float32),
            jax.ShapeDtypeStruct((NT, NB, KB), jnp.float32),
            jax.ShapeDtypeStruct((2, EPAD, C), jnp.float32),
        ],
        mesh=_MESH,
        compiler_params=pltpu.CompilerParams(needs_layout_passes=False),
        scratch_types=[
            pltpu.VMEM((NB, KB), jnp.int32),
            pltpu.VMEM((NB, KB), jnp.int32),
            pltpu.VMEM((NB, KB), jnp.float32),
            pltpu.VMEM((NPAD,), jnp.float32),
            pltpu.VMEM((EPAD,), jnp.float32),
            pltpu.VMEM((KB, C), jnp.float32),
            pltpu.VMEM((KB, C), jnp.float32),
            pltpu.VMEM((KB, C), jnp.float32),
            pltpu.VMEM((KB, C), jnp.float32),
            pltpu.VMEM_SHARED((EPAD, C), jnp.float32),
            pltpu.VMEM_SHARED((EPAD, C), jnp.float32),
            pltpu.SemaphoreType.DMA,
            pltpu.SemaphoreType.DMA,
            pltpu.SemaphoreType.DMA,
            pltpu.SemaphoreType.DMA,
            pltpu.SemaphoreType.DMA,
            pltpu.SemaphoreType.DMA,
        ],
    )
    return fn(node3, edge3, ex, ra, bn, xproj)



def _sc5_body(node3_hbm, edge3_hbm, alpha_hbm, xe_hbm,
              opart_hbm,
              idxn, idxe, ab, rb0, rb1, acc_out,
              sem_g0, sem_g1, sem_s0, sem_s1):
    cid = lax.axis_index("c")
    sid = lax.axis_index("s")
    wid = _wid()

    _zero_2d(rb0, KB)
    for kk in range(640 // KB):
        pltpu.sync_copy(rb0, acc_out.at[pl.ds(sid * 640 + kk * KB, KB)])

    pltpu.sync_copy(node3_hbm.at[wid], idxn)
    pltpu.sync_copy(edge3_hbm.at[wid], idxe)
    pltpu.sync_copy(alpha_hbm.at[wid], ab)

    plsc.subcore_barrier()

    bufs = ((rb0, sem_g0, sem_s0), (rb1, sem_g1, sem_s1))
    pltpu.async_copy(xe_hbm.at[idxe.at[0]], rb0, sem_g0)
    pltpu.async_copy(xe_hbm.at[idxe.at[1]], rb1, sem_g1)

    def rbody(bb, _):
        for p in range(2):
            b = bb * 2 + p
            rb, sg, ss = bufs[p]
            pltpu.make_async_copy(xe_hbm.at[idxe.at[b]], rb, sg).wait()

            def scale(r, _):
                a16 = plsc.load_gather(ab, [jnp.full((16,), b, jnp.int32),
                                            jnp.full((16,), r, jnp.int32)])
                for j in range(8):
                    s = pl.ds(j * 16, 16)
                    rb[r, s] = rb[r, s] * a16
                return 0
            lax.fori_loop(0, KB, scale, 0)
            pltpu.async_copy(rb, acc_out.at[idxn.at[b]], ss, add=True).wait()

            @pl.when(b + 2 < NB)
            def _():
                pltpu.async_copy(xe_hbm.at[idxe.at[b + 2]], rb, sg)
        return 0
    lax.fori_loop(0, NB // 2, rbody, 0)

    plsc.subcore_barrier()
    plsc.subcore_barrier()
    pltpu.sync_copy(acc_out.at[pl.ds(sid * 640, 640)],
                    opart_hbm.at[cid, pl.ds(sid * 640, 640)])


def _run_sc5(node3, edge3, alpha, xe):
    fn = pl.kernel(
        _sc5_body,
        out_type=[jax.ShapeDtypeStruct((2, NPAD, C), jnp.float32)],
        mesh=_MESH,
        compiler_params=pltpu.CompilerParams(needs_layout_passes=False),
        scratch_types=[
            pltpu.VMEM((NB, KB), jnp.int32),
            pltpu.VMEM((NB, KB), jnp.int32),
            pltpu.VMEM((NB, KB), jnp.float32),
            pltpu.VMEM((KB, C), jnp.float32),
            pltpu.VMEM((KB, C), jnp.float32),
            pltpu.VMEM_SHARED((NPAD, C), jnp.float32),
            pltpu.SemaphoreType.DMA,
            pltpu.SemaphoreType.DMA,
            pltpu.SemaphoreType.DMA,
            pltpu.SemaphoreType.DMA,
        ],
    )
    return fn(node3, edge3, alpha, xe)[0]



def _tce_body(xp_ref, out_ref):
    out_ref[...] = xp_ref[0] + xp_ref[1]


def _run_tce(xepart):
    return pl.pallas_call(
        _tce_body,
        out_shape=jax.ShapeDtypeStruct((EPAD, C), jnp.float32),
    )(xepart)



def _tcd_body(da0_ref, da1_ref, e0_ref, e1_ref, ra_ref, bn_ref):
    ra_ref[...] = 1.0 / (da0_ref[...] + da1_ref[...] + 1e-16)
    deg = e0_ref[...] + e1_ref[...]
    bn_ref[...] = jnp.where(deg > 0.0,
                            1.0 / jnp.where(deg > 0.0, deg, 1.0), 0.0)


def _run_tcd(dap0, dap1, ep0, ep1):
    return pl.pallas_call(
        _tcd_body,
        out_shape=[
            jax.ShapeDtypeStruct((80, 128), jnp.float32),
            jax.ShapeDtypeStruct((5, 128), jnp.float32),
        ],
    )(dap0.reshape(80, 128), dap1.reshape(80, 128),
      ep0.reshape(5, 128), ep1.reshape(5, 128))



def _tcb_body(esp_ref, ep0_ref, ep1_ref, dp0_ref, dp1_ref, rs_ref, out_ref):
    esums = esp_ref[0] + esp_ref[1]
    edegc = ep0_ref[...] + ep1_ref[...]
    ef = esums[:M]
    sqn = jnp.sum(ef * ef, axis=1, keepdims=True)
    nrm = jnp.sqrt(jnp.maximum(sqn, 1e-24))
    efn = ef / jnp.maximum(nrm, 1e-12)
    ones_c = jnp.ones((M, 1), jnp.float32)
    cos = lax.dot_general(efn, efn, (((1,), (1,)), ((), ())),
                          preferred_element_type=jnp.float32,
                          precision=lax.Precision.HIGHEST)
    g = lax.dot_general(ef, ef, (((1,), (1,)), ((), ())),
                        preferred_element_type=jnp.float32,
                        precision=lax.Precision.HIGHEST)
    sqn_r = lax.dot_general(ones_c, sqn, (((1,), (1,)), ((), ())),
                            preferred_element_type=jnp.float32,
                            precision=lax.Precision.HIGHEST)
    sq = sqn + sqn_r - 2.0 * g
    dist = jnp.where(sq > 0.0, jnp.sqrt(jnp.where(sq > 0.0, sq, 1.0)), 0.0)
    margin = 4.2
    loss_item = cos * dist + (1.0 - cos) * jnp.maximum(margin - dist, 0.0)

    idx640 = lax.broadcasted_iota(jnp.int32, (EPAD, 1), 0)
    present = (edegc > 0.0) & (idx640 < M)
    ne = jnp.max(jnp.where(present, idx640 + 1, 0))
    nef = ne.astype(jnp.float32)
    idx_c = lax.broadcasted_iota(jnp.int32, (M, 1), 0)
    idx_r = lax.broadcasted_iota(jnp.int32, (1, M), 1)
    pmf = ((idx_c < ne).astype(jnp.float32) *
           (idx_r < ne).astype(jnp.float32))
    loss_mean = jnp.sum(loss_item * pmf) / (nef * nef)
    loss_hyper = jnp.abs(loss_mean) / ((nef + 1.0) ** 2)

    d_tot = dp0_ref[...] + dp1_ref[...]
    sum_xi = jnp.sum(d_tot * rs_ref[...])
    sum_xj = jnp.sum(edegc * esums)
    cmean = (sum_xi - sum_xj) / float(NC * C)
    out_ref[0, 0] = jnp.abs(cmean) + loss_hyper


def _run_tcb(espart, ep0, ep1, dp0, dp1, rs_2d):
    return pl.pallas_call(
        _tcb_body,
        out_specs=pl.BlockSpec(memory_space=pltpu.SMEM),
        out_shape=jax.ShapeDtypeStruct((1, 1), jnp.float32),
    )(espart, ep0.reshape(EPAD, 1), ep1.reshape(EPAD, 1),
      dp0.reshape(80, 128), dp1.reshape(80, 128), rs_2d)



def _tcf_body(op_ref, d0_ref, d1_ref, out_ref):
    out_ref[...] = (op_ref[0] + op_ref[1]) * (d0_ref[...] + d1_ref[...])


def _run_tcf(opart, dc0, dc1):
    blk = 1024
    return pl.pallas_call(
        _tcf_body,
        grid=(NPAD // blk,),
        in_specs=[
            pl.BlockSpec((2, blk, C), lambda i: (0, i, 0)),
            pl.BlockSpec((blk, 1), lambda i: (i, 0)),
            pl.BlockSpec((blk, 1), lambda i: (i, 0)),
        ],
        out_specs=pl.BlockSpec((blk, C), lambda i: (i, 0)),
        out_shape=jax.ShapeDtypeStruct((NPAD, C), jnp.float32),
    )(opart, dc0.reshape(NPAD, 1), dc1.reshape(NPAD, 1))



def kernel(x, hyperedge_index, weight, att):
    node = hyperedge_index[0].astype(jnp.int32)
    edge = hyperedge_index[1].astype(jnp.int32)
    npad = NCPAD - NC
    padslots = jnp.arange(npad, dtype=jnp.int32) % 64
    node_p = jnp.concatenate([node, 10016 + padslots])
    edge_p = jnp.concatenate([edge, M + padslots])
    node3 = node_p.reshape(NT, NB, KB)
    edge3 = edge_p.reshape(NT, NB, KB)
    xpad = jnp.pad(x[0], ((0, NPAD - N), (0, 0)))

    att1 = att[0, 0, :C]
    att2 = att[0, 0, C:]
    acat = jnp.stack(
        [att1, att2, jnp.ones((C,), jnp.float32)]
        + [jnp.zeros((C,), jnp.float32)] * 5,
        axis=1)

    xproj, auxT = _run_tca(xpad, weight, acat)
    nd1 = auxT[0]
    nd2 = auxT[1]
    rs_2d = auxT[2].reshape(80, 128)

    dp0, dp1, ep0, ep1, tp0, tp1 = _run_sc1(node3, edge3, nd2)
    d2p0, d2p1 = _run_sc2(node3, edge3, tp0, tp1)
    v2d = _run_tcc(nd1.reshape(80, 128), d2p0, d2p1, tp0, tp1)
    ex, dap0, dap1 = _run_sc3(node3, edge3, nd1, v2d.reshape(NPAD), tp0, tp1)
    ra, bn = _run_tcd(dap0, dap1, ep0, ep1)
    xepart, alpha, espart = _run_sc4(node3, edge3, ex, ra.reshape(NPAD),
                                     bn.reshape(EPAD), xproj)
    xe = _run_tce(xepart)
    opart = _run_sc5(node3, edge3, alpha, xe)

    loss = _run_tcb(espart, ep0, ep1, dp0, dp1, rs_2d)
    out = _run_tcf(opart, dp0, dp1)

    x_updated = out[:N][None]
    return x_updated, loss[0, 0]

# --- scband reference (transcript-rebuilt; emitter-appended) ---
"""Pipeline reference for scband-bimodal-classifier-1176821039550 (READ-ONLY COPY).

The authoritative reference and input builder live on the scoring server;
editing this copy changes nothing except your own understanding.
"""

import jax, jax.numpy as jnp
import numpy as np
import math

B, N, C_IN, C_OUT = 1, 10000, 128, 128
NC, M = 160000, 512


def setup_inputs(seed: int = 0):
    key = jax.random.key(seed)
    k1, k2, k3, k4 = jax.random.split(key, 4)
    x = jax.random.normal(k1, (B, N, C_IN), dtype=jnp.float32)
    hyperedge_index = jax.random.randint(k2, (2, NC), 0, M)
    a_w = math.sqrt(6.0 / (C_IN + C_OUT))
    weight = jax.random.uniform(k3, (C_IN, C_OUT), minval=-a_w, maxval=a_w, dtype=jnp.float32)
    a_att = math.sqrt(6.0 / (1 + 2 * C_OUT))
    att = jax.random.uniform(k4, (1, 1, 2 * C_OUT), minval=-a_att, maxval=a_att, dtype=jnp.float32)
    return {"x": x, "hyperedge_index": hyperedge_index, "weight": weight, "att": att}


def _segment_softmax(e, idx, num_segments):
    # PyG-style softmax grouped by idx (max is detached in PyG)
    m = jax.ops.segment_max(jax.lax.stop_gradient(e), idx, num_segments=num_segments)
    ex = jnp.exp(e - m[idx])
    denom = jax.ops.segment_sum(ex, idx, num_segments=num_segments)[idx]
    return ex / (denom + 1e-16)


def _forward(x, hyperedge_index, weight, att, negative_slope=0.2):
    Bsz, Nn, _ = x.shape
    node_index = hyperedge_index[0]
    edge_index = hyperedge_index[1]
    num_edges = jnp.max(edge_index) + 1
    E = M
    x_proj = jnp.einsum('bnc,cd->bnd', x, weight)
    x1 = jnp.transpose(x_proj, (1, 0, 2))  # [N, B, out]
    ones_conn = jnp.ones((node_index.shape[0],), dtype=x.dtype)
    D = jax.ops.segment_sum(ones_conn, node_index, num_segments=Nn)
    edge_deg = jax.ops.segment_sum(ones_conn, edge_index, num_segments=E)
    B_norm = jnp.where(edge_deg > 0, 1.0 / jnp.where(edge_deg > 0, edge_deg, 1.0), 0.0)
    x_i = x1[node_index]  # [nc, B, out]
    edge_sums = jax.ops.segment_sum(x_i, edge_index, num_segments=E)  # [E, B, out]
    x_j = edge_sums[edge_index]  # [nc, B, out]
    edge_flat = edge_sums.reshape(E, -1)
    sqn = jnp.sum(edge_flat * edge_flat, axis=1, keepdims=True)
    nrm = jnp.sqrt(jnp.maximum(sqn, 1e-24))
    edge_flat_norm = edge_flat / jnp.maximum(nrm, 1e-12)
    cos_sim = edge_flat_norm @ edge_flat_norm.T
    diff = edge_flat[:, None, :] - edge_flat[None, :, :]
    sq = jnp.sum(diff * diff, axis=-1)
    dist = jnp.where(sq > 0, jnp.sqrt(jnp.where(sq > 0, sq, 1.0)), 0.0)
    margin = 4.2
    loss_item = cos_sim * dist + (1.0 - cos_sim) * jnp.maximum(margin - dist, 0.0)
    valid = jnp.arange(E) < num_edges
    pair_mask = valid[:, None] & valid[None, :]
    ne_f = num_edges.astype(loss_item.dtype)
    loss_mean = jnp.sum(jnp.where(pair_mask, loss_item, 0.0)) / (ne_f * ne_f)
    loss_hyper = jnp.abs(loss_mean) / ((ne_f + 1.0) ** 2)
    constrain = x_i - x_j
    constrain_losstotal = jnp.abs(jnp.mean(constrain)) + loss_hyper
    # attention: single head path (heads=1, multi_head_attention=False)
    cat_ij = jnp.concatenate([x_i, x_j], axis=-1)  # [nc, B, 2*out]
    att_vec = att.reshape(1, 1, -1)
    e = jnp.sum(cat_ij * att_vec, axis=-1)  # [nc, B]
    e = jax.nn.leaky_relu(e, negative_slope)
    alpha = _segment_softmax(e, node_index, Nn)  # [nc, B]; dropout is identity in eval
    # node2edge: message = B_norm[edge_id] * x_i * alpha, scatter-add by edge id (dim_size = N per PyG size inference)
    msg1 = alpha[:, :, None] * (B_norm[edge_index][:, None, None] * x_i)
    x_edge = jax.ops.segment_sum(msg1, edge_index, num_segments=Nn)  # [N, B, out]
    # edge2node: message = D[node_id] * x_edge[edge_id] * alpha, scatter-add by node id
    msg2 = alpha[:, :, None] * (D[node_index][:, None, None] * x_edge[edge_index])
    out_nodes = jax.ops.segment_sum(msg2, node_index, num_segments=Nn)  # [N, B, out]
    x_updated = jnp.transpose(out_nodes, (1, 0, 2))
    return x_updated, constrain_losstotal


def reference(x, hyperedge_index, weight, att):
    return _forward(x, hyperedge_index, weight, att)

if __name__ == "__main__":
    import jax
    _d = setup_inputs()
    print(jax.jit(kernel)(*tuple(_d.values())))

</pallas_src>

<mosaic_0001>
#map = affine_map<(d0, d1) -> (0, 0, 0)>
#map1 = affine_map<(d0, d1) -> (0)>
module attributes {stable_mosaic.version = 14 : i64} {
  func.func @_sc3_body(%arg0: i32, %arg1: i32, %arg2: memref<32x40x128xi32, #tpu.memory_space<hbm>>, %arg3: memref<32x40x128xi32, #tpu.memory_space<hbm>>, %arg4: memref<10240xf32, #tpu.memory_space<hbm>>, %arg5: memref<10240xf32, #tpu.memory_space<hbm>>, %arg6: memref<640xf32, #tpu.memory_space<hbm>>, %arg7: memref<640xf32, #tpu.memory_space<hbm>>, %arg8: memref<32x40x128xf32, #tpu.memory_space<hbm>>, %arg9: memref<10240xf32, #tpu.memory_space<hbm>>, %arg10: memref<10240xf32, #tpu.memory_space<hbm>>, %arg11: memref<40x128xi32, #tpu.memory_space<vmem>>, %arg12: memref<40x128xi32, #tpu.memory_space<vmem>>, %arg13: memref<40x128xf32, #tpu.memory_space<vmem>>, %arg14: memref<10240xf32, #tpu.memory_space<vmem>>, %arg15: memref<10240xf32, #tpu.memory_space<vmem>>, %arg16: memref<640xf32, #tpu.memory_space<vmem>>, %arg17: memref<640xf32, #tpu.memory_space<vmem>>, %arg18: memref<640xf32, #tpu.memory_space<vmem>>, %arg19: memref<10240xf32, #tpu.memory_space<vmem_shared>>, %arg20: memref<!tpu.dma_semaphore, #tpu.memory_space<semaphore_mem>>) attributes {dimension_semantics = [#tpu.dimension_semantics<core_parallel>, #tpu.dimension_semantics<subcore_parallel>], iteration_bounds = array<i64: 2, 16>, scalar_prefetch = 0 : i64, scratch_operands = 10 : i64, tpu.core_type = #tpu.core_type<sc_vector_subcore>, window_params = [{transform_indices = #map}, {transform_indices = #map}, {transform_indices = #map1}, {transform_indices = #map1}, {transform_indices = #map1}, {transform_indices = #map1}, {transform_indices = #map}, {transform_indices = #map1}, {transform_indices = #map1}]} {
    %mul3A = arith.constant 2 : i32
    %mul3A_0 = arith.muli %arg1, %mul3A : i32
    %add3A = arith.addi %mul3A_0, %arg0 : i32
    %scan3A = arith.constant 0 : i32
    %scan3A_1 = arith.constant 0 : i32
    %scan3A_2 = arith.constant 40 : i32
    %scan3A_3 = arith.addi %scan3A_1, %scan3A_2 : i32
    %scan3A_4 = arith.constant 1 : i32
    %scan3A_5 = scf.for %scan3A_46 = %scan3A_1 to %scan3A_3 step %scan3A_4 iter_args(%scan3A_47 = %scan3A) -> (i32)  : i32 {
      %broadcast_in_dim3A = arith.constant 0.000000e+00 : f32
      %broadcast_in_dim3A_48 = vector.broadcast %broadcast_in_dim3A : f32 to vector<16xf32>
      %mul3A_49 = arith.constant 16 : i32
      %mul3A_50 = arith.muli %scan3A_46, %mul3A_49 : i32
      %swap3A = arith.index_cast %mul3A_50 : i32 to index
      %swap3A_51 = tpu.vector_load %arg18[%swap3A] {strides = array<i32>} : memref<640xf32, #tpu.memory_space<vmem>>, vector<16xf32>,
      tpu.vector_store %arg18[%swap3A], %broadcast_in_dim3A_48 {strides = array<i32>} : memref<640xf32, #tpu.memory_space<vmem>>, vector<16xf32>,
      %scan3A_52 = arith.constant 0 : i32
      scf.yield %scan3A_52 : i32
    }
    %scan3A_6 = arith.constant 40 : i32
    %mul3A_7 = arith.constant 640 : i32
    %mul3A_8 = arith.muli %arg1, %mul3A_7 : i32
    "tpu.region"() ({
      %run_scoped3A = tpu.sem_alloc : memref<!tpu.dma_semaphore, #tpu.memory_space<semaphore_mem>>
      %dma_start3A = tpu.memref_slice %arg19[%mul3A_8] : memref<10240xf32, #tpu.memory_space<vmem_shared>> -> memref<640xf32, #tpu.memory_space<vmem_shared>>
      %dma_start3A_46 = tpu.memref_slice %arg19[%mul3A_8] : memref<10240xf32, #tpu.memory_space<vmem_shared>> -> memref<640xf32, #tpu.memory_space<vmem_shared>>
      tpu.enqueue_dma source(%arg18 : memref<640xf32, #tpu.memory_space<vmem>>) target(%dma_start3A_46 : memref<640xf32, #tpu.memory_space<vmem_shared>>) target_semaphore(%run_scoped3A : memref<!tpu.dma_semaphore, #tpu.memory_space<semaphore_mem>>)
      %dma_wait3A = tpu.memref_slice %arg19[%mul3A_8] : memref<10240xf32, #tpu.memory_space<vmem_shared>> -> memref<640xf32, #tpu.memory_space<vmem_shared>>
      %dma_wait3A_47 = tpu.memref_slice %arg19[%mul3A_8] : memref<10240xf32, #tpu.memory_space<vmem_shared>> -> memref<640xf32, #tpu.memory_space<vmem_shared>>
      tpu.wait_dma2 semaphore(%run_scoped3A : memref<!tpu.dma_semaphore, #tpu.memory_space<semaphore_mem>>) src(%arg18 : memref<640xf32, #tpu.memory_space<vmem>>) dst(%dma_wait3A_47 : memref<640xf32, #tpu.memory_space<vmem_shared>>)
      tpu.yield
    }) : () -> ()
    "tpu.region"() ({
      %run_scoped3A = tpu.sem_alloc : memref<!tpu.dma_semaphore, #tpu.memory_space<semaphore_mem>>
      %dma_start3A = arith.constant 0 : i32
      %dma_start3A_46 = arith.constant 0 : i32
      %dma_start3A_47 = tpu.memref_slice %arg2[%add3A, %dma_start3A, %dma_start3A_46] : memref<32x40x128xi32, #tpu.memory_space<hbm>> -> memref<1x40x128xi32, #tpu.memory_space<hbm>>
      %dma_start3A_48 = tpu.memref_squeeze %dma_start3A_47 : memref<1x40x128xi32, #tpu.memory_space<hbm>> -> memref<40x128xi32, #tpu.memory_space<hbm>>
      %dma_start3A_49 = arith.constant 0 : i32
      %dma_start3A_50 = arith.constant 0 : i32
      %dma_start3A_51 = tpu.memref_slice %arg2[%add3A, %dma_start3A_49, %dma_start3A_50] : memref<32x40x128xi32, #tpu.memory_space<hbm>> -> memref<1x40x128xi32, #tpu.memory_space<hbm>>
      %dma_start3A_52 = tpu.memref_squeeze %dma_start3A_51 : memref<1x40x128xi32, #tpu.memory_space<hbm>> -> memref<40x128xi32, #tpu.memory_space<hbm>>
      tpu.enqueue_dma source(%dma_start3A_52 : memref<40x128xi32, #tpu.memory_space<hbm>>) target(%arg11 : memref<40x128xi32, #tpu.memory_space<vmem>>) target_semaphore(%run_scoped3A : memref<!tpu.dma_semaphore, #tpu.memory_space<semaphore_mem>>)
      %dma_wait3A = arith.constant 0 : i32
      %dma_wait3A_53 = arith.constant 0 : i32
      %dma_wait3A_54 = tpu.memref_slice %arg2[%add3A, %dma_wait3A, %dma_wait3A_53] : memref<32x40x128xi32, #tpu.memory_space<hbm>> -> memref<1x40x128xi32, #tpu.memory_space<hbm>>
      %dma_wait3A_55 = tpu.memref_squeeze %dma_wait3A_54 : memref<1x40x128xi32, #tpu.memory_space<hbm>> -> memref<40x128xi32, #tpu.memory_space<hbm>>
      %dma_wait3A_56 = arith.constant 0 : i32
      %dma_wait3A_57 = arith.constant 0 : i32
      %dma_wait3A_58 = tpu.memref_slice %arg2[%add3A, %dma_wait3A_56, %dma_wait3A_57] : memref<32x40x128xi32, #tpu.memory_space<hbm>> -> memref<1x40x128xi32, #tpu.memory_space<hbm>>
      %dma_wait3A_59 = tpu.memref_squeeze %dma_wait3A_58 : memref<1x40x128xi32, #tpu.memory_space<hbm>> -> memref<40x128xi32, #tpu.memory_space<hbm>>
      tpu.wait_dma2 semaphore(%run_scoped3A : memref<!tpu.dma_semaphore, #tpu.memory_space<semaphore_mem>>) src(%dma_wait3A_59 : memref<40x128xi32, #tpu.memory_space<hbm>>) dst(%arg11 : memref<40x128xi32, #tpu.memory_space<vmem>>)
      tpu.yield
    }) : () -> ()
    "tpu.region"() ({
      %run_scoped3A = tpu.sem_alloc : memref<!tpu.dma_semaphore, #tpu.memory_space<semaphore_mem>>
      %dma_start3A = arith.constant 0 : i32
      %dma_start3A_46 = arith.constant 0 : i32
      %dma_start3A_47 = tpu.memref_slice %arg3[%add3A, %dma_start3A, %dma_start3A_46] : memref<32x40x128xi32, #tpu.memory_space<hbm>> -> memref<1x40x128xi32, #tpu.memory_space<hbm>>
      %dma_start3A_48 = tpu.memref_squeeze %dma_start3A_47 : memref<1x40x128xi32, #tpu.memory_space<hbm>> -> memref<40x128xi32, #tpu.memory_space<hbm>>
      %dma_start3A_49 = arith.constant 0 : i32
      %dma_start3A_50 = arith.constant 0 : i32
      %dma_start3A_51 = tpu.memref_slice %arg3[%add3A, %dma_start3A_49, %dma_start3A_50] : memref<32x40x128xi32, #tpu.memory_space<hbm>> -> memref<1x40x128xi32, #tpu.memory_space<hbm>>
      %dma_start3A_52 = tpu.memref_squeeze %dma_start3A_51 : memref<1x40x128xi32, #tpu.memory_space<hbm>> -> memref<40x128xi32, #tpu.memory_space<hbm>>
      tpu.enqueue_dma source(%dma_start3A_52 : memref<40x128xi32, #tpu.memory_space<hbm>>) target(%arg12 : memref<40x128xi32, #tpu.memory_space<vmem>>) target_semaphore(%run_scoped3A : memref<!tpu.dma_semaphore, #tpu.memory_space<semaphore_mem>>)
      %dma_wait3A = arith.constant 0 : i32
      %dma_wait3A_53 = arith.constant 0 : i32
      %dma_wait3A_54 = tpu.memref_slice %arg3[%add3A, %dma_wait3A, %dma_wait3A_53] : memref<32x40x128xi32, #tpu.memory_space<hbm>> -> memref<1x40x128xi32, #tpu.memory_space<hbm>>
      %dma_wait3A_55 = tpu.memref_squeeze %dma_wait3A_54 : memref<1x40x128xi32, #tpu.memory_space<hbm>> -> memref<40x128xi32, #tpu.memory_space<hbm>>
      %dma_wait3A_56 = arith.constant 0 : i32
      %dma_wait3A_57 = arith.constant 0 : i32
      %dma_wait3A_58 = tpu.memref_slice %arg3[%add3A, %dma_wait3A_56, %dma_wait3A_57] : memref<32x40x128xi32, #tpu.memory_space<hbm>> -> memref<1x40x128xi32, #tpu.memory_space<hbm>>
      %dma_wait3A_59 = tpu.memref_squeeze %dma_wait3A_58 : memref<1x40x128xi32, #tpu.memory_space<hbm>> -> memref<40x128xi32, #tpu.memory_space<hbm>>
      tpu.wait_dma2 semaphore(%run_scoped3A : memref<!tpu.dma_semaphore, #tpu.memory_space<semaphore_mem>>) src(%dma_wait3A_59 : memref<40x128xi32, #tpu.memory_space<hbm>>) dst(%arg12 : memref<40x128xi32, #tpu.memory_space<vmem>>)
      tpu.yield
    }) : () -> ()
    "tpu.region"() ({
      %run_scoped3A = tpu.sem_alloc : memref<!tpu.dma_semaphore, #tpu.memory_space<semaphore_mem>>
      tpu.enqueue_dma source(%arg4 : memref<10240xf32, #tpu.memory_space<hbm>>) target(%arg14 : memref<10240xf32, #tpu.memory_space<vmem>>) target_semaphore(%run_scoped3A : memref<!tpu.dma_semaphore, #tpu.memory_space<semaphore_mem>>)
      tpu.wait_dma2 semaphore(%run_scoped3A : memref<!tpu.dma_semaphore, #tpu.memory_space<semaphore_mem>>) src(%arg4 : memref<10240xf32, #tpu.memory_space<hbm>>) dst(%arg14 : memref<10240xf32, #tpu.memory_space<vmem>>)
      tpu.yield
    }) : () -> ()
    "tpu.region"() ({
      %run_scoped3A = tpu.sem_alloc : memref<!tpu.dma_semaphore, #tpu.memory_space<semaphore_mem>>
      tpu.enqueue_dma source(%arg5 : memref<10240xf32, #tpu.memory_space<hbm>>) target(%arg15 : memref<10240xf32, #tpu.memory_space<vmem>>) target_semaphore(%run_scoped3A : memref<!tpu.dma_semaphore, #tpu.memory_space<semaphore_mem>>)
      tpu.wait_dma2 semaphore(%run_scoped3A : memref<!tpu.dma_semaphore, #tpu.memory_space<semaphore_mem>>) src(%arg5 : memref<10240xf32, #tpu.memory_space<hbm>>) dst(%arg15 : memref<10240xf32, #tpu.memory_space<vmem>>)
      tpu.yield
    }) : () -> ()
    "tpu.region"() ({
      %run_scoped3A = tpu.sem_alloc : memref<!tpu.dma_semaphore, #tpu.memory_space<semaphore_mem>>
      tpu.enqueue_dma source(%arg6 : memref<640xf32, #tpu.memory_space<hbm>>) target(%arg16 : memref<640xf32, #tpu.memory_space<vmem>>) target_semaphore(%run_scoped3A : memref<!tpu.dma_semaphore, #tpu.memory_space<semaphore_mem>>)
      tpu.wait_dma2 semaphore(%run_scoped3A : memref<!tpu.dma_semaphore, #tpu.memory_space<semaphore_mem>>) src(%arg6 : memref<640xf32, #tpu.memory_space<hbm>>) dst(%arg16 : memref<640xf32, #tpu.memory_space<vmem>>)
      tpu.yield
    }) : () -> ()
    "tpu.region"() ({
      %run_scoped3A = tpu.sem_alloc : memref<!tpu.dma_semaphore, #tpu.memory_space<semaphore_mem>>
      tpu.enqueue_dma source(%arg7 : memref<640xf32, #tpu.memory_space<hbm>>) target(%arg17 : memref<640xf32, #tpu.memory_space<vmem>>) target_semaphore(%run_scoped3A : memref<!tpu.dma_semaphore, #tpu.memory_space<semaphore_mem>>)
      tpu.wait_dma2 semaphore(%run_scoped3A : memref<!tpu.dma_semaphore, #tpu.memory_space<semaphore_mem>>) src(%arg7 : memref<640xf32, #tpu.memory_space<hbm>>) dst(%arg17 : memref<640xf32, #tpu.memory_space<vmem>>)
      tpu.yield
    }) : () -> ()
    %scan3A_9 = arith.constant 0 : i32
    %scan3A_10 = arith.constant 0 : i32
    %scan3A_11 = arith.constant 40 : i32
    %scan3A_12 = arith.addi %scan3A_10, %scan3A_11 : i32
    %scan3A_13 = arith.constant 1 : i32
    %scan3A_14 = scf.for %scan3A_46 = %scan3A_10 to %scan3A_12 step %scan3A_13 iter_args(%scan3A_47 = %scan3A_9) -> (i32)  : i32 {
      %mul3A_48 = arith.constant 16 : i32
      %mul3A_49 = arith.muli %scan3A_46, %mul3A_48 : i32
      %get3A = arith.index_cast %mul3A_49 : i32 to index
      %get3A_50 = tpu.vector_load %arg16[%get3A] {strides = array<i32>} : memref<640xf32, #tpu.memory_space<vmem>>, vector<16xf32>,
      %get3A_51 = arith.index_cast %mul3A_49 : i32 to index
      %get3A_52 = tpu.vector_load %arg17[%get3A_51] {strides = array<i32>} : memref<640xf32, #tpu.memory_space<vmem>>, vector<16xf32>,
      %add3A_53 = arith.addf %get3A_50, %get3A_52 : vector<16xf32>
      %swap3A = arith.index_cast %mul3A_49 : i32 to index
      %swap3A_54 = tpu.vector_load %arg16[%swap3A] {strides = array<i32>} : memref<640xf32, #tpu.memory_space<vmem>>, vector<16xf32>,
      tpu.vector_store %arg16[%swap3A], %add3A_53 {strides = array<i32>} : memref<640xf32, #tpu.memory_space<vmem>>, vector<16xf32>,
      %scan3A_55 = arith.constant 0 : i32
      scf.yield %scan3A_55 : i32
    }
    %scan3A_15 = arith.constant 40 : i32
    %scan3A_16 = arith.constant 0 : i32
    %scan3A_17 = arith.constant 0 : i32
    %scan3A_18 = arith.constant 40 : i32
    %scan3A_19 = arith.addi %scan3A_17, %scan3A_18 : i32
    %scan3A_20 = arith.constant 1 : i32
    %scan3A_21 = scf.for %scan3A_46 = %scan3A_17 to %scan3A_19 step %scan3A_20 iter_args(%scan3A_47 = %scan3A_16) -> (i32)  : i32 {
      %get3A = arith.index_cast %scan3A_46 : i32 to index
      %get3A_48 = arith.constant 0 : index
      %get3A_49 = tpu.vector_load %arg11[%get3A, %get3A_48] {strides = array<i32>} : memref<40x128xi32, #tpu.memory_space<vmem>>, vector<16xi32>,
      %gather3A = tpu.vector_load_idx %arg14[%get3A_49] : memref<10240xf32, #tpu.memory_space<vmem>>[vector<16xi32>], vector<16xf32>,
      %get3A_50 = arith.index_cast %scan3A_46 : i32 to index
      %get3A_51 = arith.constant 0 : index
      %get3A_52 = tpu.vector_load %arg12[%get3A_50, %get3A_51] {strides = array<i32>} : memref<40x128xi32, #tpu.memory_space<vmem>>, vector<16xi32>,
      %gather3A_53 = tpu.vector_load_idx %arg16[%get3A_52] : memref<640xf32, #tpu.memory_space<vmem>>[vector<16xi32>], vector<16xf32>,
      %add3A_54 = arith.addf %gather3A, %gather3A_53 : vector<16xf32>
      %mul3A_55 = arith.constant 2.000000e-01 : f32
      %mul3A_56 = vector.broadcast %mul3A_55 : f32 to vector<16xf32>
      %mul3A_57 = arith.mulf %mul3A_56, %add3A_54 : vector<16xf32>
      %max3A = arith.maximumf %add3A_54, %mul3A_57 : vector<16xf32>
      %gather3A_58 = tpu.vector_load_idx %arg15[%get3A_49] : memref<10240xf32, #tpu.memory_space<vmem>>[vector<16xi32>], vector<16xf32>,
      %sub3A = arith.subf %max3A, %gather3A_58 : vector<16xf32>
      %max3A_59 = arith.constant -8.000000e+01 : f32
      %max3A_60 = vector.broadcast %max3A_59 : f32 to vector<16xf32>
      %max3A_61 = arith.maximumf %sub3A, %max3A_60 : vector<16xf32>
      %exp3A = math.exp %max3A_61 : vector<16xf32>
      %swap3A = arith.index_cast %scan3A_46 : i32 to index
      %swap3A_62 = arith.constant 0 : index
      %swap3A_63 = tpu.vector_load %arg13[%swap3A, %swap3A_62] {strides = array<i32>} : memref<40x128xf32, #tpu.memory_space<vmem>>, vector<16xf32>,
      tpu.vector_store %arg13[%swap3A, %swap3A_62], %exp3A {strides = array<i32>} : memref<40x128xf32, #tpu.memory_space<vmem>>, vector<16xf32>,
      %get3A_64 = arith.index_cast %scan3A_46 : i32 to index
      %get3A_65 = arith.constant 16 : index
      %get3A_66 = tpu.vector_load %arg11[%get3A_64, %get3A_65] {strides = array<i32>} : memref<40x128xi32, #tpu.memory_space<vmem>>, vector<16xi32>,
      %gather3A_67 = tpu.vector_load_idx %arg14[%get3A_66] : memref<10240xf32, #tpu.memory_space<vmem>>[vector<16xi32>], vector<16xf32>,
      %get3A_68 = arith.index_cast %scan3A_46 : i32 to index
      %get3A_69 = arith.constant 16 : index
      %get3A_70 = tpu.vector_load %arg12[%get3A_68, %get3A_69] {strides = array<i32>} : memref<40x128xi32, #tpu.memory_space<vmem>>, vector<16xi32>,
      %gather3A_71 = tpu.vector_load_idx %arg16[%get3A_70] : memref<640xf32, #tpu.memory_space<vmem>>[vector<16xi32>], vector<16xf32>,
      %add3A_72 = arith.addf %gather3A_67, %gather3A_71 : vector<16xf32>
      %mul3A_73 = arith.constant 2.000000e-01 : f32
      %mul3A_74 = vector.broadcast %mul3A_73 : f32 to vector<16xf32>
      %mul3A_75 = arith.mulf %mul3A_74, %add3A_72 : vector<16xf32>
      %max3A_76 = arith.maximumf %add3A_72, %mul3A_75 : vector<16xf32>
      %gather3A_77 = tpu.vector_load_idx %arg15[%get3A_66] : memref<10240xf32, #tpu.memory_space<vmem>>[vector<16xi32>], vector<16xf32>,
      %sub3A_78 = arith.subf %max3A_76, %gather3A_77 : vector<16xf32>
      %max3A_79 = arith.constant -8.000000e+01 : f32
      %max3A_80 = vector.broadcast %max3A_79 : f32 to vector<16xf32>
      %max3A_81 = arith.maximumf %sub3A_78, %max3A_80 : vector<16xf32>
      %exp3A_82 = math.exp %max3A_81 : vector<16xf32>
      %swap3A_83 = arith.index_cast %scan3A_46 : i32 to index
      %swap3A_84 = arith.constant 16 : index
      %swap3A_85 = tpu.vector_load %arg13[%swap3A_83, %swap3A_84] {strides = array<i32>} : memref<40x128xf32, #tpu.memory_space<vmem>>, vector<16xf32>,
      tpu.vector_store %arg13[%swap3A_83, %swap3A_84], %exp3A_82 {strides = array<i32>} : memref<40x128xf32, #tpu.memory_space<vmem>>, vector<16xf32>,
      %get3A_86 = arith.index_cast %scan3A_46 : i32 to index
      %get3A_87 = arith.constant 32 : index
      %get3A_88 = tpu.vector_load %arg11[%get3A_86, %get3A_87] {strides = array<i32>} : memref<40x128xi32, #tpu.memory_space<vmem>>, vector<16xi32>,
      %gather3A_89 = tpu.vector_load_idx %arg14[%get3A_88] : memref<10240xf32, #tpu.memory_space<vmem>>[vector<16xi32>], vector<16xf32>,
      %get3A_90 = arith.index_cast %scan3A_46 : i32 to index
      %get3A_91 = arith.constant 32 : index
      %get3A_92 = tpu.vector_load %arg12[%get3A_90, %get3A_91] {strides = array<i32>} : memref<40x128xi32, #tpu.memory_space<vmem>>, vector<16xi32>,
      %gather3A_93 = tpu.vector_load_idx %arg16[%get3A_92] : memref<640xf32, #tpu.memory_space<vmem>>[vector<16xi32>], vector<16xf32>,
      %add3A_94 = arith.addf %gather3A_89, %gather3A_93 : vector<16xf32>
      %mul3A_95 = arith.constant 2.000000e-01 : f32
      %mul3A_96 = vector.broadcast %mul3A_95 : f32 to vector<16xf32>
      %mul3A_97 = arith.mulf %mul3A_96, %add3A_94 : vector<16xf32>
      %max3A_98 = arith.maximumf %add3A_94, %mul3A_97 : vector<16xf32>
      %gather3A_99 = tpu.vector_load_idx %arg15[%get3A_88] : memref<10240xf32, #tpu.memory_space<vmem>>[vector<16xi32>], vector<16xf32>,
      %sub3A_100 = arith.subf %max3A_98, %gather3A_99 : vector<16xf32>
      %max3A_101 = arith.constant -8.000000e+01 : f32
      %max3A_102 = vector.broadcast %max3A_101 : f32 to vector<16xf32>
      %max3A_103 = arith.maximumf %sub3A_100, %max3A_102 : vector<16xf32>
      %exp3A_104 = math.exp %max3A_103 : vector<16xf32>
      %swap3A_105 = arith.index_cast %scan3A_46 : i32 to index
      %swap3A_106 = arith.constant 32 : index
      %swap3A_107 = tpu.vector_load %arg13[%swap3A_105, %swap3A_106] {strides = array<i32>} : memref<40x128xf32, #tpu.memory_space<vmem>>, vector<16xf32>,
      tpu.vector_store %arg13[%swap3A_105, %swap3A_106], %exp3A_104 {strides = array<i32>} : memref<40x128xf32, #tpu.memory_space<vmem>>, vector<16xf32>,
      %get3A_108 = arith.index_cast %scan3A_46 : i32 to index
      %get3A_109 = arith.constant 48 : index
      %get3A_110 = tpu.vector_load %arg11[%get3A_108, %get3A_109] {strides = array<i32>} : memref<40x128xi32, #tpu.memory_space<vmem>>, vector<16xi32>,
      %gather3A_111 = tpu.vector_load_idx %arg14[%get3A_110] : memref<10240xf32, #tpu.memory_space<vmem>>[vector<16xi32>], vector<16xf32>,
      %get3A_112 = arith.index_cast %scan3A_46 : i32 to index
      %get3A_113 = arith.constant 48 : index
      %get3A_114 = tpu.vector_load %arg12[%get3A_112, %get3A_113] {strides = array<i32>} : memref<40x128xi32, #tpu.memory_space<vmem>>, vector<16xi32>,
      %gather3A_115 = tpu.vector_load_idx %arg16[%get3A_114] : memref<640xf32, #tpu.memory_space<vmem>>[vector<16xi32>], vector<16xf32>,
      %add3A_116 = arith.addf %gather3A_111, %gather3A_115 : vector<16xf32>
      %mul3A_117 = arith.constant 2.000000e-01 : f32
      %mul3A_118 = vector.broadcast %mul3A_117 : f32 to vector<16xf32>
      %mul3A_119 = arith.mulf %mul3A_118, %add3A_116 : vector<16xf32>
      %max3A_120 = arith.maximumf %add3A_116, %mul3A_119 : vector<16xf32>
      %gather3A_121 = tpu.vector_load_idx %arg15[%get3A_110] : memref<10240xf32, #tpu.memory_space<vmem>>[vector<16xi32>], vector<16xf32>,
      %sub3A_122 = arith.subf %max3A_120, %gather3A_121 : vector<16xf32>
      %max3A_123 = arith.constant -8.000000e+01 : f32
      %max3A_124 = vector.broadcast %max3A_123 : f32 to vector<16xf32>
      %max3A_125 = arith.maximumf %sub3A_122, %max3A_124 : vector<16xf32>
      %exp3A_126 = math.exp %max3A_125 : vector<16xf32>
      %swap3A_127 = arith.index_cast %scan3A_46 : i32 to index
      %swap3A_128 = arith.constant 48 : index
      %swap3A_129 = tpu.vector_load %arg13[%swap3A_127, %swap3A_128] {strides = array<i32>} : memref<40x128xf32, #tpu.memory_space<vmem>>, vector<16xf32>,
      tpu.vector_store %arg13[%swap3A_127, %swap3A_128], %exp3A_126 {strides = array<i32>} : memref<40x128xf32, #tpu.memory_space<vmem>>, vector<16xf32>,
      %get3A_130 = arith.index_cast %scan3A_46 : i32 to index
      %get3A_131 = arith.constant 64 : index
      %get3A_132 = tpu.vector_load %arg11[%get3A_130, %get3A_131] {strides = array<i32>} : memref<40x128xi32, #tpu.memory_space<vmem>>, vector<16xi32>,
      %gather3A_133 = tpu.vector_load_idx %arg14[%get3A_132] : memref<10240xf32, #tpu.memory_space<vmem>>[vector<16xi32>], vector<16xf32>,
      %get3A_134 = arith.index_cast %scan3A_46 : i32 to index
      %get3A_135 = arith.constant 64 : index
      %get3A_136 = tpu.vector_load %arg12[%get3A_134, %get3A_135] {strides = array<i32>} : memref<40x128xi32, #tpu.memory_space<vmem>>, vector<16xi32>,
      %gather3A_137 = tpu.vector_load_idx %arg16[%get3A_136] : memref<640xf32, #tpu.memory_space<vmem>>[vector<16xi32>], vector<16xf32>,
      %add3A_138 = arith.addf %gather3A_133, %gather3A_137 : vector<16xf32>
      %mul3A_139 = arith.constant 2.000000e-01 : f32
      %mul3A_140 = vector.broadcast %mul3A_139 : f32 to vector<16xf32>
      %mul3A_141 = arith.mulf %mul3A_140, %add3A_138 : vector<16xf32>
      %max3A_142 = arith.maximumf %add3A_138, %mul3A_141 : vector<16xf32>
      %gather3A_143 = tpu.vector_load_idx %arg15[%get3A_132] : memref<10240xf32, #tpu.memory_space<vmem>>[vector<16xi32>], vector<16xf32>,
      %sub3A_144 = arith.subf %max3A_142, %gather3A_143 : vector<16xf32>
      %max3A_145 = arith.constant -8.000000e+01 : f32
      %max3A_146 = vector.broadcast %max3A_145 : f32 to vector<16xf32>
      %max3A_147 = arith.maximumf %sub3A_144, %max3A_146 : vector<16xf32>
      %exp3A_148 = math.exp %max3A_147 : vector<16xf32>
      %swap3A_149 = arith.index_cast %scan3A_46 : i32 to index
      %swap3A_150 = arith.constant 64 : index
      %swap3A_151 = tpu.vector_load %arg13[%swap3A_149, %swap3A_150] {strides = array<i32>} : memref<40x128xf32, #tpu.memory_space<vmem>>, vector<16xf32>,
      tpu.vector_store %arg13[%swap3A_149, %swap3A_150], %exp3A_148 {strides = array<i32>} : memref<40x128xf32, #tpu.memory_space<vmem>>, vector<16xf32>,
      %get3A_152 = arith.index_cast %scan3A_46 : i32 to index
      %get3A_153 = arith.constant 80 : index
      %get3A_154 = tpu.vector_load %arg11[%get3A_152, %get3A_153] {strides = array<i32>} : memref<40x128xi32, #tpu.memory_space<vmem>>, vector<16xi32>,
      %gather3A_155 = tpu.vector_load_idx %arg14[%get3A_154] : memref<10240xf32, #tpu.memory_space<vmem>>[vector<16xi32>], vector<16xf32>,
      %get3A_156 = arith.index_cast %scan3A_46 : i32 to index
      %get3A_157 = arith.constant 80 : index
      %get3A_158 = tpu.vector_load %arg12[%get3A_156, %get3A_157] {strides = array<i32>} : memref<40x128xi32, #tpu.memory_space<vmem>>, vector<16xi32>,
      %gather3A_159 = tpu.vector_load_idx %arg16[%get3A_158] : memref<640xf32, #tpu.memory_space<vmem>>[vector<16xi32>], vector<16xf32>,
      %add3A_160 = arith.addf %gather3A_155, %gather3A_159 : vector<16xf32>
      %mul3A_161 = arith.constant 2.000000e-01 : f32
      %mul3A_162 = vector.broadcast %mul3A_161 : f32 to vector<16xf32>
      %mul3A_163 = arith.mulf %mul3A_162, %add3A_160 : vector<16xf32>
      %max3A_164 = arith.maximumf %add3A_160, %mul3A_163 : vector<16xf32>
      %gather3A_165 = tpu.vector_load_idx %arg15[%get3A_154] : memref<10240xf32, #tpu.memory_space<vmem>>[vector<16xi32>], vector<16xf32>,
      %sub3A_166 = arith.subf %max3A_164, %gather3A_165 : vector<16xf32>
      %max3A_167 = arith.constant -8.000000e+01 : f32
      %max3A_168 = vector.broadcast %max3A_167 : f32 to vector<16xf32>
      %max3A_169 = arith.maximumf %sub3A_166, %max3A_168 : vector<16xf32>
      %exp3A_170 = math.exp %max3A_169 : vector<16xf32>
      %swap3A_171 = arith.index_cast %scan3A_46 : i32 to index
      %swap3A_172 = arith.constant 80 : index
      %swap3A_173 = tpu.vector_load %arg13[%swap3A_171, %swap3A_172] {strides = array<i32>} : memref<40x128xf32, #tpu.memory_space<vmem>>, vector<16xf32>,
      tpu.vector_store %arg13[%swap3A_171, %swap3A_172], %exp3A_170 {strides = array<i32>} : memref<40x128xf32, #tpu.memory_space<vmem>>, vector<16xf32>,
      %get3A_174 = arith.index_cast %scan3A_46 : i32 to index
      %get3A_175 = arith.constant 96 : index
      %get3A_176 = tpu.vector_load %arg11[%get3A_174, %get3A_175] {strides = array<i32>} : memref<40x128xi32, #tpu.memory_space<vmem>>, vector<16xi32>,
      %gather3A_177 = tpu.vector_load_idx %arg14[%get3A_176] : memref<10240xf32, #tpu.memory_space<vmem>>[vector<16xi32>], vector<16xf32>,
      %get3A_178 = arith.index_cast %scan3A_46 : i32 to index
      %get3A_179 = arith.constant 96 : index
      %get3A_180 = tpu.vector_load %arg12[%get3A_178, %get3A_179] {strides = array<i32>} : memref<40x128xi32, #tpu.memory_space<vmem>>, vector<16xi32>,
      %gather3A_181 = tpu.vector_load_idx %arg16[%get3A_180] : memref<640xf32, #tpu.memory_space<vmem>>[vector<16xi32>], vector<16xf32>,
      %add3A_182 = arith.addf %gather3A_177, %gather3A_181 : vector<16xf32>
      %mul3A_183 = arith.constant 2.000000e-01 : f32
      %mul3A_184 = vector.broadcast %mul3A_183 : f32 to vector<16xf32>
      %mul3A_185 = arith.mulf %mul3A_184, %add3A_182 : vector<16xf32>
      %max3A_186 = arith.maximumf %add3A_182, %mul3A_185 : vector<16xf32>
      %gather3A_187 = tpu.vector_load_idx %arg15[%get3A_176] : memref<10240xf32, #tpu.memory_space<vmem>>[vector<16xi32>], vector<16xf32>,
      %sub3A_188 = arith.subf %max3A_186, %gather3A_187 : vector<16xf32>
      %max3A_189 = arith.constant -8.000000e+01 : f32
      %max3A_190 = vector.broadcast %max3A_189 : f32 to vector<16xf32>
      %max3A_191 = arith.maximumf %sub3A_188, %max3A_190 : vector<16xf32>
      %exp3A_192 = math.exp %max3A_191 : vector<16xf32>
      %swap3A_193 = arith.index_cast %scan3A_46 : i32 to index
      %swap3A_194 = arith.constant 96 : index
      %swap3A_195 = tpu.vector_load %arg13[%swap3A_193, %swap3A_194] {strides = array<i32>} : memref<40x128xf32, #tpu.memory_space<vmem>>, vector<16xf32>,
      tpu.vector_store %arg13[%swap3A_193, %swap3A_194], %exp3A_192 {strides = array<i32>} : memref<40x128xf32, #tpu.memory_space<vmem>>, vector<16xf32>,
      %get3A_196 = arith.index_cast %scan3A_46 : i32 to index
      %get3A_197 = arith.constant 112 : index
      %get3A_198 = tpu.vector_load %arg11[%get3A_196, %get3A_197] {strides = array<i32>} : memref<40x128xi32, #tpu.memory_space<vmem>>, vector<16xi32>,
      %gather3A_199 = tpu.vector_load_idx %arg14[%get3A_198] : memref<10240xf32, #tpu.memory_space<vmem>>[vector<16xi32>], vector<16xf32>,
      %get3A_200 = arith.index_cast %scan3A_46 : i32 to index
      %get3A_201 = arith.constant 112 : index
      %get3A_202 = tpu.vector_load %arg12[%get3A_200, %get3A_201] {strides = array<i32>} : memref<40x128xi32, #tpu.memory_space<vmem>>, vector<16xi32>,
      %gather3A_203 = tpu.vector_load_idx %arg16[%get3A_202] : memref<640xf32, #tpu.memory_space<vmem>>[vector<16xi32>], vector<16xf32>,
      %add3A_204 = arith.addf %gather3A_199, %gather3A_203 : vector<16xf32>
      %mul3A_205 = arith.constant 2.000000e-01 : f32
      %mul3A_206 = vector.broadcast %mul3A_205 : f32 to vector<16xf32>
      %mul3A_207 = arith.mulf %mul3A_206, %add3A_204 : vector<16xf32>
      %max3A_208 = arith.maximumf %add3A_204, %mul3A_207 : vector<16xf32>
      %gather3A_209 = tpu.vector_load_idx %arg15[%get3A_198] : memref<10240xf32, #tpu.memory_space<vmem>>[vector<16xi32>], vector<16xf32>,
      %sub3A_210 = arith.subf %max3A_208, %gather3A_209 : vector<16xf32>
      %max3A_211 = arith.constant -8.000000e+01 : f32
      %max3A_212 = vector.broadcast %max3A_211 : f32 to vector<16xf32>
      %max3A_213 = arith.maximumf %sub3A_210, %max3A_212 : vector<16xf32>
      %exp3A_214 = math.exp %max3A_213 : vector<16xf32>
      %swap3A_215 = arith.index_cast %scan3A_46 : i32 to index
      %swap3A_216 = arith.constant 112 : index
      %swap3A_217 = tpu.vector_load %arg13[%swap3A_215, %swap3A_216] {strides = array<i32>} : memref<40x128xf32, #tpu.memory_space<vmem>>, vector<16xf32>,
      tpu.vector_store %arg13[%swap3A_215, %swap3A_216], %exp3A_214 {strides = array<i32>} : memref<40x128xf32, #tpu.memory_space<vmem>>, vector<16xf32>,
      %scan3A_218 = arith.constant 0 : i32
      scf.yield %scan3A_218 : i32
    }
    %scan3A_22 = arith.constant 40 : i32
    "tpu.region"() ({
      %run_scoped3A = tpu.sem_alloc : memref<!tpu.dma_semaphore, #tpu.memory_space<semaphore_mem>>
      %dma_start3A = arith.constant 0 : i32
      %dma_start3A_46 = arith.constant 0 : i32
      %dma_start3A_47 = tpu.memref_slice %arg8[%add3A, %dma_start3A, %dma_start3A_46] : memref<32x40x128xf32, #tpu.memory_space<hbm>> -> memref<1x40x128xf32, #tpu.memory_space<hbm>>
      %dma_start3A_48 = tpu.memref_squeeze %dma_start3A_47 : memref<1x40x128xf32, #tpu.memory_space<hbm>> -> memref<40x128xf32, #tpu.memory_space<hbm>>
      %dma_start3A_49 = arith.constant 0 : i32
      %dma_start3A_50 = arith.constant 0 : i32
      %dma_start3A_51 = tpu.memref_slice %arg8[%add3A, %dma_start3A_49, %dma_start3A_50] : memref<32x40x128xf32, #tpu.memory_space<hbm>> -> memref<1x40x128xf32, #tpu.memory_space<hbm>>
      %dma_start3A_52 = tpu.memref_squeeze %dma_start3A_51 : memref<1x40x128xf32, #tpu.memory_space<hbm>> -> memref<40x128xf32, #tpu.memory_space<hbm>>
      tpu.enqueue_dma source(%arg13 : memref<40x128xf32, #tpu.memory_space<vmem>>) target(%dma_start3A_52 : memref<40x128xf32, #tpu.memory_space<hbm>>) target_semaphore(%run_scoped3A : memref<!tpu.dma_semaphore, #tpu.memory_space<semaphore_mem>>)
      %dma_wait3A = arith.constant 0 : i32
      %dma_wait3A_53 = arith.constant 0 : i32
      %dma_wait3A_54 = tpu.memref_slice %arg8[%add3A, %dma_wait3A, %dma_wait3A_53] : memref<32x40x128xf32, #tpu.memory_space<hbm>> -> memref<1x40x128xf32, #tpu.memory_space<hbm>>
      %dma_wait3A_55 = tpu.memref_squeeze %dma_wait3A_54 : memref<1x40x128xf32, #tpu.memory_space<hbm>> -> memref<40x128xf32, #tpu.memory_space<hbm>>
      %dma_wait3A_56 = arith.constant 0 : i32
      %dma_wait3A_57 = arith.constant 0 : i32
      %dma_wait3A_58 = tpu.memref_slice %arg8[%add3A, %dma_wait3A_56, %dma_wait3A_57] : memref<32x40x128xf32, #tpu.memory_space<hbm>> -> memref<1x40x128xf32, #tpu.memory_space<hbm>>
      %dma_wait3A_59 = tpu.memref_squeeze %dma_wait3A_58 : memref<1x40x128xf32, #tpu.memory_space<hbm>> -> memref<40x128xf32, #tpu.memory_space<hbm>>
      tpu.wait_dma2 semaphore(%run_scoped3A : memref<!tpu.dma_semaphore, #tpu.memory_space<semaphore_mem>>) src(%arg13 : memref<40x128xf32, #tpu.memory_space<vmem>>) dst(%dma_wait3A_59 : memref<40x128xf32, #tpu.memory_space<hbm>>)
      tpu.yield
    }) : () -> ()
    %barrier3A = arith.constant 0 : index
    tpu.barrier barrier_id(%barrier3A)
    %scan3A_23 = arith.constant 0 : i32
    %scan3A_24 = arith.constant 0 : i32
    %scan3A_25 = arith.constant 40 : i32
    %scan3A_26 = arith.addi %scan3A_24, %scan3A_25 : i32
    %scan3A_27 = arith.constant 1 : i32
    %scan3A_28 = scf.for %scan3A_46 = %scan3A_24 to %scan3A_26 step %scan3A_27 iter_args(%scan3A_47 = %scan3A_23) -> (i32)  : i32 {
      %dma_start3A = arith.constant 0 : i32
      %dma_start3A_48 = tpu.memref_slice %arg13[%scan3A_46, %dma_start3A] : memref<40x128xf32, #tpu.memory_space<vmem>> -> memref<1x128xf32, #tpu.memory_space<vmem>>
      %dma_start3A_49 = tpu.memref_squeeze %dma_start3A_48 : memref<1x128xf32, #tpu.memory_space<vmem>> -> memref<128xf32, #tpu.memory_space<vmem>>
      %dma_start3A_50 = arith.constant 0 : i32
      %dma_start3A_51 = tpu.memref_slice %arg11[%scan3A_46, %dma_start3A_50] : memref<40x128xi32, #tpu.memory_space<vmem>> -> memref<1x128xi32, #tpu.memory_space<vmem>>
      %dma_start3A_52 = tpu.memref_squeeze %dma_start3A_51 : memref<1x128xi32, #tpu.memory_space<vmem>> -> memref<128xi32, #tpu.memory_space<vmem>>
      %dma_start3A_53 = arith.constant 0 : i32
      %dma_start3A_54 = tpu.memref_slice %arg19[%dma_start3A_53] : memref<10240xf32, #tpu.memory_space<vmem_shared>> -> memref<10240xf32, #tpu.memory_space<vmem_shared>>
      tpu.enqueue_indirect_dma source(%dma_start3A_49 : memref<128xf32, #tpu.memory_space<vmem>>) target(%dma_start3A_54 : memref<10240xf32, #tpu.memory_space<vmem_shared>>) offsets(%dma_start3A_52 : memref<128xi32, #tpu.memory_space<vmem>>) semaphore(%arg20 : memref<!tpu.dma_semaphore, #tpu.memory_space<semaphore_mem>>) {add = true}
      %dma_wait3A = arith.constant 0 : i32
      %dma_wait3A_55 = tpu.memref_slice %arg13[%scan3A_46, %dma_wait3A] : memref<40x128xf32, #tpu.memory_space<vmem>> -> memref<1x128xf32, #tpu.memory_space<vmem>>
      %dma_wait3A_56 = tpu.memref_squeeze %dma_wait3A_55 : memref<1x128xf32, #tpu.memory_space<vmem>> -> memref<128xf32, #tpu.memory_space<vmem>>
      %dma_wait3A_57 = arith.constant 0 : i32
      %dma_wait3A_58 = tpu.memref_slice %arg11[%scan3A_46, %dma_wait3A_57] : memref<40x128xi32, #tpu.memory_space<vmem>> -> memref<1x128xi32, #tpu.memory_space<vmem>>
      %dma_wait3A_59 = tpu.memref_squeeze %dma_wait3A_58 : memref<1x128xi32, #tpu.memory_space<vmem>> -> memref<128xi32, #tpu.memory_space<vmem>>
      %dma_wait3A_60 = arith.constant 0 : i32
      %dma_wait3A_61 = tpu.memref_slice %arg19[%dma_wait3A_60] : memref<10240xf32, #tpu.memory_space<vmem_shared>> -> memref<10240xf32, #tpu.memory_space<vmem_shared>>
      tpu.wait_indirect_dma semaphore(%arg20 : memref<!tpu.dma_semaphore, #tpu.memory_space<semaphore_mem>>) src(%dma_wait3A_56 : memref<128xf32, #tpu.memory_space<vmem>>) dst(%dma_wait3A_61 : memref<10240xf32, #tpu.memory_space<vmem_shared>>)
      %scan3A_62 = arith.constant 0 : i32
      scf.yield %scan3A_62 : i32
    }
    %scan3A_29 = arith.constant 40 : i32
    %barrier3A_30 = arith.constant 0 : index
    tpu.barrier barrier_id(%barrier3A_30)
    %barrier3A_31 = arith.constant 0 : index
    tpu.barrier barrier_id(%barrier3A_31)
    %barrier3A_32 = arith.constant 0 : index
    tpu.barrier barrier_id(%barrier3A_32)
    %mul3A_33 = arith.constant 640 : i32
    %mul3A_34 = arith.muli %arg1, %mul3A_33 : i32
    %mul3A_35 = arith.constant 640 : i32
    %mul3A_36 = arith.muli %arg1, %mul3A_35 : i32
    %mul3A_37 = arith.constant 640 : i32
    %mul3A_38 = arith.muli %arg1, %mul3A_37 : i32
    %eq3A = arith.constant 0 : i32
    %eq3A_39 = arith.cmpi eq, %arg0, %eq3A : i32
    %convert_element_type3A = arith.extui %eq3A_39 : i1 to i32
    %cond3A = arith.constant 0 : i32
    %cond3A_40 = arith.cmpi ne, %convert_element_type3A, %cond3A : i32
    scf.if %cond3A_40 {
      "tpu.region"() ({
        %run_scoped3A = tpu.sem_alloc : memref<!tpu.dma_semaphore, #tpu.memory_space<semaphore_mem>>
        %dma_start3A = tpu.memref_slice %arg9[%mul3A_36] : memref<10240xf32, #tpu.memory_space<hbm>> -> memref<640xf32, #tpu.memory_space<hbm>>
        %dma_start3A_46 = tpu.memref_slice %arg19[%mul3A_34] : memref<10240xf32, #tpu.memory_space<vmem_shared>> -> memref<640xf32, #tpu.memory_space<vmem_shared>>
        tpu.enqueue_dma source(%dma_start3A_46 : memref<640xf32, #tpu.memory_space<vmem_shared>>) target(%dma_start3A : memref<640xf32, #tpu.memory_space<hbm>>) target_semaphore(%run_scoped3A : memref<!tpu.dma_semaphore, #tpu.memory_space<semaphore_mem>>)
        %dma_wait3A = tpu.memref_slice %arg9[%mul3A_36] : memref<10240xf32, #tpu.memory_space<hbm>> -> memref<640xf32, #tpu.memory_space<hbm>>
        %dma_wait3A_47 = tpu.memref_slice %arg19[%mul3A_34] : memref<10240xf32, #tpu.memory_space<vmem_shared>> -> memref<640xf32, #tpu.memory_space<vmem_shared>>
        tpu.wait_dma2 semaphore(%run_scoped3A : memref<!tpu.dma_semaphore, #tpu.memory_space<semaphore_mem>>) src(%dma_wait3A_47 : memref<640xf32, #tpu.memory_space<vmem_shared>>) dst(%dma_wait3A : memref<640xf32, #tpu.memory_space<hbm>>)
        tpu.yield
      }) : () -> ()
    } else {
    }
    %eq3A_41 = arith.constant 1 : i32
    %eq3A_42 = arith.cmpi eq, %arg0, %eq3A_41 : i32
    %convert_element_type3A_43 = arith.extui %eq3A_42 : i1 to i32
    %cond3A_44 = arith.constant 0 : i32
    %cond3A_45 = arith.cmpi ne, %convert_element_type3A_43, %cond3A_44 : i32
    scf.if %cond3A_45 {
      "tpu.region"() ({
        %run_scoped3A = tpu.sem_alloc : memref<!tpu.dma_semaphore, #tpu.memory_space<semaphore_mem>>
        %dma_start3A = tpu.memref_slice %arg10[%mul3A_38] : memref<10240xf32, #tpu.memory_space<hbm>> -> memref<640xf32, #tpu.memory_space<hbm>>
        %dma_start3A_46 = tpu.memref_slice %arg19[%mul3A_34] : memref<10240xf32, #tpu.memory_space<vmem_shared>> -> memref<640xf32, #tpu.memory_space<vmem_shared>>
        tpu.enqueue_dma source(%dma_start3A_46 : memref<640xf32, #tpu.memory_space<vmem_shared>>) target(%dma_start3A : memref<640xf32, #tpu.memory_space<hbm>>) target_semaphore(%run_scoped3A : memref<!tpu.dma_semaphore, #tpu.memory_space<semaphore_mem>>)
        %dma_wait3A = tpu.memref_slice %arg10[%mul3A_38] : memref<10240xf32, #tpu.memory_space<hbm>> -> memref<640xf32, #tpu.memory_space<hbm>>
        %dma_wait3A_47 = tpu.memref_slice %arg19[%mul3A_34] : memref<10240xf32, #tpu.memory_space<vmem_shared>> -> memref<640xf32, #tpu.memory_space<vmem_shared>>
        tpu.wait_dma2 semaphore(%run_scoped3A : memref<!tpu.dma_semaphore, #tpu.memory_space<semaphore_mem>>) src(%dma_wait3A_47 : memref<640xf32, #tpu.memory_space<vmem_shared>>) dst(%dma_wait3A : memref<640xf32, #tpu.memory_space<hbm>>)
        tpu.yield
      }) : () -> ()
    } else {
    }
    return
  }
}

#map = affine_map<(d0, d1) -> (0, 0, 0)>
#map1 = affine_map<(d0, d1) -> (0)>
module attributes {stable_mosaic.version = 14 : i64} {
  func.func @_sc2_body(%arg0: i32, %arg1: i32, %arg2: memref<32x40x128xi32, #tpu.memory_space<hbm>>, %arg3: memref<32x40x128xi32, #tpu.memory_space<hbm>>, %arg4: memref<640xf32, #tpu.memory_space<hbm>>, %arg5: memref<640xf32, #tpu.memory_space<hbm>>, %arg6: memref<10240xf32, #tpu.memory_space<hbm>>, %arg7: memref<10240xf32, #tpu.memory_space<hbm>>, %arg8: memref<40x128xi32, #tpu.memory_space<vmem>>, %arg9: memref<40x128xi32, #tpu.memory_space<vmem>>, %arg10: memref<40x128xf32, #tpu.memory_space<vmem>>, %arg11: memref<640xf32, #tpu.memory_space<vmem>>, %arg12: memref<640xf32, #tpu.memory_space<vmem>>, %arg13: memref<640xf32, #tpu.memory_space<vmem>>, %arg14: memref<10240xf32, #tpu.memory_space<vmem_shared>>, %arg15: memref<!tpu.dma_semaphore, #tpu.memory_space<semaphore_mem>>) attributes {dimension_semantics = [#tpu.dimension_semantics<core_parallel>, #tpu.dimension_semantics<subcore_parallel>], iteration_bounds = array<i64: 2, 16>, scalar_prefetch = 0 : i64, scratch_operands = 8 : i64, tpu.core_type = #tpu.core_type<sc_vector_subcore>, window_params = [{transform_indices = #map}, {transform_indices = #map}, {transform_indices = #map1}, {transform_indices = #map1}, {transform_indices = #map1}, {transform_indices = #map1}]} {
    %mul3A = arith.constant 2 : i32
    %mul3A_0 = arith.muli %arg1, %mul3A : i32
    %add3A = arith.addi %mul3A_0, %arg0 : i32
    %scan3A = arith.constant 0 : i32
    %scan3A_1 = arith.constant 0 : i32
    %scan3A_2 = arith.constant 40 : i32
    %scan3A_3 = arith.addi %scan3A_1, %scan3A_2 : i32
    %scan3A_4 = arith.constant 1 : i32
    %scan3A_5 = scf.for %scan3A_56 = %scan3A_1 to %scan3A_3 step %scan3A_4 iter_args(%scan3A_57 = %scan3A) -> (i32)  : i32 {
      %broadcast_in_dim3A_58 = arith.constant 0.000000e+00 : f32
      %broadcast_in_dim3A_59 = vector.broadcast %broadcast_in_dim3A_58 : f32 to vector<16xf32>
      %mul3A_60 = arith.constant 16 : i32
      %mul3A_61 = arith.muli %scan3A_56, %mul3A_60 : i32
      %swap3A = arith.index_cast %mul3A_61 : i32 to index
      %swap3A_62 = tpu.vector_load %arg13[%swap3A] {strides = array<i32>} : memref<640xf32, #tpu.memory_space<vmem>>, vector<16xf32>,
      tpu.vector_store %arg13[%swap3A], %broadcast_in_dim3A_59 {strides = array<i32>} : memref<640xf32, #tpu.memory_space<vmem>>, vector<16xf32>,
      %scan3A_63 = arith.constant 0 : i32
      scf.yield %scan3A_63 : i32
    }
    %scan3A_6 = arith.constant 40 : i32
    %mul3A_7 = arith.constant 640 : i32
    %mul3A_8 = arith.muli %arg1, %mul3A_7 : i32
    "tpu.region"() ({
      %run_scoped3A = tpu.sem_alloc : memref<!tpu.dma_semaphore, #tpu.memory_space<semaphore_mem>>
      %dma_start3A = tpu.memref_slice %arg14[%mul3A_8] : memref<10240xf32, #tpu.memory_space<vmem_shared>> -> memref<640xf32, #tpu.memory_space<vmem_shared>>
      %dma_start3A_56 = tpu.memref_slice %arg14[%mul3A_8] : memref<10240xf32, #tpu.memory_space<vmem_shared>> -> memref<640xf32, #tpu.memory_space<vmem_shared>>
      tpu.enqueue_dma source(%arg13 : memref<640xf32, #tpu.memory_space<vmem>>) target(%dma_start3A_56 : memref<640xf32, #tpu.memory_space<vmem_shared>>) target_semaphore(%run_scoped3A : memref<!tpu.dma_semaphore, #tpu.memory_space<semaphore_mem>>)
      %dma_wait3A = tpu.memref_slice %arg14[%mul3A_8] : memref<10240xf32, #tpu.memory_space<vmem_shared>> -> memref<640xf32, #tpu.memory_space<vmem_shared>>
      %dma_wait3A_57 = tpu.memref_slice %arg14[%mul3A_8] : memref<10240xf32, #tpu.memory_space<vmem_shared>> -> memref<640xf32, #tpu.memory_space<vmem_shared>>
      tpu.wait_dma2 semaphore(%run_scoped3A : memref<!tpu.dma_semaphore, #tpu.memory_space<semaphore_mem>>) src(%arg13 : memref<640xf32, #tpu.memory_space<vmem>>) dst(%dma_wait3A_57 : memref<640xf32, #tpu.memory_space<vmem_shared>>)
      tpu.yield
    }) : () -> ()
    "tpu.region"() ({
      %run_scoped3A = tpu.sem_alloc : memref<!tpu.dma_semaphore, #tpu.memory_space<semaphore_mem>>
      %dma_start3A = arith.constant 0 : i32
      %dma_start3A_56 = arith.constant 0 : i32
      %dma_start3A_57 = tpu.memref_slice %arg2[%add3A, %dma_start3A, %dma_start3A_56] : memref<32x40x128xi32, #tpu.memory_space<hbm>> -> memref<1x40x128xi32, #tpu.memory_space<hbm>>
      %dma_start3A_58 = tpu.memref_squeeze %dma_start3A_57 : memref<1x40x128xi32, #tpu.memory_space<hbm>> -> memref<40x128xi32, #tpu.memory_space<hbm>>
      %dma_start3A_59 = arith.constant 0 : i32
      %dma_start3A_60 = arith.constant 0 : i32
      %dma_start3A_61 = tpu.memref_slice %arg2[%add3A, %dma_start3A_59, %dma_start3A_60] : memref<32x40x128xi32, #tpu.memory_space<hbm>> -> memref<1x40x128xi32, #tpu.memory_space<hbm>>
      %dma_start3A_62 = tpu.memref_squeeze %dma_start3A_61 : memref<1x40x128xi32, #tpu.memory_space<hbm>> -> memref<40x128xi32, #tpu.memory_space<hbm>>
      tpu.enqueue_dma source(%dma_start3A_62 : memref<40x128xi32, #tpu.memory_space<hbm>>) target(%arg8 : memref<40x128xi32, #tpu.memory_space<vmem>>) target_semaphore(%run_scoped3A : memref<!tpu.dma_semaphore, #tpu.memory_space<semaphore_mem>>)
      %dma_wait3A = arith.constant 0 : i32
      %dma_wait3A_63 = arith.constant 0 : i32
      %dma_wait3A_64 = tpu.memref_slice %arg2[%add3A, %dma_wait3A, %dma_wait3A_63] : memref<32x40x128xi32, #tpu.memory_space<hbm>> -> memref<1x40x128xi32, #tpu.memory_space<hbm>>
      %dma_wait3A_65 = tpu.memref_squeeze %dma_wait3A_64 : memref<1x40x128xi32, #tpu.memory_space<hbm>> -> memref<40x128xi32, #tpu.memory_space<hbm>>
      %dma_wait3A_66 = arith.constant 0 : i32
      %dma_wait3A_67 = arith.constant 0 : i32
      %dma_wait3A_68 = tpu.memref_slice %arg2[%add3A, %dma_wait3A_66, %dma_wait3A_67] : memref<32x40x128xi32, #tpu.memory_space<hbm>> -> memref<1x40x128xi32, #tpu.memory_space<hbm>>
      %dma_wait3A_69 = tpu.memref_squeeze %dma_wait3A_68 : memref<1x40x128xi32, #tpu.memory_space<hbm>> -> memref<40x128xi32, #tpu.memory_space<hbm>>
      tpu.wait_dma2 semaphore(%run_scoped3A : memref<!tpu.dma_semaphore, #tpu.memory_space<semaphore_mem>>) src(%dma_wait3A_69 : memref<40x128xi32, #tpu.memory_space<hbm>>) dst(%arg8 : memref<40x128xi32, #tpu.memory_space<vmem>>)
      tpu.yield
    }) : () -> ()
    "tpu.region"() ({
      %run_scoped3A = tpu.sem_alloc : memref<!tpu.dma_semaphore, #tpu.memory_space<semaphore_mem>>
      %dma_start3A = arith.constant 0 : i32
      %dma_start3A_56 = arith.constant 0 : i32
      %dma_start3A_57 = tpu.memref_slice %arg3[%add3A, %dma_start3A, %dma_start3A_56] : memref<32x40x128xi32, #tpu.memory_space<hbm>> -> memref<1x40x128xi32, #tpu.memory_space<hbm>>
      %dma_start3A_58 = tpu.memref_squeeze %dma_start3A_57 : memref<1x40x128xi32, #tpu.memory_space<hbm>> -> memref<40x128xi32, #tpu.memory_space<hbm>>
      %dma_start3A_59 = arith.constant 0 : i32
      %dma_start3A_60 = arith.constant 0 : i32
      %dma_start3A_61 = tpu.memref_slice %arg3[%add3A, %dma_start3A_59, %dma_start3A_60] : memref<32x40x128xi32, #tpu.memory_space<hbm>> -> memref<1x40x128xi32, #tpu.memory_space<hbm>>
      %dma_start3A_62 = tpu.memref_squeeze %dma_start3A_61 : memref<1x40x128xi32, #tpu.memory_space<hbm>> -> memref<40x128xi32, #tpu.memory_space<hbm>>
      tpu.enqueue_dma source(%dma_start3A_62 : memref<40x128xi32, #tpu.memory_space<hbm>>) target(%arg9 : memref<40x128xi32, #tpu.memory_space<vmem>>) target_semaphore(%run_scoped3A : memref<!tpu.dma_semaphore, #tpu.memory_space<semaphore_mem>>)
      %dma_wait3A = arith.constant 0 : i32
      %dma_wait3A_63 = arith.constant 0 : i32
      %dma_wait3A_64 = tpu.memref_slice %arg3[%add3A, %dma_wait3A, %dma_wait3A_63] : memref<32x40x128xi32, #tpu.memory_space<hbm>> -> memref<1x40x128xi32, #tpu.memory_space<hbm>>
      %dma_wait3A_65 = tpu.memref_squeeze %dma_wait3A_64 : memref<1x40x128xi32, #tpu.memory_space<hbm>> -> memref<40x128xi32, #tpu.memory_space<hbm>>
      %dma_wait3A_66 = arith.constant 0 : i32
      %dma_wait3A_67 = arith.constant 0 : i32
      %dma_wait3A_68 = tpu.memref_slice %arg3[%add3A, %dma_wait3A_66, %dma_wait3A_67] : memref<32x40x128xi32, #tpu.memory_space<hbm>> -> memref<1x40x128xi32, #tpu.memory_space<hbm>>
      %dma_wait3A_69 = tpu.memref_squeeze %dma_wait3A_68 : memref<1x40x128xi32, #tpu.memory_space<hbm>> -> memref<40x128xi32, #tpu.memory_space<hbm>>
      tpu.wait_dma2 semaphore(%run_scoped3A : memref<!tpu.dma_semaphore, #tpu.memory_space<semaphore_mem>>) src(%dma_wait3A_69 : memref<40x128xi32, #tpu.memory_space<hbm>>) dst(%arg9 : memref<40x128xi32, #tpu.memory_space<vmem>>)
      tpu.yield
    }) : () -> ()
    "tpu.region"() ({
      %run_scoped3A = tpu.sem_alloc : memref<!tpu.dma_semaphore, #tpu.memory_space<semaphore_mem>>
      tpu.enqueue_dma source(%arg4 : memref<640xf32, #tpu.memory_space<hbm>>) target(%arg11 : memref<640xf32, #tpu.memory_space<vmem>>) target_semaphore(%run_scoped3A : memref<!tpu.dma_semaphore, #tpu.memory_space<semaphore_mem>>)
      tpu.wait_dma2 semaphore(%run_scoped3A : memref<!tpu.dma_semaphore, #tpu.memory_space<semaphore_mem>>) src(%arg4 : memref<640xf32, #tpu.memory_space<hbm>>) dst(%arg11 : memref<640xf32, #tpu.memory_space<vmem>>)
      tpu.yield
    }) : () -> ()
    "tpu.region"() ({
      %run_scoped3A = tpu.sem_alloc : memref<!tpu.dma_semaphore, #tpu.memory_space<semaphore_mem>>
      tpu.enqueue_dma source(%arg5 : memref<640xf32, #tpu.memory_space<hbm>>) target(%arg12 : memref<640xf32, #tpu.memory_space<vmem>>) target_semaphore(%run_scoped3A : memref<!tpu.dma_semaphore, #tpu.memory_space<semaphore_mem>>)
      tpu.wait_dma2 semaphore(%run_scoped3A : memref<!tpu.dma_semaphore, #tpu.memory_space<semaphore_mem>>) src(%arg5 : memref<640xf32, #tpu.memory_space<hbm>>) dst(%arg12 : memref<640xf32, #tpu.memory_space<vmem>>)
      tpu.yield
    }) : () -> ()
    %scan3A_9 = arith.constant 0 : i32
    %scan3A_10 = arith.constant 0 : i32
    %scan3A_11 = arith.constant 40 : i32
    %scan3A_12 = arith.addi %scan3A_10, %scan3A_11 : i32
    %scan3A_13 = arith.constant 1 : i32
    %scan3A_14 = scf.for %scan3A_56 = %scan3A_10 to %scan3A_12 step %scan3A_13 iter_args(%scan3A_57 = %scan3A_9) -> (i32)  : i32 {
      %mul3A_58 = arith.constant 16 : i32
      %mul3A_59 = arith.muli %scan3A_56, %mul3A_58 : i32
      %get3A = arith.index_cast %mul3A_59 : i32 to index
      %get3A_60 = tpu.vector_load %arg11[%get3A] {strides = array<i32>} : memref<640xf32, #tpu.memory_space<vmem>>, vector<16xf32>,
      %get3A_61 = arith.index_cast %mul3A_59 : i32 to index
      %get3A_62 = tpu.vector_load %arg12[%get3A_61] {strides = array<i32>} : memref<640xf32, #tpu.memory_space<vmem>>, vector<16xf32>,
      %add3A_63 = arith.addf %get3A_60, %get3A_62 : vector<16xf32>
      %swap3A = arith.index_cast %mul3A_59 : i32 to index
      %swap3A_64 = tpu.vector_load %arg11[%swap3A] {strides = array<i32>} : memref<640xf32, #tpu.memory_space<vmem>>, vector<16xf32>,
      tpu.vector_store %arg11[%swap3A], %add3A_63 {strides = array<i32>} : memref<640xf32, #tpu.memory_space<vmem>>, vector<16xf32>,
      %scan3A_65 = arith.constant 0 : i32
      scf.yield %scan3A_65 : i32
    }
    %scan3A_15 = arith.constant 40 : i32
    %broadcast_in_dim3A = arith.constant -3.400000e+38 : f32
    %broadcast_in_dim3A_16 = vector.broadcast %broadcast_in_dim3A : f32 to vector<16xf32>
    %scan3A_17 = arith.constant 0 : i32
    %scan3A_18 = arith.constant 40 : i32
    %scan3A_19 = arith.addi %scan3A_17, %scan3A_18 : i32
    %scan3A_20 = arith.constant 1 : i32
    %scan3A_21 = scf.for %scan3A_56 = %scan3A_17 to %scan3A_19 step %scan3A_20 iter_args(%scan3A_57 = %broadcast_in_dim3A_16) -> (vector<16xf32>)  : i32 {
      %mul3A_58 = arith.constant 16 : i32
      %mul3A_59 = arith.muli %scan3A_56, %mul3A_58 : i32
      %get3A = arith.index_cast %mul3A_59 : i32 to index
      %get3A_60 = tpu.vector_load %arg11[%get3A] {strides = array<i32>} : memref<640xf32, #tpu.memory_space<vmem>>, vector<16xf32>,
      %max3A = arith.maximumf %scan3A_57, %get3A_60 : vector<16xf32>
      scf.yield %max3A : vector<16xf32>
    }
    %scan3A_22 = arith.constant 40 : i32
    %reduce_max3A = arith.constant true
    %reduce_max3A_23 = vector.broadcast %reduce_max3A : i1 to vector<16xi1>
    %reduce_max3A_24 = tpu.scan <max>, %scan3A_21 masked %reduce_max3A_23 : vector<16xf32>, vector<16xi1> -> vector<16xf32>
    %reduce_max3A_25 = vector.extract %reduce_max3A_24[15] : f32 from vector<16xf32>
    %scan3A_26 = arith.constant 0 : i32
    %scan3A_27 = arith.constant 0 : i32
    %scan3A_28 = arith.constant 40 : i32
    %scan3A_29 = arith.addi %scan3A_27, %scan3A_28 : i32
    %scan3A_30 = arith.constant 1 : i32
    %scan3A_31 = scf.for %scan3A_56 = %scan3A_27 to %scan3A_29 step %scan3A_30 iter_args(%scan3A_57 = %scan3A_26) -> (i32)  : i32 {
      %get3A = arith.index_cast %scan3A_56 : i32 to index
      %get3A_58 = arith.constant 0 : index
      %get3A_59 = tpu.vector_load %arg9[%get3A, %get3A_58] {strides = array<i32>} : memref<40x128xi32, #tpu.memory_space<vmem>>, vector<16xi32>,
      %gather3A = tpu.vector_load_idx %arg11[%get3A_59] : memref<640xf32, #tpu.memory_space<vmem>>[vector<16xi32>], vector<16xf32>,
      %sub3A = vector.broadcast %reduce_max3A_25 : f32 to vector<16xf32>
      %sub3A_60 = arith.subf %gather3A, %sub3A : vector<16xf32>
      %max3A = arith.constant -8.000000e+01 : f32
      %max3A_61 = vector.broadcast %max3A : f32 to vector<16xf32>
      %max3A_62 = arith.maximumf %sub3A_60, %max3A_61 : vector<16xf32>
      %exp3A = math.exp %max3A_62 : vector<16xf32>
      %swap3A = arith.index_cast %scan3A_56 : i32 to index
      %swap3A_63 = arith.constant 0 : index
      %swap3A_64 = tpu.vector_load %arg10[%swap3A, %swap3A_63] {strides = array<i32>} : memref<40x128xf32, #tpu.memory_space<vmem>>, vector<16xf32>,
      tpu.vector_store %arg10[%swap3A, %swap3A_63], %exp3A {strides = array<i32>} : memref<40x128xf32, #tpu.memory_space<vmem>>, vector<16xf32>,
      %get3A_65 = arith.index_cast %scan3A_56 : i32 to index
      %get3A_66 = arith.constant 16 : index
      %get3A_67 = tpu.vector_load %arg9[%get3A_65, %get3A_66] {strides = array<i32>} : memref<40x128xi32, #tpu.memory_space<vmem>>, vector<16xi32>,
      %gather3A_68 = tpu.vector_load_idx %arg11[%get3A_67] : memref<640xf32, #tpu.memory_space<vmem>>[vector<16xi32>], vector<16xf32>,
      %sub3A_69 = vector.broadcast %reduce_max3A_25 : f32 to vector<16xf32>
      %sub3A_70 = arith.subf %gather3A_68, %sub3A_69 : vector<16xf32>
      %max3A_71 = arith.constant -8.000000e+01 : f32
      %max3A_72 = vector.broadcast %max3A_71 : f32 to vector<16xf32>
      %max3A_73 = arith.maximumf %sub3A_70, %max3A_72 : vector<16xf32>
      %exp3A_74 = math.exp %max3A_73 : vector<16xf32>
      %swap3A_75 = arith.index_cast %scan3A_56 : i32 to index
      %swap3A_76 = arith.constant 16 : index
      %swap3A_77 = tpu.vector_load %arg10[%swap3A_75, %swap3A_76] {strides = array<i32>} : memref<40x128xf32, #tpu.memory_space<vmem>>, vector<16xf32>,
      tpu.vector_store %arg10[%swap3A_75, %swap3A_76], %exp3A_74 {strides = array<i32>} : memref<40x128xf32, #tpu.memory_space<vmem>>, vector<16xf32>,
      %get3A_78 = arith.index_cast %scan3A_56 : i32 to index
      %get3A_79 = arith.constant 32 : index
      %get3A_80 = tpu.vector_load %arg9[%get3A_78, %get3A_79] {strides = array<i32>} : memref<40x128xi32, #tpu.memory_space<vmem>>, vector<16xi32>,
      %gather3A_81 = tpu.vector_load_idx %arg11[%get3A_80] : memref<640xf32, #tpu.memory_space<vmem>>[vector<16xi32>], vector<16xf32>,
      %sub3A_82 = vector.broadcast %reduce_max3A_25 : f32 to vector<16xf32>
      %sub3A_83 = arith.subf %gather3A_81, %sub3A_82 : vector<16xf32>
      %max3A_84 = arith.constant -8.000000e+01 : f32
      %max3A_85 = vector.broadcast %max3A_84 : f32 to vector<16xf32>
      %max3A_86 = arith.maximumf %sub3A_83, %max3A_85 : vector<16xf32>
      %exp3A_87 = math.exp %max3A_86 : vector<16xf32>
      %swap3A_88 = arith.index_cast %scan3A_56 : i32 to index
      %swap3A_89 = arith.constant 32 : index
      %swap3A_90 = tpu.vector_load %arg10[%swap3A_88, %swap3A_89] {strides = array<i32>} : memref<40x128xf32, #tpu.memory_space<vmem>>, vector<16xf32>,
      tpu.vector_store %arg10[%swap3A_88, %swap3A_89], %exp3A_87 {strides = array<i32>} : memref<40x128xf32, #tpu.memory_space<vmem>>, vector<16xf32>,
      %get3A_91 = arith.index_cast %scan3A_56 : i32 to index
      %get3A_92 = arith.constant 48 : index
      %get3A_93 = tpu.vector_load %arg9[%get3A_91, %get3A_92] {strides = array<i32>} : memref<40x128xi32, #tpu.memory_space<vmem>>, vector<16xi32>,
      %gather3A_94 = tpu.vector_load_idx %arg11[%get3A_93] : memref<640xf32, #tpu.memory_space<vmem>>[vector<16xi32>], vector<16xf32>,
      %sub3A_95 = vector.broadcast %reduce_max3A_25 : f32 to vector<16xf32>
      %sub3A_96 = arith.subf %gather3A_94, %sub3A_95 : vector<16xf32>
      %max3A_97 = arith.constant -8.000000e+01 : f32
      %max3A_98 = vector.broadcast %max3A_97 : f32 to vector<16xf32>
      %max3A_99 = arith.maximumf %sub3A_96, %max3A_98 : vector<16xf32>
      %exp3A_100 = math.exp %max3A_99 : vector<16xf32>
      %swap3A_101 = arith.index_cast %scan3A_56 : i32 to index
      %swap3A_102 = arith.constant 48 : index
      %swap3A_103 = tpu.vector_load %arg10[%swap3A_101, %swap3A_102] {strides = array<i32>} : memref<40x128xf32, #tpu.memory_space<vmem>>, vector<16xf32>,
      tpu.vector_store %arg10[%swap3A_101, %swap3A_102], %exp3A_100 {strides = array<i32>} : memref<40x128xf32, #tpu.memory_space<vmem>>, vector<16xf32>,
      %get3A_104 = arith.index_cast %scan3A_56 : i32 to index
      %get3A_105 = arith.constant 64 : index
      %get3A_106 = tpu.vector_load %arg9[%get3A_104, %get3A_105] {strides = array<i32>} : memref<40x128xi32, #tpu.memory_space<vmem>>, vector<16xi32>,
      %gather3A_107 = tpu.vector_load_idx %arg11[%get3A_106] : memref<640xf32, #tpu.memory_space<vmem>>[vector<16xi32>], vector<16xf32>,
      %sub3A_108 = vector.broadcast %reduce_max3A_25 : f32 to vector<16xf32>
      %sub3A_109 = arith.subf %gather3A_107, %sub3A_108 : vector<16xf32>
      %max3A_110 = arith.constant -8.000000e+01 : f32
      %max3A_111 = vector.broadcast %max3A_110 : f32 to vector<16xf32>
      %max3A_112 = arith.maximumf %sub3A_109, %max3A_111 : vector<16xf32>
      %exp3A_113 = math.exp %max3A_112 : vector<16xf32>
      %swap3A_114 = arith.index_cast %scan3A_56 : i32 to index
      %swap3A_115 = arith.constant 64 : index
      %swap3A_116 = tpu.vector_load %arg10[%swap3A_114, %swap3A_115] {strides = array<i32>} : memref<40x128xf32, #tpu.memory_space<vmem>>, vector<16xf32>,
      tpu.vector_store %arg10[%swap3A_114, %swap3A_115], %exp3A_113 {strides = array<i32>} : memref<40x128xf32, #tpu.memory_space<vmem>>, vector<16xf32>,
      %get3A_117 = arith.index_cast %scan3A_56 : i32 to index
      %get3A_118 = arith.constant 80 : index
      %get3A_119 = tpu.vector_load %arg9[%get3A_117, %get3A_118] {strides = array<i32>} : memref<40x128xi32, #tpu.memory_space<vmem>>, vector<16xi32>,
      %gather3A_120 = tpu.vector_load_idx %arg11[%get3A_119] : memref<640xf32, #tpu.memory_space<vmem>>[vector<16xi32>], vector<16xf32>,
      %sub3A_121 = vector.broadcast %reduce_max3A_25 : f32 to vector<16xf32>
      %sub3A_122 = arith.subf %gather3A_120, %sub3A_121 : vector<16xf32>
      %max3A_123 = arith.constant -8.000000e+01 : f32
      %max3A_124 = vector.broadcast %max3A_123 : f32 to vector<16xf32>
      %max3A_125 = arith.maximumf %sub3A_122, %max3A_124 : vector<16xf32>
      %exp3A_126 = math.exp %max3A_125 : vector<16xf32>
      %swap3A_127 = arith.index_cast %scan3A_56 : i32 to index
      %swap3A_128 = arith.constant 80 : index
      %swap3A_129 = tpu.vector_load %arg10[%swap3A_127, %swap3A_128] {strides = array<i32>} : memref<40x128xf32, #tpu.memory_space<vmem>>, vector<16xf32>,
      tpu.vector_store %arg10[%swap3A_127, %swap3A_128], %exp3A_126 {strides = array<i32>} : memref<40x128xf32, #tpu.memory_space<vmem>>, vector<16xf32>,
      %get3A_130 = arith.index_cast %scan3A_56 : i32 to index
      %get3A_131 = arith.constant 96 : index
      %get3A_132 = tpu.vector_load %arg9[%get3A_130, %get3A_131] {strides = array<i32>} : memref<40x128xi32, #tpu.memory_space<vmem>>, vector<16xi32>,
      %gather3A_133 = tpu.vector_load_idx %arg11[%get3A_132] : memref<640xf32, #tpu.memory_space<vmem>>[vector<16xi32>], vector<16xf32>,
      %sub3A_134 = vector.broadcast %reduce_max3A_25 : f32 to vector<16xf32>
      %sub3A_135 = arith.subf %gather3A_133, %sub3A_134 : vector<16xf32>
      %max3A_136 = arith.constant -8.000000e+01 : f32
      %max3A_137 = vector.broadcast %max3A_136 : f32 to vector<16xf32>
      %max3A_138 = arith.maximumf %sub3A_135, %max3A_137 : vector<16xf32>
      %exp3A_139 = math.exp %max3A_138 : vector<16xf32>
      %swap3A_140 = arith.index_cast %scan3A_56 : i32 to index
      %swap3A_141 = arith.constant 96 : index
      %swap3A_142 = tpu.vector_load %arg10[%swap3A_140, %swap3A_141] {strides = array<i32>} : memref<40x128xf32, #tpu.memory_space<vmem>>, vector<16xf32>,
      tpu.vector_store %arg10[%swap3A_140, %swap3A_141], %exp3A_139 {strides = array<i32>} : memref<40x128xf32, #tpu.memory_space<vmem>>, vector<16xf32>,
      %get3A_143 = arith.index_cast %scan3A_56 : i32 to index
      %get3A_144 = arith.constant 112 : index
      %get3A_145 = tpu.vector_load %arg9[%get3A_143, %get3A_144] {strides = array<i32>} : memref<40x128xi32, #tpu.memory_space<vmem>>, vector<16xi32>,
      %gather3A_146 = tpu.vector_load_idx %arg11[%get3A_145] : memref<640xf32, #tpu.memory_space<vmem>>[vector<16xi32>], vector<16xf32>,
      %sub3A_147 = vector.broadcast %reduce_max3A_25 : f32 to vector<16xf32>
      %sub3A_148 = arith.subf %gather3A_146, %sub3A_147 : vector<16xf32>
      %max3A_149 = arith.constant -8.000000e+01 : f32
      %max3A_150 = vector.broadcast %max3A_149 : f32 to vector<16xf32>
      %max3A_151 = arith.maximumf %sub3A_148, %max3A_150 : vector<16xf32>
      %exp3A_152 = math.exp %max3A_151 : vector<16xf32>
      %swap3A_153 = arith.index_cast %scan3A_56 : i32 to index
      %swap3A_154 = arith.constant 112 : index
      %swap3A_155 = tpu.vector_load %arg10[%swap3A_153, %swap3A_154] {strides = array<i32>} : memref<40x128xf32, #tpu.memory_space<vmem>>, vector<16xf32>,
      tpu.vector_store %arg10[%swap3A_153, %swap3A_154], %exp3A_152 {strides = array<i32>} : memref<40x128xf32, #tpu.memory_space<vmem>>, vector<16xf32>,
      %scan3A_156 = arith.constant 0 : i32
      scf.yield %scan3A_156 : i32
    }
    %scan3A_32 = arith.constant 40 : i32
    %barrier3A = arith.constant 0 : index
    tpu.barrier barrier_id(%barrier3A)
    %scan3A_33 = arith.constant 0 : i32
    %scan3A_34 = arith.constant 0 : i32
    %scan3A_35 = arith.constant 40 : i32
    %scan3A_36 = arith.addi %scan3A_34, %scan3A_35 : i32
    %scan3A_37 = arith.constant 1 : i32
    %scan3A_38 = scf.for %scan3A_56 = %scan3A_34 to %scan3A_36 step %scan3A_37 iter_args(%scan3A_57 = %scan3A_33) -> (i32)  : i32 {
      %dma_start3A = arith.constant 0 : i32
      %dma_start3A_58 = tpu.memref_slice %arg10[%scan3A_56, %dma_start3A] : memref<40x128xf32, #tpu.memory_space<vmem>> -> memref<1x128xf32, #tpu.memory_space<vmem>>
      %dma_start3A_59 = tpu.memref_squeeze %dma_start3A_58 : memref<1x128xf32, #tpu.memory_space<vmem>> -> memref<128xf32, #tpu.memory_space<vmem>>
      %dma_start3A_60 = arith.constant 0 : i32
      %dma_start3A_61 = tpu.memref_slice %arg8[%scan3A_56, %dma_start3A_60] : memref<40x128xi32, #tpu.memory_space<vmem>> -> memref<1x128xi32, #tpu.memory_space<vmem>>
      %dma_start3A_62 = tpu.memref_squeeze %dma_start3A_61 : memref<1x128xi32, #tpu.memory_space<vmem>> -> memref<128xi32, #tpu.memory_space<vmem>>
      %dma_start3A_63 = arith.constant 0 : i32
      %dma_start3A_64 = tpu.memref_slice %arg14[%dma_start3A_63] : memref<10240xf32, #tpu.memory_space<vmem_shared>> -> memref<10240xf32, #tpu.memory_space<vmem_shared>>
      tpu.enqueue_indirect_dma source(%dma_start3A_59 : memref<128xf32, #tpu.memory_space<vmem>>) target(%dma_start3A_64 : memref<10240xf32, #tpu.memory_space<vmem_shared>>) offsets(%dma_start3A_62 : memref<128xi32, #tpu.memory_space<vmem>>) semaphore(%arg15 : memref<!tpu.dma_semaphore, #tpu.memory_space<semaphore_mem>>) {add = true}
      %dma_wait3A = arith.constant 0 : i32
      %dma_wait3A_65 = tpu.memref_slice %arg10[%scan3A_56, %dma_wait3A] : memref<40x128xf32, #tpu.memory_space<vmem>> -> memref<1x128xf32, #tpu.memory_space<vmem>>
      %dma_wait3A_66 = tpu.memref_squeeze %dma_wait3A_65 : memref<1x128xf32, #tpu.memory_space<vmem>> -> memref<128xf32, #tpu.memory_space<vmem>>
      %dma_wait3A_67 = arith.constant 0 : i32
      %dma_wait3A_68 = tpu.memref_slice %arg8[%scan3A_56, %dma_wait3A_67] : memref<40x128xi32, #tpu.memory_space<vmem>> -> memref<1x128xi32, #tpu.memory_space<vmem>>
      %dma_wait3A_69 = tpu.memref_squeeze %dma_wait3A_68 : memref<1x128xi32, #tpu.memory_space<vmem>> -> memref<128xi32, #tpu.memory_space<vmem>>
      %dma_wait3A_70 = arith.constant 0 : i32
      %dma_wait3A_71 = tpu.memref_slice %arg14[%dma_wait3A_70] : memref<10240xf32, #tpu.memory_space<vmem_shared>> -> memref<10240xf32, #tpu.memory_space<vmem_shared>>
      tpu.wait_indirect_dma semaphore(%arg15 : memref<!tpu.dma_semaphore, #tpu.memory_space<semaphore_mem>>) src(%dma_wait3A_66 : memref<128xf32, #tpu.memory_space<vmem>>) dst(%dma_wait3A_71 : memref<10240xf32, #tpu.memory_space<vmem_shared>>)
      %scan3A_72 = arith.constant 0 : i32
      scf.yield %scan3A_72 : i32
    }
    %scan3A_39 = arith.constant 40 : i32
    %barrier3A_40 = arith.constant 0 : index
    tpu.barrier barrier_id(%barrier3A_40)
    %barrier3A_41 = arith.constant 0 : index
    tpu.barrier barrier_id(%barrier3A_41)
    %barrier3A_42 = arith.constant 0 : index
    tpu.barrier barrier_id(%barrier3A_42)
    %mul3A_43 = arith.constant 640 : i32
    %mul3A_44 = arith.muli %arg1, %mul3A_43 : i32
    %mul3A_45 = arith.constant 640 : i32
    %mul3A_46 = arith.muli %arg1, %mul3A_45 : i32
    %mul3A_47 = arith.constant 640 : i32
    %mul3A_48 = arith.muli %arg1, %mul3A_47 : i32
    %eq3A = arith.constant 0 : i32
    %eq3A_49 = arith.cmpi eq, %arg0, %eq3A : i32
    %convert_element_type3A = arith.extui %eq3A_49 : i1 to i32
    %cond3A = arith.constant 0 : i32
    %cond3A_50 = arith.cmpi ne, %convert_element_type3A, %cond3A : i32
    scf.if %cond3A_50 {
      "tpu.region"() ({
        %run_scoped3A = tpu.sem_alloc : memref<!tpu.dma_semaphore, #tpu.memory_space<semaphore_mem>>
        %dma_start3A = tpu.memref_slice %arg6[%mul3A_46] : memref<10240xf32, #tpu.memory_space<hbm>> -> memref<640xf32, #tpu.memory_space<hbm>>
        %dma_start3A_56 = tpu.memref_slice %arg14[%mul3A_44] : memref<10240xf32, #tpu.memory_space<vmem_shared>> -> memref<640xf32, #tpu.memory_space<vmem_shared>>
        tpu.enqueue_dma source(%dma_start3A_56 : memref<640xf32, #tpu.memory_space<vmem_shared>>) target(%dma_start3A : memref<640xf32, #tpu.memory_space<hbm>>) target_semaphore(%run_scoped3A : memref<!tpu.dma_semaphore, #tpu.memory_space<semaphore_mem>>)
        %dma_wait3A = tpu.memref_slice %arg6[%mul3A_46] : memref<10240xf32, #tpu.memory_space<hbm>> -> memref<640xf32, #tpu.memory_space<hbm>>
        %dma_wait3A_57 = tpu.memref_slice %arg14[%mul3A_44] : memref<10240xf32, #tpu.memory_space<vmem_shared>> -> memref<640xf32, #tpu.memory_space<vmem_shared>>
        tpu.wait_dma2 semaphore(%run_scoped3A : memref<!tpu.dma_semaphore, #tpu.memory_space<semaphore_mem>>) src(%dma_wait3A_57 : memref<640xf32, #tpu.memory_space<vmem_shared>>) dst(%dma_wait3A : memref<640xf32, #tpu.memory_space<hbm>>)
        tpu.yield
      }) : () -> ()
    } else {
    }
    %eq3A_51 = arith.constant 1 : i32
    %eq3A_52 = arith.cmpi eq, %arg0, %eq3A_51 : i32
    %convert_element_type3A_53 = arith.extui %eq3A_52 : i1 to i32
    %cond3A_54 = arith.constant 0 : i32
    %cond3A_55 = arith.cmpi ne, %convert_element_type3A_53, %cond3A_54 : i32
    scf.if %cond3A_55 {
      "tpu.region"() ({
        %run_scoped3A = tpu.sem_alloc : memref<!tpu.dma_semaphore, #tpu.memory_space<semaphore_mem>>
        %dma_start3A = tpu.memref_slice %arg7[%mul3A_48] : memref<10240xf32, #tpu.memory_space<hbm>> -> memref<640xf32, #tpu.memory_space<hbm>>
        %dma_start3A_56 = tpu.memref_slice %arg14[%mul3A_44] : memref<10240xf32, #tpu.memory_space<vmem_shared>> -> memref<640xf32, #tpu.memory_space<vmem_shared>>
        tpu.enqueue_dma source(%dma_start3A_56 : memref<640xf32, #tpu.memory_space<vmem_shared>>) target(%dma_start3A : memref<640xf32, #tpu.memory_space<hbm>>) target_semaphore(%run_scoped3A : memref<!tpu.dma_semaphore, #tpu.memory_space<semaphore_mem>>)
        %dma_wait3A = tpu.memref_slice %arg7[%mul3A_48] : memref<10240xf32, #tpu.memory_space<hbm>> -> memref<640xf32, #tpu.memory_space<hbm>>
        %dma_wait3A_57 = tpu.memref_slice %arg14[%mul3A_44] : memref<10240xf32, #tpu.memory_space<vmem_shared>> -> memref<640xf32, #tpu.memory_space<vmem_shared>>
        tpu.wait_dma2 semaphore(%run_scoped3A : memref<!tpu.dma_semaphore, #tpu.memory_space<semaphore_mem>>) src(%dma_wait3A_57 : memref<640xf32, #tpu.memory_space<vmem_shared>>) dst(%dma_wait3A : memref<640xf32, #tpu.memory_space<hbm>>)
        tpu.yield
      }) : () -> ()
    } else {
    }
    return
  }
}

#map = affine_map<(d0, d1) -> (0, 0, 0)>
#map1 = affine_map<(d0, d1) -> (0)>
module attributes {stable_mosaic.version = 14 : i64} {
  func.func @_sc1_body(%arg0: i32, %arg1: i32, %arg2: memref<32x40x128xi32, #tpu.memory_space<hbm>>, %arg3: memref<32x40x128xi32, #tpu.memory_space<hbm>>, %arg4: memref<10240xf32, #tpu.memory_space<hbm>>, %arg5: memref<10240xf32, #tpu.memory_space<hbm>>, %arg6: memref<10240xf32, #tpu.memory_space<hbm>>, %arg7: memref<640xf32, #tpu.memory_space<hbm>>, %arg8: memref<640xf32, #tpu.memory_space<hbm>>, %arg9: memref<640xf32, #tpu.memory_space<hbm>>, %arg10: memref<640xf32, #tpu.memory_space<hbm>>, %arg11: memref<40x128xi32, #tpu.memory_space<vmem>>, %arg12: memref<40x128xi32, #tpu.memory_space<vmem>>, %arg13: memref<40x128xf32, #tpu.memory_space<vmem>>, %arg14: memref<40x128xf32, #tpu.memory_space<vmem>>, %arg15: memref<10240xf32, #tpu.memory_space<vmem>>, %arg16: memref<640xf32, #tpu.memory_space<vmem>>, %arg17: memref<10240xf32, #tpu.memory_space<vmem_shared>>, %arg18: memref<640xf32, #tpu.memory_space<vmem_shared>>, %arg19: memref<640xf32, #tpu.memory_space<vmem_shared>>, %arg20: memref<!tpu.dma_semaphore, #tpu.memory_space<semaphore_mem>>, %arg21: memref<!tpu.dma_semaphore, #tpu.memory_space<semaphore_mem>>, %arg22: memref<!tpu.dma_semaphore, #tpu.memory_space<semaphore_mem>>) attributes {dimension_semantics = [#tpu.dimension_semantics<core_parallel>, #tpu.dimension_semantics<subcore_parallel>], iteration_bounds = array<i64: 2, 16>, scalar_prefetch = 0 : i64, scratch_operands = 12 : i64, tpu.core_type = #tpu.core_type<sc_vector_subcore>, window_params = [{transform_indices = #map}, {transform_indices = #map}, {transform_indices = #map1}, {transform_indices = #map1}, {transform_indices = #map1}, {transform_indices = #map1}, {transform_indices = #map1}, {transform_indices = #map1}, {transform_indices = #map1}]} {
    %mul3A = arith.constant 2 : i32
    %mul3A_0 = arith.muli %arg1, %mul3A : i32
    %add3A = arith.addi %mul3A_0, %arg0 : i32
    %scan3A = arith.constant 0 : i32
    %scan3A_1 = arith.constant 0 : i32
    %scan3A_2 = arith.constant 40 : i32
    %scan3A_3 = arith.addi %scan3A_1, %scan3A_2 : i32
    %scan3A_4 = arith.constant 1 : i32
    %scan3A_5 = scf.for %scan3A_48 = %scan3A_1 to %scan3A_3 step %scan3A_4 iter_args(%scan3A_49 = %scan3A) -> (i32)  : i32 {
      %broadcast_in_dim3A = arith.constant 0.000000e+00 : f32
      %broadcast_in_dim3A_50 = vector.broadcast %broadcast_in_dim3A : f32 to vector<16xf32>
      %mul3A_51 = arith.constant 16 : i32
      %mul3A_52 = arith.muli %scan3A_48, %mul3A_51 : i32
      %swap3A = arith.index_cast %mul3A_52 : i32 to index
      %swap3A_53 = tpu.vector_load %arg16[%swap3A] {strides = array<i32>} : memref<640xf32, #tpu.memory_space<vmem>>, vector<16xf32>,
      tpu.vector_store %arg16[%swap3A], %broadcast_in_dim3A_50 {strides = array<i32>} : memref<640xf32, #tpu.memory_space<vmem>>, vector<16xf32>,
      %scan3A_54 = arith.constant 0 : i32
      scf.yield %scan3A_54 : i32
    }
    %scan3A_6 = arith.constant 40 : i32
    %mul3A_7 = arith.constant 640 : i32
    %mul3A_8 = arith.muli %arg1, %mul3A_7 : i32
    "tpu.region"() ({
      %run_scoped3A = tpu.sem_alloc : memref<!tpu.dma_semaphore, #tpu.memory_space<semaphore_mem>>
      %dma_start3A = tpu.memref_slice %arg17[%mul3A_8] : memref<10240xf32, #tpu.memory_space<vmem_shared>> -> memref<640xf32, #tpu.memory_space<vmem_shared>>
      %dma_start3A_48 = tpu.memref_slice %arg17[%mul3A_8] : memref<10240xf32, #tpu.memory_space<vmem_shared>> -> memref<640xf32, #tpu.memory_space<vmem_shared>>
      tpu.enqueue_dma source(%arg16 : memref<640xf32, #tpu.memory_space<vmem>>) target(%dma_start3A_48 : memref<640xf32, #tpu.memory_space<vmem_shared>>) target_semaphore(%run_scoped3A : memref<!tpu.dma_semaphore, #tpu.memory_space<semaphore_mem>>)
      %dma_wait3A = tpu.memref_slice %arg17[%mul3A_8] : memref<10240xf32, #tpu.memory_space<vmem_shared>> -> memref<640xf32, #tpu.memory_space<vmem_shared>>
      %dma_wait3A_49 = tpu.memref_slice %arg17[%mul3A_8] : memref<10240xf32, #tpu.memory_space<vmem_shared>> -> memref<640xf32, #tpu.memory_space<vmem_shared>>
      tpu.wait_dma2 semaphore(%run_scoped3A : memref<!tpu.dma_semaphore, #tpu.memory_space<semaphore_mem>>) src(%arg16 : memref<640xf32, #tpu.memory_space<vmem>>) dst(%dma_wait3A_49 : memref<640xf32, #tpu.memory_space<vmem_shared>>)
      tpu.yield
    }) : () -> ()
    %eq3A = arith.constant 0 : i32
    %eq3A_9 = arith.cmpi eq, %arg1, %eq3A : i32
    %convert_element_type3A = arith.extui %eq3A_9 : i1 to i32
    %cond3A = arith.constant 0 : i32
    %cond3A_10 = arith.cmpi ne, %convert_element_type3A, %cond3A : i32
    scf.if %cond3A_10 {
      "tpu.region"() ({
        %run_scoped3A = tpu.sem_alloc : memref<!tpu.dma_semaphore, #tpu.memory_space<semaphore_mem>>
        tpu.enqueue_dma source(%arg16 : memref<640xf32, #tpu.memory_space<vmem>>) target(%arg18 : memref<640xf32, #tpu.memory_space<vmem_shared>>) target_semaphore(%run_scoped3A : memref<!tpu.dma_semaphore, #tpu.memory_space<semaphore_mem>>)
        tpu.wait_dma2 semaphore(%run_scoped3A : memref<!tpu.dma_semaphore, #tpu.memory_space<semaphore_mem>>) src(%arg16 : memref<640xf32, #tpu.memory_space<vmem>>) dst(%arg18 : memref<640xf32, #tpu.memory_space<vmem_shared>>)
        tpu.yield
      }) : () -> ()
      "tpu.region"() ({
        %run_scoped3A = tpu.sem_alloc : memref<!tpu.dma_semaphore, #tpu.memory_space<semaphore_mem>>
        tpu.enqueue_dma source(%arg16 : memref<640xf32, #tpu.memory_space<vmem>>) target(%arg19 : memref<640xf32, #tpu.memory_space<vmem_shared>>) target_semaphore(%run_scoped3A : memref<!tpu.dma_semaphore, #tpu.memory_space<semaphore_mem>>)
        tpu.wait_dma2 semaphore(%run_scoped3A : memref<!tpu.dma_semaphore, #tpu.memory_space<semaphore_mem>>) src(%arg16 : memref<640xf32, #tpu.memory_space<vmem>>) dst(%arg19 : memref<640xf32, #tpu.memory_space<vmem_shared>>)
        tpu.yield
      }) : () -> ()
    } else {
    }
    "tpu.region"() ({
      %run_scoped3A = tpu.sem_alloc : memref<!tpu.dma_semaphore, #tpu.memory_space<semaphore_mem>>
      %dma_start3A = arith.constant 0 : i32
      %dma_start3A_48 = arith.constant 0 : i32
      %dma_start3A_49 = tpu.memref_slice %arg2[%add3A, %dma_start3A, %dma_start3A_48] : memref<32x40x128xi32, #tpu.memory_space<hbm>> -> memref<1x40x128xi32, #tpu.memory_space<hbm>>
      %dma_start3A_50 = tpu.memref_squeeze %dma_start3A_49 : memref<1x40x128xi32, #tpu.memory_space<hbm>> -> memref<40x128xi32, #tpu.memory_space<hbm>>
      %dma_start3A_51 = arith.constant 0 : i32
      %dma_start3A_52 = arith.constant 0 : i32
      %dma_start3A_53 = tpu.memref_slice %arg2[%add3A, %dma_start3A_51, %dma_start3A_52] : memref<32x40x128xi32, #tpu.memory_space<hbm>> -> memref<1x40x128xi32, #tpu.memory_space<hbm>>
      %dma_start3A_54 = tpu.memref_squeeze %dma_start3A_53 : memref<1x40x128xi32, #tpu.memory_space<hbm>> -> memref<40x128xi32, #tpu.memory_space<hbm>>
      tpu.enqueue_dma source(%dma_start3A_54 : memref<40x128xi32, #tpu.memory_space<hbm>>) target(%arg11 : memref<40x128xi32, #tpu.memory_space<vmem>>) target_semaphore(%run_scoped3A : memref<!tpu.dma_semaphore, #tpu.memory_space<semaphore_mem>>)
      %dma_wait3A = arith.constant 0 : i32
      %dma_wait3A_55 = arith.constant 0 : i32
      %dma_wait3A_56 = tpu.memref_slice %arg2[%add3A, %dma_wait3A, %dma_wait3A_55] : memref<32x40x128xi32, #tpu.memory_space<hbm>> -> memref<1x40x128xi32, #tpu.memory_space<hbm>>
      %dma_wait3A_57 = tpu.memref_squeeze %dma_wait3A_56 : memref<1x40x128xi32, #tpu.memory_space<hbm>> -> memref<40x128xi32, #tpu.memory_space<hbm>>
      %dma_wait3A_58 = arith.constant 0 : i32
      %dma_wait3A_59 = arith.constant 0 : i32
      %dma_wait3A_60 = tpu.memref_slice %arg2[%add3A, %dma_wait3A_58, %dma_wait3A_59] : memref<32x40x128xi32, #tpu.memory_space<hbm>> -> memref<1x40x128xi32, #tpu.memory_space<hbm>>
      %dma_wait3A_61 = tpu.memref_squeeze %dma_wait3A_60 : memref<1x40x128xi32, #tpu.memory_space<hbm>> -> memref<40x128xi32, #tpu.memory_space<hbm>>
      tpu.wait_dma2 semaphore(%run_scoped3A : memref<!tpu.dma_semaphore, #tpu.memory_space<semaphore_mem>>) src(%dma_wait3A_61 : memref<40x128xi32, #tpu.memory_space<hbm>>) dst(%arg11 : memref<40x128xi32, #tpu.memory_space<vmem>>)
      tpu.yield
    }) : () -> ()
    "tpu.region"() ({
      %run_scoped3A = tpu.sem_alloc : memref<!tpu.dma_semaphore, #tpu.memory_space<semaphore_mem>>
      %dma_start3A = arith.constant 0 : i32
      %dma_start3A_48 = arith.constant 0 : i32
      %dma_start3A_49 = tpu.memref_slice %arg3[%add3A, %dma_start3A, %dma_start3A_48] : memref<32x40x128xi32, #tpu.memory_space<hbm>> -> memref<1x40x128xi32, #tpu.memory_space<hbm>>
      %dma_start3A_50 = tpu.memref_squeeze %dma_start3A_49 : memref<1x40x128xi32, #tpu.memory_space<hbm>> -> memref<40x128xi32, #tpu.memory_space<hbm>>
      %dma_start3A_51 = arith.constant 0 : i32
      %dma_start3A_52 = arith.constant 0 : i32
      %dma_start3A_53 = tpu.memref_slice %arg3[%add3A, %dma_start3A_51, %dma_start3A_52] : memref<32x40x128xi32, #tpu.memory_space<hbm>> -> memref<1x40x128xi32, #tpu.memory_space<hbm>>
      %dma_start3A_54 = tpu.memref_squeeze %dma_start3A_53 : memref<1x40x128xi32, #tpu.memory_space<hbm>> -> memref<40x128xi32, #tpu.memory_space<hbm>>
      tpu.enqueue_dma source(%dma_start3A_54 : memref<40x128xi32, #tpu.memory_space<hbm>>) target(%arg12 : memref<40x128xi32, #tpu.memory_space<vmem>>) target_semaphore(%run_scoped3A : memref<!tpu.dma_semaphore, #tpu.memory_space<semaphore_mem>>)
      %dma_wait3A = arith.constant 0 : i32
      %dma_wait3A_55 = arith.constant 0 : i32
      %dma_wait3A_56 = tpu.memref_slice %arg3[%add3A, %dma_wait3A, %dma_wait3A_55] : memref<32x40x128xi32, #tpu.memory_space<hbm>> -> memref<1x40x128xi32, #tpu.memory_space<hbm>>
      %dma_wait3A_57 = tpu.memref_squeeze %dma_wait3A_56 : memref<1x40x128xi32, #tpu.memory_space<hbm>> -> memref<40x128xi32, #tpu.memory_space<hbm>>
      %dma_wait3A_58 = arith.constant 0 : i32
      %dma_wait3A_59 = arith.constant 0 : i32
      %dma_wait3A_60 = tpu.memref_slice %arg3[%add3A, %dma_wait3A_58, %dma_wait3A_59] : memref<32x40x128xi32, #tpu.memory_space<hbm>> -> memref<1x40x128xi32, #tpu.memory_space<hbm>>
      %dma_wait3A_61 = tpu.memref_squeeze %dma_wait3A_60 : memref<1x40x128xi32, #tpu.memory_space<hbm>> -> memref<40x128xi32, #tpu.memory_space<hbm>>
      tpu.wait_dma2 semaphore(%run_scoped3A : memref<!tpu.dma_semaphore, #tpu.memory_space<semaphore_mem>>) src(%dma_wait3A_61 : memref<40x128xi32, #tpu.memory_space<hbm>>) dst(%arg12 : memref<40x128xi32, #tpu.memory_space<vmem>>)
      tpu.yield
    }) : () -> ()
    "tpu.region"() ({
      %run_scoped3A = tpu.sem_alloc : memref<!tpu.dma_semaphore, #tpu.memory_space<semaphore_mem>>
      tpu.enqueue_dma source(%arg4 : memref<10240xf32, #tpu.memory_space<hbm>>) target(%arg15 : memref<10240xf32, #tpu.memory_space<vmem>>) target_semaphore(%run_scoped3A : memref<!tpu.dma_semaphore, #tpu.memory_space<semaphore_mem>>)
      tpu.wait_dma2 semaphore(%run_scoped3A : memref<!tpu.dma_semaphore, #tpu.memory_space<semaphore_mem>>) src(%arg4 : memref<10240xf32, #tpu.memory_space<hbm>>) dst(%arg15 : memref<10240xf32, #tpu.memory_space<vmem>>)
      tpu.yield
    }) : () -> ()
    %scan3A_11 = arith.constant 0 : i32
    %scan3A_12 = arith.constant 0 : i32
    %scan3A_13 = arith.constant 40 : i32
    %scan3A_14 = arith.addi %scan3A_12, %scan3A_13 : i32
    %scan3A_15 = arith.constant 1 : i32
    %scan3A_16 = scf.for %scan3A_48 = %scan3A_12 to %scan3A_14 step %scan3A_15 iter_args(%scan3A_49 = %scan3A_11) -> (i32)  : i32 {
      %get3A = arith.index_cast %scan3A_48 : i32 to index
      %get3A_50 = arith.constant 0 : index
      %get3A_51 = tpu.vector_load %arg11[%get3A, %get3A_50] {strides = array<i32>} : memref<40x128xi32, #tpu.memory_space<vmem>>, vector<16xi32>,
      %gather3A = tpu.vector_load_idx %arg15[%get3A_51] : memref<10240xf32, #tpu.memory_space<vmem>>[vector<16xi32>], vector<16xf32>,
      %swap3A = arith.index_cast %scan3A_48 : i32 to index
      %swap3A_52 = arith.constant 0 : index
      %swap3A_53 = tpu.vector_load %arg13[%swap3A, %swap3A_52] {strides = array<i32>} : memref<40x128xf32, #tpu.memory_space<vmem>>, vector<16xf32>,
      tpu.vector_store %arg13[%swap3A, %swap3A_52], %gather3A {strides = array<i32>} : memref<40x128xf32, #tpu.memory_space<vmem>>, vector<16xf32>,
      %broadcast_in_dim3A = arith.constant 1.000000e+00 : f32
      %broadcast_in_dim3A_54 = vector.broadcast %broadcast_in_dim3A : f32 to vector<16xf32>
      %swap3A_55 = arith.index_cast %scan3A_48 : i32 to index
      %swap3A_56 = arith.constant 0 : index
      %swap3A_57 = tpu.vector_load %arg14[%swap3A_55, %swap3A_56] {strides = array<i32>} : memref<40x128xf32, #tpu.memory_space<vmem>>, vector<16xf32>,
      tpu.vector_store %arg14[%swap3A_55, %swap3A_56], %broadcast_in_dim3A_54 {strides = array<i32>} : memref<40x128xf32, #tpu.memory_space<vmem>>, vector<16xf32>,
      %get3A_58 = arith.index_cast %scan3A_48 : i32 to index
      %get3A_59 = arith.constant 16 : index
      %get3A_60 = tpu.vector_load %arg11[%get3A_58, %get3A_59] {strides = array<i32>} : memref<40x128xi32, #tpu.memory_space<vmem>>, vector<16xi32>,
      %gather3A_61 = tpu.vector_load_idx %arg15[%get3A_60] : memref<10240xf32, #tpu.memory_space<vmem>>[vector<16xi32>], vector<16xf32>,
      %swap3A_62 = arith.index_cast %scan3A_48 : i32 to index
      %swap3A_63 = arith.constant 16 : index
      %swap3A_64 = tpu.vector_load %arg13[%swap3A_62, %swap3A_63] {strides = array<i32>} : memref<40x128xf32, #tpu.memory_space<vmem>>, vector<16xf32>,
      tpu.vector_store %arg13[%swap3A_62, %swap3A_63], %gather3A_61 {strides = array<i32>} : memref<40x128xf32, #tpu.memory_space<vmem>>, vector<16xf32>,
      %broadcast_in_dim3A_65 = arith.constant 1.000000e+00 : f32
      %broadcast_in_dim3A_66 = vector.broadcast %broadcast_in_dim3A_65 : f32 to vector<16xf32>
      %swap3A_67 = arith.index_cast %scan3A_48 : i32 to index
      %swap3A_68 = arith.constant 16 : index
      %swap3A_69 = tpu.vector_load %arg14[%swap3A_67, %swap3A_68] {strides = array<i32>} : memref<40x128xf32, #tpu.memory_space<vmem>>, vector<16xf32>,
      tpu.vector_store %arg14[%swap3A_67, %swap3A_68], %broadcast_in_dim3A_66 {strides = array<i32>} : memref<40x128xf32, #tpu.memory_space<vmem>>, vector<16xf32>,
      %get3A_70 = arith.index_cast %scan3A_48 : i32 to index
      %get3A_71 = arith.constant 32 : index
      %get3A_72 = tpu.vector_load %arg11[%get3A_70, %get3A_71] {strides = array<i32>} : memref<40x128xi32, #tpu.memory_space<vmem>>, vector<16xi32>,
      %gather3A_73 = tpu.vector_load_idx %arg15[%get3A_72] : memref<10240xf32, #tpu.memory_space<vmem>>[vector<16xi32>], vector<16xf32>,
      %swap3A_74 = arith.index_cast %scan3A_48 : i32 to index
      %swap3A_75 = arith.constant 32 : index
      %swap3A_76 = tpu.vector_load %arg13[%swap3A_74, %swap3A_75] {strides = array<i32>} : memref<40x128xf32, #tpu.memory_space<vmem>>, vector<16xf32>,
      tpu.vector_store %arg13[%swap3A_74, %swap3A_75], %gather3A_73 {strides = array<i32>} : memref<40x128xf32, #tpu.memory_space<vmem>>, vector<16xf32>,
      %broadcast_in_dim3A_77 = arith.constant 1.000000e+00 : f32
      %broadcast_in_dim3A_78 = vector.broadcast %broadcast_in_dim3A_77 : f32 to vector<16xf32>
      %swap3A_79 = arith.index_cast %scan3A_48 : i32 to index
      %swap3A_80 = arith.constant 32 : index
      %swap3A_81 = tpu.vector_load %arg14[%swap3A_79, %swap3A_80] {strides = array<i32>} : memref<40x128xf32, #tpu.memory_space<vmem>>, vector<16xf32>,
      tpu.vector_store %arg14[%swap3A_79, %swap3A_80], %broadcast_in_dim3A_78 {strides = array<i32>} : memref<40x128xf32, #tpu.memory_space<vmem>>, vector<16xf32>,
      %get3A_82 = arith.index_cast %scan3A_48 : i32 to index
      %get3A_83 = arith.constant 48 : index
      %get3A_84 = tpu.vector_load %arg11[%get3A_82, %get3A_83] {strides = array<i32>} : memref<40x128xi32, #tpu.memory_space<vmem>>, vector<16xi32>,
      %gather3A_85 = tpu.vector_load_idx %arg15[%get3A_84] : memref<10240xf32, #tpu.memory_space<vmem>>[vector<16xi32>], vector<16xf32>,
      %swap3A_86 = arith.index_cast %scan3A_48 : i32 to index
      %swap3A_87 = arith.constant 48 : index
      %swap3A_88 = tpu.vector_load %arg13[%swap3A_86, %swap3A_87] {strides = array<i32>} : memref<40x128xf32, #tpu.memory_space<vmem>>, vector<16xf32>,
      tpu.vector_store %arg13[%swap3A_86, %swap3A_87], %gather3A_85 {strides = array<i32>} : memref<40x128xf32, #tpu.memory_space<vmem>>, vector<16xf32>,
      %broadcast_in_dim3A_89 = arith.constant 1.000000e+00 : f32
      %broadcast_in_dim3A_90 = vector.broadcast %broadcast_in_dim3A_89 : f32 to vector<16xf32>
      %swap3A_91 = arith.index_cast %scan3A_48 : i32 to index
      %swap3A_92 = arith.constant 48 : index
      %swap3A_93 = tpu.vector_load %arg14[%swap3A_91, %swap3A_92] {strides = array<i32>} : memref<40x128xf32, #tpu.memory_space<vmem>>, vector<16xf32>,
      tpu.vector_store %arg14[%swap3A_91, %swap3A_92], %broadcast_in_dim3A_90 {strides = array<i32>} : memref<40x128xf32, #tpu.memory_space<vmem>>, vector<16xf32>,
      %get3A_94 = arith.index_cast %scan3A_48 : i32 to index
      %get3A_95 = arith.constant 64 : index
      %get3A_96 = tpu.vector_load %arg11[%get3A_94, %get3A_95] {strides = array<i32>} : memref<40x128xi32, #tpu.memory_space<vmem>>, vector<16xi32>,
      %gather3A_97 = tpu.vector_load_idx %arg15[%get3A_96] : memref<10240xf32, #tpu.memory_space<vmem>>[vector<16xi32>], vector<16xf32>,
      %swap3A_98 = arith.index_cast %scan3A_48 : i32 to index
      %swap3A_99 = arith.constant 64 : index
      %swap3A_100 = tpu.vector_load %arg13[%swap3A_98, %swap3A_99] {strides = array<i32>} : memref<40x128xf32, #tpu.memory_space<vmem>>, vector<16xf32>,
      tpu.vector_store %arg13[%swap3A_98, %swap3A_99], %gather3A_97 {strides = array<i32>} : memref<40x128xf32, #tpu.memory_space<vmem>>, vector<16xf32>,
      %broadcast_in_dim3A_101 = arith.constant 1.000000e+00 : f32
      %broadcast_in_dim3A_102 = vector.broadcast %broadcast_in_dim3A_101 : f32 to vector<16xf32>
      %swap3A_103 = arith.index_cast %scan3A_48 : i32 to index
      %swap3A_104 = arith.constant 64 : index
      %swap3A_105 = tpu.vector_load %arg14[%swap3A_103, %swap3A_104] {strides = array<i32>} : memref<40x128xf32, #tpu.memory_space<vmem>>, vector<16xf32>,
      tpu.vector_store %arg14[%swap3A_103, %swap3A_104], %broadcast_in_dim3A_102 {strides = array<i32>} : memref<40x128xf32, #tpu.memory_space<vmem>>, vector<16xf32>,
      %get3A_106 = arith.index_cast %scan3A_48 : i32 to index
      %get3A_107 = arith.constant 80 : index
      %get3A_108 = tpu.vector_load %arg11[%get3A_106, %get3A_107] {strides = array<i32>} : memref<40x128xi32, #tpu.memory_space<vmem>>, vector<16xi32>,
      %gather3A_109 = tpu.vector_load_idx %arg15[%get3A_108] : memref<10240xf32, #tpu.memory_space<vmem>>[vector<16xi32>], vector<16xf32>,
      %swap3A_110 = arith.index_cast %scan3A_48 : i32 to index
      %swap3A_111 = arith.constant 80 : index
      %swap3A_112 = tpu.vector_load %arg13[%swap3A_110, %swap3A_111] {strides = array<i32>} : memref<40x128xf32, #tpu.memory_space<vmem>>, vector<16xf32>,
      tpu.vector_store %arg13[%swap3A_110, %swap3A_111], %gather3A_109 {strides = array<i32>} : memref<40x128xf32, #tpu.memory_space<vmem>>, vector<16xf32>,
      %broadcast_in_dim3A_113 = arith.constant 1.000000e+00 : f32
      %broadcast_in_dim3A_114 = vector.broadcast %broadcast_in_dim3A_113 : f32 to vector<16xf32>
      %swap3A_115 = arith.index_cast %scan3A_48 : i32 to index
      %swap3A_116 = arith.constant 80 : index
      %swap3A_117 = tpu.vector_load %arg14[%swap3A_115, %swap3A_116] {strides = array<i32>} : memref<40x128xf32, #tpu.memory_space<vmem>>, vector<16xf32>,
      tpu.vector_store %arg14[%swap3A_115, %swap3A_116], %broadcast_in_dim3A_114 {strides = array<i32>} : memref<40x128xf32, #tpu.memory_space<vmem>>, vector<16xf32>,
      %get3A_118 = arith.index_cast %scan3A_48 : i32 to index
      %get3A_119 = arith.constant 96 : index
      %get3A_120 = tpu.vector_load %arg11[%get3A_118, %get3A_119] {strides = array<i32>} : memref<40x128xi32, #tpu.memory_space<vmem>>, vector<16xi32>,
      %gather3A_121 = tpu.vector_load_idx %arg15[%get3A_120] : memref<10240xf32, #tpu.memory_space<vmem>>[vector<16xi32>], vector<16xf32>,
      %swap3A_122 = arith.index_cast %scan3A_48 : i32 to index
      %swap3A_123 = arith.constant 96 : index
      %swap3A_124 = tpu.vector_load %arg13[%swap3A_122, %swap3A_123] {strides = array<i32>} : memref<40x128xf32, #tpu.memory_space<vmem>>, vector<16xf32>,
      tpu.vector_store %arg13[%swap3A_122, %swap3A_123], %gather3A_121 {strides = array<i32>} : memref<40x128xf32, #tpu.memory_space<vmem>>, vector<16xf32>,
      %broadcast_in_dim3A_125 = arith.constant 1.000000e+00 : f32
      %broadcast_in_dim3A_126 = vector.broadcast %broadcast_in_dim3A_125 : f32 to vector<16xf32>
      %swap3A_127 = arith.index_cast %scan3A_48 : i32 to index
      %swap3A_128 = arith.constant 96 : index
      %swap3A_129 = tpu.vector_load %arg14[%swap3A_127, %swap3A_128] {strides = array<i32>} : memref<40x128xf32, #tpu.memory_space<vmem>>, vector<16xf32>,
      tpu.vector_store %arg14[%swap3A_127, %swap3A_128], %broadcast_in_dim3A_126 {strides = array<i32>} : memref<40x128xf32, #tpu.memory_space<vmem>>, vector<16xf32>,
      %get3A_130 = arith.index_cast %scan3A_48 : i32 to index
      %get3A_131 = arith.constant 112 : index
      %get3A_132 = tpu.vector_load %arg11[%get3A_130, %get3A_131] {strides = array<i32>} : memref<40x128xi32, #tpu.memory_space<vmem>>, vector<16xi32>,
      %gather3A_133 = tpu.vector_load_idx %arg15[%get3A_132] : memref<10240xf32, #tpu.memory_space<vmem>>[vector<16xi32>], vector<16xf32>,
      %swap3A_134 = arith.index_cast %scan3A_48 : i32 to index
      %swap3A_135 = arith.constant 112 : index
      %swap3A_136 = tpu.vector_load %arg13[%swap3A_134, %swap3A_135] {strides = array<i32>} : memref<40x128xf32, #tpu.memory_space<vmem>>, vector<16xf32>,
      tpu.vector_store %arg13[%swap3A_134, %swap3A_135], %gather3A_133 {strides = array<i32>} : memref<40x128xf32, #tpu.memory_space<vmem>>, vector<16xf32>,
      %broadcast_in_dim3A_137 = arith.constant 1.000000e+00 : f32
      %broadcast_in_dim3A_138 = vector.broadcast %broadcast_in_dim3A_137 : f32 to vector<16xf32>
      %swap3A_139 = arith.index_cast %scan3A_48 : i32 to index
      %swap3A_140 = arith.constant 112 : index
      %swap3A_141 = tpu.vector_load %arg14[%swap3A_139, %swap3A_140] {strides = array<i32>} : memref<40x128xf32, #tpu.memory_space<vmem>>, vector<16xf32>,
      tpu.vector_store %arg14[%swap3A_139, %swap3A_140], %broadcast_in_dim3A_138 {strides = array<i32>} : memref<40x128xf32, #tpu.memory_space<vmem>>, vector<16xf32>,
      %scan3A_142 = arith.constant 0 : i32
      scf.yield %scan3A_142 : i32
    }
    %scan3A_17 = arith.constant 40 : i32
    %barrier3A = arith.constant 0 : index
    tpu.barrier barrier_id(%barrier3A)
    %scan3A_18 = arith.constant 0 : i32
    %scan3A_19 = arith.constant 0 : i32
    %scan3A_20 = arith.constant 40 : i32
    %scan3A_21 = arith.addi %scan3A_19, %scan3A_20 : i32
    %scan3A_22 = arith.constant 1 : i32
    %scan3A_23 = scf.for %scan3A_48 = %scan3A_19 to %scan3A_21 step %scan3A_22 iter_args(%scan3A_49 = %scan3A_18) -> (i32)  : i32 {
      %dma_start3A = arith.constant 0 : i32
      %dma_start3A_50 = tpu.memref_slice %arg14[%scan3A_48, %dma_start3A] : memref<40x128xf32, #tpu.memory_space<vmem>> -> memref<1x128xf32, #tpu.memory_space<vmem>>
      %dma_start3A_51 = tpu.memref_squeeze %dma_start3A_50 : memref<1x128xf32, #tpu.memory_space<vmem>> -> memref<128xf32, #tpu.memory_space<vmem>>
      %dma_start3A_52 = arith.constant 0 : i32
      %dma_start3A_53 = tpu.memref_slice %arg11[%scan3A_48, %dma_start3A_52] : memref<40x128xi32, #tpu.memory_space<vmem>> -> memref<1x128xi32, #tpu.memory_space<vmem>>
      %dma_start3A_54 = tpu.memref_squeeze %dma_start3A_53 : memref<1x128xi32, #tpu.memory_space<vmem>> -> memref<128xi32, #tpu.memory_space<vmem>>
      %dma_start3A_55 = arith.constant 0 : i32
      %dma_start3A_56 = tpu.memref_slice %arg17[%dma_start3A_55] : memref<10240xf32, #tpu.memory_space<vmem_shared>> -> memref<10240xf32, #tpu.memory_space<vmem_shared>>
      tpu.enqueue_indirect_dma source(%dma_start3A_51 : memref<128xf32, #tpu.memory_space<vmem>>) target(%dma_start3A_56 : memref<10240xf32, #tpu.memory_space<vmem_shared>>) offsets(%dma_start3A_54 : memref<128xi32, #tpu.memory_space<vmem>>) semaphore(%arg20 : memref<!tpu.dma_semaphore, #tpu.memory_space<semaphore_mem>>) {add = true}
      %dma_start3A_57 = arith.constant 0 : i32
      %dma_start3A_58 = tpu.memref_slice %arg14[%scan3A_48, %dma_start3A_57] : memref<40x128xf32, #tpu.memory_space<vmem>> -> memref<1x128xf32, #tpu.memory_space<vmem>>
      %dma_start3A_59 = tpu.memref_squeeze %dma_start3A_58 : memref<1x128xf32, #tpu.memory_space<vmem>> -> memref<128xf32, #tpu.memory_space<vmem>>
      %dma_start3A_60 = arith.constant 0 : i32
      %dma_start3A_61 = tpu.memref_slice %arg12[%scan3A_48, %dma_start3A_60] : memref<40x128xi32, #tpu.memory_space<vmem>> -> memref<1x128xi32, #tpu.memory_space<vmem>>
      %dma_start3A_62 = tpu.memref_squeeze %dma_start3A_61 : memref<1x128xi32, #tpu.memory_space<vmem>> -> memref<128xi32, #tpu.memory_space<vmem>>
      %dma_start3A_63 = arith.constant 0 : i32
      %dma_start3A_64 = tpu.memref_slice %arg18[%dma_start3A_63] : memref<640xf32, #tpu.memory_space<vmem_shared>> -> memref<640xf32, #tpu.memory_space<vmem_shared>>
      tpu.enqueue_indirect_dma source(%dma_start3A_59 : memref<128xf32, #tpu.memory_space<vmem>>) target(%dma_start3A_64 : memref<640xf32, #tpu.memory_space<vmem_shared>>) offsets(%dma_start3A_62 : memref<128xi32, #tpu.memory_space<vmem>>) semaphore(%arg21 : memref<!tpu.dma_semaphore, #tpu.memory_space<semaphore_mem>>) {add = true}
      %dma_start3A_65 = arith.constant 0 : i32
      %dma_start3A_66 = tpu.memref_slice %arg13[%scan3A_48, %dma_start3A_65] : memref<40x128xf32, #tpu.memory_space<vmem>> -> memref<1x128xf32, #tpu.memory_space<vmem>>
      %dma_start3A_67 = tpu.memref_squeeze %dma_start3A_66 : memref<1x128xf32, #tpu.memory_space<vmem>> -> memref<128xf32, #tpu.memory_space<vmem>>
      %dma_start3A_68 = arith.constant 0 : i32
      %dma_start3A_69 = tpu.memref_slice %arg12[%scan3A_48, %dma_start3A_68] : memref<40x128xi32, #tpu.memory_space<vmem>> -> memref<1x128xi32, #tpu.memory_space<vmem>>
      %dma_start3A_70 = tpu.memref_squeeze %dma_start3A_69 : memref<1x128xi32, #tpu.memory_space<vmem>> -> memref<128xi32, #tpu.memory_space<vmem>>
      %dma_start3A_71 = arith.constant 0 : i32
      %dma_start3A_72 = tpu.memref_slice %arg19[%dma_start3A_71] : memref<640xf32, #tpu.memory_space<vmem_shared>> -> memref<640xf32, #tpu.memory_space<vmem_shared>>
      tpu.enqueue_indirect_dma source(%dma_start3A_67 : memref<128xf32, #tpu.memory_space<vmem>>) target(%dma_start3A_72 : memref<640xf32, #tpu.memory_space<vmem_shared>>) offsets(%dma_start3A_70 : memref<128xi32, #tpu.memory_space<vmem>>) semaphore(%arg22 : memref<!tpu.dma_semaphore, #tpu.memory_space<semaphore_mem>>) {add = true}
      %dma_wait3A = arith.constant 0 : i32
      %dma_wait3A_73 = tpu.memref_slice %arg14[%scan3A_48, %dma_wait3A] : memref<40x128xf32, #tpu.memory_space<vmem>> -> memref<1x128xf32, #tpu.memory_space<vmem>>
      %dma_wait3A_74 = tpu.memref_squeeze %dma_wait3A_73 : memref<1x128xf32, #tpu.memory_space<vmem>> -> memref<128xf32, #tpu.memory_space<vmem>>
      %dma_wait3A_75 = arith.constant 0 : i32
      %dma_wait3A_76 = tpu.memref_slice %arg11[%scan3A_48, %dma_wait3A_75] : memref<40x128xi32, #tpu.memory_space<vmem>> -> memref<1x128xi32, #tpu.memory_space<vmem>>
      %dma_wait3A_77 = tpu.memref_squeeze %dma_wait3A_76 : memref<1x128xi32, #tpu.memory_space<vmem>> -> memref<128xi32, #tpu.memory_space<vmem>>
      %dma_wait3A_78 = arith.constant 0 : i32
      %dma_wait3A_79 = tpu.memref_slice %arg17[%dma_wait3A_78] : memref<10240xf32, #tpu.memory_space<vmem_shared>> -> memref<10240xf32, #tpu.memory_space<vmem_shared>>
      tpu.wait_indirect_dma semaphore(%arg20 : memref<!tpu.dma_semaphore, #tpu.memory_space<semaphore_mem>>) src(%dma_wait3A_74 : memref<128xf32, #tpu.memory_space<vmem>>) dst(%dma_wait3A_79 : memref<10240xf32, #tpu.memory_space<vmem_shared>>)
      %dma_wait3A_80 = arith.constant 0 : i32
      %dma_wait3A_81 = tpu.memref_slice %arg14[%scan3A_48, %dma_wait3A_80] : memref<40x128xf32, #tpu.memory_space<vmem>> -> memref<1x128xf32, #tpu.memory_space<vmem>>
      %dma_wait3A_82 = tpu.memref_squeeze %dma_wait3A_81 : memref<1x128xf32, #tpu.memory_space<vmem>> -> memref<128xf32, #tpu.memory_space<vmem>>
      %dma_wait3A_83 = arith.constant 0 : i32
      %dma_wait3A_84 = tpu.memref_slice %arg12[%scan3A_48, %dma_wait3A_83] : memref<40x128xi32, #tpu.memory_space<vmem>> -> memref<1x128xi32, #tpu.memory_space<vmem>>
      %dma_wait3A_85 = tpu.memref_squeeze %dma_wait3A_84 : memref<1x128xi32, #tpu.memory_space<vmem>> -> memref<128xi32, #tpu.memory_space<vmem>>
      %dma_wait3A_86 = arith.constant 0 : i32
      %dma_wait3A_87 = tpu.memref_slice %arg18[%dma_wait3A_86] : memref<640xf32, #tpu.memory_space<vmem_shared>> -> memref<640xf32, #tpu.memory_space<vmem_shared>>
      tpu.wait_indirect_dma semaphore(%arg21 : memref<!tpu.dma_semaphore, #tpu.memory_space<semaphore_mem>>) src(%dma_wait3A_82 : memref<128xf32, #tpu.memory_space<vmem>>) dst(%dma_wait3A_87 : memref<640xf32, #tpu.memory_space<vmem_shared>>)
      %dma_wait3A_88 = arith.constant 0 : i32
      %dma_wait3A_89 = tpu.memref_slice %arg13[%scan3A_48, %dma_wait3A_88] : memref<40x128xf32, #tpu.memory_space<vmem>> -> memref<1x128xf32, #tpu.memory_space<vmem>>
      %dma_wait3A_90 = tpu.memref_squeeze %dma_wait3A_89 : memref<1x128xf32, #tpu.memory_space<vmem>> -> memref<128xf32, #tpu.memory_space<vmem>>
      %dma_wait3A_91 = arith.constant 0 : i32
      %dma_wait3A_92 = tpu.memref_slice %arg12[%scan3A_48, %dma_wait3A_91] : memref<40x128xi32, #tpu.memory_space<vmem>> -> memref<1x128xi32, #tpu.memory_space<vmem>>
      %dma_wait3A_93 = tpu.memref_squeeze %dma_wait3A_92 : memref<1x128xi32, #tpu.memory_space<vmem>> -> memref<128xi32, #tpu.memory_space<vmem>>
      %dma_wait3A_94 = arith.constant 0 : i32
      %dma_wait3A_95 = tpu.memref_slice %arg19[%dma_wait3A_94] : memref<640xf32, #tpu.memory_space<vmem_shared>> -> memref<640xf32, #tpu.memory_space<vmem_shared>>
      tpu.wait_indirect_dma semaphore(%arg22 : memref<!tpu.dma_semaphore, #tpu.memory_space<semaphore_mem>>) src(%dma_wait3A_90 : memref<128xf32, #tpu.memory_space<vmem>>) dst(%dma_wait3A_95 : memref<640xf32, #tpu.memory_space<vmem_shared>>)
      %scan3A_96 = arith.constant 0 : i32
      scf.yield %scan3A_96 : i32
    }
    %scan3A_24 = arith.constant 40 : i32
    %barrier3A_25 = arith.constant 0 : index
    tpu.barrier barrier_id(%barrier3A_25)
    %barrier3A_26 = arith.constant 0 : index
    tpu.barrier barrier_id(%barrier3A_26)
    %mul3A_27 = arith.constant 640 : i32
    %mul3A_28 = arith.muli %arg1, %mul3A_27 : i32
    %mul3A_29 = arith.constant 640 : i32
    %mul3A_30 = arith.muli %arg1, %mul3A_29 : i32
    %mul3A_31 = arith.constant 640 : i32
    %mul3A_32 = arith.muli %arg1, %mul3A_31 : i32
    %eq3A_33 = arith.constant 0 : i32
    %eq3A_34 = arith.cmpi eq, %arg0, %eq3A_33 : i32
    %convert_element_type3A_35 = arith.extui %eq3A_34 : i1 to i32
    %cond3A_36 = arith.constant 0 : i32
    %cond3A_37 = arith.cmpi ne, %convert_element_type3A_35, %cond3A_36 : i32
    scf.if %cond3A_37 {
      "tpu.region"() ({
        %run_scoped3A = tpu.sem_alloc : memref<!tpu.dma_semaphore, #tpu.memory_space<semaphore_mem>>
        %dma_start3A = tpu.memref_slice %arg5[%mul3A_30] : memref<10240xf32, #tpu.memory_space<hbm>> -> memref<640xf32, #tpu.memory_space<hbm>>
        %dma_start3A_48 = tpu.memref_slice %arg17[%mul3A_28] : memref<10240xf32, #tpu.memory_space<vmem_shared>> -> memref<640xf32, #tpu.memory_space<vmem_shared>>
        tpu.enqueue_dma source(%dma_start3A_48 : memref<640xf32, #tpu.memory_space<vmem_shared>>) target(%dma_start3A : memref<640xf32, #tpu.memory_space<hbm>>) target_semaphore(%run_scoped3A : memref<!tpu.dma_semaphore, #tpu.memory_space<semaphore_mem>>)
        %dma_wait3A = tpu.memref_slice %arg5[%mul3A_30] : memref<10240xf32, #tpu.memory_space<hbm>> -> memref<640xf32, #tpu.memory_space<hbm>>
        %dma_wait3A_49 = tpu.memref_slice %arg17[%mul3A_28] : memref<10240xf32, #tpu.memory_space<vmem_shared>> -> memref<640xf32, #tpu.memory_space<vmem_shared>>
        tpu.wait_dma2 semaphore(%run_scoped3A : memref<!tpu.dma_semaphore, #tpu.memory_space<semaphore_mem>>) src(%dma_wait3A_49 : memref<640xf32, #tpu.memory_space<vmem_shared>>) dst(%dma_wait3A : memref<640xf32, #tpu.memory_space<hbm>>)
        tpu.yield
      }) : () -> ()
    } else {
    }
    %eq3A_38 = arith.constant 1 : i32
    %eq3A_39 = arith.cmpi eq, %arg0, %eq3A_38 : i32
    %convert_element_type3A_40 = arith.extui %eq3A_39 : i1 to i32
    %cond3A_41 = arith.constant 0 : i32
    %cond3A_42 = arith.cmpi ne, %convert_element_type3A_40, %cond3A_41 : i32
    scf.if %cond3A_42 {
      "tpu.region"() ({
        %run_scoped3A = tpu.sem_alloc : memref<!tpu.dma_semaphore, #tpu.memory_space<semaphore_mem>>
        %dma_start3A = tpu.memref_slice %arg6[%mul3A_32] : memref<10240xf32, #tpu.memory_space<hbm>> -> memref<640xf32, #tpu.memory_space<hbm>>
        %dma_start3A_48 = tpu.memref_slice %arg17[%mul3A_28] : memref<10240xf32, #tpu.memory_space<vmem_shared>> -> memref<640xf32, #tpu.memory_space<vmem_shared>>
        tpu.enqueue_dma source(%dma_start3A_48 : memref<640xf32, #tpu.memory_space<vmem_shared>>) target(%dma_start3A : memref<640xf32, #tpu.memory_space<hbm>>) target_semaphore(%run_scoped3A : memref<!tpu.dma_semaphore, #tpu.memory_space<semaphore_mem>>)
        %dma_wait3A = tpu.memref_slice %arg6[%mul3A_32] : memref<10240xf32, #tpu.memory_space<hbm>> -> memref<640xf32, #tpu.memory_space<hbm>>
        %dma_wait3A_49 = tpu.memref_slice %arg17[%mul3A_28] : memref<10240xf32, #tpu.memory_space<vmem_shared>> -> memref<640xf32, #tpu.memory_space<vmem_shared>>
        tpu.wait_dma2 semaphore(%run_scoped3A : memref<!tpu.dma_semaphore, #tpu.memory_space<semaphore_mem>>) src(%dma_wait3A_49 : memref<640xf32, #tpu.memory_space<vmem_shared>>) dst(%dma_wait3A : memref<640xf32, #tpu.memory_space<hbm>>)
        tpu.yield
      }) : () -> ()
    } else {
    }
    %eq3A_43 = arith.constant 0 : i32
    %eq3A_44 = arith.cmpi eq, %arg1, %eq3A_43 : i32
    %convert_element_type3A_45 = arith.extui %eq3A_44 : i1 to i32
    %cond3A_46 = arith.constant 0 : i32
    %cond3A_47 = arith.cmpi ne, %convert_element_type3A_45, %cond3A_46 : i32
    scf.if %cond3A_47 {
      %eq3A_48 = arith.constant 0 : i32
      %eq3A_49 = arith.cmpi eq, %arg0, %eq3A_48 : i32
      %convert_element_type3A_50 = arith.extui %eq3A_49 : i1 to i32
      %cond3A_51 = arith.constant 0 : i32
      %cond3A_52 = arith.cmpi ne, %convert_element_type3A_50, %cond3A_51 : i32
      scf.if %cond3A_52 {
        "tpu.region"() ({
          %run_scoped3A = tpu.sem_alloc : memref<!tpu.dma_semaphore, #tpu.memory_space<semaphore_mem>>
          tpu.enqueue_dma source(%arg18 : memref<640xf32, #tpu.memory_space<vmem_shared>>) target(%arg7 : memref<640xf32, #tpu.memory_space<hbm>>) target_semaphore(%run_scoped3A : memref<!tpu.dma_semaphore, #tpu.memory_space<semaphore_mem>>)
          tpu.wait_dma2 semaphore(%run_scoped3A : memref<!tpu.dma_semaphore, #tpu.memory_space<semaphore_mem>>) src(%arg18 : memref<640xf32, #tpu.memory_space<vmem_shared>>) dst(%arg7 : memref<640xf32, #tpu.memory_space<hbm>>)
          tpu.yield
        }) : () -> ()
      } else {
      }
      %eq3A_53 = arith.constant 1 : i32
      %eq3A_54 = arith.cmpi eq, %arg0, %eq3A_53 : i32
      %convert_element_type3A_55 = arith.extui %eq3A_54 : i1 to i32
      %cond3A_56 = arith.constant 0 : i32
      %cond3A_57 = arith.cmpi ne, %convert_element_type3A_55, %cond3A_56 : i32
      scf.if %cond3A_57 {
        "tpu.region"() ({
          %run_scoped3A = tpu.sem_alloc : memref<!tpu.dma_semaphore, #tpu.memory_space<semaphore_mem>>
          tpu.enqueue_dma source(%arg18 : memref<640xf32, #tpu.memory_space<vmem_shared>>) target(%arg8 : memref<640xf32, #tpu.memory_space<hbm>>) target_semaphore(%run_scoped3A : memref<!tpu.dma_semaphore, #tpu.memory_space<semaphore_mem>>)
          tpu.wait_dma2 semaphore(%run_scoped3A : memref<!tpu.dma_semaphore, #tpu.memory_space<semaphore_mem>>) src(%arg18 : memref<640xf32, #tpu.memory_space<vmem_shared>>) dst(%arg8 : memref<640xf32, #tpu.memory_space<hbm>>)
          tpu.yield
        }) : () -> ()
      } else {
      }
      %eq3A_58 = arith.constant 0 : i32
      %eq3A_59 = arith.cmpi eq, %arg0, %eq3A_58 : i32
      %convert_element_type3A_60 = arith.extui %eq3A_59 : i1 to i32
      %cond3A_61 = arith.constant 0 : i32
      %cond3A_62 = arith.cmpi ne, %convert_element_type3A_60, %cond3A_61 : i32
      scf.if %cond3A_62 {
        "tpu.region"() ({
          %run_scoped3A = tpu.sem_alloc : memref<!tpu.dma_semaphore, #tpu.memory_space<semaphore_mem>>
          tpu.enqueue_dma source(%arg19 : memref<640xf32, #tpu.memory_space<vmem_shared>>) target(%arg9 : memref<640xf32, #tpu.memory_space<hbm>>) target_semaphore(%run_scoped3A : memref<!tpu.dma_semaphore, #tpu.memory_space<semaphore_mem>>)
          tpu.wait_dma2 semaphore(%run_scoped3A : memref<!tpu.dma_semaphore, #tpu.memory_space<semaphore_mem>>) src(%arg19 : memref<640xf32, #tpu.memory_space<vmem_shared>>) dst(%arg9 : memref<640xf32, #tpu.memory_space<hbm>>)
          tpu.yield
        }) : () -> ()
      } else {
      }
      %eq3A_63 = arith.constant 1 : i32
      %eq3A_64 = arith.cmpi eq, %arg0, %eq3A_63 : i32
      %convert_element_type3A_65 = arith.extui %eq3A_64 : i1 to i32
      %cond3A_66 = arith.constant 0 : i32
      %cond3A_67 = arith.cmpi ne, %convert_element_type3A_65, %cond3A_66 : i32
      scf.if %cond3A_67 {
        "tpu.region"() ({
          %run_scoped3A = tpu.sem_alloc : memref<!tpu.dma_semaphore, #tpu.memory_space<semaphore_mem>>
          tpu.enqueue_dma source(%arg19 : memref<640xf32, #tpu.memory_space<vmem_shared>>) target(%arg10 : memref<640xf32, #tpu.memory_space<hbm>>) target_semaphore(%run_scoped3A : memref<!tpu.dma_semaphore, #tpu.memory_space<semaphore_mem>>)
          tpu.wait_dma2 semaphore(%run_scoped3A : memref<!tpu.dma_semaphore, #tpu.memory_space<semaphore_mem>>) src(%arg19 : memref<640xf32, #tpu.memory_space<vmem_shared>>) dst(%arg10 : memref<640xf32, #tpu.memory_space<hbm>>)
          tpu.yield
        }) : () -> ()
      } else {
      }
    } else {
    }
    return
  }
}

#map = affine_map<(d0, d1) -> (0, 0, 0)>
#map1 = affine_map<(d0, d1) -> (0)>
#map2 = affine_map<(d0, d1) -> (0, 0)>
module attributes {stable_mosaic.version = 14 : i64} {
  func.func @_sc4_body(%arg0: i32, %arg1: i32, %arg2: memref<32x40x128xi32, #tpu.memory_space<hbm>>, %arg3: memref<32x40x128xi32, #tpu.memory_space<hbm>>, %arg4: memref<32x40x128xf32, #tpu.memory_space<hbm>>, %arg5: memref<10240xf32, #tpu.memory_space<hbm>>, %arg6: memref<640xf32, #tpu.memory_space<hbm>>, %arg7: memref<10240x128xf32, #tpu.memory_space<hbm>>, %arg8: memref<2x640x128xf32, #tpu.memory_space<hbm>>, %arg9: memref<32x40x128xf32, #tpu.memory_space<hbm>>, %arg10: memref<2x640x128xf32, #tpu.memory_space<hbm>>, %arg11: memref<40x128xi32, #tpu.memory_space<vmem>>, %arg12: memref<40x128xi32, #tpu.memory_space<vmem>>, %arg13: memref<40x128xf32, #tpu.memory_space<vmem>>, %arg14: memref<10240xf32, #tpu.memory_space<vmem>>, %arg15: memref<640xf32, #tpu.memory_space<vmem>>, %arg16: memref<128x128xf32, #tpu.memory_space<vmem>>, %arg17: memref<128x128xf32, #tpu.memory_space<vmem>>, %arg18: memref<128x128xf32, #tpu.memory_space<vmem>>, %arg19: memref<128x128xf32, #tpu.memory_space<vmem>>, %arg20: memref<640x128xf32, #tpu.memory_space<vmem_shared>>, %arg21: memref<640x128xf32, #tpu.memory_space<vmem_shared>>, %arg22: memref<!tpu.dma_semaphore, #tpu.memory_space<semaphore_mem>>, %arg23: memref<!tpu.dma_semaphore, #tpu.memory_space<semaphore_mem>>, %arg24: memref<!tpu.dma_semaphore, #tpu.memory_space<semaphore_mem>>, %arg25: memref<!tpu.dma_semaphore, #tpu.memory_space<semaphore_mem>>, %arg26: memref<!tpu.dma_semaphore, #tpu.memory_space<semaphore_mem>>, %arg27: memref<!tpu.dma_semaphore, #tpu.memory_space<semaphore_mem>>) attributes {dimension_semantics = [#tpu.dimension_semantics<core_parallel>, #tpu.dimension_semantics<subcore_parallel>], iteration_bounds = array<i64: 2, 16>, scalar_prefetch = 0 : i64, scratch_operands = 17 : i64, tpu.core_type = #tpu.core_type<sc_vector_subcore>, window_params = [{transform_indices = #map}, {transform_indices = #map}, {transform_indices = #map}, {transform_indices = #map1}, {transform_indices = #map1}, {transform_indices = #map2}, {transform_indices = #map}, {transform_indices = #map}, {transform_indices = #map}]} {
    %mul3A = arith.constant 2 : i32
    %mul3A_0 = arith.muli %arg1, %mul3A : i32
    %add3A = arith.addi %mul3A_0, %arg0 : i32
    %scan3A = arith.constant 0 : i32
    %scan3A_1 = arith.constant 0 : i32
    %scan3A_2 = arith.constant 128 : i32
    %scan3A_3 = arith.addi %scan3A_1, %scan3A_2 : i32
    %scan3A_4 = arith.constant 1 : i32
    %scan3A_5 = scf.for %scan3A_55 = %scan3A_1 to %scan3A_3 step %scan3A_4 iter_args(%scan3A_56 = %scan3A) -> (i32)  : i32 {
      %broadcast_in_dim3A = arith.constant 0.000000e+00 : f32
      %broadcast_in_dim3A_57 = vector.broadcast %broadcast_in_dim3A : f32 to vector<16xf32>
      %swap3A = arith.index_cast %scan3A_55 : i32 to index
      %swap3A_58 = arith.constant 0 : index
      %swap3A_59 = tpu.vector_load %arg16[%swap3A, %swap3A_58] {strides = array<i32>} : memref<128x128xf32, #tpu.memory_space<vmem>>, vector<16xf32>,
      tpu.vector_store %arg16[%swap3A, %swap3A_58], %broadcast_in_dim3A_57 {strides = array<i32>} : memref<128x128xf32, #tpu.memory_space<vmem>>, vector<16xf32>,
      %broadcast_in_dim3A_60 = arith.constant 0.000000e+00 : f32
      %broadcast_in_dim3A_61 = vector.broadcast %broadcast_in_dim3A_60 : f32 to vector<16xf32>
      %swap3A_62 = arith.index_cast %scan3A_55 : i32 to index
      %swap3A_63 = arith.constant 16 : index
      %swap3A_64 = tpu.vector_load %arg16[%swap3A_62, %swap3A_63] {strides = array<i32>} : memref<128x128xf32, #tpu.memory_space<vmem>>, vector<16xf32>,
      tpu.vector_store %arg16[%swap3A_62, %swap3A_63], %broadcast_in_dim3A_61 {strides = array<i32>} : memref<128x128xf32, #tpu.memory_space<vmem>>, vector<16xf32>,
      %broadcast_in_dim3A_65 = arith.constant 0.000000e+00 : f32
      %broadcast_in_dim3A_66 = vector.broadcast %broadcast_in_dim3A_65 : f32 to vector<16xf32>
      %swap3A_67 = arith.index_cast %scan3A_55 : i32 to index
      %swap3A_68 = arith.constant 32 : index
      %swap3A_69 = tpu.vector_load %arg16[%swap3A_67, %swap3A_68] {strides = array<i32>} : memref<128x128xf32, #tpu.memory_space<vmem>>, vector<16xf32>,
      tpu.vector_store %arg16[%swap3A_67, %swap3A_68], %broadcast_in_dim3A_66 {strides = array<i32>} : memref<128x128xf32, #tpu.memory_space<vmem>>, vector<16xf32>,
      %broadcast_in_dim3A_70 = arith.constant 0.000000e+00 : f32
      %broadcast_in_dim3A_71 = vector.broadcast %broadcast_in_dim3A_70 : f32 to vector<16xf32>
      %swap3A_72 = arith.index_cast %scan3A_55 : i32 to index
      %swap3A_73 = arith.constant 48 : index
      %swap3A_74 = tpu.vector_load %arg16[%swap3A_72, %swap3A_73] {strides = array<i32>} : memref<128x128xf32, #tpu.memory_space<vmem>>, vector<16xf32>,
      tpu.vector_store %arg16[%swap3A_72, %swap3A_73], %broadcast_in_dim3A_71 {strides = array<i32>} : memref<128x128xf32, #tpu.memory_space<vmem>>, vector<16xf32>,
      %broadcast_in_dim3A_75 = arith.constant 0.000000e+00 : f32
      %broadcast_in_dim3A_76 = vector.broadcast %broadcast_in_dim3A_75 : f32 to vector<16xf32>
      %swap3A_77 = arith.index_cast %scan3A_55 : i32 to index
      %swap3A_78 = arith.constant 64 : index
      %swap3A_79 = tpu.vector_load %arg16[%swap3A_77, %swap3A_78] {strides = array<i32>} : memref<128x128xf32, #tpu.memory_space<vmem>>, vector<16xf32>,
      tpu.vector_store %arg16[%swap3A_77, %swap3A_78], %broadcast_in_dim3A_76 {strides = array<i32>} : memref<128x128xf32, #tpu.memory_space<vmem>>, vector<16xf32>,
      %broadcast_in_dim3A_80 = arith.constant 0.000000e+00 : f32
      %broadcast_in_dim3A_81 = vector.broadcast %broadcast_in_dim3A_80 : f32 to vector<16xf32>
      %swap3A_82 = arith.index_cast %scan3A_55 : i32 to index
      %swap3A_83 = arith.constant 80 : index
      %swap3A_84 = tpu.vector_load %arg16[%swap3A_82, %swap3A_83] {strides = array<i32>} : memref<128x128xf32, #tpu.memory_space<vmem>>, vector<16xf32>,
      tpu.vector_store %arg16[%swap3A_82, %swap3A_83], %broadcast_in_dim3A_81 {strides = array<i32>} : memref<128x128xf32, #tpu.memory_space<vmem>>, vector<16xf32>,
      %broadcast_in_dim3A_85 = arith.constant 0.000000e+00 : f32
      %broadcast_in_dim3A_86 = vector.broadcast %broadcast_in_dim3A_85 : f32 to vector<16xf32>
      %swap3A_87 = arith.index_cast %scan3A_55 : i32 to index
      %swap3A_88 = arith.constant 96 : index
      %swap3A_89 = tpu.vector_load %arg16[%swap3A_87, %swap3A_88] {strides = array<i32>} : memref<128x128xf32, #tpu.memory_space<vmem>>, vector<16xf32>,
      tpu.vector_store %arg16[%swap3A_87, %swap3A_88], %broadcast_in_dim3A_86 {strides = array<i32>} : memref<128x128xf32, #tpu.memory_space<vmem>>, vector<16xf32>,
      %broadcast_in_dim3A_90 = arith.constant 0.000000e+00 : f32
      %broadcast_in_dim3A_91 = vector.broadcast %broadcast_in_dim3A_90 : f32 to vector<16xf32>
      %swap3A_92 = arith.index_cast %scan3A_55 : i32 to index
      %swap3A_93 = arith.constant 112 : index
      %swap3A_94 = tpu.vector_load %arg16[%swap3A_92, %swap3A_93] {strides = array<i32>} : memref<128x128xf32, #tpu.memory_space<vmem>>, vector<16xf32>,
      tpu.vector_store %arg16[%swap3A_92, %swap3A_93], %broadcast_in_dim3A_91 {strides = array<i32>} : memref<128x128xf32, #tpu.memory_space<vmem>>, vector<16xf32>,
      %scan3A_95 = arith.constant 0 : i32
      scf.yield %scan3A_95 : i32
    }
    %scan3A_6 = arith.constant 128 : i32
    %mul3A_7 = arith.constant 40 : i32
    %mul3A_8 = arith.muli %arg1, %mul3A_7 : i32
    "tpu.region"() ({
      %run_scoped3A = tpu.sem_alloc : memref<!tpu.dma_semaphore, #tpu.memory_space<semaphore_mem>>
      %dma_start3A_55 = arith.constant 0 : i32
      %dma_start3A_56 = arith.constant 0 : i32
      %dma_start3A_57 = tpu.memref_slice %arg16[%dma_start3A_55, %dma_start3A_56] : memref<128x128xf32, #tpu.memory_space<vmem>> -> memref<40x128xf32, #tpu.memory_space<vmem>>
      %dma_start3A_58 = arith.constant 0 : i32
      %dma_start3A_59 = tpu.memref_slice %arg20[%mul3A_8, %dma_start3A_58] : memref<640x128xf32, #tpu.memory_space<vmem_shared>> -> memref<40x128xf32, #tpu.memory_space<vmem_shared>>
      %dma_start3A_60 = arith.constant 0 : i32
      %dma_start3A_61 = tpu.memref_slice %arg20[%mul3A_8, %dma_start3A_60] : memref<640x128xf32, #tpu.memory_space<vmem_shared>> -> memref<40x128xf32, #tpu.memory_space<vmem_shared>>
      %dma_start3A_62 = arith.constant 0 : i32
      %dma_start3A_63 = arith.constant 0 : i32
      %dma_start3A_64 = tpu.memref_slice %arg16[%dma_start3A_62, %dma_start3A_63] : memref<128x128xf32, #tpu.memory_space<vmem>> -> memref<40x128xf32, #tpu.memory_space<vmem>>
      tpu.enqueue_dma source(%dma_start3A_64 : memref<40x128xf32, #tpu.memory_space<vmem>>) target(%dma_start3A_61 : memref<40x128xf32, #tpu.memory_space<vmem_shared>>) target_semaphore(%run_scoped3A : memref<!tpu.dma_semaphore, #tpu.memory_space<semaphore_mem>>)
      %dma_wait3A = arith.constant 0 : i32
      %dma_wait3A_65 = arith.constant 0 : i32
      %dma_wait3A_66 = tpu.memref_slice %arg16[%dma_wait3A, %dma_wait3A_65] : memref<128x128xf32, #tpu.memory_space<vmem>> -> memref<40x128xf32, #tpu.memory_space<vmem>>
      %dma_wait3A_67 = arith.constant 0 : i32
      %dma_wait3A_68 = tpu.memref_slice %arg20[%mul3A_8, %dma_wait3A_67] : memref<640x128xf32, #tpu.memory_space<vmem_shared>> -> memref<40x128xf32, #tpu.memory_space<vmem_shared>>
      %dma_wait3A_69 = arith.constant 0 : i32
      %dma_wait3A_70 = tpu.memref_slice %arg20[%mul3A_8, %dma_wait3A_69] : memref<640x128xf32, #tpu.memory_space<vmem_shared>> -> memref<40x128xf32, #tpu.memory_space<vmem_shared>>
      %dma_wait3A_71 = arith.constant 0 : i32
      %dma_wait3A_72 = arith.constant 0 : i32
      %dma_wait3A_73 = tpu.memref_slice %arg16[%dma_wait3A_71, %dma_wait3A_72] : memref<128x128xf32, #tpu.memory_space<vmem>> -> memref<40x128xf32, #tpu.memory_space<vmem>>
      tpu.wait_dma2 semaphore(%run_scoped3A : memref<!tpu.dma_semaphore, #tpu.memory_space<semaphore_mem>>) src(%dma_wait3A_73 : memref<40x128xf32, #tpu.memory_space<vmem>>) dst(%dma_wait3A_70 : memref<40x128xf32, #tpu.memory_space<vmem_shared>>)
      tpu.yield
    }) : () -> ()
    %mul3A_9 = arith.constant 40 : i32
    %mul3A_10 = arith.muli %arg1, %mul3A_9 : i32
    "tpu.region"() ({
      %run_scoped3A = tpu.sem_alloc : memref<!tpu.dma_semaphore, #tpu.memory_space<semaphore_mem>>
      %dma_start3A_55 = arith.constant 0 : i32
      %dma_start3A_56 = arith.constant 0 : i32
      %dma_start3A_57 = tpu.memref_slice %arg16[%dma_start3A_55, %dma_start3A_56] : memref<128x128xf32, #tpu.memory_space<vmem>> -> memref<40x128xf32, #tpu.memory_space<vmem>>
      %dma_start3A_58 = arith.constant 0 : i32
      %dma_start3A_59 = tpu.memref_slice %arg21[%mul3A_10, %dma_start3A_58] : memref<640x128xf32, #tpu.memory_space<vmem_shared>> -> memref<40x128xf32, #tpu.memory_space<vmem_shared>>
      %dma_start3A_60 = arith.constant 0 : i32
      %dma_start3A_61 = tpu.memref_slice %arg21[%mul3A_10, %dma_start3A_60] : memref<640x128xf32, #tpu.memory_space<vmem_shared>> -> memref<40x128xf32, #tpu.memory_space<vmem_shared>>
      %dma_start3A_62 = arith.constant 0 : i32
      %dma_start3A_63 = arith.constant 0 : i32
      %dma_start3A_64 = tpu.memref_slice %arg16[%dma_start3A_62, %dma_start3A_63] : memref<128x128xf32, #tpu.memory_space<vmem>> -> memref<40x128xf32, #tpu.memory_space<vmem>>
      tpu.enqueue_dma source(%dma_start3A_64 : memref<40x128xf32, #tpu.memory_space<vmem>>) target(%dma_start3A_61 : memref<40x128xf32, #tpu.memory_space<vmem_shared>>) target_semaphore(%run_scoped3A : memref<!tpu.dma_semaphore, #tpu.memory_space<semaphore_mem>>)
      %dma_wait3A = arith.constant 0 : i32
      %dma_wait3A_65 = arith.constant 0 : i32
      %dma_wait3A_66 = tpu.memref_slice %arg16[%dma_wait3A, %dma_wait3A_65] : memref<128x128xf32, #tpu.memory_space<vmem>> -> memref<40x128xf32, #tpu.memory_space<vmem>>
      %dma_wait3A_67 = arith.constant 0 : i32
      %dma_wait3A_68 = tpu.memref_slice %arg21[%mul3A_10, %dma_wait3A_67] : memref<640x128xf32, #tpu.memory_space<vmem_shared>> -> memref<40x128xf32, #tpu.memory_space<vmem_shared>>
      %dma_wait3A_69 = arith.constant 0 : i32
      %dma_wait3A_70 = tpu.memref_slice %arg21[%mul3A_10, %dma_wait3A_69] : memref<640x128xf32, #tpu.memory_space<vmem_shared>> -> memref<40x128xf32, #tpu.memory_space<vmem_shared>>
      %dma_wait3A_71 = arith.constant 0 : i32
      %dma_wait3A_72 = arith.constant 0 : i32
      %dma_wait3A_73 = tpu.memref_slice %arg16[%dma_wait3A_71, %dma_wait3A_72] : memref<128x128xf32, #tpu.memory_space<vmem>> -> memref<40x128xf32, #tpu.memory_space<vmem>>
      tpu.wait_dma2 semaphore(%run_scoped3A : memref<!tpu.dma_semaphore, #tpu.memory_space<semaphore_mem>>) src(%dma_wait3A_73 : memref<40x128xf32, #tpu.memory_space<vmem>>) dst(%dma_wait3A_70 : memref<40x128xf32, #tpu.memory_space<vmem_shared>>)
      tpu.yield
    }) : () -> ()
    "tpu.region"() ({
      %run_scoped3A = tpu.sem_alloc : memref<!tpu.dma_semaphore, #tpu.memory_space<semaphore_mem>>
      %dma_start3A_55 = arith.constant 0 : i32
      %dma_start3A_56 = arith.constant 0 : i32
      %dma_start3A_57 = tpu.memref_slice %arg2[%add3A, %dma_start3A_55, %dma_start3A_56] : memref<32x40x128xi32, #tpu.memory_space<hbm>> -> memref<1x40x128xi32, #tpu.memory_space<hbm>>
      %dma_start3A_58 = tpu.memref_squeeze %dma_start3A_57 : memref<1x40x128xi32, #tpu.memory_space<hbm>> -> memref<40x128xi32, #tpu.memory_space<hbm>>
      %dma_start3A_59 = arith.constant 0 : i32
      %dma_start3A_60 = arith.constant 0 : i32
      %dma_start3A_61 = tpu.memref_slice %arg2[%add3A, %dma_start3A_59, %dma_start3A_60] : memref<32x40x128xi32, #tpu.memory_space<hbm>> -> memref<1x40x128xi32, #tpu.memory_space<hbm>>
      %dma_start3A_62 = tpu.memref_squeeze %dma_start3A_61 : memref<1x40x128xi32, #tpu.memory_space<hbm>> -> memref<40x128xi32, #tpu.memory_space<hbm>>
      tpu.enqueue_dma source(%dma_start3A_62 : memref<40x128xi32, #tpu.memory_space<hbm>>) target(%arg11 : memref<40x128xi32, #tpu.memory_space<vmem>>) target_semaphore(%run_scoped3A : memref<!tpu.dma_semaphore, #tpu.memory_space<semaphore_mem>>)
      %dma_wait3A = arith.constant 0 : i32
      %dma_wait3A_63 = arith.constant 0 : i32
      %dma_wait3A_64 = tpu.memref_slice %arg2[%add3A, %dma_wait3A, %dma_wait3A_63] : memref<32x40x128xi32, #tpu.memory_space<hbm>> -> memref<1x40x128xi32, #tpu.memory_space<hbm>>
      %dma_wait3A_65 = tpu.memref_squeeze %dma_wait3A_64 : memref<1x40x128xi32, #tpu.memory_space<hbm>> -> memref<40x128xi32, #tpu.memory_space<hbm>>
      %dma_wait3A_66 = arith.constant 0 : i32
      %dma_wait3A_67 = arith.constant 0 : i32
      %dma_wait3A_68 = tpu.memref_slice %arg2[%add3A, %dma_wait3A_66, %dma_wait3A_67] : memref<32x40x128xi32, #tpu.memory_space<hbm>> -> memref<1x40x128xi32, #tpu.memory_space<hbm>>
      %dma_wait3A_69 = tpu.memref_squeeze %dma_wait3A_68 : memref<1x40x128xi32, #tpu.memory_space<hbm>> -> memref<40x128xi32, #tpu.memory_space<hbm>>
      tpu.wait_dma2 semaphore(%run_scoped3A : memref<!tpu.dma_semaphore, #tpu.memory_space<semaphore_mem>>) src(%dma_wait3A_69 : memref<40x128xi32, #tpu.memory_space<hbm>>) dst(%arg11 : memref<40x128xi32, #tpu.memory_space<vmem>>)
      tpu.yield
    }) : () -> ()
    "tpu.region"() ({
      %run_scoped3A = tpu.sem_alloc : memref<!tpu.dma_semaphore, #tpu.memory_space<semaphore_mem>>
      %dma_start3A_55 = arith.constant 0 : i32
      %dma_start3A_56 = arith.constant 0 : i32
      %dma_start3A_57 = tpu.memref_slice %arg3[%add3A, %dma_start3A_55, %dma_start3A_56] : memref<32x40x128xi32, #tpu.memory_space<hbm>> -> memref<1x40x128xi32, #tpu.memory_space<hbm>>
      %dma_start3A_58 = tpu.memref_squeeze %dma_start3A_57 : memref<1x40x128xi32, #tpu.memory_space<hbm>> -> memref<40x128xi32, #tpu.memory_space<hbm>>
      %dma_start3A_59 = arith.constant 0 : i32
      %dma_start3A_60 = arith.constant 0 : i32
      %dma_start3A_61 = tpu.memref_slice %arg3[%add3A, %dma_start3A_59, %dma_start3A_60] : memref<32x40x128xi32, #tpu.memory_space<hbm>> -> memref<1x40x128xi32, #tpu.memory_space<hbm>>
      %dma_start3A_62 = tpu.memref_squeeze %dma_start3A_61 : memref<1x40x128xi32, #tpu.memory_space<hbm>> -> memref<40x128xi32, #tpu.memory_space<hbm>>
      tpu.enqueue_dma source(%dma_start3A_62 : memref<40x128xi32, #tpu.memory_space<hbm>>) target(%arg12 : memref<40x128xi32, #tpu.memory_space<vmem>>) target_semaphore(%run_scoped3A : memref<!tpu.dma_semaphore, #tpu.memory_space<semaphore_mem>>)
      %dma_wait3A = arith.constant 0 : i32
      %dma_wait3A_63 = arith.constant 0 : i32
      %dma_wait3A_64 = tpu.memref_slice %arg3[%add3A, %dma_wait3A, %dma_wait3A_63] : memref<32x40x128xi32, #tpu.memory_space<hbm>> -> memref<1x40x128xi32, #tpu.memory_space<hbm>>
      %dma_wait3A_65 = tpu.memref_squeeze %dma_wait3A_64 : memref<1x40x128xi32, #tpu.memory_space<hbm>> -> memref<40x128xi32, #tpu.memory_space<hbm>>
      %dma_wait3A_66 = arith.constant 0 : i32
      %dma_wait3A_67 = arith.constant 0 : i32
      %dma_wait3A_68 = tpu.memref_slice %arg3[%add3A, %dma_wait3A_66, %dma_wait3A_67] : memref<32x40x128xi32, #tpu.memory_space<hbm>> -> memref<1x40x128xi32, #tpu.memory_space<hbm>>
      %dma_wait3A_69 = tpu.memref_squeeze %dma_wait3A_68 : memref<1x40x128xi32, #tpu.memory_space<hbm>> -> memref<40x128xi32, #tpu.memory_space<hbm>>
      tpu.wait_dma2 semaphore(%run_scoped3A : memref<!tpu.dma_semaphore, #tpu.memory_space<semaphore_mem>>) src(%dma_wait3A_69 : memref<40x128xi32, #tpu.memory_space<hbm>>) dst(%arg12 : memref<40x128xi32, #tpu.memory_space<vmem>>)
      tpu.yield
    }) : () -> ()
    "tpu.region"() ({
      %run_scoped3A = tpu.sem_alloc : memref<!tpu.dma_semaphore, #tpu.memory_space<semaphore_mem>>
      %dma_start3A_55 = arith.constant 0 : i32
      %dma_start3A_56 = arith.constant 0 : i32
      %dma_start3A_57 = tpu.memref_slice %arg4[%add3A, %dma_start3A_55, %dma_start3A_56] : memref<32x40x128xf32, #tpu.memory_space<hbm>> -> memref<1x40x128xf32, #tpu.memory_space<hbm>>
      %dma_start3A_58 = tpu.memref_squeeze %dma_start3A_57 : memref<1x40x128xf32, #tpu.memory_space<hbm>> -> memref<40x128xf32, #tpu.memory_space<hbm>>
      %dma_start3A_59 = arith.constant 0 : i32
      %dma_start3A_60 = arith.constant 0 : i32
      %dma_start3A_61 = tpu.memref_slice %arg4[%add3A, %dma_start3A_59, %dma_start3A_60] : memref<32x40x128xf32, #tpu.memory_space<hbm>> -> memref<1x40x128xf32, #tpu.memory_space<hbm>>
      %dma_start3A_62 = tpu.memref_squeeze %dma_start3A_61 : memref<1x40x128xf32, #tpu.memory_space<hbm>> -> memref<40x128xf32, #tpu.memory_space<hbm>>
      tpu.enqueue_dma source(%dma_start3A_62 : memref<40x128xf32, #tpu.memory_space<hbm>>) target(%arg13 : memref<40x128xf32, #tpu.memory_space<vmem>>) target_semaphore(%run_scoped3A : memref<!tpu.dma_semaphore, #tpu.memory_space<semaphore_mem>>)
      %dma_wait3A = arith.constant 0 : i32
      %dma_wait3A_63 = arith.constant 0 : i32
      %dma_wait3A_64 = tpu.memref_slice %arg4[%add3A, %dma_wait3A, %dma_wait3A_63] : memref<32x40x128xf32, #tpu.memory_space<hbm>> -> memref<1x40x128xf32, #tpu.memory_space<hbm>>
      %dma_wait3A_65 = tpu.memref_squeeze %dma_wait3A_64 : memref<1x40x128xf32, #tpu.memory_space<hbm>> -> memref<40x128xf32, #tpu.memory_space<hbm>>
      %dma_wait3A_66 = arith.constant 0 : i32
      %dma_wait3A_67 = arith.constant 0 : i32
      %dma_wait3A_68 = tpu.memref_slice %arg4[%add3A, %dma_wait3A_66, %dma_wait3A_67] : memref<32x40x128xf32, #tpu.memory_space<hbm>> -> memref<1x40x128xf32, #tpu.memory_space<hbm>>
      %dma_wait3A_69 = tpu.memref_squeeze %dma_wait3A_68 : memref<1x40x128xf32, #tpu.memory_space<hbm>> -> memref<40x128xf32, #tpu.memory_space<hbm>>
      tpu.wait_dma2 semaphore(%run_scoped3A : memref<!tpu.dma_semaphore, #tpu.memory_space<semaphore_mem>>) src(%dma_wait3A_69 : memref<40x128xf32, #tpu.memory_space<hbm>>) dst(%arg13 : memref<40x128xf32, #tpu.memory_space<vmem>>)
      tpu.yield
    }) : () -> ()
    "tpu.region"() ({
      %run_scoped3A = tpu.sem_alloc : memref<!tpu.dma_semaphore, #tpu.memory_space<semaphore_mem>>
      tpu.enqueue_dma source(%arg5 : memref<10240xf32, #tpu.memory_space<hbm>>) target(%arg14 : memref<10240xf32, #tpu.memory_space<vmem>>) target_semaphore(%run_scoped3A : memref<!tpu.dma_semaphore, #tpu.memory_space<semaphore_mem>>)
      tpu.wait_dma2 semaphore(%run_scoped3A : memref<!tpu.dma_semaphore, #tpu.memory_space<semaphore_mem>>) src(%arg5 : memref<10240xf32, #tpu.memory_space<hbm>>) dst(%arg14 : memref<10240xf32, #tpu.memory_space<vmem>>)
      tpu.yield
    }) : () -> ()
    "tpu.region"() ({
      %run_scoped3A = tpu.sem_alloc : memref<!tpu.dma_semaphore, #tpu.memory_space<semaphore_mem>>
      tpu.enqueue_dma source(%arg6 : memref<640xf32, #tpu.memory_space<hbm>>) target(%arg15 : memref<640xf32, #tpu.memory_space<vmem>>) target_semaphore(%run_scoped3A : memref<!tpu.dma_semaphore, #tpu.memory_space<semaphore_mem>>)
      tpu.wait_dma2 semaphore(%run_scoped3A : memref<!tpu.dma_semaphore, #tpu.memory_space<semaphore_mem>>) src(%arg6 : memref<640xf32, #tpu.memory_space<hbm>>) dst(%arg15 : memref<640xf32, #tpu.memory_space<vmem>>)
      tpu.yield
    }) : () -> ()
    %scan3A_11 = arith.constant 0 : i32
    %scan3A_12 = arith.constant 0 : i32
    %scan3A_13 = arith.constant 40 : i32
    %scan3A_14 = arith.addi %scan3A_12, %scan3A_13 : i32
    %scan3A_15 = arith.constant 1 : i32
    %scan3A_16 = scf.for %scan3A_55 = %scan3A_12 to %scan3A_14 step %scan3A_15 iter_args(%scan3A_56 = %scan3A_11) -> (i32)  : i32 {
      %get3A = arith.index_cast %scan3A_55 : i32 to index
      %get3A_57 = arith.constant 0 : index
      %get3A_58 = tpu.vector_load %arg13[%get3A, %get3A_57] {strides = array<i32>} : memref<40x128xf32, #tpu.memory_space<vmem>>, vector<16xf32>,
      %get3A_59 = arith.index_cast %scan3A_55 : i32 to index
      %get3A_60 = arith.constant 0 : index
      %get3A_61 = tpu.vector_load %arg11[%get3A_59, %get3A_60] {strides = array<i32>} : memref<40x128xi32, #tpu.memory_space<vmem>>, vector<16xi32>,
      %gather3A = tpu.vector_load_idx %arg14[%get3A_61] : memref<10240xf32, #tpu.memory_space<vmem>>[vector<16xi32>], vector<16xf32>,
      %mul3A_62 = arith.mulf %get3A_58, %gather3A : vector<16xf32>
      %swap3A = arith.index_cast %scan3A_55 : i32 to index
      %swap3A_63 = arith.constant 0 : index
      %swap3A_64 = tpu.vector_load %arg13[%swap3A, %swap3A_63] {strides = array<i32>} : memref<40x128xf32, #tpu.memory_space<vmem>>, vector<16xf32>,
      tpu.vector_store %arg13[%swap3A, %swap3A_63], %mul3A_62 {strides = array<i32>} : memref<40x128xf32, #tpu.memory_space<vmem>>, vector<16xf32>,
      %get3A_65 = arith.index_cast %scan3A_55 : i32 to index
      %get3A_66 = arith.constant 16 : index
      %get3A_67 = tpu.vector_load %arg13[%get3A_65, %get3A_66] {strides = array<i32>} : memref<40x128xf32, #tpu.memory_space<vmem>>, vector<16xf32>,
      %get3A_68 = arith.index_cast %scan3A_55 : i32 to index
      %get3A_69 = arith.constant 16 : index
      %get3A_70 = tpu.vector_load %arg11[%get3A_68, %get3A_69] {strides = array<i32>} : memref<40x128xi32, #tpu.memory_space<vmem>>, vector<16xi32>,
      %gather3A_71 = tpu.vector_load_idx %arg14[%get3A_70] : memref<10240xf32, #tpu.memory_space<vmem>>[vector<16xi32>], vector<16xf32>,
      %mul3A_72 = arith.mulf %get3A_67, %gather3A_71 : vector<16xf32>
      %swap3A_73 = arith.index_cast %scan3A_55 : i32 to index
      %swap3A_74 = arith.constant 16 : index
      %swap3A_75 = tpu.vector_load %arg13[%swap3A_73, %swap3A_74] {strides = array<i32>} : memref<40x128xf32, #tpu.memory_space<vmem>>, vector<16xf32>,
      tpu.vector_store %arg13[%swap3A_73, %swap3A_74], %mul3A_72 {strides = array<i32>} : memref<40x128xf32, #tpu.memory_space<vmem>>, vector<16xf32>,
      %get3A_76 = arith.index_cast %scan3A_55 : i32 to index
      %get3A_77 = arith.constant 32 : index
      %get3A_78 = tpu.vector_load %arg13[%get3A_76, %get3A_77] {strides = array<i32>} : memref<40x128xf32, #tpu.memory_space<vmem>>, vector<16xf32>,
      %get3A_79 = arith.index_cast %scan3A_55 : i32 to index
      %get3A_80 = arith.constant 32 : index
      %get3A_81 = tpu.vector_load %arg11[%get3A_79, %get3A_80] {strides = array<i32>} : memref<40x128xi32, #tpu.memory_space<vmem>>, vector<16xi32>,
      %gather3A_82 = tpu.vector_load_idx %arg14[%get3A_81] : memref<10240xf32, #tpu.memory_space<vmem>>[vector<16xi32>], vector<16xf32>,
      %mul3A_83 = arith.mulf %get3A_78, %gather3A_82 : vector<16xf32>
      %swap3A_84 = arith.index_cast %scan3A_55 : i32 to index
      %swap3A_85 = arith.constant 32 : index
      %swap3A_86 = tpu.vector_load %arg13[%swap3A_84, %swap3A_85] {strides = array<i32>} : memref<40x128xf32, #tpu.memory_space<vmem>>, vector<16xf32>,
      tpu.vector_store %arg13[%swap3A_84, %swap3A_85], %mul3A_83 {strides = array<i32>} : memref<40x128xf32, #tpu.memory_space<vmem>>, vector<16xf32>,
      %get3A_87 = arith.index_cast %scan3A_55 : i32 to index
      %get3A_88 = arith.constant 48 : index
      %get3A_89 = tpu.vector_load %arg13[%get3A_87, %get3A_88] {strides = array<i32>} : memref<40x128xf32, #tpu.memory_space<vmem>>, vector<16xf32>,
      %get3A_90 = arith.index_cast %scan3A_55 : i32 to index
      %get3A_91 = arith.constant 48 : index
      %get3A_92 = tpu.vector_load %arg11[%get3A_90, %get3A_91] {strides = array<i32>} : memref<40x128xi32, #tpu.memory_space<vmem>>, vector<16xi32>,
      %gather3A_93 = tpu.vector_load_idx %arg14[%get3A_92] : memref<10240xf32, #tpu.memory_space<vmem>>[vector<16xi32>], vector<16xf32>,
      %mul3A_94 = arith.mulf %get3A_89, %gather3A_93 : vector<16xf32>
      %swap3A_95 = arith.index_cast %scan3A_55 : i32 to index
      %swap3A_96 = arith.constant 48 : index
      %swap3A_97 = tpu.vector_load %arg13[%swap3A_95, %swap3A_96] {strides = array<i32>} : memref<40x128xf32, #tpu.memory_space<vmem>>, vector<16xf32>,
      tpu.vector_store %arg13[%swap3A_95, %swap3A_96], %mul3A_94 {strides = array<i32>} : memref<40x128xf32, #tpu.memory_space<vmem>>, vector<16xf32>,
      %get3A_98 = arith.index_cast %scan3A_55 : i32 to index
      %get3A_99 = arith.constant 64 : index
      %get3A_100 = tpu.vector_load %arg13[%get3A_98, %get3A_99] {strides = array<i32>} : memref<40x128xf32, #tpu.memory_space<vmem>>, vector<16xf32>,
      %get3A_101 = arith.index_cast %scan3A_55 : i32 to index
      %get3A_102 = arith.constant 64 : index
      %get3A_103 = tpu.vector_load %arg11[%get3A_101, %get3A_102] {strides = array<i32>} : memref<40x128xi32, #tpu.memory_space<vmem>>, vector<16xi32>,
      %gather3A_104 = tpu.vector_load_idx %arg14[%get3A_103] : memref<10240xf32, #tpu.memory_space<vmem>>[vector<16xi32>], vector<16xf32>,
      %mul3A_105 = arith.mulf %get3A_100, %gather3A_104 : vector<16xf32>
      %swap3A_106 = arith.index_cast %scan3A_55 : i32 to index
      %swap3A_107 = arith.constant 64 : index
      %swap3A_108 = tpu.vector_load %arg13[%swap3A_106, %swap3A_107] {strides = array<i32>} : memref<40x128xf32, #tpu.memory_space<vmem>>, vector<16xf32>,
      tpu.vector_store %arg13[%swap3A_106, %swap3A_107], %mul3A_105 {strides = array<i32>} : memref<40x128xf32, #tpu.memory_space<vmem>>, vector<16xf32>,
      %get3A_109 = arith.index_cast %scan3A_55 : i32 to index
      %get3A_110 = arith.constant 80 : index
      %get3A_111 = tpu.vector_load %arg13[%get3A_109, %get3A_110] {strides = array<i32>} : memref<40x128xf32, #tpu.memory_space<vmem>>, vector<16xf32>,
      %get3A_112 = arith.index_cast %scan3A_55 : i32 to index
      %get3A_113 = arith.constant 80 : index
      %get3A_114 = tpu.vector_load %arg11[%get3A_112, %get3A_113] {strides = array<i32>} : memref<40x128xi32, #tpu.memory_space<vmem>>, vector<16xi32>,
      %gather3A_115 = tpu.vector_load_idx %arg14[%get3A_114] : memref<10240xf32, #tpu.memory_space<vmem>>[vector<16xi32>], vector<16xf32>,
      %mul3A_116 = arith.mulf %get3A_111, %gather3A_115 : vector<16xf32>
      %swap3A_117 = arith.index_cast %scan3A_55 : i32 to index
      %swap3A_118 = arith.constant 80 : index
      %swap3A_119 = tpu.vector_load %arg13[%swap3A_117, %swap3A_118] {strides = array<i32>} : memref<40x128xf32, #tpu.memory_space<vmem>>, vector<16xf32>,
      tpu.vector_store %arg13[%swap3A_117, %swap3A_118], %mul3A_116 {strides = array<i32>} : memref<40x128xf32, #tpu.memory_space<vmem>>, vector<16xf32>,
      %get3A_120 = arith.index_cast %scan3A_55 : i32 to index
      %get3A_121 = arith.constant 96 : index
      %get3A_122 = tpu.vector_load %arg13[%get3A_120, %get3A_121] {strides = array<i32>} : memref<40x128xf32, #tpu.memory_space<vmem>>, vector<16xf32>,
      %get3A_123 = arith.index_cast %scan3A_55 : i32 to index
      %get3A_124 = arith.constant 96 : index
      %get3A_125 = tpu.vector_load %arg11[%get3A_123, %get3A_124] {strides = array<i32>} : memref<40x128xi32, #tpu.memory_space<vmem>>, vector<16xi32>,
      %gather3A_126 = tpu.vector_load_idx %arg14[%get3A_125] : memref<10240xf32, #tpu.memory_space<vmem>>[vector<16xi32>], vector<16xf32>,
      %mul3A_127 = arith.mulf %get3A_122, %gather3A_126 : vector<16xf32>
      %swap3A_128 = arith.index_cast %scan3A_55 : i32 to index
      %swap3A_129 = arith.constant 96 : index
      %swap3A_130 = tpu.vector_load %arg13[%swap3A_128, %swap3A_129] {strides = array<i32>} : memref<40x128xf32, #tpu.memory_space<vmem>>, vector<16xf32>,
      tpu.vector_store %arg13[%swap3A_128, %swap3A_129], %mul3A_127 {strides = array<i32>} : memref<40x128xf32, #tpu.memory_space<vmem>>, vector<16xf32>,
      %get3A_131 = arith.index_cast %scan3A_55 : i32 to index
      %get3A_132 = arith.constant 112 : index
      %get3A_133 = tpu.vector_load %arg13[%get3A_131, %get3A_132] {strides = array<i32>} : memref<40x128xf32, #tpu.memory_space<vmem>>, vector<16xf32>,
      %get3A_134 = arith.index_cast %scan3A_55 : i32 to index
      %get3A_135 = arith.constant 112 : index
      %get3A_136 = tpu.vector_load %arg11[%get3A_134, %get3A_135] {strides = array<i32>} : memref<40x128xi32, #tpu.memory_space<vmem>>, vector<16xi32>,
      %gather3A_137 = tpu.vector_load_idx %arg14[%get3A_136] : memref<10240xf32, #tpu.memory_space<vmem>>[vector<16xi32>], vector<16xf32>,
      %mul3A_138 = arith.mulf %get3A_133, %gather3A_137 : vector<16xf32>
      %swap3A_139 = arith.index_cast %scan3A_55 : i32 to index
      %swap3A_140 = arith.constant 112 : index
      %swap3A_141 = tpu.vector_load %arg13[%swap3A_139, %swap3A_140] {strides = array<i32>} : memref<40x128xf32, #tpu.memory_space<vmem>>, vector<16xf32>,
      tpu.vector_store %arg13[%swap3A_139, %swap3A_140], %mul3A_138 {strides = array<i32>} : memref<40x128xf32, #tpu.memory_space<vmem>>, vector<16xf32>,
      %scan3A_142 = arith.constant 0 : i32
      scf.yield %scan3A_142 : i32
    }
    %scan3A_17 = arith.constant 40 : i32
    "tpu.region"() ({
      %run_scoped3A = tpu.sem_alloc : memref<!tpu.dma_semaphore, #tpu.memory_space<semaphore_mem>>
      %dma_start3A_55 = arith.constant 0 : i32
      %dma_start3A_56 = arith.constant 0 : i32
      %dma_start3A_57 = tpu.memref_slice %arg9[%add3A, %dma_start3A_55, %dma_start3A_56] : memref<32x40x128xf32, #tpu.memory_space<hbm>> -> memref<1x40x128xf32, #tpu.memory_space<hbm>>
      %dma_start3A_58 = tpu.memref_squeeze %dma_start3A_57 : memref<1x40x128xf32, #tpu.memory_space<hbm>> -> memref<40x128xf32, #tpu.memory_space<hbm>>
      %dma_start3A_59 = arith.constant 0 : i32
      %dma_start3A_60 = arith.constant 0 : i32
      %dma_start3A_61 = tpu.memref_slice %arg9[%add3A, %dma_start3A_59, %dma_start3A_60] : memref<32x40x128xf32, #tpu.memory_space<hbm>> -> memref<1x40x128xf32, #tpu.memory_space<hbm>>
      %dma_start3A_62 = tpu.memref_squeeze %dma_start3A_61 : memref<1x40x128xf32, #tpu.memory_space<hbm>> -> memref<40x128xf32, #tpu.memory_space<hbm>>
      tpu.enqueue_dma source(%arg13 : memref<40x128xf32, #tpu.memory_space<vmem>>) target(%dma_start3A_62 : memref<40x128xf32, #tpu.memory_space<hbm>>) target_semaphore(%run_scoped3A : memref<!tpu.dma_semaphore, #tpu.memory_space<semaphore_mem>>)
      %dma_wait3A = arith.constant 0 : i32
      %dma_wait3A_63 = arith.constant 0 : i32
      %dma_wait3A_64 = tpu.memref_slice %arg9[%add3A, %dma_wait3A, %dma_wait3A_63] : memref<32x40x128xf32, #tpu.memory_space<hbm>> -> memref<1x40x128xf32, #tpu.memory_space<hbm>>
      %dma_wait3A_65 = tpu.memref_squeeze %dma_wait3A_64 : memref<1x40x128xf32, #tpu.memory_space<hbm>> -> memref<40x128xf32, #tpu.memory_space<hbm>>
      %dma_wait3A_66 = arith.constant 0 : i32
      %dma_wait3A_67 = arith.constant 0 : i32
      %dma_wait3A_68 = tpu.memref_slice %arg9[%add3A, %dma_wait3A_66, %dma_wait3A_67] : memref<32x40x128xf32, #tpu.memory_space<hbm>> -> memref<1x40x128xf32, #tpu.memory_space<hbm>>
      %dma_wait3A_69 = tpu.memref_squeeze %dma_wait3A_68 : memref<1x40x128xf32, #tpu.memory_space<hbm>> -> memref<40x128xf32, #tpu.memory_space<hbm>>
      tpu.wait_dma2 semaphore(%run_scoped3A : memref<!tpu.dma_semaphore, #tpu.memory_space<semaphore_mem>>) src(%arg13 : memref<40x128xf32, #tpu.memory_space<vmem>>) dst(%dma_wait3A_69 : memref<40x128xf32, #tpu.memory_space<hbm>>)
      tpu.yield
    }) : () -> ()
    %scan3A_18 = arith.constant 0 : i32
    %scan3A_19 = arith.constant 0 : i32
    %scan3A_20 = arith.constant 40 : i32
    %scan3A_21 = arith.addi %scan3A_19, %scan3A_20 : i32
    %scan3A_22 = arith.constant 1 : i32
    %scan3A_23 = scf.for %scan3A_55 = %scan3A_19 to %scan3A_21 step %scan3A_22 iter_args(%scan3A_56 = %scan3A_18) -> (i32)  : i32 {
      %get3A = arith.index_cast %scan3A_55 : i32 to index
      %get3A_57 = arith.constant 0 : index
      %get3A_58 = tpu.vector_load %arg13[%get3A, %get3A_57] {strides = array<i32>} : memref<40x128xf32, #tpu.memory_space<vmem>>, vector<16xf32>,
      %get3A_59 = arith.index_cast %scan3A_55 : i32 to index
      %get3A_60 = arith.constant 0 : index
      %get3A_61 = tpu.vector_load %arg12[%get3A_59, %get3A_60] {strides = array<i32>} : memref<40x128xi32, #tpu.memory_space<vmem>>, vector<16xi32>,
      %gather3A = tpu.vector_load_idx %arg15[%get3A_61] : memref<640xf32, #tpu.memory_space<vmem>>[vector<16xi32>], vector<16xf32>,
      %mul3A_62 = arith.mulf %get3A_58, %gather3A : vector<16xf32>
      %swap3A = arith.index_cast %scan3A_55 : i32 to index
      %swap3A_63 = arith.constant 0 : index
      %swap3A_64 = tpu.vector_load %arg13[%swap3A, %swap3A_63] {strides = array<i32>} : memref<40x128xf32, #tpu.memory_space<vmem>>, vector<16xf32>,
      tpu.vector_store %arg13[%swap3A, %swap3A_63], %mul3A_62 {strides = array<i32>} : memref<40x128xf32, #tpu.memory_space<vmem>>, vector<16xf32>,
      %get3A_65 = arith.index_cast %scan3A_55 : i32 to index
      %get3A_66 = arith.constant 16 : index
      %get3A_67 = tpu.vector_load %arg13[%get3A_65, %get3A_66] {strides = array<i32>} : memref<40x128xf32, #tpu.memory_space<vmem>>, vector<16xf32>,
      %get3A_68 = arith.index_cast %scan3A_55 : i32 to index
      %get3A_69 = arith.constant 16 : index
      %get3A_70 = tpu.vector_load %arg12[%get3A_68, %get3A_69] {strides = array<i32>} : memref<40x128xi32, #tpu.memory_space<vmem>>, vector<16xi32>,
      %gather3A_71 = tpu.vector_load_idx %arg15[%get3A_70] : memref<640xf32, #tpu.memory_space<vmem>>[vector<16xi32>], vector<16xf32>,
      %mul3A_72 = arith.mulf %get3A_67, %gather3A_71 : vector<16xf32>
      %swap3A_73 = arith.index_cast %scan3A_55 : i32 to index
      %swap3A_74 = arith.constant 16 : index
      %swap3A_75 = tpu.vector_load %arg13[%swap3A_73, %swap3A_74] {strides = array<i32>} : memref<40x128xf32, #tpu.memory_space<vmem>>, vector<16xf32>,
      tpu.vector_store %arg13[%swap3A_73, %swap3A_74], %mul3A_72 {strides = array<i32>} : memref<40x128xf32, #tpu.memory_space<vmem>>, vector<16xf32>,
      %get3A_76 = arith.index_cast %scan3A_55 : i32 to index
      %get3A_77 = arith.constant 32 : index
      %get3A_78 = tpu.vector_load %arg13[%get3A_76, %get3A_77] {strides = array<i32>} : memref<40x128xf32, #tpu.memory_space<vmem>>, vector<16xf32>,
      %get3A_79 = arith.index_cast %scan3A_55 : i32 to index
      %get3A_80 = arith.constant 32 : index
      %get3A_81 = tpu.vector_load %arg12[%get3A_79, %get3A_80] {strides = array<i32>} : memref<40x128xi32, #tpu.memory_space<vmem>>, vector<16xi32>,
      %gather3A_82 = tpu.vector_load_idx %arg15[%get3A_81] : memref<640xf32, #tpu.memory_space<vmem>>[vector<16xi32>], vector<16xf32>,
      %mul3A_83 = arith.mulf %get3A_78, %gather3A_82 : vector<16xf32>
      %swap3A_84 = arith.index_cast %scan3A_55 : i32 to index
      %swap3A_85 = arith.constant 32 : index
      %swap3A_86 = tpu.vector_load %arg13[%swap3A_84, %swap3A_85] {strides = array<i32>} : memref<40x128xf32, #tpu.memory_space<vmem>>, vector<16xf32>,
      tpu.vector_store %arg13[%swap3A_84, %swap3A_85], %mul3A_83 {strides = array<i32>} : memref<40x128xf32, #tpu.memory_space<vmem>>, vector<16xf32>,
      %get3A_87 = arith.index_cast %scan3A_55 : i32 to index
      %get3A_88 = arith.constant 48 : index
      %get3A_89 = tpu.vector_load %arg13[%get3A_87, %get3A_88] {strides = array<i32>} : memref<40x128xf32, #tpu.memory_space<vmem>>, vector<16xf32>,
      %get3A_90 = arith.index_cast %scan3A_55 : i32 to index
      %get3A_91 = arith.constant 48 : index
      %get3A_92 = tpu.vector_load %arg12[%get3A_90, %get3A_91] {strides = array<i32>} : memref<40x128xi32, #tpu.memory_space<vmem>>, vector<16xi32>,
      %gather3A_93 = tpu.vector_load_idx %arg15[%get3A_92] : memref<640xf32, #tpu.memory_space<vmem>>[vector<16xi32>], vector<16xf32>,
      %mul3A_94 = arith.mulf %get3A_89, %gather3A_93 : vector<16xf32>
      %swap3A_95 = arith.index_cast %scan3A_55 : i32 to index
      %swap3A_96 = arith.constant 48 : index
      %swap3A_97 = tpu.vector_load %arg13[%swap3A_95, %swap3A_96] {strides = array<i32>} : memref<40x128xf32, #tpu.memory_space<vmem>>, vector<16xf32>,
      tpu.vector_store %arg13[%swap3A_95, %swap3A_96], %mul3A_94 {strides = array<i32>} : memref<40x128xf32, #tpu.memory_space<vmem>>, vector<16xf32>,
      %get3A_98 = arith.index_cast %scan3A_55 : i32 to index
      %get3A_99 = arith.constant 64 : index
      %get3A_100 = tpu.vector_load %arg13[%get3A_98, %get3A_99] {strides = array<i32>} : memref<40x128xf32, #tpu.memory_space<vmem>>, vector<16xf32>,
      %get3A_101 = arith.index_cast %scan3A_55 : i32 to index
      %get3A_102 = arith.constant 64 : index
      %get3A_103 = tpu.vector_load %arg12[%get3A_101, %get3A_102] {strides = array<i32>} : memref<40x128xi32, #tpu.memory_space<vmem>>, vector<16xi32>,
      %gather3A_104 = tpu.vector_load_idx %arg15[%get3A_103] : memref<640xf32, #tpu.memory_space<vmem>>[vector<16xi32>], vector<16xf32>,
      %mul3A_105 = arith.mulf %get3A_100, %gather3A_104 : vector<16xf32>
      %swap3A_106 = arith.index_cast %scan3A_55 : i32 to index
      %swap3A_107 = arith.constant 64 : index
      %swap3A_108 = tpu.vector_load %arg13[%swap3A_106, %swap3A_107] {strides = array<i32>} : memref<40x128xf32, #tpu.memory_space<vmem>>, vector<16xf32>,
      tpu.vector_store %arg13[%swap3A_106, %swap3A_107], %mul3A_105 {strides = array<i32>} : memref<40x128xf32, #tpu.memory_space<vmem>>, vector<16xf32>,
      %get3A_109 = arith.index_cast %scan3A_55 : i32 to index
      %get3A_110 = arith.constant 80 : index
      %get3A_111 = tpu.vector_load %arg13[%get3A_109, %get3A_110] {strides = array<i32>} : memref<40x128xf32, #tpu.memory_space<vmem>>, vector<16xf32>,
      %get3A_112 = arith.index_cast %scan3A_55 : i32 to index
      %get3A_113 = arith.constant 80 : index
      %get3A_114 = tpu.vector_load %arg12[%get3A_112, %get3A_113] {strides = array<i32>} : memref<40x128xi32, #tpu.memory_space<vmem>>, vector<16xi32>,
      %gather3A_115 = tpu.vector_load_idx %arg15[%get3A_114] : memref<640xf32, #tpu.memory_space<vmem>>[vector<16xi32>], vector<16xf32>,
      %mul3A_116 = arith.mulf %get3A_111, %gather3A_115 : vector<16xf32>
      %swap3A_117 = arith.index_cast %scan3A_55 : i32 to index
      %swap3A_118 = arith.constant 80 : index
      %swap3A_119 = tpu.vector_load %arg13[%swap3A_117, %swap3A_118] {strides = array<i32>} : memref<40x128xf32, #tpu.memory_space<vmem>>, vector<16xf32>,
      tpu.vector_store %arg13[%swap3A_117, %swap3A_118], %mul3A_116 {strides = array<i32>} : memref<40x128xf32, #tpu.memory_space<vmem>>, vector<16xf32>,
      %get3A_120 = arith.index_cast %scan3A_55 : i32 to index
      %get3A_121 = arith.constant 96 : index
      %get3A_122 = tpu.vector_load %arg13[%get3A_120, %get3A_121] {strides = array<i32>} : memref<40x128xf32, #tpu.memory_space<vmem>>, vector<16xf32>,
      %get3A_123 = arith.index_cast %scan3A_55 : i32 to index
      %get3A_124 = arith.constant 96 : index
      %get3A_125 = tpu.vector_load %arg12[%get3A_123, %get3A_124] {strides = array<i32>} : memref<40x128xi32, #tpu.memory_space<vmem>>, vector<16xi32>,
      %gather3A_126 = tpu.vector_load_idx %arg15[%get3A_125] : memref<640xf32, #tpu.memory_space<vmem>>[vector<16xi32>], vector<16xf32>,
      %mul3A_127 = arith.mulf %get3A_122, %gather3A_126 : vector<16xf32>
      %swap3A_128 = arith.index_cast %scan3A_55 : i32 to index
      %swap3A_129 = arith.constant 96 : index
      %swap3A_130 = tpu.vector_load %arg13[%swap3A_128, %swap3A_129] {strides = array<i32>} : memref<40x128xf32, #tpu.memory_space<vmem>>, vector<16xf32>,
      tpu.vector_store %arg13[%swap3A_128, %swap3A_129], %mul3A_127 {strides = array<i32>} : memref<40x128xf32, #tpu.memory_space<vmem>>, vector<16xf32>,
      %get3A_131 = arith.index_cast %scan3A_55 : i32 to index
      %get3A_132 = arith.constant 112 : index
      %get3A_133 = tpu.vector_load %arg13[%get3A_131, %get3A_132] {strides = array<i32>} : memref<40x128xf32, #tpu.memory_space<vmem>>, vector<16xf32>,
      %get3A_134 = arith.index_cast %scan3A_55 : i32 to index
      %get3A_135 = arith.constant 112 : index
      %get3A_136 = tpu.vector_load %arg12[%get3A_134, %get3A_135] {strides = array<i32>} : memref<40x128xi32, #tpu.memory_space<vmem>>, vector<16xi32>,
      %gather3A_137 = tpu.vector_load_idx %arg15[%get3A_136] : memref<640xf32, #tpu.memory_space<vmem>>[vector<16xi32>], vector<16xf32>,
      %mul3A_138 = arith.mulf %get3A_133, %gather3A_137 : vector<16xf32>
      %swap3A_139 = arith.index_cast %scan3A_55 : i32 to index
      %swap3A_140 = arith.constant 112 : index
      %swap3A_141 = tpu.vector_load %arg13[%swap3A_139, %swap3A_140] {strides = array<i32>} : memref<40x128xf32, #tpu.memory_space<vmem>>, vector<16xf32>,
      tpu.vector_store %arg13[%swap3A_139, %swap3A_140], %mul3A_138 {strides = array<i32>} : memref<40x128xf32, #tpu.memory_space<vmem>>, vector<16xf32>,
      %scan3A_142 = arith.constant 0 : i32
      scf.yield %scan3A_142 : i32
    }
    %scan3A_24 = arith.constant 40 : i32
    %barrier3A = arith.constant 0 : index
    tpu.barrier barrier_id(%barrier3A)
    %dma_start3A = arith.constant 0 : i32
    %dma_start3A_25 = arith.constant 0 : i32
    %dma_start3A_26 = tpu.memref_slice %arg11[%dma_start3A, %dma_start3A_25] : memref<40x128xi32, #tpu.memory_space<vmem>> -> memref<1x128xi32, #tpu.memory_space<vmem>>
    %dma_start3A_27 = tpu.memref_squeeze %dma_start3A_26 : memref<1x128xi32, #tpu.memory_space<vmem>> -> memref<128xi32, #tpu.memory_space<vmem>>
    %dma_start3A_28 = arith.constant 0 : i32
    %dma_start3A_29 = arith.constant 0 : i32
    %dma_start3A_30 = tpu.memref_slice %arg7[%dma_start3A_28, %dma_start3A_29] : memref<10240x128xf32, #tpu.memory_space<hbm>> -> memref<10240x128xf32, #tpu.memory_space<hbm>>
    tpu.enqueue_indirect_dma source(%dma_start3A_30 : memref<10240x128xf32, #tpu.memory_space<hbm>>) target(%arg16 : memref<128x128xf32, #tpu.memory_space<vmem>>) offsets(%dma_start3A_27 : memref<128xi32, #tpu.memory_space<vmem>>) semaphore(%arg22 : memref<!tpu.dma_semaphore, #tpu.memory_space<semaphore_mem>>)
    %dma_start3A_31 = arith.constant 1 : i32
    %dma_start3A_32 = arith.constant 0 : i32
    %dma_start3A_33 = tpu.memref_slice %arg11[%dma_start3A_31, %dma_start3A_32] : memref<40x128xi32, #tpu.memory_space<vmem>> -> memref<1x128xi32, #tpu.memory_space<vmem>>
    %dma_start3A_34 = tpu.memref_squeeze %dma_start3A_33 : memref<1x128xi32, #tpu.memory_space<vmem>> -> memref<128xi32, #tpu.memory_space<vmem>>
    %dma_start3A_35 = arith.constant 0 : i32
    %dma_start3A_36 = arith.constant 0 : i32
    %dma_start3A_37 = tpu.memref_slice %arg7[%dma_start3A_35, %dma_start3A_36] : memref<10240x128xf32, #tpu.memory_space<hbm>> -> memref<10240x128xf32, #tpu.memory_space<hbm>>
    tpu.enqueue_indirect_dma source(%dma_start3A_37 : memref<10240x128xf32, #tpu.memory_space<hbm>>) target(%arg17 : memref<128x128xf32, #tpu.memory_space<vmem>>) offsets(%dma_start3A_34 : memref<128xi32, #tpu.memory_space<vmem>>) semaphore(%arg23 : memref<!tpu.dma_semaphore, #tpu.memory_space<semaphore_mem>>)
    %scan3A_38 = arith.constant 0 : i32
    %scan3A_39 = arith.constant 0 : i32
    %scan3A_40 = arith.constant 20 : i32
    %scan3A_41 = arith.addi %scan3A_39, %scan3A_40 : i32
    %scan3A_42 = arith.constant 1 : i32
    %scan3A_43 = scf.for %scan3A_55 = %scan3A_39 to %scan3A_41 step %scan3A_42 iter_args(%scan3A_56 = %scan3A_38) -> (i32)  : i32 {
      %mul3A_57 = arith.constant 2 : i32
      %mul3A_58 = arith.muli %scan3A_55, %mul3A_57 : i32
      %add3A_59 = arith.constant 0 : i32
      %add3A_60 = arith.addi %mul3A_58, %add3A_59 : i32
      %dma_wait3A = arith.constant 0 : i32
      %dma_wait3A_61 = tpu.memref_slice %arg11[%add3A_60, %dma_wait3A] : memref<40x128xi32, #tpu.memory_space<vmem>> -> memref<1x128xi32, #tpu.memory_space<vmem>>
      %dma_wait3A_62 = tpu.memref_squeeze %dma_wait3A_61 : memref<1x128xi32, #tpu.memory_space<vmem>> -> memref<128xi32, #tpu.memory_space<vmem>>
      %dma_wait3A_63 = arith.constant 0 : i32
      %dma_wait3A_64 = arith.constant 0 : i32
      %dma_wait3A_65 = tpu.memref_slice %arg7[%dma_wait3A_63, %dma_wait3A_64] : memref<10240x128xf32, #tpu.memory_space<hbm>> -> memref<10240x128xf32, #tpu.memory_space<hbm>>
      tpu.wait_indirect_dma semaphore(%arg22 : memref<!tpu.dma_semaphore, #tpu.memory_space<semaphore_mem>>) src(%dma_wait3A_65 : memref<10240x128xf32, #tpu.memory_space<hbm>>) dst(%arg16 : memref<128x128xf32, #tpu.memory_space<vmem>>)
      %dma_start3A_66 = arith.constant 0 : i32
      %dma_start3A_67 = tpu.memref_slice %arg12[%add3A_60, %dma_start3A_66] : memref<40x128xi32, #tpu.memory_space<vmem>> -> memref<1x128xi32, #tpu.memory_space<vmem>>
      %dma_start3A_68 = tpu.memref_squeeze %dma_start3A_67 : memref<1x128xi32, #tpu.memory_space<vmem>> -> memref<128xi32, #tpu.memory_space<vmem>>
      %dma_start3A_69 = arith.constant 0 : i32
      %dma_start3A_70 = arith.constant 0 : i32
      %dma_start3A_71 = tpu.memref_slice %arg21[%dma_start3A_69, %dma_start3A_70] : memref<640x128xf32, #tpu.memory_space<vmem_shared>> -> memref<640x128xf32, #tpu.memory_space<vmem_shared>>
      tpu.enqueue_indirect_dma source(%arg16 : memref<128x128xf32, #tpu.memory_space<vmem>>) target(%dma_start3A_71 : memref<640x128xf32, #tpu.memory_space<vmem_shared>>) offsets(%dma_start3A_68 : memref<128xi32, #tpu.memory_space<vmem>>) semaphore(%arg26 : memref<!tpu.dma_semaphore, #tpu.memory_space<semaphore_mem>>) {add = true}
      %scan3A_72 = arith.constant 0 : i32
      %scan3A_73 = arith.constant 0 : i32
      %scan3A_74 = arith.constant 128 : i32
      %scan3A_75 = arith.addi %scan3A_73, %scan3A_74 : i32
      %scan3A_76 = arith.constant 1 : i32
      %scan3A_77 = scf.for %scan3A_150 = %scan3A_73 to %scan3A_75 step %scan3A_76 iter_args(%scan3A_151 = %scan3A_72) -> (i32)  : i32 {
        %broadcast_in_dim3A = vector.broadcast %add3A_60 : i32 to vector<16xi32>
        %broadcast_in_dim3A_152 = vector.broadcast %scan3A_150 : i32 to vector<16xi32>
        %gather3A = tpu.vector_load_idx %arg13[%broadcast_in_dim3A, %broadcast_in_dim3A_152] : memref<40x128xf32, #tpu.memory_space<vmem>>[vector<16xi32>, vector<16xi32>], vector<16xf32>,
        %get3A = arith.index_cast %scan3A_150 : i32 to index
        %get3A_153 = arith.constant 0 : index
        %get3A_154 = tpu.vector_load %arg16[%get3A, %get3A_153] {strides = array<i32>} : memref<128x128xf32, #tpu.memory_space<vmem>>, vector<16xf32>,
        %mul3A_155 = arith.mulf %get3A_154, %gather3A : vector<16xf32>
        %swap3A = arith.index_cast %scan3A_150 : i32 to index
        %swap3A_156 = arith.constant 0 : index
        %swap3A_157 = tpu.vector_load %arg18[%swap3A, %swap3A_156] {strides = array<i32>} : memref<128x128xf32, #tpu.memory_space<vmem>>, vector<16xf32>,
        tpu.vector_store %arg18[%swap3A, %swap3A_156], %mul3A_155 {strides = array<i32>} : memref<128x128xf32, #tpu.memory_space<vmem>>, vector<16xf32>,
        %get3A_158 = arith.index_cast %scan3A_150 : i32 to index
        %get3A_159 = arith.constant 16 : index
        %get3A_160 = tpu.vector_load %arg16[%get3A_158, %get3A_159] {strides = array<i32>} : memref<128x128xf32, #tpu.memory_space<vmem>>, vector<16xf32>,
        %mul3A_161 = arith.mulf %get3A_160, %gather3A : vector<16xf32>
        %swap3A_162 = arith.index_cast %scan3A_150 : i32 to index
        %swap3A_163 = arith.constant 16 : index
        %swap3A_164 = tpu.vector_load %arg18[%swap3A_162, %swap3A_163] {strides = array<i32>} : memref<128x128xf32, #tpu.memory_space<vmem>>, vector<16xf32>,
        tpu.vector_store %arg18[%swap3A_162, %swap3A_163], %mul3A_161 {strides = array<i32>} : memref<128x128xf32, #tpu.memory_space<vmem>>, vector<16xf32>,
        %get3A_165 = arith.index_cast %scan3A_150 : i32 to index
        %get3A_166 = arith.constant 32 : index
        %get3A_167 = tpu.vector_load %arg16[%get3A_165, %get3A_166] {strides = array<i32>} : memref<128x128xf32, #tpu.memory_space<vmem>>, vector<16xf32>,
        %mul3A_168 = arith.mulf %get3A_167, %gather3A : vector<16xf32>
        %swap3A_169 = arith.index_cast %scan3A_150 : i32 to index
        %swap3A_170 = arith.constant 32 : index
        %swap3A_171 = tpu.vector_load %arg18[%swap3A_169, %swap3A_170] {strides = array<i32>} : memref<128x128xf32, #tpu.memory_space<vmem>>, vector<16xf32>,
        tpu.vector_store %arg18[%swap3A_169, %swap3A_170], %mul3A_168 {strides = array<i32>} : memref<128x128xf32, #tpu.memory_space<vmem>>, vector<16xf32>,
        %get3A_172 = arith.index_cast %scan3A_150 : i32 to index
        %get3A_173 = arith.constant 48 : index
        %get3A_174 = tpu.vector_load %arg16[%get3A_172, %get3A_173] {strides = array<i32>} : memref<128x128xf32, #tpu.memory_space<vmem>>, vector<16xf32>,
        %mul3A_175 = arith.mulf %get3A_174, %gather3A : vector<16xf32>
        %swap3A_176 = arith.index_cast %scan3A_150 : i32 to index
        %swap3A_177 = arith.constant 48 : index
        %swap3A_178 = tpu.vector_load %arg18[%swap3A_176, %swap3A_177] {strides = array<i32>} : memref<128x128xf32, #tpu.memory_space<vmem>>, vector<16xf32>,
        tpu.vector_store %arg18[%swap3A_176, %swap3A_177], %mul3A_175 {strides = array<i32>} : memref<128x128xf32, #tpu.memory_space<vmem>>, vector<16xf32>,
        %get3A_179 = arith.index_cast %scan3A_150 : i32 to index
        %get3A_180 = arith.constant 64 : index
        %get3A_181 = tpu.vector_load %arg16[%get3A_179, %get3A_180] {strides = array<i32>} : memref<128x128xf32, #tpu.memory_space<vmem>>, vector<16xf32>,
        %mul3A_182 = arith.mulf %get3A_181, %gather3A : vector<16xf32>
        %swap3A_183 = arith.index_cast %scan3A_150 : i32 to index
        %swap3A_184 = arith.constant 64 : index
        %swap3A_185 = tpu.vector_load %arg18[%swap3A_183, %swap3A_184] {strides = array<i32>} : memref<128x128xf32, #tpu.memory_space<vmem>>, vector<16xf32>,
        tpu.vector_store %arg18[%swap3A_183, %swap3A_184], %mul3A_182 {strides = array<i32>} : memref<128x128xf32, #tpu.memory_space<vmem>>, vector<16xf32>,
        %get3A_186 = arith.index_cast %scan3A_150 : i32 to index
        %get3A_187 = arith.constant 80 : index
        %get3A_188 = tpu.vector_load %arg16[%get3A_186, %get3A_187] {strides = array<i32>} : memref<128x128xf32, #tpu.memory_space<vmem>>, vector<16xf32>,
        %mul3A_189 = arith.mulf %get3A_188, %gather3A : vector<16xf32>
        %swap3A_190 = arith.index_cast %scan3A_150 : i32 to index
        %swap3A_191 = arith.constant 80 : index
        %swap3A_192 = tpu.vector_load %arg18[%swap3A_190, %swap3A_191] {strides = array<i32>} : memref<128x128xf32, #tpu.memory_space<vmem>>, vector<16xf32>,
        tpu.vector_store %arg18[%swap3A_190, %swap3A_191], %mul3A_189 {strides = array<i32>} : memref<128x128xf32, #tpu.memory_space<vmem>>, vector<16xf32>,
        %get3A_193 = arith.index_cast %scan3A_150 : i32 to index
        %get3A_194 = arith.constant 96 : index
        %get3A_195 = tpu.vector_load %arg16[%get3A_193, %get3A_194] {strides = array<i32>} : memref<128x128xf32, #tpu.memory_space<vmem>>, vector<16xf32>,
        %mul3A_196 = arith.mulf %get3A_195, %gather3A : vector<16xf32>
        %swap3A_197 = arith.index_cast %scan3A_150 : i32 to index
        %swap3A_198 = arith.constant 96 : index
        %swap3A_199 = tpu.vector_load %arg18[%swap3A_197, %swap3A_198] {strides = array<i32>} : memref<128x128xf32, #tpu.memory_space<vmem>>, vector<16xf32>,
        tpu.vector_store %arg18[%swap3A_197, %swap3A_198], %mul3A_196 {strides = array<i32>} : memref<128x128xf32, #tpu.memory_space<vmem>>, vector<16xf32>,
        %get3A_200 = arith.index_cast %scan3A_150 : i32 to index
        %get3A_201 = arith.constant 112 : index
        %get3A_202 = tpu.vector_load %arg16[%get3A_200, %get3A_201] {strides = array<i32>} : memref<128x128xf32, #tpu.memory_space<vmem>>, vector<16xf32>,
        %mul3A_203 = arith.mulf %get3A_202, %gather3A : vector<16xf32>
        %swap3A_204 = arith.index_cast %scan3A_150 : i32 to index
        %swap3A_205 = arith.constant 112 : index
        %swap3A_206 = tpu.vector_load %arg18[%swap3A_204, %swap3A_205] {strides = array<i32>} : memref<128x128xf32, #tpu.memory_space<vmem>>, vector<16xf32>,
        tpu.vector_store %arg18[%swap3A_204, %swap3A_205], %mul3A_203 {strides = array<i32>} : memref<128x128xf32, #tpu.memory_space<vmem>>, vector<16xf32>,
        %scan3A_207 = arith.constant 0 : i32
        scf.yield %scan3A_207 : i32
      }
      %scan3A_78 = arith.constant 128 : i32
      %dma_start3A_79 = arith.constant 0 : i32
      %dma_start3A_80 = tpu.memref_slice %arg12[%add3A_60, %dma_start3A_79] : memref<40x128xi32, #tpu.memory_space<vmem>> -> memref<1x128xi32, #tpu.memory_space<vmem>>
      %dma_start3A_81 = tpu.memref_squeeze %dma_start3A_80 : memref<1x128xi32, #tpu.memory_space<vmem>> -> memref<128xi32, #tpu.memory_space<vmem>>
      %dma_start3A_82 = arith.constant 0 : i32
      %dma_start3A_83 = arith.constant 0 : i32
      %dma_start3A_84 = tpu.memref_slice %arg20[%dma_start3A_82, %dma_start3A_83] : memref<640x128xf32, #tpu.memory_space<vmem_shared>> -> memref<640x128xf32, #tpu.memory_space<vmem_shared>>
      tpu.enqueue_indirect_dma source(%arg18 : memref<128x128xf32, #tpu.memory_space<vmem>>) target(%dma_start3A_84 : memref<640x128xf32, #tpu.memory_space<vmem_shared>>) offsets(%dma_start3A_81 : memref<128xi32, #tpu.memory_space<vmem>>) semaphore(%arg24 : memref<!tpu.dma_semaphore, #tpu.memory_space<semaphore_mem>>) {add = true}
      %dma_wait3A_85 = arith.constant 0 : i32
      %dma_wait3A_86 = tpu.memref_slice %arg12[%add3A_60, %dma_wait3A_85] : memref<40x128xi32, #tpu.memory_space<vmem>> -> memref<1x128xi32, #tpu.memory_space<vmem>>
      %dma_wait3A_87 = tpu.memref_squeeze %dma_wait3A_86 : memref<1x128xi32, #tpu.memory_space<vmem>> -> memref<128xi32, #tpu.memory_space<vmem>>
      %dma_wait3A_88 = arith.constant 0 : i32
      %dma_wait3A_89 = arith.constant 0 : i32
      %dma_wait3A_90 = tpu.memref_slice %arg21[%dma_wait3A_88, %dma_wait3A_89] : memref<640x128xf32, #tpu.memory_space<vmem_shared>> -> memref<640x128xf32, #tpu.memory_space<vmem_shared>>
      tpu.wait_indirect_dma semaphore(%arg26 : memref<!tpu.dma_semaphore, #tpu.memory_space<semaphore_mem>>) src(%arg16 : memref<128x128xf32, #tpu.memory_space<vmem>>) dst(%dma_wait3A_90 : memref<640x128xf32, #tpu.memory_space<vmem_shared>>)
      %dma_wait3A_91 = arith.constant 0 : i32
      %dma_wait3A_92 = tpu.memref_slice %arg12[%add3A_60, %dma_wait3A_91] : memref<40x128xi32, #tpu.memory_space<vmem>> -> memref<1x128xi32, #tpu.memory_space<vmem>>
      %dma_wait3A_93 = tpu.memref_squeeze %dma_wait3A_92 : memref<1x128xi32, #tpu.memory_space<vmem>> -> memref<128xi32, #tpu.memory_space<vmem>>
      %dma_wait3A_94 = arith.constant 0 : i32
      %dma_wait3A_95 = arith.constant 0 : i32
      %dma_wait3A_96 = tpu.memref_slice %arg20[%dma_wait3A_94, %dma_wait3A_95] : memref<640x128xf32, #tpu.memory_space<vmem_shared>> -> memref<640x128xf32, #tpu.memory_space<vmem_shared>>
      tpu.wait_indirect_dma semaphore(%arg24 : memref<!tpu.dma_semaphore, #tpu.memory_space<semaphore_mem>>) src(%arg18 : memref<128x128xf32, #tpu.memory_space<vmem>>) dst(%dma_wait3A_96 : memref<640x128xf32, #tpu.memory_space<vmem_shared>>)
      %add3A_97 = arith.constant 2 : i32
      %add3A_98 = arith.addi %add3A_60, %add3A_97 : i32
      %lt3A = arith.constant 40 : i32
      %lt3A_99 = arith.cmpi slt, %add3A_98, %lt3A : i32
      %convert_element_type3A = arith.extui %lt3A_99 : i1 to i32
      %cond3A = arith.constant 0 : i32
      %cond3A_100 = arith.cmpi ne, %convert_element_type3A, %cond3A : i32
      scf.if %cond3A_100 {
        %add3A_150 = arith.constant 2 : i32
        %add3A_151 = arith.addi %add3A_60, %add3A_150 : i32
        %dma_start3A_152 = arith.constant 0 : i32
        %dma_start3A_153 = tpu.memref_slice %arg11[%add3A_151, %dma_start3A_152] : memref<40x128xi32, #tpu.memory_space<vmem>> -> memref<1x128xi32, #tpu.memory_space<vmem>>
        %dma_start3A_154 = tpu.memref_squeeze %dma_start3A_153 : memref<1x128xi32, #tpu.memory_space<vmem>> -> memref<128xi32, #tpu.memory_space<vmem>>
        %dma_start3A_155 = arith.constant 0 : i32
        %dma_start3A_156 = arith.constant 0 : i32
        %dma_start3A_157 = tpu.memref_slice %arg7[%dma_start3A_155, %dma_start3A_156] : memref<10240x128xf32, #tpu.memory_space<hbm>> -> memref<10240x128xf32, #tpu.memory_space<hbm>>
        tpu.enqueue_indirect_dma source(%dma_start3A_157 : memref<10240x128xf32, #tpu.memory_space<hbm>>) target(%arg16 : memref<128x128xf32, #tpu.memory_space<vmem>>) offsets(%dma_start3A_154 : memref<128xi32, #tpu.memory_space<vmem>>) semaphore(%arg22 : memref<!tpu.dma_semaphore, #tpu.memory_space<semaphore_mem>>)
      } else {
      }
      %mul3A_101 = arith.constant 2 : i32
      %mul3A_102 = arith.muli %scan3A_55, %mul3A_101 : i32
      %add3A_103 = arith.constant 1 : i32
      %add3A_104 = arith.addi %mul3A_102, %add3A_103 : i32
      %dma_wait3A_105 = arith.constant 0 : i32
      %dma_wait3A_106 = tpu.memref_slice %arg11[%add3A_104, %dma_wait3A_105] : memref<40x128xi32, #tpu.memory_space<vmem>> -> memref<1x128xi32, #tpu.memory_space<vmem>>
      %dma_wait3A_107 = tpu.memref_squeeze %dma_wait3A_106 : memref<1x128xi32, #tpu.memory_space<vmem>> -> memref<128xi32, #tpu.memory_space<vmem>>
      %dma_wait3A_108 = arith.constant 0 : i32
      %dma_wait3A_109 = arith.constant 0 : i32
      %dma_wait3A_110 = tpu.memref_slice %arg7[%dma_wait3A_108, %dma_wait3A_109] : memref<10240x128xf32, #tpu.memory_space<hbm>> -> memref<10240x128xf32, #tpu.memory_space<hbm>>
      tpu.wait_indirect_dma semaphore(%arg23 : memref<!tpu.dma_semaphore, #tpu.memory_space<semaphore_mem>>) src(%dma_wait3A_110 : memref<10240x128xf32, #tpu.memory_space<hbm>>) dst(%arg17 : memref<128x128xf32, #tpu.memory_space<vmem>>)
      %dma_start3A_111 = arith.constant 0 : i32
      %dma_start3A_112 = tpu.memref_slice %arg12[%add3A_104, %dma_start3A_111] : memref<40x128xi32, #tpu.memory_space<vmem>> -> memref<1x128xi32, #tpu.memory_space<vmem>>
      %dma_start3A_113 = tpu.memref_squeeze %dma_start3A_112 : memref<1x128xi32, #tpu.memory_space<vmem>> -> memref<128xi32, #tpu.memory_space<vmem>>
      %dma_start3A_114 = arith.constant 0 : i32
      %dma_start3A_115 = arith.constant 0 : i32
      %dma_start3A_116 = tpu.memref_slice %arg21[%dma_start3A_114, %dma_start3A_115] : memref<640x128xf32, #tpu.memory_space<vmem_shared>> -> memref<640x128xf32, #tpu.memory_space<vmem_shared>>
      tpu.enqueue_indirect_dma source(%arg17 : memref<128x128xf32, #tpu.memory_space<vmem>>) target(%dma_start3A_116 : memref<640x128xf32, #tpu.memory_space<vmem_shared>>) offsets(%dma_start3A_113 : memref<128xi32, #tpu.memory_space<vmem>>) semaphore(%arg27 : memref<!tpu.dma_semaphore, #tpu.memory_space<semaphore_mem>>) {add = true}
      %scan3A_117 = arith.constant 0 : i32
      %scan3A_118 = arith.constant 0 : i32
      %scan3A_119 = arith.constant 128 : i32
      %scan3A_120 = arith.addi %scan3A_118, %scan3A_119 : i32
      %scan3A_121 = arith.constant 1 : i32
      %scan3A_122 = scf.for %scan3A_150 = %scan3A_118 to %scan3A_120 step %scan3A_121 iter_args(%scan3A_151 = %scan3A_117) -> (i32)  : i32 {
        %broadcast_in_dim3A = vector.broadcast %add3A_104 : i32 to vector<16xi32>
        %broadcast_in_dim3A_152 = vector.broadcast %scan3A_150 : i32 to vector<16xi32>
        %gather3A = tpu.vector_load_idx %arg13[%broadcast_in_dim3A, %broadcast_in_dim3A_152] : memref<40x128xf32, #tpu.memory_space<vmem>>[vector<16xi32>, vector<16xi32>], vector<16xf32>,
        %get3A = arith.index_cast %scan3A_150 : i32 to index
        %get3A_153 = arith.constant 0 : index
        %get3A_154 = tpu.vector_load %arg17[%get3A, %get3A_153] {strides = array<i32>} : memref<128x128xf32, #tpu.memory_space<vmem>>, vector<16xf32>,
        %mul3A_155 = arith.mulf %get3A_154, %gather3A : vector<16xf32>
        %swap3A = arith.index_cast %scan3A_150 : i32 to index
        %swap3A_156 = arith.constant 0 : index
        %swap3A_157 = tpu.vector_load %arg19[%swap3A, %swap3A_156] {strides = array<i32>} : memref<128x128xf32, #tpu.memory_space<vmem>>, vector<16xf32>,
        tpu.vector_store %arg19[%swap3A, %swap3A_156], %mul3A_155 {strides = array<i32>} : memref<128x128xf32, #tpu.memory_space<vmem>>, vector<16xf32>,
        %get3A_158 = arith.index_cast %scan3A_150 : i32 to index
        %get3A_159 = arith.constant 16 : index
        %get3A_160 = tpu.vector_load %arg17[%get3A_158, %get3A_159] {strides = array<i32>} : memref<128x128xf32, #tpu.memory_space<vmem>>, vector<16xf32>,
        %mul3A_161 = arith.mulf %get3A_160, %gather3A : vector<16xf32>
        %swap3A_162 = arith.index_cast %scan3A_150 : i32 to index
        %swap3A_163 = arith.constant 16 : index
        %swap3A_164 = tpu.vector_load %arg19[%swap3A_162, %swap3A_163] {strides = array<i32>} : memref<128x128xf32, #tpu.memory_space<vmem>>, vector<16xf32>,
        tpu.vector_store %arg19[%swap3A_162, %swap3A_163], %mul3A_161 {strides = array<i32>} : memref<128x128xf32, #tpu.memory_space<vmem>>, vector<16xf32>,
        %get3A_165 = arith.index_cast %scan3A_150 : i32 to index
        %get3A_166 = arith.constant 32 : index
        %get3A_167 = tpu.vector_load %arg17[%get3A_165, %get3A_166] {strides = array<i32>} : memref<128x128xf32, #tpu.memory_space<vmem>>, vector<16xf32>,
        %mul3A_168 = arith.mulf %get3A_167, %gather3A : vector<16xf32>
        %swap3A_169 = arith.index_cast %scan3A_150 : i32 to index
        %swap3A_170 = arith.constant 32 : index
        %swap3A_171 = tpu.vector_load %arg19[%swap3A_169, %swap3A_170] {strides = array<i32>} : memref<128x128xf32, #tpu.memory_space<vmem>>, vector<16xf32>,
        tpu.vector_store %arg19[%swap3A_169, %swap3A_170], %mul3A_168 {strides = array<i32>} : memref<128x128xf32, #tpu.memory_space<vmem>>, vector<16xf32>,
        %get3A_172 = arith.index_cast %scan3A_150 : i32 to index
        %get3A_173 = arith.constant 48 : index
        %get3A_174 = tpu.vector_load %arg17[%get3A_172, %get3A_173] {strides = array<i32>} : memref<128x128xf32, #tpu.memory_space<vmem>>, vector<16xf32>,
        %mul3A_175 = arith.mulf %get3A_174, %gather3A : vector<16xf32>
        %swap3A_176 = arith.index_cast %scan3A_150 : i32 to index
        %swap3A_177 = arith.constant 48 : index
        %swap3A_178 = tpu.vector_load %arg19[%swap3A_176, %swap3A_177] {strides = array<i32>} : memref<128x128xf32, #tpu.memory_space<vmem>>, vector<16xf32>,
        tpu.vector_store %arg19[%swap3A_176, %swap3A_177], %mul3A_175 {strides = array<i32>} : memref<128x128xf32, #tpu.memory_space<vmem>>, vector<16xf32>,
        %get3A_179 = arith.index_cast %scan3A_150 : i32 to index
        %get3A_180 = arith.constant 64 : index
        %get3A_181 = tpu.vector_load %arg17[%get3A_179, %get3A_180] {strides = array<i32>} : memref<128x128xf32, #tpu.memory_space<vmem>>, vector<16xf32>,
        %mul3A_182 = arith.mulf %get3A_181, %gather3A : vector<16xf32>
        %swap3A_183 = arith.index_cast %scan3A_150 : i32 to index
        %swap3A_184 = arith.constant 64 : index
        %swap3A_185 = tpu.vector_load %arg19[%swap3A_183, %swap3A_184] {strides = array<i32>} : memref<128x128xf32, #tpu.memory_space<vmem>>, vector<16xf32>,
        tpu.vector_store %arg19[%swap3A_183, %swap3A_184], %mul3A_182 {strides = array<i32>} : memref<128x128xf32, #tpu.memory_space<vmem>>, vector<16xf32>,
        %get3A_186 = arith.index_cast %scan3A_150 : i32 to index
        %get3A_187 = arith.constant 80 : index
        %get3A_188 = tpu.vector_load %arg17[%get3A_186, %get3A_187] {strides = array<i32>} : memref<128x128xf32, #tpu.memory_space<vmem>>, vector<16xf32>,
        %mul3A_189 = arith.mulf %get3A_188, %gather3A : vector<16xf32>
        %swap3A_190 = arith.index_cast %scan3A_150 : i32 to index
        %swap3A_191 = arith.constant 80 : index
        %swap3A_192 = tpu.vector_load %arg19[%swap3A_190, %swap3A_191] {strides = array<i32>} : memref<128x128xf32, #tpu.memory_space<vmem>>, vector<16xf32>,
        tpu.vector_store %arg19[%swap3A_190, %swap3A_191], %mul3A_189 {strides = array<i32>} : memref<128x128xf32, #tpu.memory_space<vmem>>, vector<16xf32>,
        %get3A_193 = arith.index_cast %scan3A_150 : i32 to index
        %get3A_194 = arith.constant 96 : index
        %get3A_195 = tpu.vector_load %arg17[%get3A_193, %get3A_194] {strides = array<i32>} : memref<128x128xf32, #tpu.memory_space<vmem>>, vector<16xf32>,
        %mul3A_196 = arith.mulf %get3A_195, %gather3A : vector<16xf32>
        %swap3A_197 = arith.index_cast %scan3A_150 : i32 to index
        %swap3A_198 = arith.constant 96 : index
        %swap3A_199 = tpu.vector_load %arg19[%swap3A_197, %swap3A_198] {strides = array<i32>} : memref<128x128xf32, #tpu.memory_space<vmem>>, vector<16xf32>,
        tpu.vector_store %arg19[%swap3A_197, %swap3A_198], %mul3A_196 {strides = array<i32>} : memref<128x128xf32, #tpu.memory_space<vmem>>, vector<16xf32>,
        %get3A_200 = arith.index_cast %scan3A_150 : i32 to index
        %get3A_201 = arith.constant 112 : index
        %get3A_202 = tpu.vector_load %arg17[%get3A_200, %get3A_201] {strides = array<i32>} : memref<128x128xf32, #tpu.memory_space<vmem>>, vector<16xf32>,
        %mul3A_203 = arith.mulf %get3A_202, %gather3A : vector<16xf32>
        %swap3A_204 = arith.index_cast %scan3A_150 : i32 to index
        %swap3A_205 = arith.constant 112 : index
        %swap3A_206 = tpu.vector_load %arg19[%swap3A_204, %swap3A_205] {strides = array<i32>} : memref<128x128xf32, #tpu.memory_space<vmem>>, vector<16xf32>,
        tpu.vector_store %arg19[%swap3A_204, %swap3A_205], %mul3A_203 {strides = array<i32>} : memref<128x128xf32, #tpu.memory_space<vmem>>, vector<16xf32>,
        %scan3A_207 = arith.constant 0 : i32
        scf.yield %scan3A_207 : i32
      }
      %scan3A_123 = arith.constant 128 : i32
      %dma_start3A_124 = arith.constant 0 : i32
      %dma_start3A_125 = tpu.memref_slice %arg12[%add3A_104, %dma_start3A_124] : memref<40x128xi32, #tpu.memory_space<vmem>> -> memref<1x128xi32, #tpu.memory_space<vmem>>
      %dma_start3A_126 = tpu.memref_squeeze %dma_start3A_125 : memref<1x128xi32, #tpu.memory_space<vmem>> -> memref<128xi32, #tpu.memory_space<vmem>>
      %dma_start3A_127 = arith.constant 0 : i32
      %dma_start3A_128 = arith.constant 0 : i32
      %dma_start3A_129 = tpu.memref_slice %arg20[%dma_start3A_127, %dma_start3A_128] : memref<640x128xf32, #tpu.memory_space<vmem_shared>> -> memref<640x128xf32, #tpu.memory_space<vmem_shared>>
      tpu.enqueue_indirect_dma source(%arg19 : memref<128x128xf32, #tpu.memory_space<vmem>>) target(%dma_start3A_129 : memref<640x128xf32, #tpu.memory_space<vmem_shared>>) offsets(%dma_start3A_126 : memref<128xi32, #tpu.memory_space<vmem>>) semaphore(%arg25 : memref<!tpu.dma_semaphore, #tpu.memory_space<semaphore_mem>>) {add = true}
      %dma_wait3A_130 = arith.constant 0 : i32
      %dma_wait3A_131 = tpu.memref_slice %arg12[%add3A_104, %dma_wait3A_130] : memref<40x128xi32, #tpu.memory_space<vmem>> -> memref<1x128xi32, #tpu.memory_space<vmem>>
      %dma_wait3A_132 = tpu.memref_squeeze %dma_wait3A_131 : memref<1x128xi32, #tpu.memory_space<vmem>> -> memref<128xi32, #tpu.memory_space<vmem>>
      %dma_wait3A_133 = arith.constant 0 : i32
      %dma_wait3A_134 = arith.constant 0 : i32
      %dma_wait3A_135 = tpu.memref_slice %arg21[%dma_wait3A_133, %dma_wait3A_134] : memref<640x128xf32, #tpu.memory_space<vmem_shared>> -> memref<640x128xf32, #tpu.memory_space<vmem_shared>>
      tpu.wait_indirect_dma semaphore(%arg27 : memref<!tpu.dma_semaphore, #tpu.memory_space<semaphore_mem>>) src(%arg17 : memref<128x128xf32, #tpu.memory_space<vmem>>) dst(%dma_wait3A_135 : memref<640x128xf32, #tpu.memory_space<vmem_shared>>)
      %dma_wait3A_136 = arith.constant 0 : i32
      %dma_wait3A_137 = tpu.memref_slice %arg12[%add3A_104, %dma_wait3A_136] : memref<40x128xi32, #tpu.memory_space<vmem>> -> memref<1x128xi32, #tpu.memory_space<vmem>>
      %dma_wait3A_138 = tpu.memref_squeeze %dma_wait3A_137 : memref<1x128xi32, #tpu.memory_space<vmem>> -> memref<128xi32, #tpu.memory_space<vmem>>
      %dma_wait3A_139 = arith.constant 0 : i32
      %dma_wait3A_140 = arith.constant 0 : i32
      %dma_wait3A_141 = tpu.memref_slice %arg20[%dma_wait3A_139, %dma_wait3A_140] : memref<640x128xf32, #tpu.memory_space<vmem_shared>> -> memref<640x128xf32, #tpu.memory_space<vmem_shared>>
      tpu.wait_indirect_dma semaphore(%arg25 : memref<!tpu.dma_semaphore, #tpu.memory_space<semaphore_mem>>) src(%arg19 : memref<128x128xf32, #tpu.memory_space<vmem>>) dst(%dma_wait3A_141 : memref<640x128xf32, #tpu.memory_space<vmem_shared>>)
      %add3A_142 = arith.constant 2 : i32
      %add3A_143 = arith.addi %add3A_104, %add3A_142 : i32
      %lt3A_144 = arith.constant 40 : i32
      %lt3A_145 = arith.cmpi slt, %add3A_143, %lt3A_144 : i32
      %convert_element_type3A_146 = arith.extui %lt3A_145 : i1 to i32
      %cond3A_147 = arith.constant 0 : i32
      %cond3A_148 = arith.cmpi ne, %convert_element_type3A_146, %cond3A_147 : i32
      scf.if %cond3A_148 {
        %add3A_150 = arith.constant 2 : i32
        %add3A_151 = arith.addi %add3A_104, %add3A_150 : i32
        %dma_start3A_152 = arith.constant 0 : i32
        %dma_start3A_153 = tpu.memref_slice %arg11[%add3A_151, %dma_start3A_152] : memref<40x128xi32, #tpu.memory_space<vmem>> -> memref<1x128xi32, #tpu.memory_space<vmem>>
        %dma_start3A_154 = tpu.memref_squeeze %dma_start3A_153 : memref<1x128xi32, #tpu.memory_space<vmem>> -> memref<128xi32, #tpu.memory_space<vmem>>
        %dma_start3A_155 = arith.constant 0 : i32
        %dma_start3A_156 = arith.constant 0 : i32
        %dma_start3A_157 = tpu.memref_slice %arg7[%dma_start3A_155, %dma_start3A_156] : memref<10240x128xf32, #tpu.memory_space<hbm>> -> memref<10240x128xf32, #tpu.memory_space<hbm>>
        tpu.enqueue_indirect_dma source(%dma_start3A_157 : memref<10240x128xf32, #tpu.memory_space<hbm>>) target(%arg17 : memref<128x128xf32, #tpu.memory_space<vmem>>) offsets(%dma_start3A_154 : memref<128xi32, #tpu.memory_space<vmem>>) semaphore(%arg23 : memref<!tpu.dma_semaphore, #tpu.memory_space<semaphore_mem>>)
      } else {
      }
      %scan3A_149 = arith.constant 0 : i32
      scf.yield %scan3A_149 : i32
    }
    %scan3A_44 = arith.constant 20 : i32
    %barrier3A_45 = arith.constant 0 : index
    tpu.barrier barrier_id(%barrier3A_45)
    %barrier3A_46 = arith.constant 0 : index
    tpu.barrier barrier_id(%barrier3A_46)
    %mul3A_47 = arith.constant 40 : i32
    %mul3A_48 = arith.muli %arg1, %mul3A_47 : i32
    %mul3A_49 = arith.constant 40 : i32
    %mul3A_50 = arith.muli %arg1, %mul3A_49 : i32
    "tpu.region"() ({
      %run_scoped3A = tpu.sem_alloc : memref<!tpu.dma_semaphore, #tpu.memory_space<semaphore_mem>>
      %dma_start3A_55 = arith.constant 0 : i32
      %dma_start3A_56 = tpu.memref_slice %arg8[%arg0, %mul3A_50, %dma_start3A_55] : memref<2x640x128xf32, #tpu.memory_space<hbm>> -> memref<1x40x128xf32, #tpu.memory_space<hbm>>
      %dma_start3A_57 = tpu.memref_squeeze %dma_start3A_56 : memref<1x40x128xf32, #tpu.memory_space<hbm>> -> memref<40x128xf32, #tpu.memory_space<hbm>>
      %dma_start3A_58 = arith.constant 0 : i32
      %dma_start3A_59 = tpu.memref_slice %arg20[%mul3A_48, %dma_start3A_58] : memref<640x128xf32, #tpu.memory_space<vmem_shared>> -> memref<40x128xf32, #tpu.memory_space<vmem_shared>>
      tpu.enqueue_dma source(%dma_start3A_59 : memref<40x128xf32, #tpu.memory_space<vmem_shared>>) target(%dma_start3A_57 : memref<40x128xf32, #tpu.memory_space<hbm>>) target_semaphore(%run_scoped3A : memref<!tpu.dma_semaphore, #tpu.memory_space<semaphore_mem>>)
      %dma_wait3A = arith.constant 0 : i32
      %dma_wait3A_60 = tpu.memref_slice %arg8[%arg0, %mul3A_50, %dma_wait3A] : memref<2x640x128xf32, #tpu.memory_space<hbm>> -> memref<1x40x128xf32, #tpu.memory_space<hbm>>
      %dma_wait3A_61 = tpu.memref_squeeze %dma_wait3A_60 : memref<1x40x128xf32, #tpu.memory_space<hbm>> -> memref<40x128xf32, #tpu.memory_space<hbm>>
      %dma_wait3A_62 = arith.constant 0 : i32
      %dma_wait3A_63 = tpu.memref_slice %arg20[%mul3A_48, %dma_wait3A_62] : memref<640x128xf32, #tpu.memory_space<vmem_shared>> -> memref<40x128xf32, #tpu.memory_space<vmem_shared>>
      tpu.wait_dma2 semaphore(%run_scoped3A : memref<!tpu.dma_semaphore, #tpu.memory_space<semaphore_mem>>) src(%dma_wait3A_63 : memref<40x128xf32, #tpu.memory_space<vmem_shared>>) dst(%dma_wait3A_61 : memref<40x128xf32, #tpu.memory_space<hbm>>)
      tpu.yield
    }) : () -> ()
    %mul3A_51 = arith.constant 40 : i32
    %mul3A_52 = arith.muli %arg1, %mul3A_51 : i32
    %mul3A_53 = arith.constant 40 : i32
    %mul3A_54 = arith.muli %arg1, %mul3A_53 : i32
    "tpu.region"() ({
      %run_scoped3A = tpu.sem_alloc : memref<!tpu.dma_semaphore, #tpu.memory_space<semaphore_mem>>
      %dma_start3A_55 = arith.constant 0 : i32
      %dma_start3A_56 = tpu.memref_slice %arg10[%arg0, %mul3A_54, %dma_start3A_55] : memref<2x640x128xf32, #tpu.memory_space<hbm>> -> memref<1x40x128xf32, #tpu.memory_space<hbm>>
      %dma_start3A_57 = tpu.memref_squeeze %dma_start3A_56 : memref<1x40x128xf32, #tpu.memory_space<hbm>> -> memref<40x128xf32, #tpu.memory_space<hbm>>
      %dma_start3A_58 = arith.constant 0 : i32
      %dma_start3A_59 = tpu.memref_slice %arg21[%mul3A_52, %dma_start3A_58] : memref<640x128xf32, #tpu.memory_space<vmem_shared>> -> memref<40x128xf32, #tpu.memory_space<vmem_shared>>
      tpu.enqueue_dma source(%dma_start3A_59 : memref<40x128xf32, #tpu.memory_space<vmem_shared>>) target(%dma_start3A_57 : memref<40x128xf32, #tpu.memory_space<hbm>>) target_semaphore(%run_scoped3A : memref<!tpu.dma_semaphore, #tpu.memory_space<semaphore_mem>>)
      %dma_wait3A = arith.constant 0 : i32
      %dma_wait3A_60 = tpu.memref_slice %arg10[%arg0, %mul3A_54, %dma_wait3A] : memref<2x640x128xf32, #tpu.memory_space<hbm>> -> memref<1x40x128xf32, #tpu.memory_space<hbm>>
      %dma_wait3A_61 = tpu.memref_squeeze %dma_wait3A_60 : memref<1x40x128xf32, #tpu.memory_space<hbm>> -> memref<40x128xf32, #tpu.memory_space<hbm>>
      %dma_wait3A_62 = arith.constant 0 : i32
      %dma_wait3A_63 = tpu.memref_slice %arg21[%mul3A_52, %dma_wait3A_62] : memref<640x128xf32, #tpu.memory_space<vmem_shared>> -> memref<40x128xf32, #tpu.memory_space<vmem_shared>>
      tpu.wait_dma2 semaphore(%run_scoped3A : memref<!tpu.dma_semaphore, #tpu.memory_space<semaphore_mem>>) src(%dma_wait3A_63 : memref<40x128xf32, #tpu.memory_space<vmem_shared>>) dst(%dma_wait3A_61 : memref<40x128xf32, #tpu.memory_space<hbm>>)
      tpu.yield
    }) : () -> ()
    return
  }
}

#map = affine_map<(d0, d1) -> (0, 0, 0)>
#map1 = affine_map<(d0, d1) -> (0, 0)>
module attributes {stable_mosaic.version = 14 : i64} {
  func.func @_sc5_body(%arg0: i32, %arg1: i32, %arg2: memref<32x40x128xi32, #tpu.memory_space<hbm>>, %arg3: memref<32x40x128xi32, #tpu.memory_space<hbm>>, %arg4: memref<32x40x128xf32, #tpu.memory_space<hbm>>, %arg5: memref<640x128xf32, #tpu.memory_space<hbm>>, %arg6: memref<2x10240x128xf32, #tpu.memory_space<hbm>>, %arg7: memref<40x128xi32, #tpu.memory_space<vmem>>, %arg8: memref<40x128xi32, #tpu.memory_space<vmem>>, %arg9: memref<40x128xf32, #tpu.memory_space<vmem>>, %arg10: memref<128x128xf32, #tpu.memory_space<vmem>>, %arg11: memref<128x128xf32, #tpu.memory_space<vmem>>, %arg12: memref<10240x128xf32, #tpu.memory_space<vmem_shared>>, %arg13: memref<!tpu.dma_semaphore, #tpu.memory_space<semaphore_mem>>, %arg14: memref<!tpu.dma_semaphore, #tpu.memory_space<semaphore_mem>>, %arg15: memref<!tpu.dma_semaphore, #tpu.memory_space<semaphore_mem>>, %arg16: memref<!tpu.dma_semaphore, #tpu.memory_space<semaphore_mem>>) attributes {dimension_semantics = [#tpu.dimension_semantics<core_parallel>, #tpu.dimension_semantics<subcore_parallel>], iteration_bounds = array<i64: 2, 16>, scalar_prefetch = 0 : i64, scratch_operands = 10 : i64, tpu.core_type = #tpu.core_type<sc_vector_subcore>, window_params = [{transform_indices = #map}, {transform_indices = #map}, {transform_indices = #map}, {transform_indices = #map1}, {transform_indices = #map}]} {
    %mul3A = arith.constant 2 : i32
    %mul3A_0 = arith.muli %arg1, %mul3A : i32
    %add3A = arith.addi %mul3A_0, %arg0 : i32
    %scan3A = arith.constant 0 : i32
    %scan3A_1 = arith.constant 0 : i32
    %scan3A_2 = arith.constant 128 : i32
    %scan3A_3 = arith.addi %scan3A_1, %scan3A_2 : i32
    %scan3A_4 = arith.constant 1 : i32
    %scan3A_5 = scf.for %scan3A_53 = %scan3A_1 to %scan3A_3 step %scan3A_4 iter_args(%scan3A_54 = %scan3A) -> (i32)  : i32 {
      %broadcast_in_dim3A = arith.constant 0.000000e+00 : f32
      %broadcast_in_dim3A_55 = vector.broadcast %broadcast_in_dim3A : f32 to vector<16xf32>
      %swap3A = arith.index_cast %scan3A_53 : i32 to index
      %swap3A_56 = arith.constant 0 : index
      %swap3A_57 = tpu.vector_load %arg10[%swap3A, %swap3A_56] {strides = array<i32>} : memref<128x128xf32, #tpu.memory_space<vmem>>, vector<16xf32>,
      tpu.vector_store %arg10[%swap3A, %swap3A_56], %broadcast_in_dim3A_55 {strides = array<i32>} : memref<128x128xf32, #tpu.memory_space<vmem>>, vector<16xf32>,
      %broadcast_in_dim3A_58 = arith.constant 0.000000e+00 : f32
      %broadcast_in_dim3A_59 = vector.broadcast %broadcast_in_dim3A_58 : f32 to vector<16xf32>
      %swap3A_60 = arith.index_cast %scan3A_53 : i32 to index
      %swap3A_61 = arith.constant 16 : index
      %swap3A_62 = tpu.vector_load %arg10[%swap3A_60, %swap3A_61] {strides = array<i32>} : memref<128x128xf32, #tpu.memory_space<vmem>>, vector<16xf32>,
      tpu.vector_store %arg10[%swap3A_60, %swap3A_61], %broadcast_in_dim3A_59 {strides = array<i32>} : memref<128x128xf32, #tpu.memory_space<vmem>>, vector<16xf32>,
      %broadcast_in_dim3A_63 = arith.constant 0.000000e+00 : f32
      %broadcast_in_dim3A_64 = vector.broadcast %broadcast_in_dim3A_63 : f32 to vector<16xf32>
      %swap3A_65 = arith.index_cast %scan3A_53 : i32 to index
      %swap3A_66 = arith.constant 32 : index
      %swap3A_67 = tpu.vector_load %arg10[%swap3A_65, %swap3A_66] {strides = array<i32>} : memref<128x128xf32, #tpu.memory_space<vmem>>, vector<16xf32>,
      tpu.vector_store %arg10[%swap3A_65, %swap3A_66], %broadcast_in_dim3A_64 {strides = array<i32>} : memref<128x128xf32, #tpu.memory_space<vmem>>, vector<16xf32>,
      %broadcast_in_dim3A_68 = arith.constant 0.000000e+00 : f32
      %broadcast_in_dim3A_69 = vector.broadcast %broadcast_in_dim3A_68 : f32 to vector<16xf32>
      %swap3A_70 = arith.index_cast %scan3A_53 : i32 to index
      %swap3A_71 = arith.constant 48 : index
      %swap3A_72 = tpu.vector_load %arg10[%swap3A_70, %swap3A_71] {strides = array<i32>} : memref<128x128xf32, #tpu.memory_space<vmem>>, vector<16xf32>,
      tpu.vector_store %arg10[%swap3A_70, %swap3A_71], %broadcast_in_dim3A_69 {strides = array<i32>} : memref<128x128xf32, #tpu.memory_space<vmem>>, vector<16xf32>,
      %broadcast_in_dim3A_73 = arith.constant 0.000000e+00 : f32
      %broadcast_in_dim3A_74 = vector.broadcast %broadcast_in_dim3A_73 : f32 to vector<16xf32>
      %swap3A_75 = arith.index_cast %scan3A_53 : i32 to index
      %swap3A_76 = arith.constant 64 : index
      %swap3A_77 = tpu.vector_load %arg10[%swap3A_75, %swap3A_76] {strides = array<i32>} : memref<128x128xf32, #tpu.memory_space<vmem>>, vector<16xf32>,
      tpu.vector_store %arg10[%swap3A_75, %swap3A_76], %broadcast_in_dim3A_74 {strides = array<i32>} : memref<128x128xf32, #tpu.memory_space<vmem>>, vector<16xf32>,
      %broadcast_in_dim3A_78 = arith.constant 0.000000e+00 : f32
      %broadcast_in_dim3A_79 = vector.broadcast %broadcast_in_dim3A_78 : f32 to vector<16xf32>
      %swap3A_80 = arith.index_cast %scan3A_53 : i32 to index
      %swap3A_81 = arith.constant 80 : index
      %swap3A_82 = tpu.vector_load %arg10[%swap3A_80, %swap3A_81] {strides = array<i32>} : memref<128x128xf32, #tpu.memory_space<vmem>>, vector<16xf32>,
      tpu.vector_store %arg10[%swap3A_80, %swap3A_81], %broadcast_in_dim3A_79 {strides = array<i32>} : memref<128x128xf32, #tpu.memory_space<vmem>>, vector<16xf32>,
      %broadcast_in_dim3A_83 = arith.constant 0.000000e+00 : f32
      %broadcast_in_dim3A_84 = vector.broadcast %broadcast_in_dim3A_83 : f32 to vector<16xf32>
      %swap3A_85 = arith.index_cast %scan3A_53 : i32 to index
      %swap3A_86 = arith.constant 96 : index
      %swap3A_87 = tpu.vector_load %arg10[%swap3A_85, %swap3A_86] {strides = array<i32>} : memref<128x128xf32, #tpu.memory_space<vmem>>, vector<16xf32>,
      tpu.vector_store %arg10[%swap3A_85, %swap3A_86], %broadcast_in_dim3A_84 {strides = array<i32>} : memref<128x128xf32, #tpu.memory_space<vmem>>, vector<16xf32>,
      %broadcast_in_dim3A_88 = arith.constant 0.000000e+00 : f32
      %broadcast_in_dim3A_89 = vector.broadcast %broadcast_in_dim3A_88 : f32 to vector<16xf32>
      %swap3A_90 = arith.index_cast %scan3A_53 : i32 to index
      %swap3A_91 = arith.constant 112 : index
      %swap3A_92 = tpu.vector_load %arg10[%swap3A_90, %swap3A_91] {strides = array<i32>} : memref<128x128xf32, #tpu.memory_space<vmem>>, vector<16xf32>,
      tpu.vector_store %arg10[%swap3A_90, %swap3A_91], %broadcast_in_dim3A_89 {strides = array<i32>} : memref<128x128xf32, #tpu.memory_space<vmem>>, vector<16xf32>,
      %scan3A_93 = arith.constant 0 : i32
      scf.yield %scan3A_93 : i32
    }
    %scan3A_6 = arith.constant 128 : i32
    %mul3A_7 = arith.constant 640 : i32
    %mul3A_8 = arith.muli %arg1, %mul3A_7 : i32
    %add3A_9 = arith.constant 0 : i32
    %add3A_10 = arith.addi %mul3A_8, %add3A_9 : i32
    "tpu.region"() ({
      %run_scoped3A = tpu.sem_alloc : memref<!tpu.dma_semaphore, #tpu.memory_space<semaphore_mem>>
      %dma_start3A_53 = arith.constant 0 : i32
      %dma_start3A_54 = tpu.memref_slice %arg12[%add3A_10, %dma_start3A_53] : memref<10240x128xf32, #tpu.memory_space<vmem_shared>> -> memref<128x128xf32, #tpu.memory_space<vmem_shared>>
      %dma_start3A_55 = arith.constant 0 : i32
      %dma_start3A_56 = tpu.memref_slice %arg12[%add3A_10, %dma_start3A_55] : memref<10240x128xf32, #tpu.memory_space<vmem_shared>> -> memref<128x128xf32, #tpu.memory_space<vmem_shared>>
      tpu.enqueue_dma source(%arg10 : memref<128x128xf32, #tpu.memory_space<vmem>>) target(%dma_start3A_56 : memref<128x128xf32, #tpu.memory_space<vmem_shared>>) target_semaphore(%run_scoped3A : memref<!tpu.dma_semaphore, #tpu.memory_space<semaphore_mem>>)
      %dma_wait3A = arith.constant 0 : i32
      %dma_wait3A_57 = tpu.memref_slice %arg12[%add3A_10, %dma_wait3A] : memref<10240x128xf32, #tpu.memory_space<vmem_shared>> -> memref<128x128xf32, #tpu.memory_space<vmem_shared>>
      %dma_wait3A_58 = arith.constant 0 : i32
      %dma_wait3A_59 = tpu.memref_slice %arg12[%add3A_10, %dma_wait3A_58] : memref<10240x128xf32, #tpu.memory_space<vmem_shared>> -> memref<128x128xf32, #tpu.memory_space<vmem_shared>>
      tpu.wait_dma2 semaphore(%run_scoped3A : memref<!tpu.dma_semaphore, #tpu.memory_space<semaphore_mem>>) src(%arg10 : memref<128x128xf32, #tpu.memory_space<vmem>>) dst(%dma_wait3A_59 : memref<128x128xf32, #tpu.memory_space<vmem_shared>>)
      tpu.yield
    }) : () -> ()
    %mul3A_11 = arith.constant 640 : i32
    %mul3A_12 = arith.muli %arg1, %mul3A_11 : i32
    %add3A_13 = arith.constant 128 : i32
    %add3A_14 = arith.addi %mul3A_12, %add3A_13 : i32
    "tpu.region"() ({
      %run_scoped3A = tpu.sem_alloc : memref<!tpu.dma_semaphore, #tpu.memory_space<semaphore_mem>>
      %dma_start3A_53 = arith.constant 0 : i32
      %dma_start3A_54 = tpu.memref_slice %arg12[%add3A_14, %dma_start3A_53] : memref<10240x128xf32, #tpu.memory_space<vmem_shared>> -> memref<128x128xf32, #tpu.memory_space<vmem_shared>>
      %dma_start3A_55 = arith.constant 0 : i32
      %dma_start3A_56 = tpu.memref_slice %arg12[%add3A_14, %dma_start3A_55] : memref<10240x128xf32, #tpu.memory_space<vmem_shared>> -> memref<128x128xf32, #tpu.memory_space<vmem_shared>>
      tpu.enqueue_dma source(%arg10 : memref<128x128xf32, #tpu.memory_space<vmem>>) target(%dma_start3A_56 : memref<128x128xf32, #tpu.memory_space<vmem_shared>>) target_semaphore(%run_scoped3A : memref<!tpu.dma_semaphore, #tpu.memory_space<semaphore_mem>>)
      %dma_wait3A = arith.constant 0 : i32
      %dma_wait3A_57 = tpu.memref_slice %arg12[%add3A_14, %dma_wait3A] : memref<10240x128xf32, #tpu.memory_space<vmem_shared>> -> memref<128x128xf32, #tpu.memory_space<vmem_shared>>
      %dma_wait3A_58 = arith.constant 0 : i32
      %dma_wait3A_59 = tpu.memref_slice %arg12[%add3A_14, %dma_wait3A_58] : memref<10240x128xf32, #tpu.memory_space<vmem_shared>> -> memref<128x128xf32, #tpu.memory_space<vmem_shared>>
      tpu.wait_dma2 semaphore(%run_scoped3A : memref<!tpu.dma_semaphore, #tpu.memory_space<semaphore_mem>>) src(%arg10 : memref<128x128xf32, #tpu.memory_space<vmem>>) dst(%dma_wait3A_59 : memref<128x128xf32, #tpu.memory_space<vmem_shared>>)
      tpu.yield
    }) : () -> ()
    %mul3A_15 = arith.constant 640 : i32
    %mul3A_16 = arith.muli %arg1, %mul3A_15 : i32
    %add3A_17 = arith.constant 256 : i32
    %add3A_18 = arith.addi %mul3A_16, %add3A_17 : i32
    "tpu.region"() ({
      %run_scoped3A = tpu.sem_alloc : memref<!tpu.dma_semaphore, #tpu.memory_space<semaphore_mem>>
      %dma_start3A_53 = arith.constant 0 : i32
      %dma_start3A_54 = tpu.memref_slice %arg12[%add3A_18, %dma_start3A_53] : memref<10240x128xf32, #tpu.memory_space<vmem_shared>> -> memref<128x128xf32, #tpu.memory_space<vmem_shared>>
      %dma_start3A_55 = arith.constant 0 : i32
      %dma_start3A_56 = tpu.memref_slice %arg12[%add3A_18, %dma_start3A_55] : memref<10240x128xf32, #tpu.memory_space<vmem_shared>> -> memref<128x128xf32, #tpu.memory_space<vmem_shared>>
      tpu.enqueue_dma source(%arg10 : memref<128x128xf32, #tpu.memory_space<vmem>>) target(%dma_start3A_56 : memref<128x128xf32, #tpu.memory_space<vmem_shared>>) target_semaphore(%run_scoped3A : memref<!tpu.dma_semaphore, #tpu.memory_space<semaphore_mem>>)
      %dma_wait3A = arith.constant 0 : i32
      %dma_wait3A_57 = tpu.memref_slice %arg12[%add3A_18, %dma_wait3A] : memref<10240x128xf32, #tpu.memory_space<vmem_shared>> -> memref<128x128xf32, #tpu.memory_space<vmem_shared>>
      %dma_wait3A_58 = arith.constant 0 : i32
      %dma_wait3A_59 = tpu.memref_slice %arg12[%add3A_18, %dma_wait3A_58] : memref<10240x128xf32, #tpu.memory_space<vmem_shared>> -> memref<128x128xf32, #tpu.memory_space<vmem_shared>>
      tpu.wait_dma2 semaphore(%run_scoped3A : memref<!tpu.dma_semaphore, #tpu.memory_space<semaphore_mem>>) src(%arg10 : memref<128x128xf32, #tpu.memory_space<vmem>>) dst(%dma_wait3A_59 : memref<128x128xf32, #tpu.memory_space<vmem_shared>>)
      tpu.yield
    }) : () -> ()
    %mul3A_19 = arith.constant 640 : i32
    %mul3A_20 = arith.muli %arg1, %mul3A_19 : i32
    %add3A_21 = arith.constant 384 : i32
    %add3A_22 = arith.addi %mul3A_20, %add3A_21 : i32
    "tpu.region"() ({
      %run_scoped3A = tpu.sem_alloc : memref<!tpu.dma_semaphore, #tpu.memory_space<semaphore_mem>>
      %dma_start3A_53 = arith.constant 0 : i32
      %dma_start3A_54 = tpu.memref_slice %arg12[%add3A_22, %dma_start3A_53] : memref<10240x128xf32, #tpu.memory_space<vmem_shared>> -> memref<128x128xf32, #tpu.memory_space<vmem_shared>>
      %dma_start3A_55 = arith.constant 0 : i32
      %dma_start3A_56 = tpu.memref_slice %arg12[%add3A_22, %dma_start3A_55] : memref<10240x128xf32, #tpu.memory_space<vmem_shared>> -> memref<128x128xf32, #tpu.memory_space<vmem_shared>>
      tpu.enqueue_dma source(%arg10 : memref<128x128xf32, #tpu.memory_space<vmem>>) target(%dma_start3A_56 : memref<128x128xf32, #tpu.memory_space<vmem_shared>>) target_semaphore(%run_scoped3A : memref<!tpu.dma_semaphore, #tpu.memory_space<semaphore_mem>>)
      %dma_wait3A = arith.constant 0 : i32
      %dma_wait3A_57 = tpu.memref_slice %arg12[%add3A_22, %dma_wait3A] : memref<10240x128xf32, #tpu.memory_space<vmem_shared>> -> memref<128x128xf32, #tpu.memory_space<vmem_shared>>
      %dma_wait3A_58 = arith.constant 0 : i32
      %dma_wait3A_59 = tpu.memref_slice %arg12[%add3A_22, %dma_wait3A_58] : memref<10240x128xf32, #tpu.memory_space<vmem_shared>> -> memref<128x128xf32, #tpu.memory_space<vmem_shared>>
      tpu.wait_dma2 semaphore(%run_scoped3A : memref<!tpu.dma_semaphore, #tpu.memory_space<semaphore_mem>>) src(%arg10 : memref<128x128xf32, #tpu.memory_space<vmem>>) dst(%dma_wait3A_59 : memref<128x128xf32, #tpu.memory_space<vmem_shared>>)
      tpu.yield
    }) : () -> ()
    %mul3A_23 = arith.constant 640 : i32
    %mul3A_24 = arith.muli %arg1, %mul3A_23 : i32
    %add3A_25 = arith.constant 512 : i32
    %add3A_26 = arith.addi %mul3A_24, %add3A_25 : i32
    "tpu.region"() ({
      %run_scoped3A = tpu.sem_alloc : memref<!tpu.dma_semaphore, #tpu.memory_space<semaphore_mem>>
      %dma_start3A_53 = arith.constant 0 : i32
      %dma_start3A_54 = tpu.memref_slice %arg12[%add3A_26, %dma_start3A_53] : memref<10240x128xf32, #tpu.memory_space<vmem_shared>> -> memref<128x128xf32, #tpu.memory_space<vmem_shared>>
      %dma_start3A_55 = arith.constant 0 : i32
      %dma_start3A_56 = tpu.memref_slice %arg12[%add3A_26, %dma_start3A_55] : memref<10240x128xf32, #tpu.memory_space<vmem_shared>> -> memref<128x128xf32, #tpu.memory_space<vmem_shared>>
      tpu.enqueue_dma source(%arg10 : memref<128x128xf32, #tpu.memory_space<vmem>>) target(%dma_start3A_56 : memref<128x128xf32, #tpu.memory_space<vmem_shared>>) target_semaphore(%run_scoped3A : memref<!tpu.dma_semaphore, #tpu.memory_space<semaphore_mem>>)
      %dma_wait3A = arith.constant 0 : i32
      %dma_wait3A_57 = tpu.memref_slice %arg12[%add3A_26, %dma_wait3A] : memref<10240x128xf32, #tpu.memory_space<vmem_shared>> -> memref<128x128xf32, #tpu.memory_space<vmem_shared>>
      %dma_wait3A_58 = arith.constant 0 : i32
      %dma_wait3A_59 = tpu.memref_slice %arg12[%add3A_26, %dma_wait3A_58] : memref<10240x128xf32, #tpu.memory_space<vmem_shared>> -> memref<128x128xf32, #tpu.memory_space<vmem_shared>>
      tpu.wait_dma2 semaphore(%run_scoped3A : memref<!tpu.dma_semaphore, #tpu.memory_space<semaphore_mem>>) src(%arg10 : memref<128x128xf32, #tpu.memory_space<vmem>>) dst(%dma_wait3A_59 : memref<128x128xf32, #tpu.memory_space<vmem_shared>>)
      tpu.yield
    }) : () -> ()
    "tpu.region"() ({
      %run_scoped3A = tpu.sem_alloc : memref<!tpu.dma_semaphore, #tpu.memory_space<semaphore_mem>>
      %dma_start3A_53 = arith.constant 0 : i32
      %dma_start3A_54 = arith.constant 0 : i32
      %dma_start3A_55 = tpu.memref_slice %arg2[%add3A, %dma_start3A_53, %dma_start3A_54] : memref<32x40x128xi32, #tpu.memory_space<hbm>> -> memref<1x40x128xi32, #tpu.memory_space<hbm>>
      %dma_start3A_56 = tpu.memref_squeeze %dma_start3A_55 : memref<1x40x128xi32, #tpu.memory_space<hbm>> -> memref<40x128xi32, #tpu.memory_space<hbm>>
      %dma_start3A_57 = arith.constant 0 : i32
      %dma_start3A_58 = arith.constant 0 : i32
      %dma_start3A_59 = tpu.memref_slice %arg2[%add3A, %dma_start3A_57, %dma_start3A_58] : memref<32x40x128xi32, #tpu.memory_space<hbm>> -> memref<1x40x128xi32, #tpu.memory_space<hbm>>
      %dma_start3A_60 = tpu.memref_squeeze %dma_start3A_59 : memref<1x40x128xi32, #tpu.memory_space<hbm>> -> memref<40x128xi32, #tpu.memory_space<hbm>>
      tpu.enqueue_dma source(%dma_start3A_60 : memref<40x128xi32, #tpu.memory_space<hbm>>) target(%arg7 : memref<40x128xi32, #tpu.memory_space<vmem>>) target_semaphore(%run_scoped3A : memref<!tpu.dma_semaphore, #tpu.memory_space<semaphore_mem>>)
      %dma_wait3A = arith.constant 0 : i32
      %dma_wait3A_61 = arith.constant 0 : i32
      %dma_wait3A_62 = tpu.memref_slice %arg2[%add3A, %dma_wait3A, %dma_wait3A_61] : memref<32x40x128xi32, #tpu.memory_space<hbm>> -> memref<1x40x128xi32, #tpu.memory_space<hbm>>
      %dma_wait3A_63 = tpu.memref_squeeze %dma_wait3A_62 : memref<1x40x128xi32, #tpu.memory_space<hbm>> -> memref<40x128xi32, #tpu.memory_space<hbm>>
      %dma_wait3A_64 = arith.constant 0 : i32
      %dma_wait3A_65 = arith.constant 0 : i32
      %dma_wait3A_66 = tpu.memref_slice %arg2[%add3A, %dma_wait3A_64, %dma_wait3A_65] : memref<32x40x128xi32, #tpu.memory_space<hbm>> -> memref<1x40x128xi32, #tpu.memory_space<hbm>>
      %dma_wait3A_67 = tpu.memref_squeeze %dma_wait3A_66 : memref<1x40x128xi32, #tpu.memory_space<hbm>> -> memref<40x128xi32, #tpu.memory_space<hbm>>
      tpu.wait_dma2 semaphore(%run_scoped3A : memref<!tpu.dma_semaphore, #tpu.memory_space<semaphore_mem>>) src(%dma_wait3A_67 : memref<40x128xi32, #tpu.memory_space<hbm>>) dst(%arg7 : memref<40x128xi32, #tpu.memory_space<vmem>>)
      tpu.yield
    }) : () -> ()
    "tpu.region"() ({
      %run_scoped3A = tpu.sem_alloc : memref<!tpu.dma_semaphore, #tpu.memory_space<semaphore_mem>>
      %dma_start3A_53 = arith.constant 0 : i32
      %dma_start3A_54 = arith.constant 0 : i32
      %dma_start3A_55 = tpu.memref_slice %arg3[%add3A, %dma_start3A_53, %dma_start3A_54] : memref<32x40x128xi32, #tpu.memory_space<hbm>> -> memref<1x40x128xi32, #tpu.memory_space<hbm>>
      %dma_start3A_56 = tpu.memref_squeeze %dma_start3A_55 : memref<1x40x128xi32, #tpu.memory_space<hbm>> -> memref<40x128xi32, #tpu.memory_space<hbm>>
      %dma_start3A_57 = arith.constant 0 : i32
      %dma_start3A_58 = arith.constant 0 : i32
      %dma_start3A_59 = tpu.memref_slice %arg3[%add3A, %dma_start3A_57, %dma_start3A_58] : memref<32x40x128xi32, #tpu.memory_space<hbm>> -> memref<1x40x128xi32, #tpu.memory_space<hbm>>
      %dma_start3A_60 = tpu.memref_squeeze %dma_start3A_59 : memref<1x40x128xi32, #tpu.memory_space<hbm>> -> memref<40x128xi32, #tpu.memory_space<hbm>>
      tpu.enqueue_dma source(%dma_start3A_60 : memref<40x128xi32, #tpu.memory_space<hbm>>) target(%arg8 : memref<40x128xi32, #tpu.memory_space<vmem>>) target_semaphore(%run_scoped3A : memref<!tpu.dma_semaphore, #tpu.memory_space<semaphore_mem>>)
      %dma_wait3A = arith.constant 0 : i32
      %dma_wait3A_61 = arith.constant 0 : i32
      %dma_wait3A_62 = tpu.memref_slice %arg3[%add3A, %dma_wait3A, %dma_wait3A_61] : memref<32x40x128xi32, #tpu.memory_space<hbm>> -> memref<1x40x128xi32, #tpu.memory_space<hbm>>
      %dma_wait3A_63 = tpu.memref_squeeze %dma_wait3A_62 : memref<1x40x128xi32, #tpu.memory_space<hbm>> -> memref<40x128xi32, #tpu.memory_space<hbm>>
      %dma_wait3A_64 = arith.constant 0 : i32
      %dma_wait3A_65 = arith.constant 0 : i32
      %dma_wait3A_66 = tpu.memref_slice %arg3[%add3A, %dma_wait3A_64, %dma_wait3A_65] : memref<32x40x128xi32, #tpu.memory_space<hbm>> -> memref<1x40x128xi32, #tpu.memory_space<hbm>>
      %dma_wait3A_67 = tpu.memref_squeeze %dma_wait3A_66 : memref<1x40x128xi32, #tpu.memory_space<hbm>> -> memref<40x128xi32, #tpu.memory_space<hbm>>
      tpu.wait_dma2 semaphore(%run_scoped3A : memref<!tpu.dma_semaphore, #tpu.memory_space<semaphore_mem>>) src(%dma_wait3A_67 : memref<40x128xi32, #tpu.memory_space<hbm>>) dst(%arg8 : memref<40x128xi32, #tpu.memory_space<vmem>>)
      tpu.yield
    }) : () -> ()
    "tpu.region"() ({
      %run_scoped3A = tpu.sem_alloc : memref<!tpu.dma_semaphore, #tpu.memory_space<semaphore_mem>>
      %dma_start3A_53 = arith.constant 0 : i32
      %dma_start3A_54 = arith.constant 0 : i32
      %dma_start3A_55 = tpu.memref_slice %arg4[%add3A, %dma_start3A_53, %dma_start3A_54] : memref<32x40x128xf32, #tpu.memory_space<hbm>> -> memref<1x40x128xf32, #tpu.memory_space<hbm>>
      %dma_start3A_56 = tpu.memref_squeeze %dma_start3A_55 : memref<1x40x128xf32, #tpu.memory_space<hbm>> -> memref<40x128xf32, #tpu.memory_space<hbm>>
      %dma_start3A_57 = arith.constant 0 : i32
      %dma_start3A_58 = arith.constant 0 : i32
      %dma_start3A_59 = tpu.memref_slice %arg4[%add3A, %dma_start3A_57, %dma_start3A_58] : memref<32x40x128xf32, #tpu.memory_space<hbm>> -> memref<1x40x128xf32, #tpu.memory_space<hbm>>
      %dma_start3A_60 = tpu.memref_squeeze %dma_start3A_59 : memref<1x40x128xf32, #tpu.memory_space<hbm>> -> memref<40x128xf32, #tpu.memory_space<hbm>>
      tpu.enqueue_dma source(%dma_start3A_60 : memref<40x128xf32, #tpu.memory_space<hbm>>) target(%arg9 : memref<40x128xf32, #tpu.memory_space<vmem>>) target_semaphore(%run_scoped3A : memref<!tpu.dma_semaphore, #tpu.memory_space<semaphore_mem>>)
      %dma_wait3A = arith.constant 0 : i32
      %dma_wait3A_61 = arith.constant 0 : i32
      %dma_wait3A_62 = tpu.memref_slice %arg4[%add3A, %dma_wait3A, %dma_wait3A_61] : memref<32x40x128xf32, #tpu.memory_space<hbm>> -> memref<1x40x128xf32, #tpu.memory_space<hbm>>
      %dma_wait3A_63 = tpu.memref_squeeze %dma_wait3A_62 : memref<1x40x128xf32, #tpu.memory_space<hbm>> -> memref<40x128xf32, #tpu.memory_space<hbm>>
      %dma_wait3A_64 = arith.constant 0 : i32
      %dma_wait3A_65 = arith.constant 0 : i32
      %dma_wait3A_66 = tpu.memref_slice %arg4[%add3A, %dma_wait3A_64, %dma_wait3A_65] : memref<32x40x128xf32, #tpu.memory_space<hbm>> -> memref<1x40x128xf32, #tpu.memory_space<hbm>>
      %dma_wait3A_67 = tpu.memref_squeeze %dma_wait3A_66 : memref<1x40x128xf32, #tpu.memory_space<hbm>> -> memref<40x128xf32, #tpu.memory_space<hbm>>
      tpu.wait_dma2 semaphore(%run_scoped3A : memref<!tpu.dma_semaphore, #tpu.memory_space<semaphore_mem>>) src(%dma_wait3A_67 : memref<40x128xf32, #tpu.memory_space<hbm>>) dst(%arg9 : memref<40x128xf32, #tpu.memory_space<vmem>>)
      tpu.yield
    }) : () -> ()
    %barrier3A = arith.constant 0 : index
    tpu.barrier barrier_id(%barrier3A)
    %dma_start3A = arith.constant 0 : i32
    %dma_start3A_27 = arith.constant 0 : i32
    %dma_start3A_28 = tpu.memref_slice %arg8[%dma_start3A, %dma_start3A_27] : memref<40x128xi32, #tpu.memory_space<vmem>> -> memref<1x128xi32, #tpu.memory_space<vmem>>
    %dma_start3A_29 = tpu.memref_squeeze %dma_start3A_28 : memref<1x128xi32, #tpu.memory_space<vmem>> -> memref<128xi32, #tpu.memory_space<vmem>>
    %dma_start3A_30 = arith.constant 0 : i32
    %dma_start3A_31 = arith.constant 0 : i32
    %dma_start3A_32 = tpu.memref_slice %arg5[%dma_start3A_30, %dma_start3A_31] : memref<640x128xf32, #tpu.memory_space<hbm>> -> memref<640x128xf32, #tpu.memory_space<hbm>>
    tpu.enqueue_indirect_dma source(%dma_start3A_32 : memref<640x128xf32, #tpu.memory_space<hbm>>) target(%arg10 : memref<128x128xf32, #tpu.memory_space<vmem>>) offsets(%dma_start3A_29 : memref<128xi32, #tpu.memory_space<vmem>>) semaphore(%arg13 : memref<!tpu.dma_semaphore, #tpu.memory_space<semaphore_mem>>)
    %dma_start3A_33 = arith.constant 1 : i32
    %dma_start3A_34 = arith.constant 0 : i32
    %dma_start3A_35 = tpu.memref_slice %arg8[%dma_start3A_33, %dma_start3A_34] : memref<40x128xi32, #tpu.memory_space<vmem>> -> memref<1x128xi32, #tpu.memory_space<vmem>>
    %dma_start3A_36 = tpu.memref_squeeze %dma_start3A_35 : memref<1x128xi32, #tpu.memory_space<vmem>> -> memref<128xi32, #tpu.memory_space<vmem>>
    %dma_start3A_37 = arith.constant 0 : i32
    %dma_start3A_38 = arith.constant 0 : i32
    %dma_start3A_39 = tpu.memref_slice %arg5[%dma_start3A_37, %dma_start3A_38] : memref<640x128xf32, #tpu.memory_space<hbm>> -> memref<640x128xf32, #tpu.memory_space<hbm>>
    tpu.enqueue_indirect_dma source(%dma_start3A_39 : memref<640x128xf32, #tpu.memory_space<hbm>>) target(%arg11 : memref<128x128xf32, #tpu.memory_space<vmem>>) offsets(%dma_start3A_36 : memref<128xi32, #tpu.memory_space<vmem>>) semaphore(%arg14 : memref<!tpu.dma_semaphore, #tpu.memory_space<semaphore_mem>>)
    %scan3A_40 = arith.constant 0 : i32
    %scan3A_41 = arith.constant 0 : i32
    %scan3A_42 = arith.constant 20 : i32
    %scan3A_43 = arith.addi %scan3A_41, %scan3A_42 : i32
    %scan3A_44 = arith.constant 1 : i32
    %scan3A_45 = scf.for %scan3A_53 = %scan3A_41 to %scan3A_43 step %scan3A_44 iter_args(%scan3A_54 = %scan3A_40) -> (i32)  : i32 {
      %mul3A_55 = arith.constant 2 : i32
      %mul3A_56 = arith.muli %scan3A_53, %mul3A_55 : i32
      %add3A_57 = arith.constant 0 : i32
      %add3A_58 = arith.addi %mul3A_56, %add3A_57 : i32
      %dma_wait3A = arith.constant 0 : i32
      %dma_wait3A_59 = tpu.memref_slice %arg8[%add3A_58, %dma_wait3A] : memref<40x128xi32, #tpu.memory_space<vmem>> -> memref<1x128xi32, #tpu.memory_space<vmem>>
      %dma_wait3A_60 = tpu.memref_squeeze %dma_wait3A_59 : memref<1x128xi32, #tpu.memory_space<vmem>> -> memref<128xi32, #tpu.memory_space<vmem>>
      %dma_wait3A_61 = arith.constant 0 : i32
      %dma_wait3A_62 = arith.constant 0 : i32
      %dma_wait3A_63 = tpu.memref_slice %arg5[%dma_wait3A_61, %dma_wait3A_62] : memref<640x128xf32, #tpu.memory_space<hbm>> -> memref<640x128xf32, #tpu.memory_space<hbm>>
      tpu.wait_indirect_dma semaphore(%arg13 : memref<!tpu.dma_semaphore, #tpu.memory_space<semaphore_mem>>) src(%dma_wait3A_63 : memref<640x128xf32, #tpu.memory_space<hbm>>) dst(%arg10 : memref<128x128xf32, #tpu.memory_space<vmem>>)
      %scan3A_64 = arith.constant 0 : i32
      %scan3A_65 = arith.constant 0 : i32
      %scan3A_66 = arith.constant 128 : i32
      %scan3A_67 = arith.addi %scan3A_65, %scan3A_66 : i32
      %scan3A_68 = arith.constant 1 : i32
      %scan3A_69 = scf.for %scan3A_124 = %scan3A_65 to %scan3A_67 step %scan3A_68 iter_args(%scan3A_125 = %scan3A_64) -> (i32)  : i32 {
        %broadcast_in_dim3A = vector.broadcast %add3A_58 : i32 to vector<16xi32>
        %broadcast_in_dim3A_126 = vector.broadcast %scan3A_124 : i32 to vector<16xi32>
        %gather3A = tpu.vector_load_idx %arg9[%broadcast_in_dim3A, %broadcast_in_dim3A_126] : memref<40x128xf32, #tpu.memory_space<vmem>>[vector<16xi32>, vector<16xi32>], vector<16xf32>,
        %get3A = arith.index_cast %scan3A_124 : i32 to index
        %get3A_127 = arith.constant 0 : index
        %get3A_128 = tpu.vector_load %arg10[%get3A, %get3A_127] {strides = array<i32>} : memref<128x128xf32, #tpu.memory_space<vmem>>, vector<16xf32>,
        %mul3A_129 = arith.mulf %get3A_128, %gather3A : vector<16xf32>
        %swap3A = arith.index_cast %scan3A_124 : i32 to index
        %swap3A_130 = arith.constant 0 : index
        %swap3A_131 = tpu.vector_load %arg10[%swap3A, %swap3A_130] {strides = array<i32>} : memref<128x128xf32, #tpu.memory_space<vmem>>, vector<16xf32>,
        tpu.vector_store %arg10[%swap3A, %swap3A_130], %mul3A_129 {strides = array<i32>} : memref<128x128xf32, #tpu.memory_space<vmem>>, vector<16xf32>,
        %get3A_132 = arith.index_cast %scan3A_124 : i32 to index
        %get3A_133 = arith.constant 16 : index
        %get3A_134 = tpu.vector_load %arg10[%get3A_132, %get3A_133] {strides = array<i32>} : memref<128x128xf32, #tpu.memory_space<vmem>>, vector<16xf32>,
        %mul3A_135 = arith.mulf %get3A_134, %gather3A : vector<16xf32>
        %swap3A_136 = arith.index_cast %scan3A_124 : i32 to index
        %swap3A_137 = arith.constant 16 : index
        %swap3A_138 = tpu.vector_load %arg10[%swap3A_136, %swap3A_137] {strides = array<i32>} : memref<128x128xf32, #tpu.memory_space<vmem>>, vector<16xf32>,
        tpu.vector_store %arg10[%swap3A_136, %swap3A_137], %mul3A_135 {strides = array<i32>} : memref<128x128xf32, #tpu.memory_space<vmem>>, vector<16xf32>,
        %get3A_139 = arith.index_cast %scan3A_124 : i32 to index
        %get3A_140 = arith.constant 32 : index
        %get3A_141 = tpu.vector_load %arg10[%get3A_139, %get3A_140] {strides = array<i32>} : memref<128x128xf32, #tpu.memory_space<vmem>>, vector<16xf32>,
        %mul3A_142 = arith.mulf %get3A_141, %gather3A : vector<16xf32>
        %swap3A_143 = arith.index_cast %scan3A_124 : i32 to index
        %swap3A_144 = arith.constant 32 : index
        %swap3A_145 = tpu.vector_load %arg10[%swap3A_143, %swap3A_144] {strides = array<i32>} : memref<128x128xf32, #tpu.memory_space<vmem>>, vector<16xf32>,
        tpu.vector_store %arg10[%swap3A_143, %swap3A_144], %mul3A_142 {strides = array<i32>} : memref<128x128xf32, #tpu.memory_space<vmem>>, vector<16xf32>,
        %get3A_146 = arith.index_cast %scan3A_124 : i32 to index
        %get3A_147 = arith.constant 48 : index
        %get3A_148 = tpu.vector_load %arg10[%get3A_146, %get3A_147] {strides = array<i32>} : memref<128x128xf32, #tpu.memory_space<vmem>>, vector<16xf32>,
        %mul3A_149 = arith.mulf %get3A_148, %gather3A : vector<16xf32>
        %swap3A_150 = arith.index_cast %scan3A_124 : i32 to index
        %swap3A_151 = arith.constant 48 : index
        %swap3A_152 = tpu.vector_load %arg10[%swap3A_150, %swap3A_151] {strides = array<i32>} : memref<128x128xf32, #tpu.memory_space<vmem>>, vector<16xf32>,
        tpu.vector_store %arg10[%swap3A_150, %swap3A_151], %mul3A_149 {strides = array<i32>} : memref<128x128xf32, #tpu.memory_space<vmem>>, vector<16xf32>,
        %get3A_153 = arith.index_cast %scan3A_124 : i32 to index
        %get3A_154 = arith.constant 64 : index
        %get3A_155 = tpu.vector_load %arg10[%get3A_153, %get3A_154] {strides = array<i32>} : memref<128x128xf32, #tpu.memory_space<vmem>>, vector<16xf32>,
        %mul3A_156 = arith.mulf %get3A_155, %gather3A : vector<16xf32>
        %swap3A_157 = arith.index_cast %scan3A_124 : i32 to index
        %swap3A_158 = arith.constant 64 : index
        %swap3A_159 = tpu.vector_load %arg10[%swap3A_157, %swap3A_158] {strides = array<i32>} : memref<128x128xf32, #tpu.memory_space<vmem>>, vector<16xf32>,
        tpu.vector_store %arg10[%swap3A_157, %swap3A_158], %mul3A_156 {strides = array<i32>} : memref<128x128xf32, #tpu.memory_space<vmem>>, vector<16xf32>,
        %get3A_160 = arith.index_cast %scan3A_124 : i32 to index
        %get3A_161 = arith.constant 80 : index
        %get3A_162 = tpu.vector_load %arg10[%get3A_160, %get3A_161] {strides = array<i32>} : memref<128x128xf32, #tpu.memory_space<vmem>>, vector<16xf32>,
        %mul3A_163 = arith.mulf %get3A_162, %gather3A : vector<16xf32>
        %swap3A_164 = arith.index_cast %scan3A_124 : i32 to index
        %swap3A_165 = arith.constant 80 : index
        %swap3A_166 = tpu.vector_load %arg10[%swap3A_164, %swap3A_165] {strides = array<i32>} : memref<128x128xf32, #tpu.memory_space<vmem>>, vector<16xf32>,
        tpu.vector_store %arg10[%swap3A_164, %swap3A_165], %mul3A_163 {strides = array<i32>} : memref<128x128xf32, #tpu.memory_space<vmem>>, vector<16xf32>,
        %get3A_167 = arith.index_cast %scan3A_124 : i32 to index
        %get3A_168 = arith.constant 96 : index
        %get3A_169 = tpu.vector_load %arg10[%get3A_167, %get3A_168] {strides = array<i32>} : memref<128x128xf32, #tpu.memory_space<vmem>>, vector<16xf32>,
        %mul3A_170 = arith.mulf %get3A_169, %gather3A : vector<16xf32>
        %swap3A_171 = arith.index_cast %scan3A_124 : i32 to index
        %swap3A_172 = arith.constant 96 : index
        %swap3A_173 = tpu.vector_load %arg10[%swap3A_171, %swap3A_172] {strides = array<i32>} : memref<128x128xf32, #tpu.memory_space<vmem>>, vector<16xf32>,
        tpu.vector_store %arg10[%swap3A_171, %swap3A_172], %mul3A_170 {strides = array<i32>} : memref<128x128xf32, #tpu.memory_space<vmem>>, vector<16xf32>,
        %get3A_174 = arith.index_cast %scan3A_124 : i32 to index
        %get3A_175 = arith.constant 112 : index
        %get3A_176 = tpu.vector_load %arg10[%get3A_174, %get3A_175] {strides = array<i32>} : memref<128x128xf32, #tpu.memory_space<vmem>>, vector<16xf32>,
        %mul3A_177 = arith.mulf %get3A_176, %gather3A : vector<16xf32>
        %swap3A_178 = arith.index_cast %scan3A_124 : i32 to index
        %swap3A_179 = arith.constant 112 : index
        %swap3A_180 = tpu.vector_load %arg10[%swap3A_178, %swap3A_179] {strides = array<i32>} : memref<128x128xf32, #tpu.memory_space<vmem>>, vector<16xf32>,
        tpu.vector_store %arg10[%swap3A_178, %swap3A_179], %mul3A_177 {strides = array<i32>} : memref<128x128xf32, #tpu.memory_space<vmem>>, vector<16xf32>,
        %scan3A_181 = arith.constant 0 : i32
        scf.yield %scan3A_181 : i32
      }
      %scan3A_70 = arith.constant 128 : i32
      %dma_start3A_71 = arith.constant 0 : i32
      %dma_start3A_72 = tpu.memref_slice %arg7[%add3A_58, %dma_start3A_71] : memref<40x128xi32, #tpu.memory_space<vmem>> -> memref<1x128xi32, #tpu.memory_space<vmem>>
      %dma_start3A_73 = tpu.memref_squeeze %dma_start3A_72 : memref<1x128xi32, #tpu.memory_space<vmem>> -> memref<128xi32, #tpu.memory_space<vmem>>
      %dma_start3A_74 = arith.constant 0 : i32
      %dma_start3A_75 = arith.constant 0 : i32
      %dma_start3A_76 = tpu.memref_slice %arg12[%dma_start3A_74, %dma_start3A_75] : memref<10240x128xf32, #tpu.memory_space<vmem_shared>> -> memref<10240x128xf32, #tpu.memory_space<vmem_shared>>
      tpu.enqueue_indirect_dma source(%arg10 : memref<128x128xf32, #tpu.memory_space<vmem>>) target(%dma_start3A_76 : memref<10240x128xf32, #tpu.memory_space<vmem_shared>>) offsets(%dma_start3A_73 : memref<128xi32, #tpu.memory_space<vmem>>) semaphore(%arg15 : memref<!tpu.dma_semaphore, #tpu.memory_space<semaphore_mem>>) {add = true}
      %dma_wait3A_77 = arith.constant 0 : i32
      %dma_wait3A_78 = tpu.memref_slice %arg7[%add3A_58, %dma_wait3A_77] : memref<40x128xi32, #tpu.memory_space<vmem>> -> memref<1x128xi32, #tpu.memory_space<vmem>>
      %dma_wait3A_79 = tpu.memref_squeeze %dma_wait3A_78 : memref<1x128xi32, #tpu.memory_space<vmem>> -> memref<128xi32, #tpu.memory_space<vmem>>
      %dma_wait3A_80 = arith.constant 0 : i32
      %dma_wait3A_81 = arith.constant 0 : i32
      %dma_wait3A_82 = tpu.memref_slice %arg12[%dma_wait3A_80, %dma_wait3A_81] : memref<10240x128xf32, #tpu.memory_space<vmem_shared>> -> memref<10240x128xf32, #tpu.memory_space<vmem_shared>>
      tpu.wait_indirect_dma semaphore(%arg15 : memref<!tpu.dma_semaphore, #tpu.memory_space<semaphore_mem>>) src(%arg10 : memref<128x128xf32, #tpu.memory_space<vmem>>) dst(%dma_wait3A_82 : memref<10240x128xf32, #tpu.memory_space<vmem_shared>>)
      %add3A_83 = arith.constant 2 : i32
      %add3A_84 = arith.addi %add3A_58, %add3A_83 : i32
      %lt3A = arith.constant 40 : i32
      %lt3A_85 = arith.cmpi slt, %add3A_84, %lt3A : i32
      %convert_element_type3A = arith.extui %lt3A_85 : i1 to i32
      %cond3A = arith.constant 0 : i32
      %cond3A_86 = arith.cmpi ne, %convert_element_type3A, %cond3A : i32
      scf.if %cond3A_86 {
        %add3A_124 = arith.constant 2 : i32
        %add3A_125 = arith.addi %add3A_58, %add3A_124 : i32
        %dma_start3A_126 = arith.constant 0 : i32
        %dma_start3A_127 = tpu.memref_slice %arg8[%add3A_125, %dma_start3A_126] : memref<40x128xi32, #tpu.memory_space<vmem>> -> memref<1x128xi32, #tpu.memory_space<vmem>>
        %dma_start3A_128 = tpu.memref_squeeze %dma_start3A_127 : memref<1x128xi32, #tpu.memory_space<vmem>> -> memref<128xi32, #tpu.memory_space<vmem>>
        %dma_start3A_129 = arith.constant 0 : i32
        %dma_start3A_130 = arith.constant 0 : i32
        %dma_start3A_131 = tpu.memref_slice %arg5[%dma_start3A_129, %dma_start3A_130] : memref<640x128xf32, #tpu.memory_space<hbm>> -> memref<640x128xf32, #tpu.memory_space<hbm>>
        tpu.enqueue_indirect_dma source(%dma_start3A_131 : memref<640x128xf32, #tpu.memory_space<hbm>>) target(%arg10 : memref<128x128xf32, #tpu.memory_space<vmem>>) offsets(%dma_start3A_128 : memref<128xi32, #tpu.memory_space<vmem>>) semaphore(%arg13 : memref<!tpu.dma_semaphore, #tpu.memory_space<semaphore_mem>>)
      } else {
      }
      %mul3A_87 = arith.constant 2 : i32
      %mul3A_88 = arith.muli %scan3A_53, %mul3A_87 : i32
      %add3A_89 = arith.constant 1 : i32
      %add3A_90 = arith.addi %mul3A_88, %add3A_89 : i32
      %dma_wait3A_91 = arith.constant 0 : i32
      %dma_wait3A_92 = tpu.memref_slice %arg8[%add3A_90, %dma_wait3A_91] : memref<40x128xi32, #tpu.memory_space<vmem>> -> memref<1x128xi32, #tpu.memory_space<vmem>>
      %dma_wait3A_93 = tpu.memref_squeeze %dma_wait3A_92 : memref<1x128xi32, #tpu.memory_space<vmem>> -> memref<128xi32, #tpu.memory_space<vmem>>
      %dma_wait3A_94 = arith.constant 0 : i32
      %dma_wait3A_95 = arith.constant 0 : i32
      %dma_wait3A_96 = tpu.memref_slice %arg5[%dma_wait3A_94, %dma_wait3A_95] : memref<640x128xf32, #tpu.memory_space<hbm>> -> memref<640x128xf32, #tpu.memory_space<hbm>>
      tpu.wait_indirect_dma semaphore(%arg14 : memref<!tpu.dma_semaphore, #tpu.memory_space<semaphore_mem>>) src(%dma_wait3A_96 : memref<640x128xf32, #tpu.memory_space<hbm>>) dst(%arg11 : memref<128x128xf32, #tpu.memory_space<vmem>>)
      %scan3A_97 = arith.constant 0 : i32
      %scan3A_98 = arith.constant 0 : i32
      %scan3A_99 = arith.constant 128 : i32
      %scan3A_100 = arith.addi %scan3A_98, %scan3A_99 : i32
      %scan3A_101 = arith.constant 1 : i32
      %scan3A_102 = scf.for %scan3A_124 = %scan3A_98 to %scan3A_100 step %scan3A_101 iter_args(%scan3A_125 = %scan3A_97) -> (i32)  : i32 {
        %broadcast_in_dim3A = vector.broadcast %add3A_90 : i32 to vector<16xi32>
        %broadcast_in_dim3A_126 = vector.broadcast %scan3A_124 : i32 to vector<16xi32>
        %gather3A = tpu.vector_load_idx %arg9[%broadcast_in_dim3A, %broadcast_in_dim3A_126] : memref<40x128xf32, #tpu.memory_space<vmem>>[vector<16xi32>, vector<16xi32>], vector<16xf32>,
        %get3A = arith.index_cast %scan3A_124 : i32 to index
        %get3A_127 = arith.constant 0 : index
        %get3A_128 = tpu.vector_load %arg11[%get3A, %get3A_127] {strides = array<i32>} : memref<128x128xf32, #tpu.memory_space<vmem>>, vector<16xf32>,
        %mul3A_129 = arith.mulf %get3A_128, %gather3A : vector<16xf32>
        %swap3A = arith.index_cast %scan3A_124 : i32 to index
        %swap3A_130 = arith.constant 0 : index
        %swap3A_131 = tpu.vector_load %arg11[%swap3A, %swap3A_130] {strides = array<i32>} : memref<128x128xf32, #tpu.memory_space<vmem>>, vector<16xf32>,
        tpu.vector_store %arg11[%swap3A, %swap3A_130], %mul3A_129 {strides = array<i32>} : memref<128x128xf32, #tpu.memory_space<vmem>>, vector<16xf32>,
        %get3A_132 = arith.index_cast %scan3A_124 : i32 to index
        %get3A_133 = arith.constant 16 : index
        %get3A_134 = tpu.vector_load %arg11[%get3A_132, %get3A_133] {strides = array<i32>} : memref<128x128xf32, #tpu.memory_space<vmem>>, vector<16xf32>,
        %mul3A_135 = arith.mulf %get3A_134, %gather3A : vector<16xf32>
        %swap3A_136 = arith.index_cast %scan3A_124 : i32 to index
        %swap3A_137 = arith.constant 16 : index
        %swap3A_138 = tpu.vector_load %arg11[%swap3A_136, %swap3A_137] {strides = array<i32>} : memref<128x128xf32, #tpu.memory_space<vmem>>, vector<16xf32>,
        tpu.vector_store %arg11[%swap3A_136, %swap3A_137], %mul3A_135 {strides = array<i32>} : memref<128x128xf32, #tpu.memory_space<vmem>>, vector<16xf32>,
        %get3A_139 = arith.index_cast %scan3A_124 : i32 to index
        %get3A_140 = arith.constant 32 : index
        %get3A_141 = tpu.vector_load %arg11[%get3A_139, %get3A_140] {strides = array<i32>} : memref<128x128xf32, #tpu.memory_space<vmem>>, vector<16xf32>,
        %mul3A_142 = arith.mulf %get3A_141, %gather3A : vector<16xf32>
        %swap3A_143 = arith.index_cast %scan3A_124 : i32 to index
        %swap3A_144 = arith.constant 32 : index
        %swap3A_145 = tpu.vector_load %arg11[%swap3A_143, %swap3A_144] {strides = array<i32>} : memref<128x128xf32, #tpu.memory_space<vmem>>, vector<16xf32>,
        tpu.vector_store %arg11[%swap3A_143, %swap3A_144], %mul3A_142 {strides = array<i32>} : memref<128x128xf32, #tpu.memory_space<vmem>>, vector<16xf32>,
        %get3A_146 = arith.index_cast %scan3A_124 : i32 to index
        %get3A_147 = arith.constant 48 : index
        %get3A_148 = tpu.vector_load %arg11[%get3A_146, %get3A_147] {strides = array<i32>} : memref<128x128xf32, #tpu.memory_space<vmem>>, vector<16xf32>,
        %mul3A_149 = arith.mulf %get3A_148, %gather3A : vector<16xf32>
        %swap3A_150 = arith.index_cast %scan3A_124 : i32 to index
        %swap3A_151 = arith.constant 48 : index
        %swap3A_152 = tpu.vector_load %arg11[%swap3A_150, %swap3A_151] {strides = array<i32>} : memref<128x128xf32, #tpu.memory_space<vmem>>, vector<16xf32>,
        tpu.vector_store %arg11[%swap3A_150, %swap3A_151], %mul3A_149 {strides = array<i32>} : memref<128x128xf32, #tpu.memory_space<vmem>>, vector<16xf32>,
        %get3A_153 = arith.index_cast %scan3A_124 : i32 to index
        %get3A_154 = arith.constant 64 : index
        %get3A_155 = tpu.vector_load %arg11[%get3A_153, %get3A_154] {strides = array<i32>} : memref<128x128xf32, #tpu.memory_space<vmem>>, vector<16xf32>,
        %mul3A_156 = arith.mulf %get3A_155, %gather3A : vector<16xf32>
        %swap3A_157 = arith.index_cast %scan3A_124 : i32 to index
        %swap3A_158 = arith.constant 64 : index
        %swap3A_159 = tpu.vector_load %arg11[%swap3A_157, %swap3A_158] {strides = array<i32>} : memref<128x128xf32, #tpu.memory_space<vmem>>, vector<16xf32>,
        tpu.vector_store %arg11[%swap3A_157, %swap3A_158], %mul3A_156 {strides = array<i32>} : memref<128x128xf32, #tpu.memory_space<vmem>>, vector<16xf32>,
        %get3A_160 = arith.index_cast %scan3A_124 : i32 to index
        %get3A_161 = arith.constant 80 : index
        %get3A_162 = tpu.vector_load %arg11[%get3A_160, %get3A_161] {strides = array<i32>} : memref<128x128xf32, #tpu.memory_space<vmem>>, vector<16xf32>,
        %mul3A_163 = arith.mulf %get3A_162, %gather3A : vector<16xf32>
        %swap3A_164 = arith.index_cast %scan3A_124 : i32 to index
        %swap3A_165 = arith.constant 80 : index
        %swap3A_166 = tpu.vector_load %arg11[%swap3A_164, %swap3A_165] {strides = array<i32>} : memref<128x128xf32, #tpu.memory_space<vmem>>, vector<16xf32>,
        tpu.vector_store %arg11[%swap3A_164, %swap3A_165], %mul3A_163 {strides = array<i32>} : memref<128x128xf32, #tpu.memory_space<vmem>>, vector<16xf32>,
        %get3A_167 = arith.index_cast %scan3A_124 : i32 to index
        %get3A_168 = arith.constant 96 : index
        %get3A_169 = tpu.vector_load %arg11[%get3A_167, %get3A_168] {strides = array<i32>} : memref<128x128xf32, #tpu.memory_space<vmem>>, vector<16xf32>,
        %mul3A_170 = arith.mulf %get3A_169, %gather3A : vector<16xf32>
        %swap3A_171 = arith.index_cast %scan3A_124 : i32 to index
        %swap3A_172 = arith.constant 96 : index
        %swap3A_173 = tpu.vector_load %arg11[%swap3A_171, %swap3A_172] {strides = array<i32>} : memref<128x128xf32, #tpu.memory_space<vmem>>, vector<16xf32>,
        tpu.vector_store %arg11[%swap3A_171, %swap3A_172], %mul3A_170 {strides = array<i32>} : memref<128x128xf32, #tpu.memory_space<vmem>>, vector<16xf32>,
        %get3A_174 = arith.index_cast %scan3A_124 : i32 to index
        %get3A_175 = arith.constant 112 : index
        %get3A_176 = tpu.vector_load %arg11[%get3A_174, %get3A_175] {strides = array<i32>} : memref<128x128xf32, #tpu.memory_space<vmem>>, vector<16xf32>,
        %mul3A_177 = arith.mulf %get3A_176, %gather3A : vector<16xf32>
        %swap3A_178 = arith.index_cast %scan3A_124 : i32 to index
        %swap3A_179 = arith.constant 112 : index
        %swap3A_180 = tpu.vector_load %arg11[%swap3A_178, %swap3A_179] {strides = array<i32>} : memref<128x128xf32, #tpu.memory_space<vmem>>, vector<16xf32>,
        tpu.vector_store %arg11[%swap3A_178, %swap3A_179], %mul3A_177 {strides = array<i32>} : memref<128x128xf32, #tpu.memory_space<vmem>>, vector<16xf32>,
        %scan3A_181 = arith.constant 0 : i32
        scf.yield %scan3A_181 : i32
      }
      %scan3A_103 = arith.constant 128 : i32
      %dma_start3A_104 = arith.constant 0 : i32
      %dma_start3A_105 = tpu.memref_slice %arg7[%add3A_90, %dma_start3A_104] : memref<40x128xi32, #tpu.memory_space<vmem>> -> memref<1x128xi32, #tpu.memory_space<vmem>>
      %dma_start3A_106 = tpu.memref_squeeze %dma_start3A_105 : memref<1x128xi32, #tpu.memory_space<vmem>> -> memref<128xi32, #tpu.memory_space<vmem>>
      %dma_start3A_107 = arith.constant 0 : i32
      %dma_start3A_108 = arith.constant 0 : i32
      %dma_start3A_109 = tpu.memref_slice %arg12[%dma_start3A_107, %dma_start3A_108] : memref<10240x128xf32, #tpu.memory_space<vmem_shared>> -> memref<10240x128xf32, #tpu.memory_space<vmem_shared>>
      tpu.enqueue_indirect_dma source(%arg11 : memref<128x128xf32, #tpu.memory_space<vmem>>) target(%dma_start3A_109 : memref<10240x128xf32, #tpu.memory_space<vmem_shared>>) offsets(%dma_start3A_106 : memref<128xi32, #tpu.memory_space<vmem>>) semaphore(%arg16 : memref<!tpu.dma_semaphore, #tpu.memory_space<semaphore_mem>>) {add = true}
      %dma_wait3A_110 = arith.constant 0 : i32
      %dma_wait3A_111 = tpu.memref_slice %arg7[%add3A_90, %dma_wait3A_110] : memref<40x128xi32, #tpu.memory_space<vmem>> -> memref<1x128xi32, #tpu.memory_space<vmem>>
      %dma_wait3A_112 = tpu.memref_squeeze %dma_wait3A_111 : memref<1x128xi32, #tpu.memory_space<vmem>> -> memref<128xi32, #tpu.memory_space<vmem>>
      %dma_wait3A_113 = arith.constant 0 : i32
      %dma_wait3A_114 = arith.constant 0 : i32
      %dma_wait3A_115 = tpu.memref_slice %arg12[%dma_wait3A_113, %dma_wait3A_114] : memref<10240x128xf32, #tpu.memory_space<vmem_shared>> -> memref<10240x128xf32, #tpu.memory_space<vmem_shared>>
      tpu.wait_indirect_dma semaphore(%arg16 : memref<!tpu.dma_semaphore, #tpu.memory_space<semaphore_mem>>) src(%arg11 : memref<128x128xf32, #tpu.memory_space<vmem>>) dst(%dma_wait3A_115 : memref<10240x128xf32, #tpu.memory_space<vmem_shared>>)
      %add3A_116 = arith.constant 2 : i32
      %add3A_117 = arith.addi %add3A_90, %add3A_116 : i32
      %lt3A_118 = arith.constant 40 : i32
      %lt3A_119 = arith.cmpi slt, %add3A_117, %lt3A_118 : i32
      %convert_element_type3A_120 = arith.extui %lt3A_119 : i1 to i32
      %cond3A_121 = arith.constant 0 : i32
      %cond3A_122 = arith.cmpi ne, %convert_element_type3A_120, %cond3A_121 : i32
      scf.if %cond3A_122 {
        %add3A_124 = arith.constant 2 : i32
        %add3A_125 = arith.addi %add3A_90, %add3A_124 : i32
        %dma_start3A_126 = arith.constant 0 : i32
        %dma_start3A_127 = tpu.memref_slice %arg8[%add3A_125, %dma_start3A_126] : memref<40x128xi32, #tpu.memory_space<vmem>> -> memref<1x128xi32, #tpu.memory_space<vmem>>
        %dma_start3A_128 = tpu.memref_squeeze %dma_start3A_127 : memref<1x128xi32, #tpu.memory_space<vmem>> -> memref<128xi32, #tpu.memory_space<vmem>>
        %dma_start3A_129 = arith.constant 0 : i32
        %dma_start3A_130 = arith.constant 0 : i32
        %dma_start3A_131 = tpu.memref_slice %arg5[%dma_start3A_129, %dma_start3A_130] : memref<640x128xf32, #tpu.memory_space<hbm>> -> memref<640x128xf32, #tpu.memory_space<hbm>>
        tpu.enqueue_indirect_dma source(%dma_start3A_131 : memref<640x128xf32, #tpu.memory_space<hbm>>) target(%arg11 : memref<128x128xf32, #tpu.memory_space<vmem>>) offsets(%dma_start3A_128 : memref<128xi32, #tpu.memory_space<vmem>>) semaphore(%arg14 : memref<!tpu.dma_semaphore, #tpu.memory_space<semaphore_mem>>)
      } else {
      }
      %scan3A_123 = arith.constant 0 : i32
      scf.yield %scan3A_123 : i32
    }
    %scan3A_46 = arith.constant 20 : i32
    %barrier3A_47 = arith.constant 0 : index
    tpu.barrier barrier_id(%barrier3A_47)
    %barrier3A_48 = arith.constant 0 : index
    tpu.barrier barrier_id(%barrier3A_48)
    %mul3A_49 = arith.constant 640 : i32
    %mul3A_50 = arith.muli %arg1, %mul3A_49 : i32
    %mul3A_51 = arith.constant 640 : i32
    %mul3A_52 = arith.muli %arg1, %mul3A_51 : i32
    "tpu.region"() ({
      %run_scoped3A = tpu.sem_alloc : memref<!tpu.dma_semaphore, #tpu.memory_space<semaphore_mem>>
      %dma_start3A_53 = arith.constant 0 : i32
      %dma_start3A_54 = tpu.memref_slice %arg6[%arg0, %mul3A_52, %dma_start3A_53] : memref<2x10240x128xf32, #tpu.memory_space<hbm>> -> memref<1x640x128xf32, #tpu.memory_space<hbm>>
      %dma_start3A_55 = tpu.memref_squeeze %dma_start3A_54 : memref<1x640x128xf32, #tpu.memory_space<hbm>> -> memref<640x128xf32, #tpu.memory_space<hbm>>
      %dma_start3A_56 = arith.constant 0 : i32
      %dma_start3A_57 = tpu.memref_slice %arg12[%mul3A_50, %dma_start3A_56] : memref<10240x128xf32, #tpu.memory_space<vmem_shared>> -> memref<640x128xf32, #tpu.memory_space<vmem_shared>>
      tpu.enqueue_dma source(%dma_start3A_57 : memref<640x128xf32, #tpu.memory_space<vmem_shared>>) target(%dma_start3A_55 : memref<640x128xf32, #tpu.memory_space<hbm>>) target_semaphore(%run_scoped3A : memref<!tpu.dma_semaphore, #tpu.memory_space<semaphore_mem>>)
      %dma_wait3A = arith.constant 0 : i32
      %dma_wait3A_58 = tpu.memref_slice %arg6[%arg0, %mul3A_52, %dma_wait3A] : memref<2x10240x128xf32, #tpu.memory_space<hbm>> -> memref<1x640x128xf32, #tpu.memory_space<hbm>>
      %dma_wait3A_59 = tpu.memref_squeeze %dma_wait3A_58 : memref<1x640x128xf32, #tpu.memory_space<hbm>> -> memref<640x128xf32, #tpu.memory_space<hbm>>
      %dma_wait3A_60 = arith.constant 0 : i32
      %dma_wait3A_61 = tpu.memref_slice %arg12[%mul3A_50, %dma_wait3A_60] : memref<10240x128xf32, #tpu.memory_space<vmem_shared>> -> memref<640x128xf32, #tpu.memory_space<vmem_shared>>
      tpu.wait_dma2 semaphore(%run_scoped3A : memref<!tpu.dma_semaphore, #tpu.memory_space<semaphore_mem>>) src(%dma_wait3A_61 : memref<640x128xf32, #tpu.memory_space<vmem_shared>>) dst(%dma_wait3A_59 : memref<640x128xf32, #tpu.memory_space<hbm>>)
      tpu.yield
    }) : () -> ()
    return
  }
}

module attributes {stable_mosaic.version = 14 : i64} {
  func.func @_tca_body(%arg0: i32, %arg1: memref<1024x128xf32, #tpu.memory_space<vmem>>, %arg2: memref<128x128xf32, #tpu.memory_space<vmem>>, %arg3: memref<128x8xf32, #tpu.memory_space<vmem>>, %arg4: memref<1024x128xf32, #tpu.memory_space<vmem>>, %arg5: memref<8x1024xf32, #tpu.memory_space<vmem>>) attributes {dimension_semantics = [#tpu.dimension_semantics<arbitrary>], iteration_bounds = array<i64: 10>, scalar_prefetch = 0 : i64, scratch_operands = 0 : i64, tpu.core_type = #tpu.core_type<tc>, window_params = [{transform_indices = @transform_0, window_bounds = array<i64: 1024, 128>}, {pipeline_mode = #tpu.pipeline_mode<synchronous>, transform_indices = @transform_1, window_bounds = array<i64: 128, 128>}, {pipeline_mode = #tpu.pipeline_mode<synchronous>, transform_indices = @transform_2, window_bounds = array<i64: 128, 8>}, {transform_indices = @transform_3, window_bounds = array<i64: 1024, 128>}, {transform_indices = @transform_4, window_bounds = array<i64: 8, 1024>}]} {
    %get3A = arith.constant 0 : index
    %get3A_0 = arith.constant 0 : index
    %get3A_1 = vector.load %arg1[%get3A, %get3A_0] : memref<1024x128xf32, #tpu.memory_space<vmem>>, vector<1024x128xf32>
    %get3A_2 = arith.constant 0 : index
    %get3A_3 = arith.constant 0 : index
    %get3A_4 = vector.load %arg2[%get3A_2, %get3A_3] : memref<128x128xf32, #tpu.memory_space<vmem>>, vector<128x128xf32>
    %dot_general3A = arith.constant dense<0.000000e+00> : vector<1024x128xf32>
    %dot_general3A_5 = tpu.matmul %get3A_1, %get3A_4, %dot_general3A {dimension_numbers = #tpu.dot_dimension_numbers<[1], [0], [0], [1], [0, 0, 1, 1], [], []>, transpose_lhs_hint = false} : vector<1024x128xf32>, vector<128x128xf32>, vector<1024x128xf32> -> vector<1024x128xf32>
    %swap3A = arith.constant 0 : index
    %swap3A_6 = arith.constant 0 : index
    %swap3A_7 = vector.load %arg4[%swap3A, %swap3A_6] : memref<1024x128xf32, #tpu.memory_space<vmem>>, vector<1024x128xf32>
    tpu.vector_store %arg4[%swap3A, %swap3A_6], %dot_general3A_5 {strides = array<i32>} : memref<1024x128xf32, #tpu.memory_space<vmem>>, vector<1024x128xf32>,
    %get3A_8 = arith.constant 0 : index
    %get3A_9 = arith.constant 0 : index
    %get3A_10 = vector.load %arg3[%get3A_8, %get3A_9] : memref<128x8xf32, #tpu.memory_space<vmem>>, vector<128x8xf32>
    %dot_general3A_11 = arith.constant dense<0.000000e+00> : vector<8x1024xf32>
    %dot_general3A_12 = tpu.matmul %get3A_10, %dot_general3A_5, %dot_general3A_11 {dimension_numbers = #tpu.dot_dimension_numbers<[0], [1], [1], [0], [0, 1, 1, 0], [], []>, precision = #tpu.contract_precision<fp32>, transpose_lhs_hint = false} : vector<128x8xf32>, vector<1024x128xf32>, vector<8x1024xf32> -> vector<8x1024xf32>
    %swap3A_13 = arith.constant 0 : index
    %swap3A_14 = arith.constant 0 : index
    %swap3A_15 = vector.load %arg5[%swap3A_13, %swap3A_14] : memref<8x1024xf32, #tpu.memory_space<vmem>>, vector<8x1024xf32>
    tpu.vector_store %arg5[%swap3A_13, %swap3A_14], %dot_general3A_12 {strides = array<i32>} : memref<8x1024xf32, #tpu.memory_space<vmem>>, vector<8x1024xf32>,
    return
  }
  func.func @transform_0(%arg0: i32) -> (i32, i32) {
    %c0_i32 = arith.constant 0 : i32
    %c0_i32_0 = arith.constant 0 : i32
    return %arg0, %c0_i32 : i32, i32
  }
  func.func @transform_1(%arg0: i32) -> (i32, i32) {
    %c0_i32 = arith.constant 0 : i32
    %c0_i32_0 = arith.constant 0 : i32
    %c0_i32_1 = arith.constant 0 : i32
    return %c0_i32, %c0_i32_0 : i32, i32
  }
  func.func @transform_2(%arg0: i32) -> (i32, i32) {
    %c0_i32 = arith.constant 0 : i32
    %c0_i32_0 = arith.constant 0 : i32
    %c0_i32_1 = arith.constant 0 : i32
    return %c0_i32, %c0_i32_0 : i32, i32
  }
  func.func @transform_3(%arg0: i32) -> (i32, i32) {
    %c0_i32 = arith.constant 0 : i32
    %c0_i32_0 = arith.constant 0 : i32
    return %arg0, %c0_i32 : i32, i32
  }
  func.func @transform_4(%arg0: i32) -> (i32, i32) {
    %c0_i32 = arith.constant 0 : i32
    %c0_i32_0 = arith.constant 0 : i32
    return %c0_i32, %arg0 : i32, i32
  }
}

module attributes {stable_mosaic.version = 14 : i64} {
  func.func @_tcc_body(%arg0: memref<80x128xf32, #tpu.memory_space<vmem>>, %arg1: memref<80x128xf32, #tpu.memory_space<vmem>>, %arg2: memref<80x128xf32, #tpu.memory_space<vmem>>, %arg3: memref<5x128xf32, #tpu.memory_space<vmem>>, %arg4: memref<5x128xf32, #tpu.memory_space<vmem>>, %arg5: memref<80x128xf32, #tpu.memory_space<vmem>>) attributes {dimension_semantics = [], scalar_prefetch = 0 : i64, scratch_operands = 0 : i64, tpu.core_type = #tpu.core_type<tc>} {
    %get3A = arith.constant 0 : index
    %get3A_0 = arith.constant 0 : index
    %get3A_1 = vector.load %arg3[%get3A, %get3A_0] : memref<5x128xf32, #tpu.memory_space<vmem>>, vector<5x128xf32>
    %get3A_2 = arith.constant 0 : index
    %get3A_3 = arith.constant 0 : index
    %get3A_4 = vector.load %arg4[%get3A_2, %get3A_3] : memref<5x128xf32, #tpu.memory_space<vmem>>, vector<5x128xf32>
    %add3A = arith.addf %get3A_1, %get3A_4 : vector<5x128xf32>
    %reduce_max3A = vector.shape_cast %add3A : vector<5x128xf32> to vector<1x5x128xf32>
    %reduce_max3A_5 = arith.constant dense<0xFF800000> : vector<1xf32>
    %reduce_max3A_6 = vector.multi_reduction <maximumf>, %reduce_max3A, %reduce_max3A_5 [1, 2] : vector<1x5x128xf32> to vector<1xf32>
    %reduce_max3A_7 = vector.shape_cast %reduce_max3A_6 : vector<1xf32> to vector<1x1x1xf32>
    %reduce_max3A_8 = vector.extract %reduce_max3A_7[0, 0, 0] : f32 from vector<1x1x1xf32>
    %get3A_9 = arith.constant 0 : index
    %get3A_10 = arith.constant 0 : index
    %get3A_11 = vector.load %arg1[%get3A_9, %get3A_10] : memref<80x128xf32, #tpu.memory_space<vmem>>, vector<80x128xf32>
    %get3A_12 = arith.constant 0 : index
    %get3A_13 = arith.constant 0 : index
    %get3A_14 = vector.load %arg2[%get3A_12, %get3A_13] : memref<80x128xf32, #tpu.memory_space<vmem>>, vector<80x128xf32>
    %add3A_15 = arith.addf %get3A_11, %get3A_14 : vector<80x128xf32>
    %get3A_16 = arith.constant 0 : index
    %get3A_17 = arith.constant 0 : index
    %get3A_18 = vector.load %arg0[%get3A_16, %get3A_17] : memref<80x128xf32, #tpu.memory_space<vmem>>, vector<80x128xf32>
    %add3A_19 = vector.broadcast %reduce_max3A_8 : f32 to vector<80x128xf32>
    %add3A_20 = arith.addf %get3A_18, %add3A_19 : vector<80x128xf32>
    %max3A = arith.constant 9.99999935E-39 : f32
    %max3A_21 = vector.broadcast %max3A : f32 to vector<80x128xf32>
    %max3A_22 = arith.maximumf %add3A_15, %max3A_21 : vector<80x128xf32>
    %log3A = math.log %max3A_22 : vector<80x128xf32>
    %add3A_23 = arith.addf %add3A_20, %log3A : vector<80x128xf32>
    %mul3A = arith.constant 2.000000e-01 : f32
    %mul3A_24 = vector.broadcast %mul3A : f32 to vector<80x128xf32>
    %mul3A_25 = arith.mulf %mul3A_24, %add3A_23 : vector<80x128xf32>
    %max3A_26 = arith.maximumf %add3A_23, %mul3A_25 : vector<80x128xf32>
    %swap3A = arith.constant 0 : index
    %swap3A_27 = arith.constant 0 : index
    %swap3A_28 = vector.load %arg5[%swap3A, %swap3A_27] : memref<80x128xf32, #tpu.memory_space<vmem>>, vector<80x128xf32>
    tpu.vector_store %arg5[%swap3A, %swap3A_27], %max3A_26 {strides = array<i32>} : memref<80x128xf32, #tpu.memory_space<vmem>>, vector<80x128xf32>,
    return
  }
}

module attributes {stable_mosaic.version = 14 : i64} {
  func.func @_tcd_body(%arg0: memref<80x128xf32, #tpu.memory_space<vmem>>, %arg1: memref<80x128xf32, #tpu.memory_space<vmem>>, %arg2: memref<5x128xf32, #tpu.memory_space<vmem>>, %arg3: memref<5x128xf32, #tpu.memory_space<vmem>>, %arg4: memref<80x128xf32, #tpu.memory_space<vmem>>, %arg5: memref<5x128xf32, #tpu.memory_space<vmem>>) attributes {dimension_semantics = [], scalar_prefetch = 0 : i64, scratch_operands = 0 : i64, tpu.core_type = #tpu.core_type<tc>} {
    %get3A = arith.constant 0 : index
    %get3A_0 = arith.constant 0 : index
    %get3A_1 = vector.load %arg0[%get3A, %get3A_0] : memref<80x128xf32, #tpu.memory_space<vmem>>, vector<80x128xf32>
    %get3A_2 = arith.constant 0 : index
    %get3A_3 = arith.constant 0 : index
    %get3A_4 = vector.load %arg1[%get3A_2, %get3A_3] : memref<80x128xf32, #tpu.memory_space<vmem>>, vector<80x128xf32>
    %add3A = arith.addf %get3A_1, %get3A_4 : vector<80x128xf32>
    %add3A_5 = arith.constant 1.000000e-16 : f32
    %add3A_6 = vector.broadcast %add3A_5 : f32 to vector<80x128xf32>
    %add3A_7 = arith.addf %add3A, %add3A_6 : vector<80x128xf32>
    %div3A = arith.constant 1.000000e+00 : f32
    %div3A_8 = vector.broadcast %div3A : f32 to vector<80x128xf32>
    %div3A_9 = arith.divf %div3A_8, %add3A_7 : vector<80x128xf32>
    %swap3A = arith.constant 0 : index
    %swap3A_10 = arith.constant 0 : index
    %swap3A_11 = vector.load %arg4[%swap3A, %swap3A_10] : memref<80x128xf32, #tpu.memory_space<vmem>>, vector<80x128xf32>
    tpu.vector_store %arg4[%swap3A, %swap3A_10], %div3A_9 {strides = array<i32>} : memref<80x128xf32, #tpu.memory_space<vmem>>, vector<80x128xf32>,
    %get3A_12 = arith.constant 0 : index
    %get3A_13 = arith.constant 0 : index
    %get3A_14 = vector.load %arg2[%get3A_12, %get3A_13] : memref<5x128xf32, #tpu.memory_space<vmem>>, vector<5x128xf32>
    %get3A_15 = arith.constant 0 : index
    %get3A_16 = arith.constant 0 : index
    %get3A_17 = vector.load %arg3[%get3A_15, %get3A_16] : memref<5x128xf32, #tpu.memory_space<vmem>>, vector<5x128xf32>
    %add3A_18 = arith.addf %get3A_14, %get3A_17 : vector<5x128xf32>
    %gt3A = arith.constant 0.000000e+00 : f32
    %gt3A_19 = vector.broadcast %gt3A : f32 to vector<5x128xf32>
    %gt3A_20 = arith.cmpf ogt, %add3A_18, %gt3A_19 : vector<5x128xf32>
    %gt3A_21 = arith.constant 0.000000e+00 : f32
    %gt3A_22 = vector.broadcast %gt3A_21 : f32 to vector<5x128xf32>
    %gt3A_23 = arith.cmpf ogt, %add3A_18, %gt3A_22 : vector<5x128xf32>
    %jit3A = arith.constant 1.000000e+00 : f32
    %broadcast_in_dim3A = vector.broadcast %jit3A : f32 to vector<5x128xf32>
    %select_n3A = arith.select %gt3A_23, %add3A_18, %broadcast_in_dim3A : vector<5x128xi1>, vector<5x128xf32>
    %div3A_24 = arith.constant 1.000000e+00 : f32
    %div3A_25 = vector.broadcast %div3A_24 : f32 to vector<5x128xf32>
    %div3A_26 = arith.divf %div3A_25, %select_n3A : vector<5x128xf32>
    %jit3A_27 = arith.constant 0.000000e+00 : f32
    %broadcast_in_dim3A_28 = vector.broadcast %jit3A_27 : f32 to vector<5x128xf32>
    %select_n3A_29 = arith.select %gt3A_20, %div3A_26, %broadcast_in_dim3A_28 : vector<5x128xi1>, vector<5x128xf32>
    %swap3A_30 = arith.constant 0 : index
    %swap3A_31 = arith.constant 0 : index
    %swap3A_32 = vector.load %arg5[%swap3A_30, %swap3A_31] : memref<5x128xf32, #tpu.memory_space<vmem>>, vector<5x128xf32>
    tpu.vector_store %arg5[%swap3A_30, %swap3A_31], %select_n3A_29 {strides = array<i32>} : memref<5x128xf32, #tpu.memory_space<vmem>>, vector<5x128xf32>,
    return
  }
}

module attributes {stable_mosaic.version = 14 : i64} {
  func.func @_tce_body(%arg0: memref<2x640x128xf32, #tpu.memory_space<vmem>>, %arg1: memref<640x128xf32, #tpu.memory_space<vmem>>) attributes {dimension_semantics = [], scalar_prefetch = 0 : i64, scratch_operands = 0 : i64, tpu.core_type = #tpu.core_type<tc>} {
    %get3A = arith.constant 0 : index
    %get3A_0 = arith.constant 0 : index
    %get3A_1 = arith.constant 0 : index
    %get3A_2 = vector.load %arg0[%get3A, %get3A_0, %get3A_1] : memref<2x640x128xf32, #tpu.memory_space<vmem>>, vector<1x640x128xf32>
    %get3A_3 = vector.shape_cast %get3A_2 : vector<1x640x128xf32> to vector<640x128xf32>
    %get3A_4 = arith.constant 1 : index
    %get3A_5 = arith.constant 0 : index
    %get3A_6 = arith.constant 0 : index
    %get3A_7 = vector.load %arg0[%get3A_4, %get3A_5, %get3A_6] : memref<2x640x128xf32, #tpu.memory_space<vmem>>, vector<1x640x128xf32>
    %get3A_8 = vector.shape_cast %get3A_7 : vector<1x640x128xf32> to vector<640x128xf32>
    %add3A = arith.addf %get3A_3, %get3A_8 : vector<640x128xf32>
    %swap3A = arith.constant 0 : index
    %swap3A_9 = arith.constant 0 : index
    %swap3A_10 = vector.load %arg1[%swap3A, %swap3A_9] : memref<640x128xf32, #tpu.memory_space<vmem>>, vector<640x128xf32>
    tpu.vector_store %arg1[%swap3A, %swap3A_9], %add3A {strides = array<i32>} : memref<640x128xf32, #tpu.memory_space<vmem>>, vector<640x128xf32>,
    return
  }
}

module attributes {stable_mosaic.version = 14 : i64} {
  func.func @_tcb_body(%arg0: memref<2x640x128xf32, #tpu.memory_space<vmem>>, %arg1: memref<640x1xf32, #tpu.memory_space<vmem>>, %arg2: memref<640x1xf32, #tpu.memory_space<vmem>>, %arg3: memref<80x128xf32, #tpu.memory_space<vmem>>, %arg4: memref<80x128xf32, #tpu.memory_space<vmem>>, %arg5: memref<80x128xf32, #tpu.memory_space<vmem>>, %arg6: memref<1x1xf32, #tpu.memory_space<smem>>) attributes {dimension_semantics = [], scalar_prefetch = 0 : i64, scratch_operands = 0 : i64, tpu.core_type = #tpu.core_type<tc>} {
    %get3A = arith.constant 0 : index
    %get3A_0 = arith.constant 0 : index
    %get3A_1 = arith.constant 0 : index
    %get3A_2 = vector.load %arg0[%get3A, %get3A_0, %get3A_1] : memref<2x640x128xf32, #tpu.memory_space<vmem>>, vector<1x640x128xf32>
    %get3A_3 = vector.shape_cast %get3A_2 : vector<1x640x128xf32> to vector<640x128xf32>
    %get3A_4 = arith.constant 1 : index
    %get3A_5 = arith.constant 0 : index
    %get3A_6 = arith.constant 0 : index
    %get3A_7 = vector.load %arg0[%get3A_4, %get3A_5, %get3A_6] : memref<2x640x128xf32, #tpu.memory_space<vmem>>, vector<1x640x128xf32>
    %get3A_8 = vector.shape_cast %get3A_7 : vector<1x640x128xf32> to vector<640x128xf32>
    %add3A = arith.addf %get3A_3, %get3A_8 : vector<640x128xf32>
    %get3A_9 = arith.constant 0 : index
    %get3A_10 = arith.constant 0 : index
    %get3A_11 = vector.load %arg1[%get3A_9, %get3A_10] : memref<640x1xf32, #tpu.memory_space<vmem>>, vector<640x1xf32>
    %get3A_12 = arith.constant 0 : index
    %get3A_13 = arith.constant 0 : index
    %get3A_14 = vector.load %arg2[%get3A_12, %get3A_13] : memref<640x1xf32, #tpu.memory_space<vmem>>, vector<640x1xf32>
    %add3A_15 = arith.addf %get3A_11, %get3A_14 : vector<640x1xf32>
    %slice3A = vector.extract_strided_slice %add3A {offsets = [0, 0], sizes = [512, 128], strides = [1, 1]} : vector<640x128xf32> to vector<512x128xf32>
    %mul3A = arith.mulf %slice3A, %slice3A : vector<512x128xf32>
    %reduce_sum3A = arith.constant dense<0.000000e+00> : vector<512xf32>
    %reduce_sum3A_16 = vector.multi_reduction <add>, %mul3A, %reduce_sum3A [1] : vector<512x128xf32> to vector<512xf32>
    %broadcast_in_dim3A = vector.shape_cast %reduce_sum3A_16 : vector<512xf32> to vector<512x1xf32>
    %max3A = arith.constant 1.000000e-24 : f32
    %max3A_17 = vector.broadcast %max3A : f32 to vector<512x1xf32>
    %max3A_18 = arith.maximumf %broadcast_in_dim3A, %max3A_17 : vector<512x1xf32>
    %sqrt3A = math.sqrt %max3A_18 : vector<512x1xf32>
    %max3A_19 = arith.constant 9.99999996E-13 : f32
    %max3A_20 = vector.broadcast %max3A_19 : f32 to vector<512x1xf32>
    %max3A_21 = arith.maximumf %sqrt3A, %max3A_20 : vector<512x1xf32>
    %div3A = vector.broadcast %max3A_21 : vector<512x1xf32> to vector<512x128xf32>
    %div3A_22 = arith.divf %slice3A, %div3A : vector<512x128xf32>
    %broadcast_in_dim3A_23 = arith.constant 1.000000e+00 : f32
    %broadcast_in_dim3A_24 = vector.broadcast %broadcast_in_dim3A_23 : f32 to vector<512x1xf32>
    %dot_general3A = arith.constant dense<0.000000e+00> : vector<512x512xf32>
    %dot_general3A_25 = tpu.matmul %div3A_22, %div3A_22, %dot_general3A {dimension_numbers = #tpu.dot_dimension_numbers<[1], [1], [0], [0], [0, 0, 1, 0], [], []>, precision = #tpu.contract_precision<fp32>, transpose_lhs_hint = false} : vector<512x128xf32>, vector<512x128xf32>, vector<512x512xf32> -> vector<512x512xf32>
    %dot_general3A_26 = arith.constant dense<0.000000e+00> : vector<512x512xf32>
    %dot_general3A_27 = tpu.matmul %slice3A, %slice3A, %dot_general3A_26 {dimension_numbers = #tpu.dot_dimension_numbers<[1], [1], [0], [0], [0, 0, 1, 0], [], []>, precision = #tpu.contract_precision<fp32>, transpose_lhs_hint = false} : vector<512x128xf32>, vector<512x128xf32>, vector<512x512xf32> -> vector<512x512xf32>
    %dot_general3A_28 = arith.constant dense<0.000000e+00> : vector<512x512xf32>
    %dot_general3A_29 = tpu.matmul %broadcast_in_dim3A_24, %broadcast_in_dim3A, %dot_general3A_28 {dimension_numbers = #tpu.dot_dimension_numbers<[1], [1], [0], [0], [0, 0, 1, 0], [], []>, precision = #tpu.contract_precision<fp32>, transpose_lhs_hint = false} : vector<512x1xf32>, vector<512x1xf32>, vector<512x512xf32> -> vector<512x512xf32>
    %add3A_30 = vector.broadcast %broadcast_in_dim3A : vector<512x1xf32> to vector<512x512xf32>
    %add3A_31 = arith.addf %add3A_30, %dot_general3A_29 : vector<512x512xf32>
    %mul3A_32 = arith.constant 2.000000e+00 : f32
    %mul3A_33 = vector.broadcast %mul3A_32 : f32 to vector<512x512xf32>
    %mul3A_34 = arith.mulf %mul3A_33, %dot_general3A_27 : vector<512x512xf32>
    %sub3A = arith.subf %add3A_31, %mul3A_34 : vector<512x512xf32>
    %gt3A = arith.constant 0.000000e+00 : f32
    %gt3A_35 = vector.broadcast %gt3A : f32 to vector<512x512xf32>
    %gt3A_36 = arith.cmpf ogt, %sub3A, %gt3A_35 : vector<512x512xf32>
    %gt3A_37 = arith.constant 0.000000e+00 : f32
    %gt3A_38 = vector.broadcast %gt3A_37 : f32 to vector<512x512xf32>
    %gt3A_39 = arith.cmpf ogt, %sub3A, %gt3A_38 : vector<512x512xf32>
    %jit3A = arith.constant 1.000000e+00 : f32
    %broadcast_in_dim3A_40 = vector.broadcast %jit3A : f32 to vector<512x512xf32>
    %select_n3A = arith.select %gt3A_39, %sub3A, %broadcast_in_dim3A_40 : vector<512x512xi1>, vector<512x512xf32>
    %sqrt3A_41 = math.sqrt %select_n3A : vector<512x512xf32>
    %jit3A_42 = arith.constant 0.000000e+00 : f32
    %broadcast_in_dim3A_43 = vector.broadcast %jit3A_42 : f32 to vector<512x512xf32>
    %select_n3A_44 = arith.select %gt3A_36, %sqrt3A_41, %broadcast_in_dim3A_43 : vector<512x512xi1>, vector<512x512xf32>
    %mul3A_45 = arith.mulf %dot_general3A_25, %select_n3A_44 : vector<512x512xf32>
    %sub3A_46 = arith.constant 1.000000e+00 : f32
    %sub3A_47 = vector.broadcast %sub3A_46 : f32 to vector<512x512xf32>
    %sub3A_48 = arith.subf %sub3A_47, %dot_general3A_25 : vector<512x512xf32>
    %sub3A_49 = arith.constant 4.200000e+00 : f32
    %sub3A_50 = vector.broadcast %sub3A_49 : f32 to vector<512x512xf32>
    %sub3A_51 = arith.subf %sub3A_50, %select_n3A_44 : vector<512x512xf32>
    %max3A_52 = arith.constant 0.000000e+00 : f32
    %max3A_53 = vector.broadcast %max3A_52 : f32 to vector<512x512xf32>
    %max3A_54 = arith.maximumf %sub3A_51, %max3A_53 : vector<512x512xf32>
    %mul3A_55 = arith.mulf %sub3A_48, %max3A_54 : vector<512x512xf32>
    %add3A_56 = arith.addf %mul3A_45, %mul3A_55 : vector<512x512xf32>
    %iota3A = tpu.iota {dimensions = array<i32: 0>} : vector<640x1xi32>
    %gt3A_57 = arith.constant 0.000000e+00 : f32
    %gt3A_58 = vector.broadcast %gt3A_57 : f32 to vector<640x1xf32>
    %gt3A_59 = arith.cmpf ogt, %add3A_15, %gt3A_58 : vector<640x1xf32>
    %lt3A = arith.constant 512 : i32
    %lt3A_60 = vector.broadcast %lt3A : i32 to vector<640x1xi32>
    %lt3A_61 = arith.cmpi slt, %iota3A, %lt3A_60 : vector<640x1xi32>
    %and3A = arith.andi %gt3A_59, %lt3A_61 : vector<640x1xi1>
    %add3A_62 = arith.constant 1 : i32
    %add3A_63 = vector.broadcast %add3A_62 : i32 to vector<640x1xi32>
    %add3A_64 = arith.addi %iota3A, %add3A_63 : vector<640x1xi32>
    %jit3A_65 = arith.constant 0 : i32
    %broadcast_in_dim3A_66 = vector.broadcast %jit3A_65 : i32 to vector<640x1xi32>
    %select_n3A_67 = arith.select %and3A, %add3A_64, %broadcast_in_dim3A_66 : vector<640x1xi1>, vector<640x1xi32>
    %reduce_max3A = vector.shape_cast %select_n3A_67 : vector<640x1xi32> to vector<1x640x1xi32>
    %reduce_max3A_68 = arith.constant dense<-2147483648> : vector<1xi32>
    %reduce_max3A_69 = vector.multi_reduction <maxsi>, %reduce_max3A, %reduce_max3A_68 [1, 2] : vector<1x640x1xi32> to vector<1xi32>
    %reduce_max3A_70 = vector.shape_cast %reduce_max3A_69 : vector<1xi32> to vector<1x1x1xi32>
    %reduce_max3A_71 = vector.extract %reduce_max3A_70[0, 0, 0] : i32 from vector<1x1x1xi32>
    %convert_element_type3A = arith.sitofp %reduce_max3A_71 : i32 to f32
    %iota3A_72 = tpu.iota {dimensions = array<i32: 0>} : vector<512x1xi32>
    %iota3A_73 = tpu.iota {dimensions = array<i32: 1>} : vector<1x512xi32>
    %lt3A_74 = vector.broadcast %reduce_max3A_71 : i32 to vector<512x1xi32>
    %lt3A_75 = arith.cmpi slt, %iota3A_72, %lt3A_74 : vector<512x1xi32>
    %convert_element_type3A_76 = arith.extui %lt3A_75 : vector<512x1xi1> to vector<512x1xi32>
    %convert_element_type3A_77 = arith.sitofp %convert_element_type3A_76 : vector<512x1xi32> to vector<512x1xf32>
    %lt3A_78 = vector.broadcast %reduce_max3A_71 : i32 to vector<1x512xi32>
    %lt3A_79 = arith.cmpi slt, %iota3A_73, %lt3A_78 : vector<1x512xi32>
    %convert_element_type3A_80 = arith.extui %lt3A_79 : vector<1x512xi1> to vector<1x512xi32>
    %convert_element_type3A_81 = arith.sitofp %convert_element_type3A_80 : vector<1x512xi32> to vector<1x512xf32>
    %mul3A_82 = vector.broadcast %convert_element_type3A_77 : vector<512x1xf32> to vector<512x512xf32>
    %mul3A_83 = vector.broadcast %convert_element_type3A_81 : vector<1x512xf32> to vector<512x512xf32>
    %mul3A_84 = arith.mulf %mul3A_82, %mul3A_83 : vector<512x512xf32>
    %mul3A_85 = arith.mulf %add3A_56, %mul3A_84 : vector<512x512xf32>
    %reduce_sum3A_86 = vector.shape_cast %mul3A_85 : vector<512x512xf32> to vector<1x512x512xf32>
    %reduce_sum3A_87 = arith.constant dense<0.000000e+00> : vector<1xf32>
    %reduce_sum3A_88 = vector.multi_reduction <add>, %reduce_sum3A_86, %reduce_sum3A_87 [1, 2] : vector<1x512x512xf32> to vector<1xf32>
    %reduce_sum3A_89 = vector.shape_cast %reduce_sum3A_88 : vector<1xf32> to vector<1x1x1xf32>
    %reduce_sum3A_90 = vector.extract %reduce_sum3A_89[0, 0, 0] : f32 from vector<1x1x1xf32>
    %mul3A_91 = arith.mulf %convert_element_type3A, %convert_element_type3A : f32
    %div3A_92 = arith.divf %reduce_sum3A_90, %mul3A_91 : f32
    %abs3A = math.absf %div3A_92 : f32
    %add3A_93 = arith.constant 1.000000e+00 : f32
    %add3A_94 = arith.addf %convert_element_type3A, %add3A_93 : f32
    %integer_pow3A = arith.mulf %add3A_94, %add3A_94 : f32
    %div3A_95 = arith.divf %abs3A, %integer_pow3A : f32
    %get3A_96 = arith.constant 0 : index
    %get3A_97 = arith.constant 0 : index
    %get3A_98 = vector.load %arg3[%get3A_96, %get3A_97] : memref<80x128xf32, #tpu.memory_space<vmem>>, vector<80x128xf32>
    %get3A_99 = arith.constant 0 : index
    %get3A_100 = arith.constant 0 : index
    %get3A_101 = vector.load %arg4[%get3A_99, %get3A_100] : memref<80x128xf32, #tpu.memory_space<vmem>>, vector<80x128xf32>
    %add3A_102 = arith.addf %get3A_98, %get3A_101 : vector<80x128xf32>
    %get3A_103 = arith.constant 0 : index
    %get3A_104 = arith.constant 0 : index
    %get3A_105 = vector.load %arg5[%get3A_103, %get3A_104] : memref<80x128xf32, #tpu.memory_space<vmem>>, vector<80x128xf32>
    %mul3A_106 = arith.mulf %add3A_102, %get3A_105 : vector<80x128xf32>
    %reduce_sum3A_107 = vector.shape_cast %mul3A_106 : vector<80x128xf32> to vector<1x80x128xf32>
    %reduce_sum3A_108 = arith.constant dense<0.000000e+00> : vector<1xf32>
    %reduce_sum3A_109 = vector.multi_reduction <add>, %reduce_sum3A_107, %reduce_sum3A_108 [1, 2] : vector<1x80x128xf32> to vector<1xf32>
    %reduce_sum3A_110 = vector.shape_cast %reduce_sum3A_109 : vector<1xf32> to vector<1x1x1xf32>
    %reduce_sum3A_111 = vector.extract %reduce_sum3A_110[0, 0, 0] : f32 from vector<1x1x1xf32>
    %mul3A_112 = vector.broadcast %add3A_15 : vector<640x1xf32> to vector<640x128xf32>
    %mul3A_113 = arith.mulf %mul3A_112, %add3A : vector<640x128xf32>
    %reduce_sum3A_114 = vector.shape_cast %mul3A_113 : vector<640x128xf32> to vector<1x640x128xf32>
    %reduce_sum3A_115 = arith.constant dense<0.000000e+00> : vector<1xf32>
    %reduce_sum3A_116 = vector.multi_reduction <add>, %reduce_sum3A_114, %reduce_sum3A_115 [1, 2] : vector<1x640x128xf32> to vector<1xf32>
    %reduce_sum3A_117 = vector.shape_cast %reduce_sum3A_116 : vector<1xf32> to vector<1x1x1xf32>
    %reduce_sum3A_118 = vector.extract %reduce_sum3A_117[0, 0, 0] : f32 from vector<1x1x1xf32>
    %sub3A_119 = arith.subf %reduce_sum3A_111, %reduce_sum3A_118 : f32
    %div3A_120 = arith.constant 2.048000e+07 : f32
    %div3A_121 = arith.divf %sub3A_119, %div3A_120 : f32
    %abs3A_122 = math.absf %div3A_121 : f32
    %add3A_123 = arith.addf %abs3A_122, %div3A_95 : f32
    %swap3A = arith.constant 0 : index
    %swap3A_124 = arith.constant 0 : index
    %swap3A_125 = memref.load %arg6[%swap3A, %swap3A_124] : memref<1x1xf32, #tpu.memory_space<smem>>
    memref.store %add3A_123, %arg6[%swap3A, %swap3A_124] : memref<1x1xf32, #tpu.memory_space<smem>>
    return
  }
}

module attributes {stable_mosaic.version = 14 : i64} {
  func.func @_tcf_body(%arg0: i32, %arg1: memref<2x1024x128xf32, #tpu.memory_space<vmem>>, %arg2: memref<1024x1xf32, #tpu.memory_space<vmem>>, %arg3: memref<1024x1xf32, #tpu.memory_space<vmem>>, %arg4: memref<1024x128xf32, #tpu.memory_space<vmem>>) attributes {dimension_semantics = [#tpu.dimension_semantics<arbitrary>], iteration_bounds = array<i64: 10>, scalar_prefetch = 0 : i64, scratch_operands = 0 : i64, tpu.core_type = #tpu.core_type<tc>, window_params = [{transform_indices = @transform_0, window_bounds = array<i64: 2, 1024, 128>}, {transform_indices = @transform_1, window_bounds = array<i64: 1024, 1>}, {transform_indices = @transform_2, window_bounds = array<i64: 1024, 1>}, {transform_indices = @transform_3, window_bounds = array<i64: 1024, 128>}]} {
    %get3A = arith.constant 0 : index
    %get3A_0 = arith.constant 0 : index
    %get3A_1 = arith.constant 0 : index
    %get3A_2 = vector.load %arg1[%get3A, %get3A_0, %get3A_1] : memref<2x1024x128xf32, #tpu.memory_space<vmem>>, vector<1x1024x128xf32>
    %get3A_3 = vector.shape_cast %get3A_2 : vector<1x1024x128xf32> to vector<1024x128xf32>
    %get3A_4 = arith.constant 1 : index
    %get3A_5 = arith.constant 0 : index
    %get3A_6 = arith.constant 0 : index
    %get3A_7 = vector.load %arg1[%get3A_4, %get3A_5, %get3A_6] : memref<2x1024x128xf32, #tpu.memory_space<vmem>>, vector<1x1024x128xf32>
    %get3A_8 = vector.shape_cast %get3A_7 : vector<1x1024x128xf32> to vector<1024x128xf32>
    %add3A = arith.addf %get3A_3, %get3A_8 : vector<1024x128xf32>
    %get3A_9 = arith.constant 0 : index
    %get3A_10 = arith.constant 0 : index
    %get3A_11 = vector.load %arg2[%get3A_9, %get3A_10] : memref<1024x1xf32, #tpu.memory_space<vmem>>, vector<1024x1xf32>
    %get3A_12 = arith.constant 0 : index
    %get3A_13 = arith.constant 0 : index
    %get3A_14 = vector.load %arg3[%get3A_12, %get3A_13] : memref<1024x1xf32, #tpu.memory_space<vmem>>, vector<1024x1xf32>
    %add3A_15 = arith.addf %get3A_11, %get3A_14 : vector<1024x1xf32>
    %mul3A = vector.broadcast %add3A_15 : vector<1024x1xf32> to vector<1024x128xf32>
    %mul3A_16 = arith.mulf %add3A, %mul3A : vector<1024x128xf32>
    %swap3A = arith.constant 0 : index
    %swap3A_17 = arith.constant 0 : index
    %swap3A_18 = vector.load %arg4[%swap3A, %swap3A_17] : memref<1024x128xf32, #tpu.memory_space<vmem>>, vector<1024x128xf32>
    tpu.vector_store %arg4[%swap3A, %swap3A_17], %mul3A_16 {strides = array<i32>} : memref<1024x128xf32, #tpu.memory_space<vmem>>, vector<1024x128xf32>,
    return
  }
  func.func @transform_0(%arg0: i32) -> (i32, i32, i32) {
    %c0_i32 = arith.constant 0 : i32
    %c0_i32_0 = arith.constant 0 : i32
    %c0_i32_1 = arith.constant 0 : i32
    return %c0_i32, %arg0, %c0_i32_0 : i32, i32, i32
  }
  func.func @transform_1(%arg0: i32) -> (i32, i32) {
    %c0_i32 = arith.constant 0 : i32
    %c0_i32_0 = arith.constant 0 : i32
    return %arg0, %c0_i32 : i32, i32
  }
  func.func @transform_2(%arg0: i32) -> (i32, i32) {
    %c0_i32 = arith.constant 0 : i32
    %c0_i32_0 = arith.constant 0 : i32
    return %arg0, %c0_i32 : i32, i32
  }
  func.func @transform_3(%arg0: i32) -> (i32, i32) {
    %c0_i32 = arith.constant 0 : i32
    %c0_i32_0 = arith.constant 0 : i32
    return %arg0, %c0_i32 : i32, i32
  }
}

</mosaic_0001>

<sc_bundles>
// kernel: kernel.13.cloned.1.call-start
scs
__scs_entry_jumppad:
0x0: {  	(pc) =	sbr.rel $0x88, $3  }
0x1: {  	(tag) =	ssettag $0x0;
	lr =	simm.s32 $0x1  }
0x2: {  	[smem:$0x3F9D] =	sst lr;
	_ =	strace $0xD0000000  }
0x3: {  	_ = 	snop  }
0x4: {  	_ = 	snop  }
0x5: {  	_ = 	snop  }
0x6: {  	_ = 	snop  }
0x7: {  	_ = 	snop  }
__scs_overlays_trampoline_lowered:
0x8: {  	[smem:$0x3FAC] =	sst s0  }
0x9: {  	[smem:$0x3FAD] =	sst s1  }
0xa: {  	[smem:$0x3FAE] =	sst s2  }
0xb: {  	[smem:$0x3FAF] =	sst s3  }
0xc: {  	[smem:$0x3FB0] =	sst s4  }
0xd: {  	[smem:$0x3FB1] =	sst s5  }
0xe: {  	[smem:$0x3FB2] =	sst s6  }
0xf: {  	[smem:$0x3FB3] =	sst s7  }
0x10: {  	[smem:$0x3FB4] =	sst s8  }
0x11: {  	[smem:$0x3FB5] =	sst s9;
	s0 =	simm.s32 @!p0 $0x0  }
0x12: {  	s1 =	sld [smem:$0x3F9B];
	s0 =	simm.s32 @p0 $0x1  }
0x13: {  	[smem:$0x3FB6] =	sst s0;
	s0 =	simm.s32 @!p1 $0x0  }
0x14: {  	s2 =	sld [smem:$0x3F9A];
	s0 =	simm.s32 @p1 $0x1  }
0x15: {  	[smem:$0x3FB7] =	sst s0;
	s0 =	simm.s32 @!p2 $0x0  }
0x16: {  	s3 =	sld [smem:$0x3FDB];
	s0 =	simm.s32 @p2 $0x1  }
0x17: {  	s4 =	simm.s32 $0x1BF5;
	[smem:$0x3FB9] =	sst s0  }
0x18: {  	s0 =	sld [smem:$0x3F9C];
	_ =	swait.ge [sflag:s4], $0x0  }
0x19: {  	s7 =	sld [smem:$0x3F9D]  }
0x1a: {  	s8 =	sadd.s32 $0xFFFFE003, lr  }
0x1b: {  	s9 =	sadd.s32 $0xFFFFFEF7, lr;
	s5 =	simm.s32 $0xFFFFFFFF;
	p2 =	slt.u32 s8, $0xFFFFF086  }
0x1c: {  	p1 =	slt.u32 s9, $0xF7A;
	s5 =	simm.s32 @!p2 $0x0  }
0x1d: {  	s5 =	simm.s32 @p1 $0x1;
	p0 =	seq.s32 s7, s2  }
0x1e: {  	s7 =	smul.u32 @!p0 $0xF7A, s2;
	p2 =	seq.s32 @!p0 s5, $0x0  }
0x1f: {  	s9 =	smul.u32 $0xF7A, s1;
	s8 =	simm.s32 @!p0 $0x1BF5;
	p2 =	por !p2, p0  }
0x20: {  	[sflag:s8] =	ssyncset.s32 @!p0 $0xFFFFF086;
	s6 =	sadd.s32 @!p0 s3, s7;
	s7 =	simm.s32 @!p0 $0x108  }
0x21: {  	s3 =	sadd.s32 s3, s9;
	s6 =	sadd.s32 @!p0 $0x88, s6;
	s7 =	simm.s32 @p2 $0x1082  }
0x22: {  	[simem:s7], [sflag:s8] =	dma.local @!p0 [hbm:s6], $0xF7A  }
0x23: {  	s9 =	sor.u32 $0xD0000000, s2;
	s6 =	simm.s32 $0x108;
	_ =	swait.ge @!p0 [sflag:s8], $0x0  }
0x24: {  	s3 =	sadd.s32 $0x88, s3;
	s6 =	simm.s32 @!p1 $0x1082;
	[sflag:s4] =	ssyncset.s32 $0xFFFFF086  }
0x25: {  	[simem:s6], [sflag:s4] =	dma.local [hbm:s3], $0xF7A  }
0x26: {  	[smem:$0x3F9D] =	sst s1;
	(tag) =	ssettag s2;
	_ =	strace s9  }
0x27: {  	s1 =	sld [smem:$0x3FAD]  }
0x28: {  	s2 =	sld [smem:$0x3FAE]  }
0x29: {  	s4 =	sld [smem:$0x3FB0]  }
0x2a: {  	p0 =	seq.s32 s5, $0x0;
	s5 =	sld [smem:$0x3FB1]  }
0x2b: {  	s6 =	sld [smem:$0x3FB2]  }
0x2c: {  	s7 =	sld [smem:$0x3FB3]  }
0x2d: {  	s3 =	simm.s32 $0x108;
	s8 =	sld [smem:$0x3FB4]  }
0x2e: {  	s3 =	simm.s32 @!p0 $0x1082;
	s9 =	sld [smem:$0x3FB5]  }
0x2f: {  	lr =	sadd.s32 s0, s3;
	s0 =	sld [smem:$0x3FAC]  }
0x30: {  	s3 =	sld [smem:$0x3FAF]  }
0x31: {  	[smem:$0x3FB8] =	sst s10  }
0x32: {  	s10 =	sld [smem:$0x3FB6];
	_ =	sdelay $0x3  }
0x33: {  	p0 =	seq.s32 s10, $0x1;
	s10 =	sld [smem:$0x3FB8];
	_ =	sdelay $0x3  }
0x34: {  	[smem:$0x3FB8] =	sst s10  }
0x35: {  	s10 =	sld [smem:$0x3FB7];
	_ =	sdelay $0x3  }
0x36: {  	p1 =	seq.s32 s10, $0x1;
	s10 =	sld [smem:$0x3FB8];
	_ =	sdelay $0x3  }
0x37: {  	[smem:$0x3FB8] =	sst s10  }
0x38: {  	s10 =	sld [smem:$0x3FB9]  }
0x39: {  	_ = 	snop;
	(pc) =	sbr.ind lr, $3  }
0x3a: {  	_ = 	snop  }
0x3b: {  	_ = 	snop  }
0x3c: {  	p2 =	seq.s32 s10, $0x1;
	s10 =	sld [smem:$0x3FB8]  }
0x3d: {  	_ =	shalt  }
0x3e: {  	_ =	shalt  }
0x3f: {  	_ =	shalt  }
0x40: {  	_ =	shalt  }
0x41: {  	_ =	shalt  }
0x42: {  	_ =	shalt  }
0x43: {  	_ =	shalt  }
0x44: {  	_ =	shalt  }
0x45: {  	_ =	shalt  }
0x46: {  	_ =	shalt  }
0x47: {  	_ =	shalt  }
0x48: {  	_ =	shalt  }
0x49: {  	_ =	shalt  }
0x4a: {  	_ =	shalt  }
0x4b: {  	_ =	shalt  }
0x4c: {  	_ =	shalt  }
0x4d: {  	_ =	shalt  }
0x4e: {  	_ =	shalt  }
0x4f: {  	_ =	shalt  }
0x50: {  	_ =	shalt  }
0x51: {  	_ =	shalt  }
0x52: {  	_ =	shalt  }
0x53: {  	_ =	shalt  }
0x54: {  	_ =	shalt  }
0x55: {  	_ =	shalt  }
0x56: {  	_ =	shalt  }
0x57: {  	_ =	shalt  }
0x58: {  	_ =	shalt  }
0x59: {  	_ =	shalt  }
0x5a: {  	_ =	shalt  }
0x5b: {  	_ =	shalt  }
0x5c: {  	_ =	shalt  }
0x5d: {  	_ =	shalt  }
0x5e: {  	_ =	shalt  }
0x5f: {  	_ =	shalt  }
0x60: {  	_ =	shalt  }
0x61: {  	_ =	shalt  }
0x62: {  	_ =	shalt  }
0x63: {  	_ =	shalt  }
0x64: {  	_ =	shalt  }
0x65: {  	_ =	shalt  }
0x66: {  	_ =	shalt  }
0x67: {  	_ =	shalt  }
0x68: {  	_ =	shalt  }
0x69: {  	_ =	shalt  }
0x6a: {  	_ =	shalt  }
0x6b: {  	_ =	shalt  }
0x6c: {  	_ =	shalt  }
0x6d: {  	_ =	shalt  }
0x6e: {  	_ =	shalt  }
0x6f: {  	_ =	shalt  }
0x70: {  	_ =	shalt  }
0x71: {  	_ =	shalt  }
0x72: {  	_ =	shalt  }
0x73: {  	_ =	shalt  }
0x74: {  	_ =	shalt  }
0x75: {  	_ =	shalt  }
0x76: {  	_ =	shalt  }
0x77: {  	_ =	shalt  }
0x78: {  	_ =	shalt  }
0x79: {  	_ =	shalt  }
0x7a: {  	_ =	shalt  }
0x7b: {  	_ =	shalt  }
0x7c: {  	_ =	shalt  }
0x7d: {  	_ =	shalt  }
0x7e: {  	_ =	shalt  }
0x7f: {  	_ =	shalt  }
0x80: {  	_ =	shalt  }
0x81: {  	_ =	shalt  }
0x82: {  	_ =	shalt  }
0x83: {  	_ =	shalt  }
0x84: {  	_ =	shalt  }
0x85: {  	_ =	shalt  }
0x86: {  	_ =	shalt  }
0x87: {  	_ =	shalt  }
.Lfunc_end0:
.L_simem_size_0:
called_computation_lowered:
.L_overlay_start_0:
0x88: {  	s2 =	sld [smem:$0x3FD9]  }
0x89: {  	s3 =	sld [smem:$0x3FFE];
	_ =	sdelay $0x1  }
0x8a: {  	s1 =	srdreg.scid  }
0x8b: {  	s0 =	sand.u32 $0x1, s1  }
0x8c: {  	s14 =	sshll.u32 s0, $0xA;
	s2 =	sadd.s32 s3, s2  }
0x8d: {  	s2 =	sadd.s32 s2, s14  }
0x8e: {  	[smem:$0x3FC4] =	sst s2  }
0x8f: {  	_ = 	snop  }
0x90: {  	s2 =	sld [smem:$0x3FD0];
	_ =	sdelay $0x2  }
0x91: {  	s15 =	simm.s32 $0xA;
	s4 =	simm.s32 $0x10  }
0x92: {  	[smem:s4], [sflag:s15] =	dma.local [hbm:s2], $0x1  }
0x93: {  	_ =	swait.eq [sflag:s15], $0x1  }
0x94: {  	[sflag:s15] =	ssyncset.done $0x0  }
0x95: {  	[sflag:s15] =	ssyncadd.s32 $0xFFFFFFFF  }
0x96: {  	s16 =	sld [smem:$0x10];
	(tm) =	ssettm $0x1  }
0x97: {  	s17 =	sld [smem:$0x3FFB];
	_ =	sdelay $0x3  }
0x98: {  	_ =	strace s17  }
0x99: {  	s3 =	sld [smem:$0x3FFC];
	_ =	sdelay $0x3  }
0x9a: {  	_ =	strace s3  }
0x9b: {  	s3 =	sld [smem:$0x3FFD];
	_ =	sdelay $0x3  }
0x9c: {  	_ =	strace s3  }
0x9d: {  	_ =	strace $0x8FFFFFFF  }
0x9e: {  	s18 =	sld [smem:$0x3FDB];
	_ =	sdelay $0x1  }
0x9f: {  	s19 =	simm.s32 $_scs_section_size  }
0xa0: {  	s5 =	simm.s32 $_size__tile_overlayer_lowered;
	s6 =	simm.s32 $_tile_overlayer_lowered  }
0xa1: {  	s22 =	simm.s32 $0x1BFF;
	s21 =	sshll.u32 s6, $0x1;
	s3 =	sadd.s32 s19, s18  }
0xa2: {  	s7 =	simm.s32 $0x0;
	s20 =	sshll.u32 s5, $0x1;
	s5 =	sadd.s32 s21, s3  }
0xa3: {  	[timem:s7], [sflag:s22] =	dma.local [hbm:s5], s20  }
0xa4: {  	_ =	swait.ge [sflag:s22], s20  }
0xa5: {  	s4 =	ssub.s32 $0x0, s20;
	[sflag:s22] =	ssyncset.done $0x0  }
0xa6: {  	[sflag:s22] =	ssyncadd.s32 s4;
	_ =	sdelay $0x1  }
0xa7: {  	s23 =	simm.s32 $0x1B8B  }
0xa8: {  	_ =	swait.ge [sflag:s23], $0x1  }
0xa9: {  	[sflag:s23] =	ssyncset.done $0x0  }
0xaa: {  	s25 =	simm.s32 $0x1B8E;
	s24 =	sld [smem:$0x3FFE];
	[sflag:s23] =	ssyncadd.s32 $0xFFFFFFFF  }
0xab: {  	s26 =	simm.s32 $execute0_lowered;
	[smem:$0x3FD2] =	sst s25  }
0xac: {  	s5 =	sshll.u32 s26, $0x1;
	_ =	strace $0x80000046;
	[dreg:$0x1] =	wrdreg $0xFFFFFFFF  }
0xad: {  	s28 =	simm.s32 $_size_execute0_lowered;
	s3 =	sadd.s32 s3, s5;
	[dreg:$0x0] =	wrdreg $0x0  }
0xae: {  	s5 =	sshll.u32 s28, $0x1;
	[dreg:$0x2] =	wrdreg s3  }
0xaf: {  	[dreg:$0x3] =	wrdreg s5  }
0xb0: {  	[dreg:$0x4] =	wrdreg $0xC0  }
0xb1: {  	_ =	task [dreg:s7], $0x5FFFF  }
0xb2: {  	[dreg:$0x1] =	wrdreg $0xFFFFFFFF  }
0xb3: {  	[dreg:$0x0] =	wrdreg $0x60  }
0xb4: {  	[dreg:$0x2] =	wrdreg s16  }
0xb5: {  	[dreg:$0x3] =	wrdreg s24  }
0xb6: {  	[dreg:$0x4] =	wrdreg $0x7A800  }
0xb7: {  	[dreg:$0x5] =	wrdreg $0x7D000  }
0xb8: {  	[dreg:$0x6] =	wrdreg $0x7D280  }
0xb9: {  	[dreg:$0x7] =	wrdreg $0x9  }
0xba: {  	_ =	task.clear_ibuf [dreg:s7], $0x8FFFF;
	_ =	strace $0x90000046  }
0xbb: {  	s29 =	simm.s32 $0x9;
	_ =	strace $0x80000048  }
0xbc: {  	_ =	swait.ge [sflag:s29], $0x1  }
0xbd: {  	[sflag:s29] =	ssyncadd.s32 $0xFFFFFFFF  }
0xbe: {  	_ =	strace $0x90000048  }
0xbf: {  	_ =	sfence  }
0xc0: {  	s30 =	sld [smem:$0x0];
	_ =	sdelay $0x2  }
0xc1: {  	s31 =	sshll.u32 s1, $0xD;
	s1 =	sshrl.u32 s1, $0x2  }
0xc2: {  	s3 =	sand.u32 $0x4000, s31;
	s1 =	sadd.s32 s1, s30  }
0xc3: {  	s0 =	sor.u32 s3, s0;
	s1 =	sshll.u32 s1, $0x11  }
0xc4: {  	s0 =	sor.u32 s1, s0  }
0xc5: {  	s0 =	sadd.s32 $0x8F2B, s0  }
0xc6: {  	[sflag:s0] =	ssyncadd.remote.s32 $0x1  }
0xc7: {  	_ =	sfence.sel $0xFFFF  }
0xc8: {  	[dreg:$0x0] =	wrdreg $0xFFFFFFFF;
	(pc) =	sbr.abs _section_cstart, $3  }
0xc9: {  	[dreg:$0x1] =	wrdreg $0xFFFFFFFF  }
0xca: {  	_ =	task.clear_ibuf [dreg:s7], $0x2FFFF;
	_ =	strace $0x9FFFFFFF  }
0xcb: {  	(tm) =	ssettm $0x7FFFFFFF  }
tec
execute0_lowered:
.L_overlay_start_1:
0x0: {  	(tag) =	ssettag $0x1  }
0x1: {  	s12 =	rddreg [dreg:$0x0]  }
0x2: {  	s10 =	rddreg [dreg:$0x1]  }
0x3: {  	s0 =	rddreg [dreg:$0x2]  }
0x4: {  	s2 =	srdreg.scid;
	s3 =	rddreg [dreg:$0x3]  }
0x5: {  	s1 =	stileid.u32;
	s4 =	rddreg [dreg:$0x4]  }
0x6: {  	s5 =	simm.s32 $0x0;
	s18 =	simm.s32 $0x4;
	s19 =	simm.s32 $0x1400  }
0x7: {  	s20 =	simm.s32 $0x5000;
	s21 =	simm.s32 $0x80;
	s22 =	simm.s32 $0x1  }
0x8: {  	s23 =	simm.s32 $0x2;
	s24 =	simm.s32 $0x3;
	s26 =	simm.s32 $0x0  }
0x9: {  	s25 =	sand.u32 $0x1, s2;
	s31 =	sshll.u32 s1, $0x1;
	[smem:$0x7FF] =	sst s5  }
0xa: {  	s11 =	smul.u32 $0x280, s1;
	s8 =	sadd.s32 $0x32C00, s10;
	s9 =	sadd.s32 $0x32800, s10  }
0xb: {  	p0 =	sne.s32 s1, $0x0;
	p2 =	seq.s32 s1, $0x0;
	s6 =	sor.u32 s25, s31  }
0xc: {  	_ =	strace $0x80000047;
	s16 =	ssub.s32 $0x2, s25;
	p1 =	sne.s32 s25, $0x0  }
0xd: {  	s25 =	simm.s32 $0x1C04;
	s13 =	smul.u32 $0x280, s6;
	s6 =	sadd.s32 $0x2CC00, s10  }
.Ltmp0:
0xe: {  	s7 =	sshrl.u32 s11, $0x3;
	s17 =	sshrl.u32 s16, $0x1;
	(pc) =	sbr.rel .LBB2_1-.Ltmp0, $4  }
0xf: {  	s11 =	sadd.s32 s11, s0;
	s15 =	sadd.s32 s7, s10;
	s7 =	sadd.s32 $0x32E00, s10  }
0x10: {  	s16 =	ssub.s32 s16, s17;
	s17 =	simm.s32 $0x7800;
	s14 =	sadd.s32 s13, s10  }
0x11: {  	s10 =	sadd.s32 $0x32A00, s10;
	s12 =	sadd.s32 s12, s13;
	s16 =	smax.u32 s16, $0x1  }
0x12: {  	v0 =	vimm.f32 $0.0e+00;
	v1 =	vimm.f32 $1.000000000e+00;
	s13 =	sadd.s32 $0x2D800, s14;
	s14 =	sadd.s32 $0x33000, s15;
	s15 =	sadd.s32 $0x33600, s15  }
.LBB2_8:
0x13: {  	s2 =	sshrl.u32 s3, $0x3  }
0x14: {  	[hbm:s29], [sflag:s25] =	dma.local [spmem:s2], $0x50  }
0x15: {  	_ =	swait.ge [sflag:s18], $0x50  }
0x16: {  	[sflag:s18] =	ssyncset.done $0x0  }
0x17: {  	s31 =	sshrl.u32 s4, $0x3;
	[sflag:s18] =	ssyncadd.s32 $0xFFFFFFB0  }
0x18: {  	[hbm:s28], [sflag:s25] =	dma.local [spmem:s31], $0x50  }
0x19: {  	_ =	swait.ge [sflag:s18], $0x50  }
0x1a: {  	[sflag:s18] =	ssyncset.done $0x0  }
0x1b: {  	[sflag:s18] =	ssyncadd.s32 $0xFFFFFFB0  }
.LBB2_9:
0x1c: {  	s26 =	sadd.s32 $0x1, s26  }
0x1d: {  	p3 =	sne.s32 s26, s16  }
.Ltmp1:
0x1e: {  	_ = 	snop;
	(pc) =	sbr.rel @!p3 .LBB2_10-.Ltmp1, $1  }
0x1f: {  	_ =	sdelay $0x3  }
.LBB2_1:
0x20: {  	[tilespmem:$0x7800] =	vst v0  }
0x21: {  	[tilespmem:$0x7810] =	vst v0  }
0x22: {  	[tilespmem:$0x7820] =	vst v0  }
0x23: {  	[tilespmem:$0x7830] =	vst v0  }
0x24: {  	[tilespmem:$0x7840] =	vst v0  }
0x25: {  	[tilespmem:$0x7850] =	vst v0  }
0x26: {  	[tilespmem:$0x7860] =	vst v0  }
0x27: {  	[tilespmem:$0x7870] =	vst v0  }
0x28: {  	[tilespmem:$0x7880] =	vst v0  }
0x29: {  	[tilespmem:$0x7890] =	vst v0  }
0x2a: {  	[tilespmem:$0x78A0] =	vst v0  }
0x2b: {  	[tilespmem:$0x78B0] =	vst v0  }
0x2c: {  	[tilespmem:$0x78C0] =	vst v0  }
0x2d: {  	[tilespmem:$0x78D0] =	vst v0  }
0x2e: {  	[tilespmem:$0x78E0] =	vst v0  }
0x2f: {  	[tilespmem:$0x78F0] =	vst v0  }
0x30: {  	[tilespmem:$0x7900] =	vst v0  }
0x31: {  	[tilespmem:$0x7910] =	vst v0  }
0x32: {  	[tilespmem:$0x7920] =	vst v0  }
0x33: {  	[tilespmem:$0x7930] =	vst v0  }
0x34: {  	[tilespmem:$0x7940] =	vst v0  }
0x35: {  	[tilespmem:$0x7950] =	vst v0  }
0x36: {  	[tilespmem:$0x7960] =	vst v0  }
0x37: {  	[tilespmem:$0x7970] =	vst v0  }
0x38: {  	[tilespmem:$0x7980] =	vst v0  }
0x39: {  	[tilespmem:$0x7990] =	vst v0  }
0x3a: {  	[tilespmem:$0x79A0] =	vst v0  }
0x3b: {  	[tilespmem:$0x79B0] =	vst v0  }
0x3c: {  	[tilespmem:$0x79C0] =	vst v0  }
0x3d: {  	[tilespmem:$0x79D0] =	vst v0  }
0x3e: {  	[tilespmem:$0x79E0] =	vst v0  }
0x3f: {  	[tilespmem:$0x79F0] =	vst v0  }
0x40: {  	[tilespmem:$0x7A00] =	vst v0  }
0x41: {  	[tilespmem:$0x7A10] =	vst v0  }
0x42: {  	[tilespmem:$0x7A20] =	vst v0  }
0x43: {  	[tilespmem:$0x7A30] =	vst v0  }
0x44: {  	[tilespmem:$0x7A40] =	vst v0  }
0x45: {  	[tilespmem:$0x7A50] =	vst v0  }
0x46: {  	[tilespmem:$0x7A60] =	vst v0  }
0x47: {  	[tilespmem:$0x7A70] =	vst v0  }
0x48: {  	[spmem:s11] =	stream.linear.scatter [tilespmem:s17], [sflag:$0x4], $0x280, $0x38;
	[tilespmem:$0x7D50] =	vst v63  }
0x49: {  	_ =	swait.ge [sflag:s18], $0x280  }
0x4a: {  	[sflag:s18] =	ssyncset.done $0x0  }
0x4b: {  	s28 =	simm.s32 @!p0 $0x7800;
	s29 =	simm.s32 @!p0 $0x4;
	[sflag:s18] =	ssyncadd.s32 $0xFFFFFD80  }
0x4c: {  	[spmem:s3] =	stream.linear.scatter @!p0 [tilespmem:s28], [sflag:$0x4], $0x280, $0x38;
	[tilespmem:$0x7D50] =	vst v63  }
0x4d: {  	_ =	swait.ge @!p0 [sflag:s29], $0x280  }
0x4e: {  	[sflag:s29] =	ssyncset.done @!p0 $0x0  }
0x4f: {  	[sflag:s29] =	ssyncadd.s32 @!p0 $0xFFFFFD80  }
0x50: {  	[spmem:s4] =	stream.linear.scatter @!p0 [tilespmem:s28], [sflag:$0x4], $0x280, $0x38;
	[tilespmem:$0x7D50] =	vst v63  }
0x51: {  	_ =	swait.ge @!p0 [sflag:s29], $0x280  }
0x52: {  	[sflag:s29] =	ssyncset.done @!p0 $0x0  }
0x53: {  	[sflag:s29] =	ssyncadd.s32 @!p0 $0xFFFFFD80  }
0x54: {  	[tilespmem:s5], [sflag:$0x4] =	stream.linear.gather [hbm4b:s12+s5], $0x1400, $0x38;
	[tilespmem:$0x7D50] =	vst v63  }
0x55: {  	_ =	swait.ge [sflag:s18], $0x1400  }
0x56: {  	[sflag:s18] =	ssyncset.done $0x0  }
0x57: {  	[sflag:s18] =	ssyncadd.s32 $0xFFFFEC00  }
0x58: {  	[tilespmem:s19], [sflag:$0x4] =	stream.linear.gather [hbm4b:s13+s5], $0x1400, $0x38;
	[tilespmem:$0x7D50] =	vst v63  }
0x59: {  	_ =	swait.ge [sflag:s18], $0x1400  }
0x5a: {  	[sflag:s18] =	ssyncset.done $0x0  }
0x5b: {  	[sflag:s18] =	ssyncadd.s32 $0xFFFFEC00  }
0x5c: {  	[tilespmem:s20], [sflag:$0x4] =	stream.linear.gather [hbm4b:s6+s5], $0x2800, $0x38;
	[tilespmem:$0x7D50] =	vst v63  }
0x5d: {  	_ =	swait.ge [sflag:s18], $0x2800  }
0x5e: {  	[sflag:s18] =	ssyncset.done $0x0  }
0x5f: {  	s28 =	simm.s32 $0x0;
	[sflag:s18] =	ssyncadd.s32 $0xFFFFD800  }
0x60: {  	v2 =	vld [tilespmem:s28+$0x0];
	_ =	sdelay $0x5  }
0x61: {  	v3 =	vld [tilespmem:s28+$0x10];
	_ =	sdelay $0x1  }
0x62: {  	v2 =	vld.idx.msk [tilespmem:v2+s20+$0x0], $0xffff;
	_ =	sdelay $0x3  }
0x63: {  	[tilespmem:s28+$0x3C00] =	vst v1  }
0x64: {  	[tilespmem:s28+$0x2800] =	vst v2;
	v2 =	vld [tilespmem:s28+$0x20]  }
0x65: {  	v3 =	vld.idx.msk [tilespmem:v3+s20+$0x0], $0xffff;
	_ =	sdelay $0x4  }
0x66: {  	[tilespmem:s28+$0x2810] =	vst v3;
	v3 =	vld [tilespmem:s28+$0x30]  }
0x67: {  	[tilespmem:s28+$0x3C10] =	vst v1  }
0x68: {  	v2 =	vld.idx.msk [tilespmem:v2+s20+$0x0], $0xffff;
	_ =	sdelay $0x3  }
0x69: {  	[tilespmem:s28+$0x3C20] =	vst v1  }
0x6a: {  	[tilespmem:s28+$0x2820] =	vst v2;
	v2 =	vld [tilespmem:s28+$0x40]  }
0x6b: {  	v3 =	vld.idx.msk [tilespmem:v3+s20+$0x0], $0xffff;
	_ =	sdelay $0x4  }
0x6c: {  	[tilespmem:s28+$0x2830] =	vst v3;
	v3 =	vld [tilespmem:s28+$0x50]  }
0x6d: {  	[tilespmem:s28+$0x3C30] =	vst v1  }
0x6e: {  	v2 =	vld.idx.msk [tilespmem:v2+s20+$0x0], $0xffff;
	_ =	sdelay $0x3  }
0x6f: {  	[tilespmem:s28+$0x3C40] =	vst v1  }
0x70: {  	v4 =	vld [tilespmem:s28+$0x60];
	[tilespmem:s28+$0x2840] =	vst v2  }
0x71: {  	v2 =	vld.idx.msk [tilespmem:v3+s20+$0x0], $0xffff;
	_ =	sdelay $0x4  }
0x72: {  	[tilespmem:s28+$0x2850] =	vst v2;
	v2 =	vld [tilespmem:s28+$0x70]  }
0x73: {  	[tilespmem:s28+$0x3C50] =	vst v1  }
0x74: {  	v3 =	vld.idx.msk [tilespmem:v4+s20+$0x0], $0xffff;
	_ =	sdelay $0x3  }
0x75: {  	s30 =	simm.s32 $0x80;
	s29 =	simm.s32 $0x400;
	[tilespmem:s28+$0x3C60] =	vst v1  }
.LBB2_2:
0x76: {  	p3 =	sne.s32 s29, $0x4E00;
	v4 =	vld [tilespmem:s30+$0x0];
	[tilespmem:s28+$0x2860] =	vst v3  }
0x77: {  	v2 =	vld.idx.msk [tilespmem:v2+s20+$0x0], $0xffff;
	[tilespmem:s28+$0x3C70] =	vst v1;
	_ =	sdelay $0x5  }
0x78: {  	v3 =	vld [tilespmem:s30+$0x10];
	[tilespmem:s28+$0x2870] =	vst v2;
	s28 =	smov.u32 s30  }
0x79: {  	v2 =	vld.idx.msk [tilespmem:v4+s20+$0x0], $0xffff;
	[tilespmem:s28+$0x3C00] =	vst v1;
	_ =	sdelay $0x5  }
0x7a: {  	[tilespmem:s28+$0x2800] =	vst v2;
	v2 =	vld [tilespmem:s28+$0x20]  }
0x7b: {  	v3 =	vld.idx.msk [tilespmem:v3+s20+$0x0], $0xffff;
	_ =	sdelay $0x4  }
0x7c: {  	[tilespmem:s28+$0x3C10] =	vst v1  }
0x7d: {  	[tilespmem:s28+$0x2810] =	vst v3;
	v3 =	vld [tilespmem:s28+$0x30]  }
0x7e: {  	v2 =	vld.idx.msk [tilespmem:v2+s20+$0x0], $0xffff;
	_ =	sdelay $0x4  }
0x7f: {  	[tilespmem:s28+$0x3C20] =	vst v1  }
0x80: {  	[tilespmem:s28+$0x2820] =	vst v2;
	v2 =	vld [tilespmem:s28+$0x40]  }
0x81: {  	v3 =	vld.idx.msk [tilespmem:v3+s20+$0x0], $0xffff;
	_ =	sdelay $0x4  }
0x82: {  	[tilespmem:s28+$0x3C30] =	vst v1  }
0x83: {  	[tilespmem:s28+$0x2830] =	vst v3;
	v3 =	vld [tilespmem:s28+$0x50]  }
0x84: {  	v2 =	vld.idx.msk [tilespmem:v2+s20+$0x0], $0xffff;
	_ =	sdelay $0x4  }
0x85: {  	[tilespmem:s28+$0x3C40] =	vst v1  }
0x86: {  	[tilespmem:s28+$0x2840] =	vst v2;
	v4 =	vld [tilespmem:s28+$0x60]  }
0x87: {  	v2 =	vld.idx.msk [tilespmem:v3+s20+$0x0], $0xffff;
	_ =	sdelay $0x4  }
0x88: {  	[tilespmem:s28+$0x3C50] =	vst v1  }
0x89: {  	[tilespmem:s28+$0x2850] =	vst v2;
	v2 =	vld [tilespmem:s28+$0x70]  }
0x8a: {  	v3 =	vld.idx.msk [tilespmem:v4+s20+$0x0], $0xffff  }
.Ltmp2:
0x8b: {  	(pc) =	sbr.rel @p3 .LBB2_2-.Ltmp2, $2  }
0x8c: {  	_ =	sdelay $0x2  }
0x8d: {  	s30 =	sshra.s32 s29, $0x2;
	s29 =	sadd.s32 $0x200, s29;
	[tilespmem:s28+$0x3C60] =	vst v1  }
0x8e: {  	_ =	sdelay $0x1  }
0x8f: {  	v4 =	vld [tilespmem:s30+$0x0]  }
0x90: {  	[tilespmem:s28+$0x2860] =	vst v3  }
0x91: {  	v2 =	vld.idx.msk [tilespmem:v2+s20+$0x0], $0xffff;
	_ =	sdelay $0x2  }
0x92: {  	[tilespmem:s28+$0x3C70] =	vst v1  }
0x93: {  	v3 =	vld [tilespmem:s30+$0x10]  }
0x94: {  	[tilespmem:s28+$0x2870] =	vst v2  }
0x95: {  	v2 =	vld.idx.msk [tilespmem:v4+s20+$0x0], $0xffff;
	_ =	sdelay $0x3  }
0x96: {  	[tilespmem:s30+$0x3C00] =	vst v1  }
0x97: {  	[tilespmem:s30+$0x2800] =	vst v2;
	v2 =	vld [tilespmem:s30+$0x20]  }
0x98: {  	v3 =	vld.idx.msk [tilespmem:v3+s20+$0x0], $0xffff;
	_ =	sdelay $0x4  }
0x99: {  	[tilespmem:s30+$0x2810] =	vst v3;
	v3 =	vld [tilespmem:s30+$0x30]  }
0x9a: {  	[tilespmem:s30+$0x3C10] =	vst v1  }
0x9b: {  	v2 =	vld.idx.msk [tilespmem:v2+s20+$0x0], $0xffff;
	_ =	sdelay $0x3  }
0x9c: {  	[tilespmem:s30+$0x3C20] =	vst v1  }
0x9d: {  	[tilespmem:s30+$0x2820] =	vst v2;
	v2 =	vld [tilespmem:s30+$0x40]  }
0x9e: {  	v3 =	vld.idx.msk [tilespmem:v3+s20+$0x0], $0xffff;
	_ =	sdelay $0x4  }
0x9f: {  	[tilespmem:s30+$0x2830] =	vst v3;
	v3 =	vld [tilespmem:s30+$0x50]  }
0xa0: {  	[tilespmem:s30+$0x3C30] =	vst v1  }
0xa1: {  	v2 =	vld.idx.msk [tilespmem:v2+s20+$0x0], $0xffff;
	_ =	sdelay $0x3  }
0xa2: {  	[tilespmem:s30+$0x3C40] =	vst v1  }
0xa3: {  	[tilespmem:s30+$0x2840] =	vst v2;
	v2 =	vld [tilespmem:s30+$0x60]  }
0xa4: {  	v3 =	vld.idx.msk [tilespmem:v3+s20+$0x0], $0xffff;
	_ =	sdelay $0x4  }
0xa5: {  	[tilespmem:s30+$0x2850] =	vst v3;
	v3 =	vld [tilespmem:s30+$0x70]  }
0xa6: {  	[tilespmem:s30+$0x3C50] =	vst v1  }
0xa7: {  	v2 =	vld.idx.msk [tilespmem:v2+s20+$0x0], $0xffff;
	_ =	sdelay $0x3  }
0xa8: {  	[tilespmem:s30+$0x3C60] =	vst v1  }
0xa9: {  	[tilespmem:s30+$0x2860] =	vst v2  }
0xaa: {  	v2 =	vld.idx.msk [tilespmem:v3+s20+$0x0], $0xffff;
	_ =	sdelay $0x3  }
0xab: {  	[tilespmem:s30+$0x3C70] =	vst v1  }
0xac: {  	[tilespmem:s30+$0x2870] =	vst v2  }
0xad: {  	s29 =	simm.s32 $0x3C00;
	s28 =	simm.s32 $0x0;
	[bflag:$0x0] =	sbarrier.arrive $0xFFFF  }
0xae: {  	[spmem:s0] =	stream.indirect.scatter.add.f32 [tilespmem:s29], [sflag:$0x1], $0x1, s28, s21, $0xb8;
	[tilespmem:$0x7D50] =	vst v63  }
0xaf: {  	s28 =	simm.s32 $0x1400  }
0xb0: {  	[spmem:s3] =	stream.indirect.scatter.add.f32 [tilespmem:s29], [sflag:$0x2], $0x1, s28, s21, $0xb8;
	[tilespmem:$0x7D50] =	vst v63  }
0xb1: {  	s29 =	simm.s32 $0x2800  }
0xb2: {  	[spmem:s4] =	stream.indirect.scatter.add.f32 [tilespmem:s29], [sflag:$0x3], $0x1, s28, s21, $0xb8;
	[tilespmem:$0x7D50] =	vst v63  }
0xb3: {  	_ =	swait.ge [sflag:s22], $0x80  }
0xb4: {  	[sflag:s22] =	ssyncset.done $0x0  }
0xb5: {  	[sflag:s22] =	ssyncadd.s32 $0xFFFFFF80  }
0xb6: {  	_ =	swait.ge [sflag:s23], $0x80  }
0xb7: {  	[sflag:s23] =	ssyncset.done $0x0  }
0xb8: {  	[sflag:s23] =	ssyncadd.s32 $0xFFFFFF80  }
0xb9: {  	_ =	swait.ge [sflag:s24], $0x80  }
0xba: {  	s29 =	simm.s32 $0x400;
	s28 =	simm.s32 $0x80;
	[sflag:s24] =	ssyncset.done $0x0  }
.LBB2_4:
0xbb: {  	s30 =	sadd.s32 $0x3C00, s28  }
0xbc: {  	[sflag:s24] =	ssyncadd.s32 $0xFFFFFF80;
	s31 =	smov.u32 s29;
	s2 =	sadd.s32 $0x200, s29  }
0xbd: {  	[spmem:s0] =	stream.indirect.scatter.add.f32 [tilespmem:s30], [sflag:$0x1], $0x1, s28, s21, $0xb8;
	[tilespmem:$0x7D50] =	vst v63  }
0xbe: {  	p3 =	sne.s32 s29, $0x4E00;
	s29 =	sadd.s32 $0x1400, s28  }
0xbf: {  	[spmem:s3] =	stream.indirect.scatter.add.f32 [tilespmem:s30], [sflag:$0x2], $0x1, s29, s21, $0xb8;
	[tilespmem:$0x7D50] =	vst v63  }
0xc0: {  	s28 =	sadd.s32 $0x2800, s28  }
0xc1: {  	[spmem:s4] =	stream.indirect.scatter.add.f32 [tilespmem:s28], [sflag:$0x3], $0x1, s29, s21, $0xb8;
	[tilespmem:$0x7D50] =	vst v63  }
0xc2: {  	_ =	swait.ge [sflag:s22], $0x80  }
0xc3: {  	[sflag:s22] =	ssyncset.done $0x0  }
0xc4: {  	[sflag:s22] =	ssyncadd.s32 $0xFFFFFF80  }
.Ltmp3:
0xc5: {  	_ =	swait.ge [sflag:s23], $0x80;
	(pc) =	sbr.rel @p3 .LBB2_4-.Ltmp3, $4  }
0xc6: {  	[sflag:s23] =	ssyncset.done $0x0  }
0xc7: {  	[sflag:s23] =	ssyncadd.s32 $0xFFFFFF80  }
0xc8: {  	_ =	swait.ge [sflag:s24], $0x80  }
0xc9: {  	s28 =	sshra.s32 s31, $0x2;
	s29 =	smov.u32 s2;
	[sflag:s24] =	ssyncset.done $0x0  }
0xca: {  	s2 =	sadd.s32 $0x3C00, s28;
	[sflag:s24] =	ssyncadd.s32 $0xFFFFFF80  }
0xcb: {  	[spmem:s0] =	stream.indirect.scatter.add.f32 [tilespmem:s2], [sflag:$0x1], $0x1, s28, s21, $0xb8;
	[tilespmem:$0x7D50] =	vst v63  }
0xcc: {  	s29 =	sadd.s32 $0x1400, s28  }
0xcd: {  	[spmem:s3] =	stream.indirect.scatter.add.f32 [tilespmem:s2], [sflag:$0x2], $0x1, s29, s21, $0xb8;
	[tilespmem:$0x7D50] =	vst v63  }
0xce: {  	s30 =	sadd.s32 $0x2800, s28  }
0xcf: {  	[spmem:s4] =	stream.indirect.scatter.add.f32 [tilespmem:s30], [sflag:$0x3], $0x1, s29, s21, $0xb8;
	[tilespmem:$0x7D50] =	vst v63  }
0xd0: {  	_ =	swait.ge [sflag:s22], $0x80  }
0xd1: {  	[sflag:s22] =	ssyncset.done $0x0  }
0xd2: {  	[sflag:s22] =	ssyncadd.s32 $0xFFFFFF80  }
0xd3: {  	_ =	swait.ge [sflag:s23], $0x80  }
0xd4: {  	[sflag:s23] =	ssyncset.done $0x0  }
0xd5: {  	[sflag:s23] =	ssyncadd.s32 $0xFFFFFF80  }
0xd6: {  	_ =	swait.ge [sflag:s24], $0x80  }
.Ltmp4:
0xd7: {  	[sflag:s24] =	ssyncset.done $0x0;
	(pc) =	sbr.rel @p1 .LBB2_7-.Ltmp4, $4  }
0xd8: {  	[sflag:s24] =	ssyncadd.s32 $0xFFFFFF80  }
0xd9: {  	[bflag:$0x0] =	sbarrier.arrive $0xFFFF  }
0xda: {  	s31 =	sshll.u32 s1, $0x6;
	[bflag:$0x0] =	sbarrier.arrive $0xFFFF  }
0xdb: {  	s28 =	sshrl.u32 s11, $0x3;
	s29 =	sor.u32 $0x1C04, s31  }
0xdc: {  	[hbm:s15], [sflag:s29] =	dma.local [spmem:s28], $0x50  }
.Ltmp5:
0xdd: {  	_ = 	snop;
	(pc) =	sbr.rel @!p2 .LBB2_9-.Ltmp5, $4  }
.Ltmp6:
0xde: {  	_ = 	snop;
	(pc) =	sbr.rel @p2 .LBB2_8-.Ltmp6, $4  }
0xdf: {  	_ =	swait.ge [sflag:s18], $0x50  }
0xe0: {  	[sflag:s18] =	ssyncset.done $0x0  }
0xe1: {  	s29 =	smov.u32 s7;
	s28 =	smov.u32 s9;
	[sflag:s18] =	ssyncadd.s32 $0xFFFFFFB0  }
0xe2: {  	_ = 	snop  }
.LBB2_7:
0xe3: {  	[hbm:s14], [sflag:s29] =	dma.local [spmem:s28], $0x50  }
.Ltmp7:
0xe4: {  	_ = 	snop;
	(pc) =	sbr.rel @p0 .LBB2_9-.Ltmp7, $4  }
.Ltmp8:
0xe5: {  	_ = 	snop;
	(pc) =	sbr.rel @!p0 .LBB2_8-.Ltmp8, $4  }
0xe6: {  	_ =	swait.ge [sflag:s18], $0x50  }
0xe7: {  	[sflag:s18] =	ssyncset.done $0x0  }
0xe8: {  	s29 =	smov.u32 s8;
	s28 =	smov.u32 s10;
	[sflag:s18] =	ssyncadd.s32 $0xFFFFFFB0  }
0xe9: {  	_ = 	snop  }
.LBB2_10:
0xea: {  	_ =	sfence.sel $0x180000  }
0xeb: {  	[bflag:$0x0] =	sbarrier.arrive $0xFFFF  }
0xec: {  	_ =	strace $0x90000047  }
0xed: {  	[bflag:$0x2] =	sbarrier.arrive $0xFFFF  }
0xee: {  	s0 =	rddreg [dreg:$0x5]  }
0xef: {  	s0 =	sadd.s32 @!p0 $0x100000, s0  }
0xf0: {  	[sflag:s0] =	ssyncadd.tile.s32 @!p0 $0x1;
	_ =	shalt  }
.Lfunc_end2:
_tile_overlayer_lowered:
.L_overlay_start_2:
0xf1: {  	(tag) =	ssettag $0x2  }
0xf2: {  	s0 =	rddreg [dreg:$0x0];
	s2 =	stileid.u32  }
0xf3: {  	s1 =	rddreg [dreg:$0x1];
	p0 =	sne.s32 s2, $0x0  }
0xf4: {  	s3 =	rddreg [dreg:$0x2];
	[bflag:$0x3] =	sbarrier.arrive $0xFFFF;
	s2 =	simm.s32 @!p0 $0x1C04  }
0xf5: {  	[timem:s3], [sflag:s2] =	dma.local @!p0 [hbm:s0], s1  }
0xf6: {  	s0 =	simm.s32 @!p0 $0x4  }
0xf7: {  	_ =	swait.ge @!p0 [sflag:s0], s1  }
0xf8: {  	s1 =	ssub.s32 @!p0 $0x0, s1;
	[sflag:s0] =	ssyncset.done @!p0 $0x0  }
0xf9: {  	[sflag:s0] =	ssyncadd.s32 @!p0 s1  }
0xfa: {  	[bflag:$0x3] =	sbarrier.arrive $0xFFFF  }
0xfb: {  	_ =	shalt  }

// kernel: kernel.16.cloned.1.call-start
scs
__scs_entry_jumppad:
0x0: {  	(pc) =	sbr.rel $0x88, $3  }
0x1: {  	(tag) =	ssettag $0x0;
	lr =	simm.s32 $0x1  }
0x2: {  	[smem:$0x3F9D] =	sst lr;
	_ =	strace $0xD0000000  }
0x3: {  	_ = 	snop  }
0x4: {  	_ = 	snop  }
0x5: {  	_ = 	snop  }
0x6: {  	_ = 	snop  }
0x7: {  	_ = 	snop  }
__scs_overlays_trampoline_lowered:
0x8: {  	[smem:$0x3FAC] =	sst s0  }
0x9: {  	[smem:$0x3FAD] =	sst s1  }
0xa: {  	[smem:$0x3FAE] =	sst s2  }
0xb: {  	[smem:$0x3FAF] =	sst s3  }
0xc: {  	[smem:$0x3FB0] =	sst s4  }
0xd: {  	[smem:$0x3FB1] =	sst s5  }
0xe: {  	[smem:$0x3FB2] =	sst s6  }
0xf: {  	[smem:$0x3FB3] =	sst s7  }
0x10: {  	[smem:$0x3FB4] =	sst s8  }
0x11: {  	[smem:$0x3FB5] =	sst s9;
	s0 =	simm.s32 @!p0 $0x0  }
0x12: {  	s1 =	sld [smem:$0x3F9B];
	s0 =	simm.s32 @p0 $0x1  }
0x13: {  	[smem:$0x3FB6] =	sst s0;
	s0 =	simm.s32 @!p1 $0x0  }
0x14: {  	s2 =	sld [smem:$0x3F9A];
	s0 =	simm.s32 @p1 $0x1  }
0x15: {  	[smem:$0x3FB7] =	sst s0;
	s0 =	simm.s32 @!p2 $0x0  }
0x16: {  	s3 =	sld [smem:$0x3FDB];
	s0 =	simm.s32 @p2 $0x1  }
0x17: {  	s4 =	simm.s32 $0x1BF5;
	[smem:$0x3FB9] =	sst s0  }
0x18: {  	s0 =	sld [smem:$0x3F9C];
	_ =	swait.ge [sflag:s4], $0x0  }
0x19: {  	s7 =	sld [smem:$0x3F9D]  }
0x1a: {  	s8 =	sadd.s32 $0xFFFFE003, lr  }
0x1b: {  	s9 =	sadd.s32 $0xFFFFFEF7, lr;
	s5 =	simm.s32 $0xFFFFFFFF;
	p2 =	slt.u32 s8, $0xFFFFF086  }
0x1c: {  	p1 =	slt.u32 s9, $0xF7A;
	s5 =	simm.s32 @!p2 $0x0  }
0x1d: {  	s5 =	simm.s32 @p1 $0x1;
	p0 =	seq.s32 s7, s2  }
0x1e: {  	s7 =	smul.u32 @!p0 $0xF7A, s2;
	p2 =	seq.s32 @!p0 s5, $0x0  }
0x1f: {  	s9 =	smul.u32 $0xF7A, s1;
	s8 =	simm.s32 @!p0 $0x1BF5;
	p2 =	por !p2, p0  }
0x20: {  	[sflag:s8] =	ssyncset.s32 @!p0 $0xFFFFF086;
	s6 =	sadd.s32 @!p0 s3, s7;
	s7 =	simm.s32 @!p0 $0x108  }
0x21: {  	s3 =	sadd.s32 s3, s9;
	s6 =	sadd.s32 @!p0 $0x88, s6;
	s7 =	simm.s32 @p2 $0x1082  }
0x22: {  	[simem:s7], [sflag:s8] =	dma.local @!p0 [hbm:s6], $0xF7A  }
0x23: {  	s9 =	sor.u32 $0xD0000000, s2;
	s6 =	simm.s32 $0x108;
	_ =	swait.ge @!p0 [sflag:s8], $0x0  }
0x24: {  	s3 =	sadd.s32 $0x88, s3;
	s6 =	simm.s32 @!p1 $0x1082;
	[sflag:s4] =	ssyncset.s32 $0xFFFFF086  }
0x25: {  	[simem:s6], [sflag:s4] =	dma.local [hbm:s3], $0xF7A  }
0x26: {  	[smem:$0x3F9D] =	sst s1;
	(tag) =	ssettag s2;
	_ =	strace s9  }
0x27: {  	s1 =	sld [smem:$0x3FAD]  }
0x28: {  	s2 =	sld [smem:$0x3FAE]  }
0x29: {  	s4 =	sld [smem:$0x3FB0]  }
0x2a: {  	p0 =	seq.s32 s5, $0x0;
	s5 =	sld [smem:$0x3FB1]  }
0x2b: {  	s6 =	sld [smem:$0x3FB2]  }
0x2c: {  	s7 =	sld [smem:$0x3FB3]  }
0x2d: {  	s3 =	simm.s32 $0x108;
	s8 =	sld [smem:$0x3FB4]  }
0x2e: {  	s3 =	simm.s32 @!p0 $0x1082;
	s9 =	sld [smem:$0x3FB5]  }
0x2f: {  	lr =	sadd.s32 s0, s3;
	s0 =	sld [smem:$0x3FAC]  }
0x30: {  	s3 =	sld [smem:$0x3FAF]  }
0x31: {  	[smem:$0x3FB8] =	sst s10  }
0x32: {  	s10 =	sld [smem:$0x3FB6];
	_ =	sdelay $0x3  }
0x33: {  	p0 =	seq.s32 s10, $0x1;
	s10 =	sld [smem:$0x3FB8];
	_ =	sdelay $0x3  }
0x34: {  	[smem:$0x3FB8] =	sst s10  }
0x35: {  	s10 =	sld [smem:$0x3FB7];
	_ =	sdelay $0x3  }
0x36: {  	p1 =	seq.s32 s10, $0x1;
	s10 =	sld [smem:$0x3FB8];
	_ =	sdelay $0x3  }
0x37: {  	[smem:$0x3FB8] =	sst s10  }
0x38: {  	s10 =	sld [smem:$0x3FB9]  }
0x39: {  	_ = 	snop;
	(pc) =	sbr.ind lr, $3  }
0x3a: {  	_ = 	snop  }
0x3b: {  	_ = 	snop  }
0x3c: {  	p2 =	seq.s32 s10, $0x1;
	s10 =	sld [smem:$0x3FB8]  }
0x3d: {  	_ =	shalt  }
0x3e: {  	_ =	shalt  }
0x3f: {  	_ =	shalt  }
0x40: {  	_ =	shalt  }
0x41: {  	_ =	shalt  }
0x42: {  	_ =	shalt  }
0x43: {  	_ =	shalt  }
0x44: {  	_ =	shalt  }
0x45: {  	_ =	shalt  }
0x46: {  	_ =	shalt  }
0x47: {  	_ =	shalt  }
0x48: {  	_ =	shalt  }
0x49: {  	_ =	shalt  }
0x4a: {  	_ =	shalt  }
0x4b: {  	_ =	shalt  }
0x4c: {  	_ =	shalt  }
0x4d: {  	_ =	shalt  }
0x4e: {  	_ =	shalt  }
0x4f: {  	_ =	shalt  }
0x50: {  	_ =	shalt  }
0x51: {  	_ =	shalt  }
0x52: {  	_ =	shalt  }
0x53: {  	_ =	shalt  }
0x54: {  	_ =	shalt  }
0x55: {  	_ =	shalt  }
0x56: {  	_ =	shalt  }
0x57: {  	_ =	shalt  }
0x58: {  	_ =	shalt  }
0x59: {  	_ =	shalt  }
0x5a: {  	_ =	shalt  }
0x5b: {  	_ =	shalt  }
0x5c: {  	_ =	shalt  }
0x5d: {  	_ =	shalt  }
0x5e: {  	_ =	shalt  }
0x5f: {  	_ =	shalt  }
0x60: {  	_ =	shalt  }
0x61: {  	_ =	shalt  }
0x62: {  	_ =	shalt  }
0x63: {  	_ =	shalt  }
0x64: {  	_ =	shalt  }
0x65: {  	_ =	shalt  }
0x66: {  	_ =	shalt  }
0x67: {  	_ =	shalt  }
0x68: {  	_ =	shalt  }
0x69: {  	_ =	shalt  }
0x6a: {  	_ =	shalt  }
0x6b: {  	_ =	shalt  }
0x6c: {  	_ =	shalt  }
0x6d: {  	_ =	shalt  }
0x6e: {  	_ =	shalt  }
0x6f: {  	_ =	shalt  }
0x70: {  	_ =	shalt  }
0x71: {  	_ =	shalt  }
0x72: {  	_ =	shalt  }
0x73: {  	_ =	shalt  }
0x74: {  	_ =	shalt  }
0x75: {  	_ =	shalt  }
0x76: {  	_ =	shalt  }
0x77: {  	_ =	shalt  }
0x78: {  	_ =	shalt  }
0x79: {  	_ =	shalt  }
0x7a: {  	_ =	shalt  }
0x7b: {  	_ =	shalt  }
0x7c: {  	_ =	shalt  }
0x7d: {  	_ =	shalt  }
0x7e: {  	_ =	shalt  }
0x7f: {  	_ =	shalt  }
0x80: {  	_ =	shalt  }
0x81: {  	_ =	shalt  }
0x82: {  	_ =	shalt  }
0x83: {  	_ =	shalt  }
0x84: {  	_ =	shalt  }
0x85: {  	_ =	shalt  }
0x86: {  	_ =	shalt  }
0x87: {  	_ =	shalt  }
.Lfunc_end0:
.L_simem_size_0:
called_computation.1_lowered:
.L_overlay_start_0:
0x88: {  	s2 =	sld [smem:$0x3FD9]  }
0x89: {  	s3 =	sld [smem:$0x3FFE];
	_ =	sdelay $0x1  }
0x8a: {  	s1 =	srdreg.scid  }
0x8b: {  	s0 =	sand.u32 $0x1, s1  }
0x8c: {  	s14 =	sshll.u32 s0, $0xA;
	s2 =	sadd.s32 s3, s2  }
0x8d: {  	s2 =	sadd.s32 s2, s14  }
0x8e: {  	[smem:$0x3FC4] =	sst s2  }
0x8f: {  	_ = 	snop  }
0x90: {  	s2 =	sld [smem:$0x3FD0];
	_ =	sdelay $0x2  }
0x91: {  	s15 =	simm.s32 $0xA;
	s4 =	simm.s32 $0x10  }
0x92: {  	[smem:s4], [sflag:s15] =	dma.local [hbm:s2], $0x1  }
0x93: {  	_ =	swait.eq [sflag:s15], $0x1  }
0x94: {  	[sflag:s15] =	ssyncset.done $0x0  }
0x95: {  	[sflag:s15] =	ssyncadd.s32 $0xFFFFFFFF  }
0x96: {  	s16 =	sld [smem:$0x10];
	(tm) =	ssettm $0x1  }
0x97: {  	s17 =	sld [smem:$0x3FFB];
	_ =	sdelay $0x3  }
0x98: {  	_ =	strace s17  }
0x99: {  	s3 =	sld [smem:$0x3FFC];
	_ =	sdelay $0x3  }
0x9a: {  	_ =	strace s3  }
0x9b: {  	s3 =	sld [smem:$0x3FFD];
	_ =	sdelay $0x3  }
0x9c: {  	_ =	strace s3  }
0x9d: {  	_ =	strace $0x8FFFFFFF  }
0x9e: {  	s18 =	sld [smem:$0x3FDB];
	_ =	sdelay $0x1  }
0x9f: {  	s19 =	simm.s32 $_scs_section_size  }
0xa0: {  	s5 =	simm.s32 $_size__tile_overlayer_lowered;
	s6 =	simm.s32 $_tile_overlayer_lowered  }
0xa1: {  	s22 =	simm.s32 $0x1BFF;
	s21 =	sshll.u32 s6, $0x1;
	s3 =	sadd.s32 s19, s18  }
0xa2: {  	s7 =	simm.s32 $0x0;
	s20 =	sshll.u32 s5, $0x1;
	s5 =	sadd.s32 s21, s3  }
0xa3: {  	[timem:s7], [sflag:s22] =	dma.local [hbm:s5], s20  }
0xa4: {  	_ =	swait.ge [sflag:s22], s20  }
0xa5: {  	s4 =	ssub.s32 $0x0, s20;
	[sflag:s22] =	ssyncset.done $0x0  }
0xa6: {  	[sflag:s22] =	ssyncadd.s32 s4;
	_ =	sdelay $0x1  }
0xa7: {  	s23 =	simm.s32 $0x1B8B  }
0xa8: {  	_ =	swait.ge [sflag:s23], $0x1  }
0xa9: {  	[sflag:s23] =	ssyncset.done $0x0  }
0xaa: {  	s25 =	simm.s32 $0x1B8E;
	s24 =	sld [smem:$0x3FFE];
	[sflag:s23] =	ssyncadd.s32 $0xFFFFFFFF  }
0xab: {  	s26 =	simm.s32 $execute0_lowered;
	[smem:$0x3FD2] =	sst s25  }
0xac: {  	s5 =	sshll.u32 s26, $0x1;
	_ =	strace $0x80000049;
	[dreg:$0x1] =	wrdreg $0xFFFFFFFF  }
0xad: {  	s28 =	simm.s32 $_size_execute0_lowered;
	s3 =	sadd.s32 s3, s5;
	[dreg:$0x0] =	wrdreg $0x0  }
0xae: {  	s5 =	sshll.u32 s28, $0x1;
	[dreg:$0x2] =	wrdreg s3  }
0xaf: {  	[dreg:$0x3] =	wrdreg s5  }
0xb0: {  	[dreg:$0x4] =	wrdreg $0xC0  }
0xb1: {  	_ =	task [dreg:s7], $0x5FFFF  }
0xb2: {  	[dreg:$0x1] =	wrdreg $0xFFFFFFFF  }
0xb3: {  	[dreg:$0x0] =	wrdreg $0x60  }
0xb4: {  	[dreg:$0x2] =	wrdreg s16  }
0xb5: {  	[dreg:$0x3] =	wrdreg s24  }
0xb6: {  	[dreg:$0x4] =	wrdreg $0x43800  }
0xb7: {  	[dreg:$0x5] =	wrdreg $0x9  }
0xb8: {  	_ =	task.clear_ibuf [dreg:s7], $0x6FFFF;
	_ =	strace $0x90000049  }
0xb9: {  	s29 =	simm.s32 $0x9;
	_ =	strace $0x8000004B  }
0xba: {  	_ =	swait.ge [sflag:s29], $0x1  }
0xbb: {  	[sflag:s29] =	ssyncadd.s32 $0xFFFFFFFF  }
0xbc: {  	_ =	strace $0x9000004B  }
0xbd: {  	_ =	sfence  }
0xbe: {  	s30 =	sld [smem:$0x0];
	_ =	sdelay $0x2  }
0xbf: {  	s31 =	sshll.u32 s1, $0xD;
	s1 =	sshrl.u32 s1, $0x2  }
0xc0: {  	s3 =	sand.u32 $0x4000, s31;
	s1 =	sadd.s32 s1, s30  }
0xc1: {  	s0 =	sor.u32 s3, s0;
	s1 =	sshll.u32 s1, $0x11  }
0xc2: {  	s0 =	sor.u32 s1, s0  }
0xc3: {  	s0 =	sadd.s32 $0x8F2B, s0  }
0xc4: {  	[sflag:s0] =	ssyncadd.remote.s32 $0x1  }
0xc5: {  	_ =	sfence.sel $0xFFFF  }
0xc6: {  	[dreg:$0x0] =	wrdreg $0xFFFFFFFF;
	(pc) =	sbr.abs _section_cstart, $3  }
0xc7: {  	[dreg:$0x1] =	wrdreg $0xFFFFFFFF  }
0xc8: {  	_ =	task.clear_ibuf [dreg:s7], $0x2FFFF;
	_ =	strace $0x9FFFFFFF  }
0xc9: {  	(tm) =	ssettm $0x7FFFFFFF  }
tec
execute0_lowered:
.L_overlay_start_1:
0x0: {  	(tag) =	ssettag $0x1  }
0x1: {  	s7 =	rddreg [dreg:$0x0]  }
0x2: {  	s10 =	rddreg [dreg:$0x1];
	s1 =	srdreg.scid  }
0x3: {  	s0 =	stileid.u32;
	s2 =	rddreg [dreg:$0x2]  }
0x4: {  	s3 =	simm.s32 $0x0;
	s14 =	simm.s32 $0x33C00;
	s15 =	simm.s32 $0x3E80  }
0x5: {  	s16 =	simm.s32 $0x80;
	s17 =	simm.s32 $0x1;
	s18 =	simm.s32 $0x0  }
0x6: {  	s8 =	sand.u32 $0x1, s1;
	s4 =	sshll.u32 s0, $0x1;
	s1 =	rddreg [dreg:$0x3]  }
0x7: {  	[smem:$0x7FF] =	sst s3;
	s13 =	smul.u32 $0x280, s0;
	s5 =	sadd.s32 $0x32A00, s10  }
0x8: {  	s4 =	sor.u32 s8, s4;
	_ =	strace $0x8000004A;
	s6 =	ssub.s32 $0x2, s8  }
0x9: {  	p0 =	seq.s32 s8, $0x1;
	s9 =	smul.u32 $0x280, s4;
	s12 =	sshrl.u32 s6, $0x1  }
0xa: {  	s4 =	sadd.s32 $0x32800, s10;
	s14 =	simm.s32 @!p0 $0x2CC00;
	s31 =	sshrl.u32 s13, $0x3  }
0xb: {  	s12 =	ssub.s32 s6, s12;
	s6 =	sadd.s32 s13, s2;
	s13 =	simm.s32 $0x1400  }
0xc: {  	s11 =	sadd.s32 s9, s10;
	s7 =	sadd.s32 s7, s9;
	s9 =	smax.u32 s12, $0x1  }
0xd: {  	s10 =	sadd.s32 s14, s10;
	s12 =	simm.s32 $0x2;
	s14 =	simm.s32 $0x3C00  }
0xe: {  	v0 =	vimm.f32 $0.0e+00;
	s8 =	sadd.s32 $0x2D800, s11;
	s10 =	sadd.s32 s10, s31;
	s11 =	simm.s32 $0x4100  }
.LBB2_1:
0xf: {  	[tilespmem:$0x4100] =	vst v0  }
0x10: {  	[tilespmem:$0x4110] =	vst v0  }
0x11: {  	[tilespmem:$0x4120] =	vst v0  }
0x12: {  	[tilespmem:$0x4130] =	vst v0  }
0x13: {  	[tilespmem:$0x4140] =	vst v0  }
0x14: {  	[tilespmem:$0x4150] =	vst v0  }
0x15: {  	[tilespmem:$0x4160] =	vst v0  }
0x16: {  	[tilespmem:$0x4170] =	vst v0  }
0x17: {  	[tilespmem:$0x4180] =	vst v0  }
0x18: {  	[tilespmem:$0x4190] =	vst v0  }
0x19: {  	[tilespmem:$0x41A0] =	vst v0  }
0x1a: {  	[tilespmem:$0x41B0] =	vst v0  }
0x1b: {  	[tilespmem:$0x41C0] =	vst v0  }
0x1c: {  	[tilespmem:$0x41D0] =	vst v0  }
0x1d: {  	[tilespmem:$0x41E0] =	vst v0  }
0x1e: {  	[tilespmem:$0x41F0] =	vst v0  }
0x1f: {  	[tilespmem:$0x4200] =	vst v0  }
0x20: {  	[tilespmem:$0x4210] =	vst v0  }
0x21: {  	[tilespmem:$0x4220] =	vst v0  }
0x22: {  	[tilespmem:$0x4230] =	vst v0  }
0x23: {  	[tilespmem:$0x4240] =	vst v0  }
0x24: {  	[tilespmem:$0x4250] =	vst v0  }
0x25: {  	[tilespmem:$0x4260] =	vst v0  }
0x26: {  	[tilespmem:$0x4270] =	vst v0  }
0x27: {  	[tilespmem:$0x4280] =	vst v0  }
0x28: {  	[tilespmem:$0x4290] =	vst v0  }
0x29: {  	[tilespmem:$0x42A0] =	vst v0  }
0x2a: {  	[tilespmem:$0x42B0] =	vst v0  }
0x2b: {  	[tilespmem:$0x42C0] =	vst v0  }
0x2c: {  	[tilespmem:$0x42D0] =	vst v0  }
0x2d: {  	[tilespmem:$0x42E0] =	vst v0  }
0x2e: {  	[tilespmem:$0x42F0] =	vst v0  }
0x2f: {  	[tilespmem:$0x4300] =	vst v0  }
0x30: {  	[tilespmem:$0x4310] =	vst v0  }
0x31: {  	[tilespmem:$0x4320] =	vst v0  }
0x32: {  	[tilespmem:$0x4330] =	vst v0  }
0x33: {  	[tilespmem:$0x4340] =	vst v0  }
0x34: {  	[tilespmem:$0x4350] =	vst v0  }
0x35: {  	[tilespmem:$0x4360] =	vst v0  }
0x36: {  	[tilespmem:$0x4370] =	vst v0  }
0x37: {  	[spmem:s6] =	stream.linear.scatter [tilespmem:s11], [sflag:$0x2], $0x280, $0x38;
	[tilespmem:$0x4600] =	vst v63  }
0x38: {  	_ =	swait.ge [sflag:s12], $0x280  }
0x39: {  	[sflag:s12] =	ssyncset.done $0x0  }
0x3a: {  	[sflag:s12] =	ssyncadd.s32 $0xFFFFFD80  }
0x3b: {  	[tilespmem:s3], [sflag:$0x2] =	stream.linear.gather [hbm4b:s7+s3], $0x1400, $0x38;
	[tilespmem:$0x4600] =	vst v63  }
0x3c: {  	_ =	swait.ge [sflag:s12], $0x1400  }
0x3d: {  	[sflag:s12] =	ssyncset.done $0x0  }
0x3e: {  	[sflag:s12] =	ssyncadd.s32 $0xFFFFEC00  }
0x3f: {  	[tilespmem:s13], [sflag:$0x2] =	stream.linear.gather [hbm4b:s8+s3], $0x1400, $0x38;
	[tilespmem:$0x4600] =	vst v63  }
0x40: {  	_ =	swait.ge [sflag:s12], $0x1400  }
0x41: {  	[sflag:s12] =	ssyncset.done $0x0  }
0x42: {  	[sflag:s12] =	ssyncadd.s32 $0xFFFFEC00  }
0x43: {  	[tilespmem:s14], [sflag:$0x2] =	stream.linear.gather [hbm4b:s4+s3], $0x280, $0x38;
	[tilespmem:$0x4600] =	vst v63  }
0x44: {  	_ =	swait.ge [sflag:s12], $0x280  }
0x45: {  	[sflag:s12] =	ssyncset.done $0x0  }
0x46: {  	[sflag:s12] =	ssyncadd.s32 $0xFFFFFD80  }
0x47: {  	[tilespmem:s15], [sflag:$0x2] =	stream.linear.gather [hbm4b:s5+s3], $0x280, $0x38;
	[tilespmem:$0x4600] =	vst v63  }
0x48: {  	_ =	swait.ge [sflag:s12], $0x280  }
0x49: {  	[sflag:s12] =	ssyncset.done $0x0  }
0x4a: {  	s19 =	simm.s32 $0x0;
	[sflag:s12] =	ssyncadd.s32 $0xFFFFFD80  }
0x4b: {  	s20 =	simm.s32 $0x40;
	v1 =	vld [tilespmem:s19+$0x3E80]  }
.LBB2_2:
0x4c: {  	p0 =	sne.s32 s20, $0x9C0;
	v2 =	vld [tilespmem:s19+$0x3C00];
	_ =	sdelay $0x2  }
.Ltmp0:
0x4d: {  	(pc) =	sbr.rel @p0 .LBB2_2-.Ltmp0, $4  }
0x4e: {  	_ = 	snop  }
0x4f: {  	v2 =	vadd.f32 v1, v2  }
0x50: {  	s21 =	sshra.s32 s20, $0x2  }
0x51: {  	s20 =	sadd.s32 $0x40, s20;
	v1 =	vld [tilespmem:s21+$0x3E80];
	[tilespmem:s19+$0x3C00] =	vst v2;
	s19 =	smov.u32 s21  }
0x52: {  	v2 =	vld [tilespmem:s19+$0x3C00];
	_ =	sdelay $0x4  }
0x53: {  	v1 =	vadd.f32 v1, v2;
	_ =	sdelay $0x1  }
0x54: {  	s20 =	simm.s32 $0x0;
	[tilespmem:s19+$0x3C00] =	vst v1  }
0x55: {  	v1 =	vimm.f32 $-3.399999950e+38;
	s19 =	simm.s32 $0x40;
	v2 =	vld [tilespmem:s20+$0x3C00]  }
.LBB2_4:
0x56: {  	p0 =	sne.s32 s19, $0x9C0  }
.Ltmp1:
0x57: {  	_ = 	snop;
	(pc) =	sbr.rel @p0 .LBB2_4-.Ltmp1, $3  }
0x58: {  	_ =	sdelay $0x1  }
0x59: {  	s20 =	sshra.s32 s19, $0x2;
	s19 =	sadd.s32 $0x40, s19;
	v1 =	vmax.f32 v1, v2  }
0x5a: {  	v2 =	vld [tilespmem:s20+$0x3C00]  }
0x5b: {  	s19 =	simm.s32 $0x0  }
0x5c: {  	v3 =	vld [tilespmem:s19+$0x1400];
	_ =	sdelay $0x2  }
0x5d: {  	v1 =	vmax.f32 v1, v2  }
0x5e: {  	(xrf0) =	vmax.scan.msk.f32 $0xffff, v1;
	_ =	sdelay $0x3  }
0x5f: {  	v2 =	vld.idx.msk [tilespmem:v3+s14+$0x0], $0xffff;
	_ =	sdelay $0x1  }
0x60: {  	v1, _, _ =	vpop (xrf0)  }
0x61: {  	v1 =	vbroadcast v1, $0xF;
	_ =	sdelay $0x1  }
0x62: {  	v2 =	vsub.f32 v2, v1;
	_ =	sdelay $0x1  }
0x63: {  	v2 =	vmax.f32 v2, $-8.000000000e+01  }
0x64: {  	v2 =	vmul.f32 $1.442695020e+00, v2;
	_ =	sdelay $0x1  }
0x65: {  	(erf) = vpow2.f32 v2;
	_ =	sdelay $0x2  }
0x66: {  	v2 =	vld [tilespmem:s19+$0x1410];
	_ =	sdelay $0x5  }
0x67: {  	v3 =	vpop (erf)  }
0x68: {  	[tilespmem:s19+$0x2800] =	vst v3  }
0x69: {  	v2 =	vld.idx.msk [tilespmem:v2+s14+$0x0], $0xffff;
	_ =	sdelay $0x4  }
0x6a: {  	v2 =	vsub.f32 v2, v1;
	_ =	sdelay $0x1  }
0x6b: {  	v2 =	vmax.f32 v2, $-8.000000000e+01  }
0x6c: {  	v2 =	vmul.f32 $1.442695020e+00, v2;
	_ =	sdelay $0x1  }
0x6d: {  	(erf) = vpow2.f32 v2;
	_ =	sdelay $0x2  }
0x6e: {  	v2 =	vld [tilespmem:s19+$0x1420];
	_ =	sdelay $0x5  }
0x6f: {  	v3 =	vpop (erf)  }
0x70: {  	[tilespmem:s19+$0x2810] =	vst v3  }
0x71: {  	v2 =	vld.idx.msk [tilespmem:v2+s14+$0x0], $0xffff;
	_ =	sdelay $0x4  }
0x72: {  	v2 =	vsub.f32 v2, v1;
	_ =	sdelay $0x1  }
0x73: {  	v2 =	vmax.f32 v2, $-8.000000000e+01  }
0x74: {  	v2 =	vmul.f32 $1.442695020e+00, v2;
	_ =	sdelay $0x1  }
0x75: {  	(erf) = vpow2.f32 v2;
	_ =	sdelay $0x2  }
0x76: {  	v2 =	vld [tilespmem:s19+$0x1430];
	_ =	sdelay $0x5  }
0x77: {  	v3 =	vpop (erf)  }
0x78: {  	[tilespmem:s19+$0x2820] =	vst v3  }
0x79: {  	v2 =	vld.idx.msk [tilespmem:v2+s14+$0x0], $0xffff;
	_ =	sdelay $0x4  }
0x7a: {  	v2 =	vsub.f32 v2, v1;
	_ =	sdelay $0x1  }
0x7b: {  	v2 =	vmax.f32 v2, $-8.000000000e+01  }
0x7c: {  	v2 =	vmul.f32 $1.442695020e+00, v2;
	_ =	sdelay $0x1  }
0x7d: {  	(erf) = vpow2.f32 v2;
	_ =	sdelay $0x2  }
0x7e: {  	v2 =	vld [tilespmem:s19+$0x1440];
	_ =	sdelay $0x5  }
0x7f: {  	v3 =	vpop (erf)  }
0x80: {  	[tilespmem:s19+$0x2830] =	vst v3  }
0x81: {  	v2 =	vld.idx.msk [tilespmem:v2+s14+$0x0], $0xffff;
	_ =	sdelay $0x4  }
0x82: {  	v2 =	vsub.f32 v2, v1;
	_ =	sdelay $0x1  }
0x83: {  	v2 =	vmax.f32 v2, $-8.000000000e+01  }
0x84: {  	v2 =	vmul.f32 $1.442695020e+00, v2;
	_ =	sdelay $0x1  }
0x85: {  	(erf) = vpow2.f32 v2;
	_ =	sdelay $0x2  }
0x86: {  	v2 =	vld [tilespmem:s19+$0x1450];
	_ =	sdelay $0x5  }
0x87: {  	v3 =	vpop (erf)  }
0x88: {  	[tilespmem:s19+$0x2840] =	vst v3  }
0x89: {  	v2 =	vld.idx.msk [tilespmem:v2+s14+$0x0], $0xffff;
	_ =	sdelay $0x4  }
0x8a: {  	v2 =	vsub.f32 v2, v1;
	_ =	sdelay $0x1  }
0x8b: {  	v2 =	vmax.f32 v2, $-8.000000000e+01  }
0x8c: {  	v2 =	vmul.f32 $1.442695020e+00, v2;
	_ =	sdelay $0x1  }
0x8d: {  	(erf) = vpow2.f32 v2;
	_ =	sdelay $0x2  }
0x8e: {  	v2 =	vld [tilespmem:s19+$0x1460];
	_ =	sdelay $0x5  }
0x8f: {  	v3 =	vpop (erf)  }
0x90: {  	[tilespmem:s19+$0x2850] =	vst v3  }
0x91: {  	v2 =	vld.idx.msk [tilespmem:v2+s14+$0x0], $0xffff;
	_ =	sdelay $0x4  }
0x92: {  	v2 =	vsub.f32 v2, v1;
	_ =	sdelay $0x1  }
0x93: {  	v2 =	vmax.f32 v2, $-8.000000000e+01  }
0x94: {  	v2 =	vmul.f32 $1.442695020e+00, v2;
	_ =	sdelay $0x1  }
0x95: {  	(erf) = vpow2.f32 v2;
	_ =	sdelay $0x2  }
0x96: {  	v2 =	vld [tilespmem:s19+$0x1470];
	_ =	sdelay $0x5  }
0x97: {  	v3 =	vpop (erf)  }
0x98: {  	[tilespmem:s19+$0x2860] =	vst v3  }
0x99: {  	v2 =	vld.idx.msk [tilespmem:v2+s14+$0x0], $0xffff;
	_ =	sdelay $0x4  }
0x9a: {  	v2 =	vsub.f32 v2, v1;
	_ =	sdelay $0x1  }
0x9b: {  	v2 =	vmax.f32 v2, $-8.000000000e+01  }
0x9c: {  	v2 =	vmul.f32 $1.442695020e+00, v2;
	_ =	sdelay $0x1  }
0x9d: {  	(erf) = vpow2.f32 v2;
	_ =	sdelay $0x1  }
0x9e: {  	s21 =	simm.s32 $0x80;
	s20 =	simm.s32 $0x400  }
.LBB2_6:
0x9f: {  	p0 =	sne.s32 s20, $0x4E00;
	v2 =	vld [tilespmem:s21+$0x1400];
	_ =	sdelay $0x5  }
0xa0: {  	v3 =	vpop (erf)  }
0xa1: {  	[tilespmem:s19+$0x2870] =	vst v3;
	s19 =	smov.u32 s21  }
0xa2: {  	v2 =	vld.idx.msk [tilespmem:v2+s14+$0x0], $0xffff;
	_ =	sdelay $0x5  }
0xa3: {  	v2 =	vsub.f32 v2, v1;
	_ =	sdelay $0x1  }
0xa4: {  	v2 =	vmax.f32 v2, $-8.000000000e+01  }
0xa5: {  	v2 =	vmul.f32 $1.442695020e+00, v2;
	_ =	sdelay $0x1  }
0xa6: {  	(erf) = vpow2.f32 v2;
	_ =	sdelay $0x2  }
0xa7: {  	v2 =	vld [tilespmem:s19+$0x1410];
	_ =	sdelay $0x5  }
0xa8: {  	v3 =	vpop (erf)  }
0xa9: {  	[tilespmem:s19+$0x2800] =	vst v3  }
0xaa: {  	v2 =	vld.idx.msk [tilespmem:v2+s14+$0x0], $0xffff;
	_ =	sdelay $0x5  }
0xab: {  	v2 =	vsub.f32 v2, v1;
	_ =	sdelay $0x1  }
0xac: {  	v2 =	vmax.f32 v2, $-8.000000000e+01  }
0xad: {  	v2 =	vmul.f32 $1.442695020e+00, v2;
	_ =	sdelay $0x1  }
0xae: {  	(erf) = vpow2.f32 v2;
	_ =	sdelay $0x2  }
0xaf: {  	v2 =	vld [tilespmem:s19+$0x1420];
	_ =	sdelay $0x5  }
0xb0: {  	v3 =	vpop (erf)  }
0xb1: {  	[tilespmem:s19+$0x2810] =	vst v3  }
0xb2: {  	v2 =	vld.idx.msk [tilespmem:v2+s14+$0x0], $0xffff;
	_ =	sdelay $0x5  }
0xb3: {  	v2 =	vsub.f32 v2, v1;
	_ =	sdelay $0x1  }
0xb4: {  	v2 =	vmax.f32 v2, $-8.000000000e+01  }
0xb5: {  	v2 =	vmul.f32 $1.442695020e+00, v2;
	_ =	sdelay $0x1  }
0xb6: {  	(erf) = vpow2.f32 v2;
	_ =	sdelay $0x2  }
0xb7: {  	v2 =	vld [tilespmem:s19+$0x1430];
	_ =	sdelay $0x5  }
0xb8: {  	v3 =	vpop (erf)  }
0xb9: {  	[tilespmem:s19+$0x2820] =	vst v3  }
0xba: {  	v2 =	vld.idx.msk [tilespmem:v2+s14+$0x0], $0xffff;
	_ =	sdelay $0x5  }
0xbb: {  	v2 =	vsub.f32 v2, v1;
	_ =	sdelay $0x1  }
0xbc: {  	v2 =	vmax.f32 v2, $-8.000000000e+01  }
0xbd: {  	v2 =	vmul.f32 $1.442695020e+00, v2;
	_ =	sdelay $0x1  }
0xbe: {  	(erf) = vpow2.f32 v2;
	_ =	sdelay $0x2  }
0xbf: {  	v2 =	vld [tilespmem:s19+$0x1440];
	_ =	sdelay $0x5  }
0xc0: {  	v3 =	vpop (erf)  }
0xc1: {  	[tilespmem:s19+$0x2830] =	vst v3  }
0xc2: {  	v2 =	vld.idx.msk [tilespmem:v2+s14+$0x0], $0xffff;
	_ =	sdelay $0x5  }
0xc3: {  	v2 =	vsub.f32 v2, v1;
	_ =	sdelay $0x1  }
0xc4: {  	v2 =	vmax.f32 v2, $-8.000000000e+01  }
0xc5: {  	v2 =	vmul.f32 $1.442695020e+00, v2;
	_ =	sdelay $0x1  }
0xc6: {  	(erf) = vpow2.f32 v2;
	_ =	sdelay $0x2  }
0xc7: {  	v2 =	vld [tilespmem:s19+$0x1450];
	_ =	sdelay $0x5  }
0xc8: {  	v3 =	vpop (erf)  }
0xc9: {  	[tilespmem:s19+$0x2840] =	vst v3  }
0xca: {  	v2 =	vld.idx.msk [tilespmem:v2+s14+$0x0], $0xffff;
	_ =	sdelay $0x5  }
0xcb: {  	v2 =	vsub.f32 v2, v1;
	_ =	sdelay $0x1  }
0xcc: {  	v2 =	vmax.f32 v2, $-8.000000000e+01  }
0xcd: {  	v2 =	vmul.f32 $1.442695020e+00, v2;
	_ =	sdelay $0x1  }
0xce: {  	(erf) = vpow2.f32 v2;
	_ =	sdelay $0x2  }
0xcf: {  	v2 =	vld [tilespmem:s19+$0x1460];
	_ =	sdelay $0x5  }
0xd0: {  	v3 =	vpop (erf)  }
0xd1: {  	[tilespmem:s19+$0x2850] =	vst v3  }
0xd2: {  	v2 =	vld.idx.msk [tilespmem:v2+s14+$0x0], $0xffff;
	_ =	sdelay $0x5  }
0xd3: {  	v2 =	vsub.f32 v2, v1;
	_ =	sdelay $0x1  }
0xd4: {  	v2 =	vmax.f32 v2, $-8.000000000e+01  }
0xd5: {  	v2 =	vmul.f32 $1.442695020e+00, v2;
	_ =	sdelay $0x1  }
0xd6: {  	(erf) = vpow2.f32 v2;
	_ =	sdelay $0x2  }
0xd7: {  	v2 =	vld [tilespmem:s19+$0x1470];
	_ =	sdelay $0x5  }
0xd8: {  	v3 =	vpop (erf)  }
0xd9: {  	[tilespmem:s19+$0x2860] =	vst v3  }
0xda: {  	v2 =	vld.idx.msk [tilespmem:v2+s14+$0x0], $0xffff;
	_ =	sdelay $0x5  }
0xdb: {  	v2 =	vsub.f32 v2, v1;
	_ =	sdelay $0x1  }
0xdc: {  	v2 =	vmax.f32 v2, $-8.000000000e+01  }
.Ltmp2:
0xdd: {  	v2 =	vmul.f32 $1.442695020e+00, v2;
	(pc) =	sbr.rel @p0 .LBB2_6-.Ltmp2, $3  }
0xde: {  	_ = 	snop  }
0xdf: {  	(erf) = vpow2.f32 v2;
	_ =	sdelay $0x1  }
0xe0: {  	s21 =	sshra.s32 s20, $0x2;
	s20 =	sadd.s32 $0x200, s20  }
0xe1: {  	v2 =	vld [tilespmem:s21+$0x1400];
	_ =	sdelay $0x5  }
0xe2: {  	v3 =	vpop (erf)  }
0xe3: {  	[tilespmem:s19+$0x2870] =	vst v3  }
0xe4: {  	v2 =	vld.idx.msk [tilespmem:v2+s14+$0x0], $0xffff;
	_ =	sdelay $0x4  }
0xe5: {  	v2 =	vsub.f32 v2, v1;
	_ =	sdelay $0x1  }
0xe6: {  	v2 =	vmax.f32 v2, $-8.000000000e+01  }
0xe7: {  	v2 =	vmul.f32 $1.442695020e+00, v2;
	_ =	sdelay $0x1  }
0xe8: {  	(erf) = vpow2.f32 v2;
	_ =	sdelay $0x2  }
0xe9: {  	v2 =	vld [tilespmem:s21+$0x1410];
	_ =	sdelay $0x5  }
0xea: {  	v3 =	vpop (erf)  }
0xeb: {  	[tilespmem:s21+$0x2800] =	vst v3  }
0xec: {  	v2 =	vld.idx.msk [tilespmem:v2+s14+$0x0], $0xffff;
	_ =	sdelay $0x4  }
0xed: {  	v2 =	vsub.f32 v2, v1;
	_ =	sdelay $0x1  }
0xee: {  	v2 =	vmax.f32 v2, $-8.000000000e+01  }
0xef: {  	v2 =	vmul.f32 $1.442695020e+00, v2;
	_ =	sdelay $0x1  }
0xf0: {  	(erf) = vpow2.f32 v2;
	_ =	sdelay $0x2  }
0xf1: {  	v2 =	vld [tilespmem:s21+$0x1420];
	_ =	sdelay $0x5  }
0xf2: {  	v3 =	vpop (erf)  }
0xf3: {  	[tilespmem:s21+$0x2810] =	vst v3  }
0xf4: {  	v2 =	vld.idx.msk [tilespmem:v2+s14+$0x0], $0xffff;
	_ =	sdelay $0x4  }
0xf5: {  	v2 =	vsub.f32 v2, v1;
	_ =	sdelay $0x1  }
0xf6: {  	v2 =	vmax.f32 v2, $-8.000000000e+01  }
0xf7: {  	v2 =	vmul.f32 $1.442695020e+00, v2;
	_ =	sdelay $0x1  }
0xf8: {  	(erf) = vpow2.f32 v2;
	_ =	sdelay $0x2  }
0xf9: {  	v2 =	vld [tilespmem:s21+$0x1430];
	_ =	sdelay $0x5  }
0xfa: {  	v3 =	vpop (erf)  }
0xfb: {  	[tilespmem:s21+$0x2820] =	vst v3  }
0xfc: {  	v2 =	vld.idx.msk [tilespmem:v2+s14+$0x0], $0xffff;
	_ =	sdelay $0x4  }
0xfd: {  	v2 =	vsub.f32 v2, v1;
	_ =	sdelay $0x1  }
0xfe: {  	v2 =	vmax.f32 v2, $-8.000000000e+01  }
0xff: {  	v2 =	vmul.f32 $1.442695020e+00, v2;
	_ =	sdelay $0x1  }
0x100: {  	(erf) = vpow2.f32 v2;
	_ =	sdelay $0x2  }
0x101: {  	v2 =	vld [tilespmem:s21+$0x1440];
	_ =	sdelay $0x5  }
0x102: {  	v3 =	vpop (erf)  }
0x103: {  	[tilespmem:s21+$0x2830] =	vst v3  }
0x104: {  	v2 =	vld.idx.msk [tilespmem:v2+s14+$0x0], $0xffff;
	_ =	sdelay $0x4  }
0x105: {  	v2 =	vsub.f32 v2, v1;
	_ =	sdelay $0x1  }
0x106: {  	v2 =	vmax.f32 v2, $-8.000000000e+01  }
0x107: {  	v2 =	vmul.f32 $1.442695020e+00, v2;
	_ =	sdelay $0x1  }
0x108: {  	(erf) = vpow2.f32 v2;
	_ =	sdelay $0x2  }
0x109: {  	v2 =	vld [tilespmem:s21+$0x1450];
	_ =	sdelay $0x5  }
0x10a: {  	v3 =	vpop (erf)  }
0x10b: {  	[tilespmem:s21+$0x2840] =	vst v3  }
0x10c: {  	v2 =	vld.idx.msk [tilespmem:v2+s14+$0x0], $0xffff;
	_ =	sdelay $0x4  }
0x10d: {  	v2 =	vsub.f32 v2, v1;
	_ =	sdelay $0x1  }
0x10e: {  	v2 =	vmax.f32 v2, $-8.000000000e+01  }
0x10f: {  	v2 =	vmul.f32 $1.442695020e+00, v2;
	_ =	sdelay $0x1  }
0x110: {  	(erf) = vpow2.f32 v2;
	_ =	sdelay $0x2  }
0x111: {  	v2 =	vld [tilespmem:s21+$0x1460];
	_ =	sdelay $0x5  }
0x112: {  	v3 =	vpop (erf)  }
0x113: {  	[tilespmem:s21+$0x2850] =	vst v3  }
0x114: {  	v2 =	vld.idx.msk [tilespmem:v2+s14+$0x0], $0xffff;
	_ =	sdelay $0x4  }
0x115: {  	v2 =	vsub.f32 v2, v1;
	_ =	sdelay $0x1  }
0x116: {  	v2 =	vmax.f32 v2, $-8.000000000e+01  }
0x117: {  	v2 =	vmul.f32 $1.442695020e+00, v2;
	_ =	sdelay $0x1  }
0x118: {  	(erf) = vpow2.f32 v2;
	_ =	sdelay $0x2  }
0x119: {  	v2 =	vld [tilespmem:s21+$0x1470];
	_ =	sdelay $0x5  }
0x11a: {  	v3 =	vpop (erf)  }
0x11b: {  	[tilespmem:s21+$0x2860] =	vst v3  }
0x11c: {  	v2 =	vld.idx.msk [tilespmem:v2+s14+$0x0], $0xffff;
	_ =	sdelay $0x4  }
0x11d: {  	v1 =	vsub.f32 v2, v1;
	_ =	sdelay $0x1  }
0x11e: {  	v1 =	vmax.f32 v1, $-8.000000000e+01  }
0x11f: {  	v1 =	vmul.f32 $1.442695020e+00, v1;
	_ =	sdelay $0x1  }
0x120: {  	(erf) = vpow2.f32 v1;
	_ =	sdelay $0x8  }
0x121: {  	v1 =	vpop (erf)  }
0x122: {  	[tilespmem:s21+$0x2870] =	vst v1  }
0x123: {  	s31 =	simm.s32 $0x0;
	s20 =	simm.s32 $0x2800;
	[bflag:$0x0] =	sbarrier.arrive $0xFFFF  }
0x124: {  	[spmem:s2] =	stream.indirect.scatter.add.f32 [tilespmem:s20], [sflag:$0x1], $0x1, s31, s16, $0xb8;
	[tilespmem:$0x4600] =	vst v63  }
0x125: {  	s19 =	simm.s32 $0x200;
	_ =	swait.ge [sflag:s17], $0x80  }
.LBB2_8:
0x126: {  	s20 =	sshra.s32 s19, $0x2;
	[sflag:s17] =	ssyncset.done $0x0;
	p0 =	sne.s32 s19, $0x4E00  }
.Ltmp3:
0x127: {  	s21 =	sadd.s32 $0x2800, s20;
	[sflag:s17] =	ssyncadd.s32 $0xFFFFFF80;
	(pc) =	sbr.rel @p0 .LBB2_8-.Ltmp3, $3  }
0x128: {  	[spmem:s2] =	stream.indirect.scatter.add.f32 [tilespmem:s21], [sflag:$0x1], $0x1, s20, s16, $0xb8;
	[tilespmem:$0x4600] =	vst v63  }
0x129: {  	s19 =	sadd.s32 $0x200, s19;
	_ =	sdelay $0x1  }
0x12a: {  	_ =	swait.ge [sflag:s17], $0x80  }
0x12b: {  	[sflag:s17] =	ssyncset.done $0x0  }
0x12c: {  	[sflag:s17] =	ssyncadd.s32 $0xFFFFFF80  }
0x12d: {  	s19 =	sshll.u32 s0, $0x6;
	s18 =	sadd.s32 $0x1, s18;
	[bflag:$0x0] =	sbarrier.arrive $0xFFFF  }
0x12e: {  	s20 =	sshrl.u32 s6, $0x3;
	p0 =	sne.s32 s18, s9;
	[bflag:$0x0] =	sbarrier.arrive $0xFFFF  }
.Ltmp4:
0x12f: {  	s19 =	sor.u32 $0x1C02, s19;
	[bflag:$0x0] =	sbarrier.arrive $0xFFFF;
	(pc) =	sbr.rel @p0 .LBB2_1-.Ltmp4, $4  }
0x130: {  	[hbm:s10], [sflag:s19] =	dma.local [spmem:s20], $0x50  }
0x131: {  	_ =	swait.ge [sflag:s12], $0x50  }
0x132: {  	[sflag:s12] =	ssyncset.done $0x0  }
0x133: {  	[sflag:s12] =	ssyncadd.s32 $0xFFFFFFB0  }
0x134: {  	_ =	sfence.sel $0x180000  }
0x135: {  	[bflag:$0x0] =	sbarrier.arrive $0xFFFF  }
0x136: {  	p0 =	sne.s32 s0, $0x0;
	_ =	strace $0x9000004A  }
0x137: {  	s0 =	sadd.s32 @!p0 $0x100000, s1;
	[bflag:$0x2] =	sbarrier.arrive $0xFFFF  }
0x138: {  	[sflag:s0] =	ssyncadd.tile.s32 @!p0 $0x1;
	_ =	shalt  }
.Lfunc_end2:
_tile_overlayer_lowered:
.L_overlay_start_2:
0x139: {  	(tag) =	ssettag $0x2  }
0x13a: {  	s0 =	rddreg [dreg:$0x0];
	s2 =	stileid.u32  }
0x13b: {  	s1 =	rddreg [dreg:$0x1];
	p0 =	sne.s32 s2, $0x0  }
0x13c: {  	s3 =	rddreg [dreg:$0x2];
	[bflag:$0x3] =	sbarrier.arrive $0xFFFF;
	s2 =	simm.s32 @!p0 $0x1C02  }
0x13d: {  	[timem:s3], [sflag:s2] =	dma.local @!p0 [hbm:s0], s1  }
0x13e: {  	s0 =	simm.s32 @!p0 $0x2  }
0x13f: {  	_ =	swait.ge @!p0 [sflag:s0], s1  }
0x140: {  	s1 =	ssub.s32 @!p0 $0x0, s1;
	[sflag:s0] =	ssyncset.done @!p0 $0x0  }
0x141: {  	[sflag:s0] =	ssyncadd.s32 @!p0 s1  }
0x142: {  	[bflag:$0x3] =	sbarrier.arrive $0xFFFF  }
0x143: {  	_ =	shalt  }

// kernel: kernel.19.cloned.1.call-start
scs
__scs_entry_jumppad:
0x0: {  	(pc) =	sbr.rel $0x88, $3  }
0x1: {  	(tag) =	ssettag $0x0;
	lr =	simm.s32 $0x1  }
0x2: {  	[smem:$0x3F9D] =	sst lr;
	_ =	strace $0xD0000000  }
0x3: {  	_ = 	snop  }
0x4: {  	_ = 	snop  }
0x5: {  	_ = 	snop  }
0x6: {  	_ = 	snop  }
0x7: {  	_ = 	snop  }
__scs_overlays_trampoline_lowered:
0x8: {  	[smem:$0x3FAC] =	sst s0  }
0x9: {  	[smem:$0x3FAD] =	sst s1  }
0xa: {  	[smem:$0x3FAE] =	sst s2  }
0xb: {  	[smem:$0x3FAF] =	sst s3  }
0xc: {  	[smem:$0x3FB0] =	sst s4  }
0xd: {  	[smem:$0x3FB1] =	sst s5  }
0xe: {  	[smem:$0x3FB2] =	sst s6  }
0xf: {  	[smem:$0x3FB3] =	sst s7  }
0x10: {  	[smem:$0x3FB4] =	sst s8  }
0x11: {  	[smem:$0x3FB5] =	sst s9;
	s0 =	simm.s32 @!p0 $0x0  }
0x12: {  	s1 =	sld [smem:$0x3F9B];
	s0 =	simm.s32 @p0 $0x1  }
0x13: {  	[smem:$0x3FB6] =	sst s0;
	s0 =	simm.s32 @!p1 $0x0  }
0x14: {  	s2 =	sld [smem:$0x3F9A];
	s0 =	simm.s32 @p1 $0x1  }
0x15: {  	[smem:$0x3FB7] =	sst s0;
	s0 =	simm.s32 @!p2 $0x0  }
0x16: {  	s3 =	sld [smem:$0x3FDB];
	s0 =	simm.s32 @p2 $0x1  }
0x17: {  	s4 =	simm.s32 $0x1BF5;
	[smem:$0x3FB9] =	sst s0  }
0x18: {  	s0 =	sld [smem:$0x3F9C];
	_ =	swait.ge [sflag:s4], $0x0  }
0x19: {  	s7 =	sld [smem:$0x3F9D]  }
0x1a: {  	s8 =	sadd.s32 $0xFFFFE003, lr  }
0x1b: {  	s9 =	sadd.s32 $0xFFFFFEF7, lr;
	s5 =	simm.s32 $0xFFFFFFFF;
	p2 =	slt.u32 s8, $0xFFFFF086  }
0x1c: {  	p1 =	slt.u32 s9, $0xF7A;
	s5 =	simm.s32 @!p2 $0x0  }
0x1d: {  	s5 =	simm.s32 @p1 $0x1;
	p0 =	seq.s32 s7, s2  }
0x1e: {  	s7 =	smul.u32 @!p0 $0xF7A, s2;
	p2 =	seq.s32 @!p0 s5, $0x0  }
0x1f: {  	s9 =	smul.u32 $0xF7A, s1;
	s8 =	simm.s32 @!p0 $0x1BF5;
	p2 =	por !p2, p0  }
0x20: {  	[sflag:s8] =	ssyncset.s32 @!p0 $0xFFFFF086;
	s6 =	sadd.s32 @!p0 s3, s7;
	s7 =	simm.s32 @!p0 $0x108  }
0x21: {  	s3 =	sadd.s32 s3, s9;
	s6 =	sadd.s32 @!p0 $0x88, s6;
	s7 =	simm.s32 @p2 $0x1082  }
0x22: {  	[simem:s7], [sflag:s8] =	dma.local @!p0 [hbm:s6], $0xF7A  }
0x23: {  	s9 =	sor.u32 $0xD0000000, s2;
	s6 =	simm.s32 $0x108;
	_ =	swait.ge @!p0 [sflag:s8], $0x0  }
0x24: {  	s3 =	sadd.s32 $0x88, s3;
	s6 =	simm.s32 @!p1 $0x1082;
	[sflag:s4] =	ssyncset.s32 $0xFFFFF086  }
0x25: {  	[simem:s6], [sflag:s4] =	dma.local [hbm:s3], $0xF7A  }
0x26: {  	[smem:$0x3F9D] =	sst s1;
	(tag) =	ssettag s2;
	_ =	strace s9  }
0x27: {  	s1 =	sld [smem:$0x3FAD]  }
0x28: {  	s2 =	sld [smem:$0x3FAE]  }
0x29: {  	s4 =	sld [smem:$0x3FB0]  }
0x2a: {  	p0 =	seq.s32 s5, $0x0;
	s5 =	sld [smem:$0x3FB1]  }
0x2b: {  	s6 =	sld [smem:$0x3FB2]  }
0x2c: {  	s7 =	sld [smem:$0x3FB3]  }
0x2d: {  	s3 =	simm.s32 $0x108;
	s8 =	sld [smem:$0x3FB4]  }
0x2e: {  	s3 =	simm.s32 @!p0 $0x1082;
	s9 =	sld [smem:$0x3FB5]  }
0x2f: {  	lr =	sadd.s32 s0, s3;
	s0 =	sld [smem:$0x3FAC]  }
0x30: {  	s3 =	sld [smem:$0x3FAF]  }
0x31: {  	[smem:$0x3FB8] =	sst s10  }
0x32: {  	s10 =	sld [smem:$0x3FB6];
	_ =	sdelay $0x3  }
0x33: {  	p0 =	seq.s32 s10, $0x1;
	s10 =	sld [smem:$0x3FB8];
	_ =	sdelay $0x3  }
0x34: {  	[smem:$0x3FB8] =	sst s10  }
0x35: {  	s10 =	sld [smem:$0x3FB7];
	_ =	sdelay $0x3  }
0x36: {  	p1 =	seq.s32 s10, $0x1;
	s10 =	sld [smem:$0x3FB8];
	_ =	sdelay $0x3  }
0x37: {  	[smem:$0x3FB8] =	sst s10  }
0x38: {  	s10 =	sld [smem:$0x3FB9]  }
0x39: {  	_ = 	snop;
	(pc) =	sbr.ind lr, $3  }
0x3a: {  	_ = 	snop  }
0x3b: {  	_ = 	snop  }
0x3c: {  	p2 =	seq.s32 s10, $0x1;
	s10 =	sld [smem:$0x3FB8]  }
0x3d: {  	_ =	shalt  }
0x3e: {  	_ =	shalt  }
0x3f: {  	_ =	shalt  }
0x40: {  	_ =	shalt  }
0x41: {  	_ =	shalt  }
0x42: {  	_ =	shalt  }
0x43: {  	_ =	shalt  }
0x44: {  	_ =	shalt  }
0x45: {  	_ =	shalt  }
0x46: {  	_ =	shalt  }
0x47: {  	_ =	shalt  }
0x48: {  	_ =	shalt  }
0x49: {  	_ =	shalt  }
0x4a: {  	_ =	shalt  }
0x4b: {  	_ =	shalt  }
0x4c: {  	_ =	shalt  }
0x4d: {  	_ =	shalt  }
0x4e: {  	_ =	shalt  }
0x4f: {  	_ =	shalt  }
0x50: {  	_ =	shalt  }
0x51: {  	_ =	shalt  }
0x52: {  	_ =	shalt  }
0x53: {  	_ =	shalt  }
0x54: {  	_ =	shalt  }
0x55: {  	_ =	shalt  }
0x56: {  	_ =	shalt  }
0x57: {  	_ =	shalt  }
0x58: {  	_ =	shalt  }
0x59: {  	_ =	shalt  }
0x5a: {  	_ =	shalt  }
0x5b: {  	_ =	shalt  }
0x5c: {  	_ =	shalt  }
0x5d: {  	_ =	shalt  }
0x5e: {  	_ =	shalt  }
0x5f: {  	_ =	shalt  }
0x60: {  	_ =	shalt  }
0x61: {  	_ =	shalt  }
0x62: {  	_ =	shalt  }
0x63: {  	_ =	shalt  }
0x64: {  	_ =	shalt  }
0x65: {  	_ =	shalt  }
0x66: {  	_ =	shalt  }
0x67: {  	_ =	shalt  }
0x68: {  	_ =	shalt  }
0x69: {  	_ =	shalt  }
0x6a: {  	_ =	shalt  }
0x6b: {  	_ =	shalt  }
0x6c: {  	_ =	shalt  }
0x6d: {  	_ =	shalt  }
0x6e: {  	_ =	shalt  }
0x6f: {  	_ =	shalt  }
0x70: {  	_ =	shalt  }
0x71: {  	_ =	shalt  }
0x72: {  	_ =	shalt  }
0x73: {  	_ =	shalt  }
0x74: {  	_ =	shalt  }
0x75: {  	_ =	shalt  }
0x76: {  	_ =	shalt  }
0x77: {  	_ =	shalt  }
0x78: {  	_ =	shalt  }
0x79: {  	_ =	shalt  }
0x7a: {  	_ =	shalt  }
0x7b: {  	_ =	shalt  }
0x7c: {  	_ =	shalt  }
0x7d: {  	_ =	shalt  }
0x7e: {  	_ =	shalt  }
0x7f: {  	_ =	shalt  }
0x80: {  	_ =	shalt  }
0x81: {  	_ =	shalt  }
0x82: {  	_ =	shalt  }
0x83: {  	_ =	shalt  }
0x84: {  	_ =	shalt  }
0x85: {  	_ =	shalt  }
0x86: {  	_ =	shalt  }
0x87: {  	_ =	shalt  }
.Lfunc_end0:
.L_simem_size_0:
called_computation.2_lowered:
.L_overlay_start_0:
0x88: {  	s2 =	sld [smem:$0x3FD9]  }
0x89: {  	s3 =	sld [smem:$0x3FFE];
	_ =	sdelay $0x1  }
0x8a: {  	s1 =	srdreg.scid  }
0x8b: {  	s0 =	sand.u32 $0x1, s1  }
0x8c: {  	s14 =	sshll.u32 s0, $0xA;
	s2 =	sadd.s32 s3, s2  }
0x8d: {  	s2 =	sadd.s32 s2, s14  }
0x8e: {  	[smem:$0x3FC4] =	sst s2  }
0x8f: {  	_ = 	snop  }
0x90: {  	s2 =	sld [smem:$0x3FD0];
	_ =	sdelay $0x2  }
0x91: {  	s15 =	simm.s32 $0xA;
	s4 =	simm.s32 $0x10  }
0x92: {  	[smem:s4], [sflag:s15] =	dma.local [hbm:s2], $0x1  }
0x93: {  	_ =	swait.eq [sflag:s15], $0x1  }
0x94: {  	[sflag:s15] =	ssyncset.done $0x0  }
0x95: {  	[sflag:s15] =	ssyncadd.s32 $0xFFFFFFFF  }
0x96: {  	s16 =	sld [smem:$0x10];
	(tm) =	ssettm $0x1  }
0x97: {  	s17 =	sld [smem:$0x3FFB];
	_ =	sdelay $0x3  }
0x98: {  	_ =	strace s17  }
0x99: {  	s3 =	sld [smem:$0x3FFC];
	_ =	sdelay $0x3  }
0x9a: {  	_ =	strace s3  }
0x9b: {  	s3 =	sld [smem:$0x3FFD];
	_ =	sdelay $0x3  }
0x9c: {  	_ =	strace s3  }
0x9d: {  	_ =	strace $0x8FFFFFFF  }
0x9e: {  	s18 =	sld [smem:$0x3FDB];
	_ =	sdelay $0x1  }
0x9f: {  	s19 =	simm.s32 $_scs_section_size  }
0xa0: {  	s5 =	simm.s32 $_size__tile_overlayer_lowered;
	s6 =	simm.s32 $_tile_overlayer_lowered  }
0xa1: {  	s22 =	simm.s32 $0x1BFF;
	s21 =	sshll.u32 s6, $0x1;
	s3 =	sadd.s32 s19, s18  }
0xa2: {  	s7 =	simm.s32 $0x0;
	s20 =	sshll.u32 s5, $0x1;
	s5 =	sadd.s32 s21, s3  }
0xa3: {  	[timem:s7], [sflag:s22] =	dma.local [hbm:s5], s20  }
0xa4: {  	_ =	swait.ge [sflag:s22], s20  }
0xa5: {  	s4 =	ssub.s32 $0x0, s20;
	[sflag:s22] =	ssyncset.done $0x0  }
0xa6: {  	[sflag:s22] =	ssyncadd.s32 s4;
	_ =	sdelay $0x1  }
0xa7: {  	s23 =	simm.s32 $0x1B8B  }
0xa8: {  	_ =	swait.ge [sflag:s23], $0x1  }
0xa9: {  	[sflag:s23] =	ssyncset.done $0x0  }
0xaa: {  	s25 =	simm.s32 $0x1B8E;
	s24 =	sld [smem:$0x3FFE];
	[sflag:s23] =	ssyncadd.s32 $0xFFFFFFFF  }
0xab: {  	s26 =	simm.s32 $execute0_lowered;
	[smem:$0x3FD2] =	sst s25  }
0xac: {  	s5 =	sshll.u32 s26, $0x1;
	_ =	strace $0x8000004C;
	[dreg:$0x1] =	wrdreg $0xFFFFFFFF  }
0xad: {  	s28 =	simm.s32 $_size_execute0_lowered;
	s3 =	sadd.s32 s3, s5;
	[dreg:$0x0] =	wrdreg $0x0  }
0xae: {  	s5 =	sshll.u32 s28, $0x1;
	[dreg:$0x2] =	wrdreg s3  }
0xaf: {  	[dreg:$0x3] =	wrdreg s5  }
0xb0: {  	[dreg:$0x4] =	wrdreg $0xC0  }
0xb1: {  	_ =	task [dreg:s7], $0x5FFFF  }
0xb2: {  	[dreg:$0x1] =	wrdreg $0xFFFFFFFF  }
0xb3: {  	[dreg:$0x0] =	wrdreg $0x60  }
0xb4: {  	[dreg:$0x2] =	wrdreg s16  }
0xb5: {  	[dreg:$0x3] =	wrdreg s24  }
0xb6: {  	[dreg:$0x4] =	wrdreg $0x93800  }
0xb7: {  	[dreg:$0x5] =	wrdreg $0x9  }
0xb8: {  	_ =	task.clear_ibuf [dreg:s7], $0x6FFFF;
	_ =	strace $0x9000004C  }
0xb9: {  	s29 =	simm.s32 $0x9;
	_ =	strace $0x8000004E  }
0xba: {  	_ =	swait.ge [sflag:s29], $0x1  }
0xbb: {  	[sflag:s29] =	ssyncadd.s32 $0xFFFFFFFF  }
0xbc: {  	_ =	strace $0x9000004E  }
0xbd: {  	_ =	sfence  }
0xbe: {  	s30 =	sld [smem:$0x0];
	_ =	sdelay $0x2  }
0xbf: {  	s31 =	sshll.u32 s1, $0xD;
	s1 =	sshrl.u32 s1, $0x2  }
0xc0: {  	s3 =	sand.u32 $0x4000, s31;
	s1 =	sadd.s32 s1, s30  }
0xc1: {  	s0 =	sor.u32 s3, s0;
	s1 =	sshll.u32 s1, $0x11  }
0xc2: {  	s0 =	sor.u32 s1, s0  }
0xc3: {  	s0 =	sadd.s32 $0x8F2B, s0  }
0xc4: {  	[sflag:s0] =	ssyncadd.remote.s32 $0x1  }
0xc5: {  	_ =	sfence.sel $0xFFFF  }
0xc6: {  	[dreg:$0x0] =	wrdreg $0xFFFFFFFF;
	(pc) =	sbr.abs _section_cstart, $3  }
0xc7: {  	[dreg:$0x1] =	wrdreg $0xFFFFFFFF  }
0xc8: {  	_ =	task.clear_ibuf [dreg:s7], $0x2FFFF;
	_ =	strace $0x9FFFFFFF  }
0xc9: {  	(tm) =	ssettm $0x7FFFFFFF  }
tec
execute0_lowered:
.L_overlay_start_1:
0x0: {  	(tag) =	ssettag $0x1  }
0x1: {  	s9 =	rddreg [dreg:$0x0]  }
0x2: {  	s13 =	rddreg [dreg:$0x1]  }
0x3: {  	s2 =	rddreg [dreg:$0x2]  }
0x4: {  	s0 =	rddreg [dreg:$0x3];
	s4 =	srdreg.scid  }
0x5: {  	s1 =	stileid.u32;
	s3 =	simm.s32 $0x0;
	s16 =	simm.s32 $0x34200  }
0x6: {  	s17 =	simm.s32 $0x3C00;
	s18 =	simm.s32 $0x6400;
	s19 =	simm.s32 $0x8C00  }
0x7: {  	s20 =	simm.s32 $0x8E80;
	s21 =	simm.s32 $0x2800;
	s22 =	simm.s32 $0x80  }
0x8: {  	s23 =	simm.s32 $0x1;
	s24 =	simm.s32 $0x0;
	s10 =	sand.u32 $0x1, s4  }
0x9: {  	s30 =	sshll.u32 s1, $0x1;
	[smem:$0x7FF] =	sst s3;
	s4 =	sadd.s32 $0x2D200, s13  }
0xa: {  	s12 =	smul.u32 $0x280, s1;
	s6 =	sadd.s32 $0x32800, s13;
	s7 =	sadd.s32 $0x32A00, s13  }
0xb: {  	s5 =	sor.u32 s10, s30;
	_ =	strace $0x8000004D;
	s8 =	ssub.s32 $0x2, s10  }
0xc: {  	p0 =	seq.s32 s10, $0x1;
	s11 =	smul.u32 $0x280, s5;
	s5 =	sadd.s32 $0x2CC00, s13  }
0xd: {  	s14 =	sshrl.u32 s8, $0x1;
	s16 =	simm.s32 @!p0 $0x33C00;
	s31 =	sshrl.u32 s12, $0x3  }
0xe: {  	s14 =	ssub.s32 s8, s14;
	s8 =	sadd.s32 s12, s2;
	s15 =	sadd.s32 s11, s13  }
0xf: {  	s9 =	sadd.s32 s9, s11;
	s12 =	smax.u32 s14, $0x1;
	s13 =	sadd.s32 s16, s13  }
0x10: {  	s14 =	simm.s32 $0x9100;
	s16 =	simm.s32 $0x1400;
	s10 =	sadd.s32 $0x2D800, s15  }
0x11: {  	v0 =	vimm.f32 $0.0e+00;
	s11 =	sadd.s32 $0x34800, s15;
	s13 =	sadd.s32 s13, s31;
	s15 =	simm.s32 $0x2  }
.LBB2_1:
0x12: {  	[tilespmem:$0x9100] =	vst v0  }
0x13: {  	[tilespmem:$0x9110] =	vst v0  }
0x14: {  	[tilespmem:$0x9120] =	vst v0  }
0x15: {  	[tilespmem:$0x9130] =	vst v0  }
0x16: {  	[tilespmem:$0x9140] =	vst v0  }
0x17: {  	[tilespmem:$0x9150] =	vst v0  }
0x18: {  	[tilespmem:$0x9160] =	vst v0  }
0x19: {  	[tilespmem:$0x9170] =	vst v0  }
0x1a: {  	[tilespmem:$0x9180] =	vst v0  }
0x1b: {  	[tilespmem:$0x9190] =	vst v0  }
0x1c: {  	[tilespmem:$0x91A0] =	vst v0  }
0x1d: {  	[tilespmem:$0x91B0] =	vst v0  }
0x1e: {  	[tilespmem:$0x91C0] =	vst v0  }
0x1f: {  	[tilespmem:$0x91D0] =	vst v0  }
0x20: {  	[tilespmem:$0x91E0] =	vst v0  }
0x21: {  	[tilespmem:$0x91F0] =	vst v0  }
0x22: {  	[tilespmem:$0x9200] =	vst v0  }
0x23: {  	[tilespmem:$0x9210] =	vst v0  }
0x24: {  	[tilespmem:$0x9220] =	vst v0  }
0x25: {  	[tilespmem:$0x9230] =	vst v0  }
0x26: {  	[tilespmem:$0x9240] =	vst v0  }
0x27: {  	[tilespmem:$0x9250] =	vst v0  }
0x28: {  	[tilespmem:$0x9260] =	vst v0  }
0x29: {  	[tilespmem:$0x9270] =	vst v0  }
0x2a: {  	[tilespmem:$0x9280] =	vst v0  }
0x2b: {  	[tilespmem:$0x9290] =	vst v0  }
0x2c: {  	[tilespmem:$0x92A0] =	vst v0  }
0x2d: {  	[tilespmem:$0x92B0] =	vst v0  }
0x2e: {  	[tilespmem:$0x92C0] =	vst v0  }
0x2f: {  	[tilespmem:$0x92D0] =	vst v0  }
0x30: {  	[tilespmem:$0x92E0] =	vst v0  }
0x31: {  	[tilespmem:$0x92F0] =	vst v0  }
0x32: {  	[tilespmem:$0x9300] =	vst v0  }
0x33: {  	[tilespmem:$0x9310] =	vst v0  }
0x34: {  	[tilespmem:$0x9320] =	vst v0  }
0x35: {  	[tilespmem:$0x9330] =	vst v0  }
0x36: {  	[tilespmem:$0x9340] =	vst v0  }
0x37: {  	[tilespmem:$0x9350] =	vst v0  }
0x38: {  	[tilespmem:$0x9360] =	vst v0  }
0x39: {  	[tilespmem:$0x9370] =	vst v0  }
0x3a: {  	[spmem:s8] =	stream.linear.scatter [tilespmem:s14], [sflag:$0x2], $0x280, $0x38;
	[tilespmem:$0x9600] =	vst v63  }
0x3b: {  	_ =	swait.ge [sflag:s15], $0x280  }
0x3c: {  	[sflag:s15] =	ssyncset.done $0x0  }
0x3d: {  	[sflag:s15] =	ssyncadd.s32 $0xFFFFFD80  }
0x3e: {  	[tilespmem:s3], [sflag:$0x2] =	stream.linear.gather [hbm4b:s9+s3], $0x1400, $0x38;
	[tilespmem:$0x9600] =	vst v63  }
0x3f: {  	_ =	swait.ge [sflag:s15], $0x1400  }
0x40: {  	[sflag:s15] =	ssyncset.done $0x0  }
0x41: {  	[sflag:s15] =	ssyncadd.s32 $0xFFFFEC00  }
0x42: {  	[tilespmem:s16], [sflag:$0x2] =	stream.linear.gather [hbm4b:s10+s3], $0x1400, $0x38;
	[tilespmem:$0x9600] =	vst v63  }
0x43: {  	_ =	swait.ge [sflag:s15], $0x1400  }
0x44: {  	[sflag:s15] =	ssyncset.done $0x0  }
0x45: {  	[sflag:s15] =	ssyncadd.s32 $0xFFFFEC00  }
0x46: {  	[tilespmem:s17], [sflag:$0x2] =	stream.linear.gather [hbm4b:s4+s3], $0x2800, $0x38;
	[tilespmem:$0x9600] =	vst v63  }
0x47: {  	_ =	swait.ge [sflag:s15], $0x2800  }
0x48: {  	[sflag:s15] =	ssyncset.done $0x0  }
0x49: {  	[sflag:s15] =	ssyncadd.s32 $0xFFFFD800  }
0x4a: {  	[tilespmem:s18], [sflag:$0x2] =	stream.linear.gather [hbm4b:s5+s3], $0x2800, $0x38;
	[tilespmem:$0x9600] =	vst v63  }
0x4b: {  	_ =	swait.ge [sflag:s15], $0x2800  }
0x4c: {  	[sflag:s15] =	ssyncset.done $0x0  }
0x4d: {  	[sflag:s15] =	ssyncadd.s32 $0xFFFFD800  }
0x4e: {  	[tilespmem:s19], [sflag:$0x2] =	stream.linear.gather [hbm4b:s6+s3], $0x280, $0x38;
	[tilespmem:$0x9600] =	vst v63  }
0x4f: {  	_ =	swait.ge [sflag:s15], $0x280  }
0x50: {  	[sflag:s15] =	ssyncset.done $0x0  }
0x51: {  	[sflag:s15] =	ssyncadd.s32 $0xFFFFFD80  }
0x52: {  	[tilespmem:s20], [sflag:$0x2] =	stream.linear.gather [hbm4b:s7+s3], $0x280, $0x38;
	[tilespmem:$0x9600] =	vst v63  }
0x53: {  	_ =	swait.ge [sflag:s15], $0x280  }
0x54: {  	[sflag:s15] =	ssyncset.done $0x0  }
0x55: {  	s25 =	simm.s32 $0x0;
	[sflag:s15] =	ssyncadd.s32 $0xFFFFFD80  }
0x56: {  	s26 =	simm.s32 $0x40;
	v1 =	vld [tilespmem:s25+$0x8E80]  }
.LBB2_2:
0x57: {  	p0 =	sne.s32 s26, $0x9C0;
	v2 =	vld [tilespmem:s25+$0x8C00];
	_ =	sdelay $0x2  }
.Ltmp0:
0x58: {  	(pc) =	sbr.rel @p0 .LBB2_2-.Ltmp0, $4  }
0x59: {  	_ = 	snop  }
0x5a: {  	v2 =	vadd.f32 v1, v2  }
0x5b: {  	s28 =	sshra.s32 s26, $0x2  }
0x5c: {  	s26 =	sadd.s32 $0x40, s26;
	v1 =	vld [tilespmem:s28+$0x8E80];
	[tilespmem:s25+$0x8C00] =	vst v2;
	s25 =	smov.u32 s28  }
0x5d: {  	v2 =	vld [tilespmem:s25+$0x8C00];
	_ =	sdelay $0x4  }
0x5e: {  	v1 =	vadd.f32 v1, v2;
	_ =	sdelay $0x1  }
0x5f: {  	[tilespmem:s25+$0x8C00] =	vst v1;
	s25 =	simm.s32 $0x0  }
0x60: {  	v1 =	vld [tilespmem:s25+$0x1400]  }
0x61: {  	v2 =	vld [tilespmem:s25+$0x0];
	_ =	sdelay $0x6  }
0x62: {  	v1 =	vld.idx.msk [tilespmem:v1+s19+$0x0], $0xffff  }
0x63: {  	v3 =	vld.idx.msk [tilespmem:v2+s17+$0x0], $0xffff;
	_ =	sdelay $0x4  }
0x64: {  	v2 =	vld.idx.msk [tilespmem:v2+s18+$0x0], $0xffff;
	v1 =	vadd.f32 v1, v3;
	_ =	sdelay $0x1  }
0x65: {  	v3 =	vmul.f32 $2.000000030e-01, v1;
	_ =	sdelay $0x1  }
0x66: {  	v1 =	vmax.f32 v1, v3  }
0x67: {  	v1 =	vsub.f32 v1, v2;
	_ =	sdelay $0x1  }
0x68: {  	v1 =	vmax.f32 v1, $-8.000000000e+01  }
0x69: {  	v1 =	vmul.f32 $1.442695020e+00, v1;
	_ =	sdelay $0x1  }
0x6a: {  	(erf) = vpow2.f32 v1;
	_ =	sdelay $0x2  }
0x6b: {  	v1 =	vld [tilespmem:s25+$0x10]  }
0x6c: {  	v2 =	vld [tilespmem:s25+$0x1410];
	_ =	sdelay $0x4  }
0x6d: {  	v3 =	vpop (erf)  }
0x6e: {  	[tilespmem:s25+$0x2800] =	vst v3  }
0x6f: {  	v3 =	vld.idx.msk [tilespmem:v1+s17+$0x0], $0xffff  }
0x70: {  	v2 =	vld.idx.msk [tilespmem:v2+s19+$0x0], $0xffff;
	_ =	sdelay $0x4  }
0x71: {  	v1 =	vld.idx.msk [tilespmem:v1+s18+$0x0], $0xffff;
	v2 =	vadd.f32 v2, v3;
	_ =	sdelay $0x1  }
0x72: {  	v3 =	vmul.f32 $2.000000030e-01, v2;
	_ =	sdelay $0x1  }
0x73: {  	v2 =	vmax.f32 v2, v3  }
0x74: {  	v1 =	vsub.f32 v2, v1;
	_ =	sdelay $0x1  }
0x75: {  	v1 =	vmax.f32 v1, $-8.000000000e+01  }
0x76: {  	v1 =	vmul.f32 $1.442695020e+00, v1;
	_ =	sdelay $0x1  }
0x77: {  	(erf) = vpow2.f32 v1;
	_ =	sdelay $0x2  }
0x78: {  	v1 =	vld [tilespmem:s25+$0x20]  }
0x79: {  	v2 =	vld [tilespmem:s25+$0x1420];
	_ =	sdelay $0x4  }
0x7a: {  	v3 =	vpop (erf)  }
0x7b: {  	[tilespmem:s25+$0x2810] =	vst v3  }
0x7c: {  	v3 =	vld.idx.msk [tilespmem:v1+s17+$0x0], $0xffff  }
0x7d: {  	v2 =	vld.idx.msk [tilespmem:v2+s19+$0x0], $0xffff;
	_ =	sdelay $0x4  }
0x7e: {  	v1 =	vld.idx.msk [tilespmem:v1+s18+$0x0], $0xffff;
	v2 =	vadd.f32 v2, v3;
	_ =	sdelay $0x1  }
0x7f: {  	v3 =	vmul.f32 $2.000000030e-01, v2;
	_ =	sdelay $0x1  }
0x80: {  	v2 =	vmax.f32 v2, v3  }
0x81: {  	v1 =	vsub.f32 v2, v1;
	_ =	sdelay $0x1  }
0x82: {  	v1 =	vmax.f32 v1, $-8.000000000e+01  }
0x83: {  	v1 =	vmul.f32 $1.442695020e+00, v1;
	_ =	sdelay $0x1  }
0x84: {  	(erf) = vpow2.f32 v1;
	_ =	sdelay $0x2  }
0x85: {  	v1 =	vld [tilespmem:s25+$0x30]  }
0x86: {  	v2 =	vld [tilespmem:s25+$0x1430];
	_ =	sdelay $0x4  }
0x87: {  	v3 =	vpop (erf)  }
0x88: {  	[tilespmem:s25+$0x2820] =	vst v3  }
0x89: {  	v3 =	vld.idx.msk [tilespmem:v1+s17+$0x0], $0xffff  }
0x8a: {  	v2 =	vld.idx.msk [tilespmem:v2+s19+$0x0], $0xffff;
	_ =	sdelay $0x4  }
0x8b: {  	v1 =	vld.idx.msk [tilespmem:v1+s18+$0x0], $0xffff;
	v2 =	vadd.f32 v2, v3;
	_ =	sdelay $0x1  }
0x8c: {  	v3 =	vmul.f32 $2.000000030e-01, v2;
	_ =	sdelay $0x1  }
0x8d: {  	v2 =	vmax.f32 v2, v3  }
0x8e: {  	v1 =	vsub.f32 v2, v1;
	_ =	sdelay $0x1  }
0x8f: {  	v1 =	vmax.f32 v1, $-8.000000000e+01  }
0x90: {  	v1 =	vmul.f32 $1.442695020e+00, v1;
	_ =	sdelay $0x1  }
0x91: {  	(erf) = vpow2.f32 v1;
	_ =	sdelay $0x2  }
0x92: {  	v1 =	vld [tilespmem:s25+$0x40]  }
0x93: {  	v2 =	vld [tilespmem:s25+$0x1440];
	_ =	sdelay $0x4  }
0x94: {  	v3 =	vpop (erf)  }
0x95: {  	[tilespmem:s25+$0x2830] =	vst v3  }
0x96: {  	v3 =	vld.idx.msk [tilespmem:v1+s17+$0x0], $0xffff  }
0x97: {  	v2 =	vld.idx.msk [tilespmem:v2+s19+$0x0], $0xffff;
	_ =	sdelay $0x4  }
0x98: {  	v1 =	vld.idx.msk [tilespmem:v1+s18+$0x0], $0xffff;
	v2 =	vadd.f32 v2, v3;
	_ =	sdelay $0x1  }
0x99: {  	v3 =	vmul.f32 $2.000000030e-01, v2;
	_ =	sdelay $0x1  }
0x9a: {  	v2 =	vmax.f32 v2, v3  }
0x9b: {  	v1 =	vsub.f32 v2, v1;
	_ =	sdelay $0x1  }
0x9c: {  	v1 =	vmax.f32 v1, $-8.000000000e+01  }
0x9d: {  	v1 =	vmul.f32 $1.442695020e+00, v1;
	_ =	sdelay $0x1  }
0x9e: {  	(erf) = vpow2.f32 v1;
	_ =	sdelay $0x2  }
0x9f: {  	v1 =	vld [tilespmem:s25+$0x50]  }
0xa0: {  	v2 =	vld [tilespmem:s25+$0x1450];
	_ =	sdelay $0x4  }
0xa1: {  	v3 =	vpop (erf)  }
0xa2: {  	[tilespmem:s25+$0x2840] =	vst v3  }
0xa3: {  	v3 =	vld.idx.msk [tilespmem:v1+s17+$0x0], $0xffff  }
0xa4: {  	v2 =	vld.idx.msk [tilespmem:v2+s19+$0x0], $0xffff;
	_ =	sdelay $0x4  }
0xa5: {  	v1 =	vld.idx.msk [tilespmem:v1+s18+$0x0], $0xffff;
	v2 =	vadd.f32 v2, v3;
	_ =	sdelay $0x1  }
0xa6: {  	v3 =	vmul.f32 $2.000000030e-01, v2;
	_ =	sdelay $0x1  }
0xa7: {  	v2 =	vmax.f32 v2, v3  }
0xa8: {  	v1 =	vsub.f32 v2, v1;
	_ =	sdelay $0x1  }
0xa9: {  	v1 =	vmax.f32 v1, $-8.000000000e+01  }
0xaa: {  	v1 =	vmul.f32 $1.442695020e+00, v1;
	_ =	sdelay $0x1  }
0xab: {  	(erf) = vpow2.f32 v1;
	_ =	sdelay $0x2  }
0xac: {  	v1 =	vld [tilespmem:s25+$0x60]  }
0xad: {  	v2 =	vld [tilespmem:s25+$0x1460];
	_ =	sdelay $0x4  }
0xae: {  	v3 =	vpop (erf)  }
0xaf: {  	[tilespmem:s25+$0x2850] =	vst v3  }
0xb0: {  	v3 =	vld.idx.msk [tilespmem:v1+s17+$0x0], $0xffff  }
0xb1: {  	v2 =	vld.idx.msk [tilespmem:v2+s19+$0x0], $0xffff;
	_ =	sdelay $0x4  }
0xb2: {  	v1 =	vld.idx.msk [tilespmem:v1+s18+$0x0], $0xffff;
	v2 =	vadd.f32 v2, v3;
	_ =	sdelay $0x1  }
0xb3: {  	v3 =	vmul.f32 $2.000000030e-01, v2;
	_ =	sdelay $0x1  }
0xb4: {  	v2 =	vmax.f32 v2, v3  }
0xb5: {  	v1 =	vsub.f32 v2, v1;
	_ =	sdelay $0x1  }
0xb6: {  	v1 =	vmax.f32 v1, $-8.000000000e+01  }
0xb7: {  	v1 =	vmul.f32 $1.442695020e+00, v1;
	_ =	sdelay $0x1  }
0xb8: {  	(erf) = vpow2.f32 v1;
	_ =	sdelay $0x2  }
0xb9: {  	v1 =	vld [tilespmem:s25+$0x70]  }
0xba: {  	v2 =	vld [tilespmem:s25+$0x1470];
	_ =	sdelay $0x4  }
0xbb: {  	v3 =	vpop (erf)  }
0xbc: {  	[tilespmem:s25+$0x2860] =	vst v3  }
0xbd: {  	v3 =	vld.idx.msk [tilespmem:v1+s17+$0x0], $0xffff  }
0xbe: {  	v2 =	vld.idx.msk [tilespmem:v2+s19+$0x0], $0xffff;
	_ =	sdelay $0x4  }
0xbf: {  	v1 =	vld.idx.msk [tilespmem:v1+s18+$0x0], $0xffff;
	v2 =	vadd.f32 v2, v3;
	_ =	sdelay $0x1  }
0xc0: {  	v3 =	vmul.f32 $2.000000030e-01, v2;
	_ =	sdelay $0x1  }
0xc1: {  	v2 =	vmax.f32 v2, v3  }
0xc2: {  	v1 =	vsub.f32 v2, v1;
	_ =	sdelay $0x1  }
0xc3: {  	v1 =	vmax.f32 v1, $-8.000000000e+01  }
0xc4: {  	v1 =	vmul.f32 $1.442695020e+00, v1;
	_ =	sdelay $0x1  }
0xc5: {  	s26 =	simm.s32 $0x200;
	s28 =	simm.s32 $0x400;
	(erf) = vpow2.f32 v1  }
.LBB2_4:
0xc6: {  	p0 =	sne.s32 s28, $0x4E00  }
0xc7: {  	s29 =	sshra.s32 s26, $0x2;
	s26 =	smov.u32 s28;
	s28 =	sadd.s32 $0x200, s28  }
0xc8: {  	v1 =	vld [tilespmem:s29+$0x0]  }
0xc9: {  	v2 =	vld [tilespmem:s29+$0x1400];
	_ =	sdelay $0x5  }
0xca: {  	v3 =	vpop (erf)  }
0xcb: {  	[tilespmem:s25+$0x2870] =	vst v3;
	s25 =	smov.u32 s29  }
0xcc: {  	v2 =	vld.idx.msk [tilespmem:v2+s19+$0x0], $0xffff  }
0xcd: {  	v3 =	vld.idx.msk [tilespmem:v1+s17+$0x0], $0xffff;
	_ =	sdelay $0x4  }
0xce: {  	v1 =	vld.idx.msk [tilespmem:v1+s18+$0x0], $0xffff  }
0xcf: {  	v2 =	vadd.f32 v2, v3;
	_ =	sdelay $0x1  }
0xd0: {  	v3 =	vmul.f32 $2.000000030e-01, v2;
	_ =	sdelay $0x1  }
0xd1: {  	v2 =	vmax.f32 v2, v3  }
0xd2: {  	v1 =	vsub.f32 v2, v1;
	_ =	sdelay $0x1  }
0xd3: {  	v1 =	vmax.f32 v1, $-8.000000000e+01  }
0xd4: {  	v1 =	vmul.f32 $1.442695020e+00, v1;
	_ =	sdelay $0x1  }
0xd5: {  	(erf) = vpow2.f32 v1;
	_ =	sdelay $0x2  }
0xd6: {  	v1 =	vld [tilespmem:s25+$0x10]  }
0xd7: {  	v2 =	vld [tilespmem:s25+$0x1410];
	_ =	sdelay $0x4  }
0xd8: {  	v3 =	vpop (erf)  }
0xd9: {  	[tilespmem:s25+$0x2800] =	vst v3  }
0xda: {  	v3 =	vld.idx.msk [tilespmem:v1+s17+$0x0], $0xffff  }
0xdb: {  	v2 =	vld.idx.msk [tilespmem:v2+s19+$0x0], $0xffff;
	_ =	sdelay $0x4  }
0xdc: {  	v1 =	vld.idx.msk [tilespmem:v1+s18+$0x0], $0xffff  }
0xdd: {  	v2 =	vadd.f32 v2, v3;
	_ =	sdelay $0x1  }
0xde: {  	v3 =	vmul.f32 $2.000000030e-01, v2;
	_ =	sdelay $0x1  }
0xdf: {  	v2 =	vmax.f32 v2, v3  }
0xe0: {  	v1 =	vsub.f32 v2, v1;
	_ =	sdelay $0x1  }
0xe1: {  	v1 =	vmax.f32 v1, $-8.000000000e+01  }
0xe2: {  	v1 =	vmul.f32 $1.442695020e+00, v1;
	_ =	sdelay $0x1  }
0xe3: {  	(erf) = vpow2.f32 v1;
	_ =	sdelay $0x2  }
0xe4: {  	v1 =	vld [tilespmem:s25+$0x20]  }
0xe5: {  	v2 =	vld [tilespmem:s25+$0x1420];
	_ =	sdelay $0x4  }
0xe6: {  	v3 =	vpop (erf)  }
0xe7: {  	[tilespmem:s25+$0x2810] =	vst v3  }
0xe8: {  	v3 =	vld.idx.msk [tilespmem:v1+s17+$0x0], $0xffff  }
0xe9: {  	v2 =	vld.idx.msk [tilespmem:v2+s19+$0x0], $0xffff;
	_ =	sdelay $0x4  }
0xea: {  	v1 =	vld.idx.msk [tilespmem:v1+s18+$0x0], $0xffff  }
0xeb: {  	v2 =	vadd.f32 v2, v3;
	_ =	sdelay $0x1  }
0xec: {  	v3 =	vmul.f32 $2.000000030e-01, v2;
	_ =	sdelay $0x1  }
0xed: {  	v2 =	vmax.f32 v2, v3  }
0xee: {  	v1 =	vsub.f32 v2, v1;
	_ =	sdelay $0x1  }
0xef: {  	v1 =	vmax.f32 v1, $-8.000000000e+01  }
0xf0: {  	v1 =	vmul.f32 $1.442695020e+00, v1;
	_ =	sdelay $0x1  }
0xf1: {  	(erf) = vpow2.f32 v1;
	_ =	sdelay $0x2  }
0xf2: {  	v1 =	vld [tilespmem:s25+$0x30]  }
0xf3: {  	v2 =	vld [tilespmem:s25+$0x1430];
	_ =	sdelay $0x4  }
0xf4: {  	v3 =	vpop (erf)  }
0xf5: {  	[tilespmem:s25+$0x2820] =	vst v3  }
0xf6: {  	v3 =	vld.idx.msk [tilespmem:v1+s17+$0x0], $0xffff  }
0xf7: {  	v2 =	vld.idx.msk [tilespmem:v2+s19+$0x0], $0xffff;
	_ =	sdelay $0x4  }
0xf8: {  	v1 =	vld.idx.msk [tilespmem:v1+s18+$0x0], $0xffff  }
0xf9: {  	v2 =	vadd.f32 v2, v3;
	_ =	sdelay $0x1  }
0xfa: {  	v3 =	vmul.f32 $2.000000030e-01, v2;
	_ =	sdelay $0x1  }
0xfb: {  	v2 =	vmax.f32 v2, v3  }
0xfc: {  	v1 =	vsub.f32 v2, v1;
	_ =	sdelay $0x1  }
0xfd: {  	v1 =	vmax.f32 v1, $-8.000000000e+01  }
0xfe: {  	v1 =	vmul.f32 $1.442695020e+00, v1;
	_ =	sdelay $0x1  }
0xff: {  	(erf) = vpow2.f32 v1;
	_ =	sdelay $0x2  }
0x100: {  	v1 =	vld [tilespmem:s25+$0x40]  }
0x101: {  	v2 =	vld [tilespmem:s25+$0x1440];
	_ =	sdelay $0x4  }
0x102: {  	v3 =	vpop (erf)  }
0x103: {  	[tilespmem:s25+$0x2830] =	vst v3  }
0x104: {  	v3 =	vld.idx.msk [tilespmem:v1+s17+$0x0], $0xffff  }
0x105: {  	v2 =	vld.idx.msk [tilespmem:v2+s19+$0x0], $0xffff;
	_ =	sdelay $0x4  }
0x106: {  	v1 =	vld.idx.msk [tilespmem:v1+s18+$0x0], $0xffff  }
0x107: {  	v2 =	vadd.f32 v2, v3;
	_ =	sdelay $0x1  }
0x108: {  	v3 =	vmul.f32 $2.000000030e-01, v2;
	_ =	sdelay $0x1  }
0x109: {  	v2 =	vmax.f32 v2, v3  }
0x10a: {  	v1 =	vsub.f32 v2, v1;
	_ =	sdelay $0x1  }
0x10b: {  	v1 =	vmax.f32 v1, $-8.000000000e+01  }
0x10c: {  	v1 =	vmul.f32 $1.442695020e+00, v1;
	_ =	sdelay $0x1  }
0x10d: {  	(erf) = vpow2.f32 v1;
	_ =	sdelay $0x2  }
0x10e: {  	v1 =	vld [tilespmem:s25+$0x50]  }
0x10f: {  	v2 =	vld [tilespmem:s25+$0x1450];
	_ =	sdelay $0x4  }
0x110: {  	v3 =	vpop (erf)  }
0x111: {  	[tilespmem:s25+$0x2840] =	vst v3  }
0x112: {  	v3 =	vld.idx.msk [tilespmem:v1+s17+$0x0], $0xffff  }
0x113: {  	v2 =	vld.idx.msk [tilespmem:v2+s19+$0x0], $0xffff  }
0x114: {  	v1 =	vld.idx.msk [tilespmem:v1+s18+$0x0], $0xffff;
	_ =	sdelay $0x4  }
0x115: {  	v2 =	vadd.f32 v2, v3;
	_ =	sdelay $0x1  }
0x116: {  	v3 =	vmul.f32 $2.000000030e-01, v2;
	_ =	sdelay $0x1  }
0x117: {  	v2 =	vmax.f32 v2, v3  }
0x118: {  	v1 =	vsub.f32 v2, v1;
	_ =	sdelay $0x1  }
0x119: {  	v1 =	vmax.f32 v1, $-8.000000000e+01  }
0x11a: {  	v1 =	vmul.f32 $1.442695020e+00, v1;
	_ =	sdelay $0x1  }
0x11b: {  	(erf) = vpow2.f32 v1;
	_ =	sdelay $0x2  }
0x11c: {  	v1 =	vld [tilespmem:s25+$0x60]  }
0x11d: {  	v2 =	vld [tilespmem:s25+$0x1460];
	_ =	sdelay $0x4  }
0x11e: {  	v3 =	vpop (erf)  }
0x11f: {  	[tilespmem:s25+$0x2850] =	vst v3  }
0x120: {  	v3 =	vld.idx.msk [tilespmem:v1+s17+$0x0], $0xffff  }
0x121: {  	v2 =	vld.idx.msk [tilespmem:v2+s19+$0x0], $0xffff  }
0x122: {  	v1 =	vld.idx.msk [tilespmem:v1+s18+$0x0], $0xffff;
	_ =	sdelay $0x4  }
0x123: {  	v2 =	vadd.f32 v2, v3;
	_ =	sdelay $0x1  }
0x124: {  	v3 =	vmul.f32 $2.000000030e-01, v2;
	_ =	sdelay $0x1  }
0x125: {  	v2 =	vmax.f32 v2, v3  }
0x126: {  	v1 =	vsub.f32 v2, v1;
	_ =	sdelay $0x1  }
0x127: {  	v1 =	vmax.f32 v1, $-8.000000000e+01  }
0x128: {  	v1 =	vmul.f32 $1.442695020e+00, v1;
	_ =	sdelay $0x1  }
0x129: {  	(erf) = vpow2.f32 v1;
	_ =	sdelay $0x2  }
0x12a: {  	v1 =	vld [tilespmem:s25+$0x70]  }
0x12b: {  	v2 =	vld [tilespmem:s25+$0x1470];
	_ =	sdelay $0x4  }
0x12c: {  	v3 =	vpop (erf)  }
0x12d: {  	[tilespmem:s25+$0x2860] =	vst v3  }
0x12e: {  	v3 =	vld.idx.msk [tilespmem:v1+s17+$0x0], $0xffff  }
0x12f: {  	v2 =	vld.idx.msk [tilespmem:v2+s19+$0x0], $0xffff  }
0x130: {  	v1 =	vld.idx.msk [tilespmem:v1+s18+$0x0], $0xffff;
	_ =	sdelay $0x4  }
0x131: {  	v2 =	vadd.f32 v2, v3;
	_ =	sdelay $0x1  }
0x132: {  	v3 =	vmul.f32 $2.000000030e-01, v2;
	_ =	sdelay $0x1  }
0x133: {  	v2 =	vmax.f32 v2, v3  }
0x134: {  	v1 =	vsub.f32 v2, v1  }
.Ltmp1:
0x135: {  	(pc) =	sbr.rel @p0 .LBB2_4-.Ltmp1, $3  }
0x136: {  	v1 =	vmax.f32 v1, $-8.000000000e+01  }
0x137: {  	v1 =	vmul.f32 $1.442695020e+00, v1;
	_ =	sdelay $0x1  }
0x138: {  	(erf) = vpow2.f32 v1  }
0x139: {  	_ = 	snop  }
0x13a: {  	s26 =	sshra.s32 s26, $0x2  }
0x13b: {  	v1 =	vld [tilespmem:s26+$0x1400]  }
0x13c: {  	v2 =	vld [tilespmem:s26+$0x0];
	_ =	sdelay $0x4  }
0x13d: {  	v3 =	vpop (erf)  }
0x13e: {  	[tilespmem:s25+$0x2870] =	vst v3  }
0x13f: {  	v1 =	vld.idx.msk [tilespmem:v1+s19+$0x0], $0xffff  }
0x140: {  	v3 =	vld.idx.msk [tilespmem:v2+s17+$0x0], $0xffff;
	_ =	sdelay $0x4  }
0x141: {  	v2 =	vld.idx.msk [tilespmem:v2+s18+$0x0], $0xffff;
	v1 =	vadd.f32 v1, v3;
	_ =	sdelay $0x1  }
0x142: {  	v3 =	vmul.f32 $2.000000030e-01, v1;
	_ =	sdelay $0x1  }
0x143: {  	v1 =	vmax.f32 v1, v3  }
0x144: {  	v1 =	vsub.f32 v1, v2;
	_ =	sdelay $0x1  }
0x145: {  	v1 =	vmax.f32 v1, $-8.000000000e+01  }
0x146: {  	v1 =	vmul.f32 $1.442695020e+00, v1;
	_ =	sdelay $0x1  }
0x147: {  	(erf) = vpow2.f32 v1;
	_ =	sdelay $0x2  }
0x148: {  	v1 =	vld [tilespmem:s26+$0x10]  }
0x149: {  	v2 =	vld [tilespmem:s26+$0x1410];
	_ =	sdelay $0x4  }
0x14a: {  	v3 =	vpop (erf)  }
0x14b: {  	[tilespmem:s26+$0x2800] =	vst v3  }
0x14c: {  	v3 =	vld.idx.msk [tilespmem:v1+s17+$0x0], $0xffff  }
0x14d: {  	v2 =	vld.idx.msk [tilespmem:v2+s19+$0x0], $0xffff;
	_ =	sdelay $0x4  }
0x14e: {  	v1 =	vld.idx.msk [tilespmem:v1+s18+$0x0], $0xffff;
	v2 =	vadd.f32 v2, v3;
	_ =	sdelay $0x1  }
0x14f: {  	v3 =	vmul.f32 $2.000000030e-01, v2;
	_ =	sdelay $0x1  }
0x150: {  	v2 =	vmax.f32 v2, v3  }
0x151: {  	v1 =	vsub.f32 v2, v1;
	_ =	sdelay $0x1  }
0x152: {  	v1 =	vmax.f32 v1, $-8.000000000e+01  }
0x153: {  	v1 =	vmul.f32 $1.442695020e+00, v1;
	_ =	sdelay $0x1  }
0x154: {  	(erf) = vpow2.f32 v1;
	_ =	sdelay $0x2  }
0x155: {  	v1 =	vld [tilespmem:s26+$0x20]  }
0x156: {  	v2 =	vld [tilespmem:s26+$0x1420];
	_ =	sdelay $0x4  }
0x157: {  	v3 =	vpop (erf)  }
0x158: {  	[tilespmem:s26+$0x2810] =	vst v3  }
0x159: {  	v3 =	vld.idx.msk [tilespmem:v1+s17+$0x0], $0xffff  }
0x15a: {  	v2 =	vld.idx.msk [tilespmem:v2+s19+$0x0], $0xffff;
	_ =	sdelay $0x4  }
0x15b: {  	v1 =	vld.idx.msk [tilespmem:v1+s18+$0x0], $0xffff;
	v2 =	vadd.f32 v2, v3;
	_ =	sdelay $0x1  }
0x15c: {  	v3 =	vmul.f32 $2.000000030e-01, v2;
	_ =	sdelay $0x1  }
0x15d: {  	v2 =	vmax.f32 v2, v3  }
0x15e: {  	v1 =	vsub.f32 v2, v1;
	_ =	sdelay $0x1  }
0x15f: {  	v1 =	vmax.f32 v1, $-8.000000000e+01  }
0x160: {  	v1 =	vmul.f32 $1.442695020e+00, v1;
	_ =	sdelay $0x1  }
0x161: {  	(erf) = vpow2.f32 v1;
	_ =	sdelay $0x2  }
0x162: {  	v1 =	vld [tilespmem:s26+$0x30]  }
0x163: {  	v2 =	vld [tilespmem:s26+$0x1430];
	_ =	sdelay $0x4  }
0x164: {  	v3 =	vpop (erf)  }
0x165: {  	[tilespmem:s26+$0x2820] =	vst v3  }
0x166: {  	v3 =	vld.idx.msk [tilespmem:v1+s17+$0x0], $0xffff  }
0x167: {  	v2 =	vld.idx.msk [tilespmem:v2+s19+$0x0], $0xffff;
	_ =	sdelay $0x4  }
0x168: {  	v1 =	vld.idx.msk [tilespmem:v1+s18+$0x0], $0xffff;
	v2 =	vadd.f32 v2, v3;
	_ =	sdelay $0x1  }
0x169: {  	v3 =	vmul.f32 $2.000000030e-01, v2;
	_ =	sdelay $0x1  }
0x16a: {  	v2 =	vmax.f32 v2, v3  }
0x16b: {  	v1 =	vsub.f32 v2, v1;
	_ =	sdelay $0x1  }
0x16c: {  	v1 =	vmax.f32 v1, $-8.000000000e+01  }
0x16d: {  	v1 =	vmul.f32 $1.442695020e+00, v1;
	_ =	sdelay $0x1  }
0x16e: {  	(erf) = vpow2.f32 v1;
	_ =	sdelay $0x2  }
0x16f: {  	v1 =	vld [tilespmem:s26+$0x40]  }
0x170: {  	v2 =	vld [tilespmem:s26+$0x1440];
	_ =	sdelay $0x4  }
0x171: {  	v3 =	vpop (erf)  }
0x172: {  	[tilespmem:s26+$0x2830] =	vst v3  }
0x173: {  	v3 =	vld.idx.msk [tilespmem:v1+s17+$0x0], $0xffff  }
0x174: {  	v2 =	vld.idx.msk [tilespmem:v2+s19+$0x0], $0xffff;
	_ =	sdelay $0x4  }
0x175: {  	v1 =	vld.idx.msk [tilespmem:v1+s18+$0x0], $0xffff;
	v2 =	vadd.f32 v2, v3;
	_ =	sdelay $0x1  }
0x176: {  	v3 =	vmul.f32 $2.000000030e-01, v2;
	_ =	sdelay $0x1  }
0x177: {  	v2 =	vmax.f32 v2, v3  }
0x178: {  	v1 =	vsub.f32 v2, v1;
	_ =	sdelay $0x1  }
0x179: {  	v1 =	vmax.f32 v1, $-8.000000000e+01  }
0x17a: {  	v1 =	vmul.f32 $1.442695020e+00, v1;
	_ =	sdelay $0x1  }
0x17b: {  	(erf) = vpow2.f32 v1;
	_ =	sdelay $0x2  }
0x17c: {  	v1 =	vld [tilespmem:s26+$0x50]  }
0x17d: {  	v2 =	vld [tilespmem:s26+$0x1450];
	_ =	sdelay $0x4  }
0x17e: {  	v3 =	vpop (erf)  }
0x17f: {  	[tilespmem:s26+$0x2840] =	vst v3  }
0x180: {  	v3 =	vld.idx.msk [tilespmem:v1+s17+$0x0], $0xffff  }
0x181: {  	v2 =	vld.idx.msk [tilespmem:v2+s19+$0x0], $0xffff;
	_ =	sdelay $0x4  }
0x182: {  	v1 =	vld.idx.msk [tilespmem:v1+s18+$0x0], $0xffff;
	v2 =	vadd.f32 v2, v3;
	_ =	sdelay $0x1  }
0x183: {  	v3 =	vmul.f32 $2.000000030e-01, v2;
	_ =	sdelay $0x1  }
0x184: {  	v2 =	vmax.f32 v2, v3  }
0x185: {  	v1 =	vsub.f32 v2, v1;
	_ =	sdelay $0x1  }
0x186: {  	v1 =	vmax.f32 v1, $-8.000000000e+01  }
0x187: {  	v1 =	vmul.f32 $1.442695020e+00, v1;
	_ =	sdelay $0x1  }
0x188: {  	(erf) = vpow2.f32 v1;
	_ =	sdelay $0x2  }
0x189: {  	v1 =	vld [tilespmem:s26+$0x60]  }
0x18a: {  	v2 =	vld [tilespmem:s26+$0x1460];
	_ =	sdelay $0x4  }
0x18b: {  	v3 =	vpop (erf)  }
0x18c: {  	[tilespmem:s26+$0x2850] =	vst v3  }
0x18d: {  	v3 =	vld.idx.msk [tilespmem:v1+s17+$0x0], $0xffff  }
0x18e: {  	v2 =	vld.idx.msk [tilespmem:v2+s19+$0x0], $0xffff;
	_ =	sdelay $0x4  }
0x18f: {  	v1 =	vld.idx.msk [tilespmem:v1+s18+$0x0], $0xffff;
	v2 =	vadd.f32 v2, v3;
	_ =	sdelay $0x1  }
0x190: {  	v3 =	vmul.f32 $2.000000030e-01, v2;
	_ =	sdelay $0x1  }
0x191: {  	v2 =	vmax.f32 v2, v3  }
0x192: {  	v1 =	vsub.f32 v2, v1;
	_ =	sdelay $0x1  }
0x193: {  	v1 =	vmax.f32 v1, $-8.000000000e+01  }
0x194: {  	v1 =	vmul.f32 $1.442695020e+00, v1;
	_ =	sdelay $0x1  }
0x195: {  	(erf) = vpow2.f32 v1;
	_ =	sdelay $0x2  }
0x196: {  	v1 =	vld [tilespmem:s26+$0x70]  }
0x197: {  	v2 =	vld [tilespmem:s26+$0x1470];
	_ =	sdelay $0x4  }
0x198: {  	v3 =	vpop (erf)  }
0x199: {  	[tilespmem:s26+$0x2860] =	vst v3  }
0x19a: {  	v3 =	vld.idx.msk [tilespmem:v1+s17+$0x0], $0xffff  }
0x19b: {  	v2 =	vld.idx.msk [tilespmem:v2+s19+$0x0], $0xffff;
	_ =	sdelay $0x4  }
0x19c: {  	v1 =	vld.idx.msk [tilespmem:v1+s18+$0x0], $0xffff;
	v2 =	vadd.f32 v2, v3;
	_ =	sdelay $0x1  }
0x19d: {  	v3 =	vmul.f32 $2.000000030e-01, v2;
	_ =	sdelay $0x1  }
0x19e: {  	v2 =	vmax.f32 v2, v3  }
0x19f: {  	v1 =	vsub.f32 v2, v1;
	_ =	sdelay $0x1  }
0x1a0: {  	v1 =	vmax.f32 v1, $-8.000000000e+01  }
0x1a1: {  	v1 =	vmul.f32 $1.442695020e+00, v1;
	_ =	sdelay $0x1  }
0x1a2: {  	(erf) = vpow2.f32 v1;
	_ =	sdelay $0x8  }
0x1a3: {  	v1 =	vpop (erf)  }
0x1a4: {  	s29 =	simm.s32 $0x0;
	[tilespmem:s26+$0x2870] =	vst v1  }
0x1a5: {  	[hbm4b:s11+s29] =	stream.linear.scatter [tilespmem:s21], [sflag:$0x2], $0x1400, $0x38;
	[tilespmem:$0x9600] =	vst v63  }
0x1a6: {  	_ =	swait.ge [sflag:s15], $0x1400  }
0x1a7: {  	[sflag:s15] =	ssyncset.done $0x0  }
0x1a8: {  	[sflag:s15] =	ssyncadd.s32 $0xFFFFEC00  }
0x1a9: {  	s30 =	simm.s32 $0x0;
	s31 =	simm.s32 $0x2800;
	[bflag:$0x0] =	sbarrier.arrive $0xFFFF  }
0x1aa: {  	[spmem:s2] =	stream.indirect.scatter.add.f32 [tilespmem:s31], [sflag:$0x1], $0x1, s30, s22, $0xb8;
	[tilespmem:$0x9600] =	vst v63  }
0x1ab: {  	s25 =	simm.s32 $0x200;
	_ =	swait.ge [sflag:s23], $0x80  }
.LBB2_6:
0x1ac: {  	s26 =	sshra.s32 s25, $0x2;
	[sflag:s23] =	ssyncset.done $0x0;
	p0 =	sne.s32 s25, $0x4E00  }
.Ltmp2:
0x1ad: {  	s28 =	sadd.s32 $0x2800, s26;
	[sflag:s23] =	ssyncadd.s32 $0xFFFFFF80;
	(pc) =	sbr.rel @p0 .LBB2_6-.Ltmp2, $3  }
0x1ae: {  	[spmem:s2] =	stream.indirect.scatter.add.f32 [tilespmem:s28], [sflag:$0x1], $0x1, s26, s22, $0xb8;
	[tilespmem:$0x9600] =	vst v63  }
0x1af: {  	s25 =	sadd.s32 $0x200, s25;
	_ =	sdelay $0x1  }
0x1b0: {  	_ =	swait.ge [sflag:s23], $0x80  }
0x1b1: {  	[sflag:s23] =	ssyncset.done $0x0  }
0x1b2: {  	[sflag:s23] =	ssyncadd.s32 $0xFFFFFF80  }
0x1b3: {  	s25 =	sshll.u32 s1, $0x6;
	s24 =	sadd.s32 $0x1, s24;
	[bflag:$0x0] =	sbarrier.arrive $0xFFFF  }
0x1b4: {  	s26 =	sshrl.u32 s8, $0x3;
	p0 =	sne.s32 s24, s12;
	[bflag:$0x0] =	sbarrier.arrive $0xFFFF  }
.Ltmp3:
0x1b5: {  	s25 =	sor.u32 $0x1C02, s25;
	[bflag:$0x0] =	sbarrier.arrive $0xFFFF;
	(pc) =	sbr.rel @p0 .LBB2_1-.Ltmp3, $4  }
0x1b6: {  	[hbm:s13], [sflag:s25] =	dma.local [spmem:s26], $0x50  }
0x1b7: {  	_ =	swait.ge [sflag:s15], $0x50  }
0x1b8: {  	[sflag:s15] =	ssyncset.done $0x0  }
0x1b9: {  	[sflag:s15] =	ssyncadd.s32 $0xFFFFFFB0  }
0x1ba: {  	_ =	sfence.sel $0x180000  }
0x1bb: {  	[bflag:$0x0] =	sbarrier.arrive $0xFFFF  }
0x1bc: {  	p0 =	sne.s32 s1, $0x0;
	_ =	strace $0x9000004D  }
0x1bd: {  	s0 =	sadd.s32 @!p0 $0x100000, s0;
	[bflag:$0x2] =	sbarrier.arrive $0xFFFF  }
0x1be: {  	[sflag:s0] =	ssyncadd.tile.s32 @!p0 $0x1;
	_ =	shalt  }
.Lfunc_end2:
_tile_overlayer_lowered:
.L_overlay_start_2:
0x1bf: {  	(tag) =	ssettag $0x2  }
0x1c0: {  	s0 =	rddreg [dreg:$0x0];
	s2 =	stileid.u32  }
0x1c1: {  	s1 =	rddreg [dreg:$0x1];
	p0 =	sne.s32 s2, $0x0  }
0x1c2: {  	s3 =	rddreg [dreg:$0x2];
	[bflag:$0x3] =	sbarrier.arrive $0xFFFF;
	s2 =	simm.s32 @!p0 $0x1C02  }
0x1c3: {  	[timem:s3], [sflag:s2] =	dma.local @!p0 [hbm:s0], s1  }
0x1c4: {  	s0 =	simm.s32 @!p0 $0x2  }
0x1c5: {  	_ =	swait.ge @!p0 [sflag:s0], s1  }
0x1c6: {  	s1 =	ssub.s32 @!p0 $0x0, s1;
	[sflag:s0] =	ssyncset.done @!p0 $0x0  }
0x1c7: {  	[sflag:s0] =	ssyncadd.s32 @!p0 s1  }
0x1c8: {  	[bflag:$0x3] =	sbarrier.arrive $0xFFFF  }
0x1c9: {  	_ =	shalt  }

// kernel: kernel.22.cloned.1.call-start
scs
__scs_entry_jumppad:
0x0: {  	(pc) =	sbr.rel $0x88, $3  }
0x1: {  	(tag) =	ssettag $0x0;
	lr =	simm.s32 $0x1  }
0x2: {  	[smem:$0x3F9D] =	sst lr;
	_ =	strace $0xD0000000  }
0x3: {  	_ = 	snop  }
0x4: {  	_ = 	snop  }
0x5: {  	_ = 	snop  }
0x6: {  	_ = 	snop  }
0x7: {  	_ = 	snop  }
__scs_overlays_trampoline_lowered:
0x8: {  	[smem:$0x3FAC] =	sst s0  }
0x9: {  	[smem:$0x3FAD] =	sst s1  }
0xa: {  	[smem:$0x3FAE] =	sst s2  }
0xb: {  	[smem:$0x3FAF] =	sst s3  }
0xc: {  	[smem:$0x3FB0] =	sst s4  }
0xd: {  	[smem:$0x3FB1] =	sst s5  }
0xe: {  	[smem:$0x3FB2] =	sst s6  }
0xf: {  	[smem:$0x3FB3] =	sst s7  }
0x10: {  	[smem:$0x3FB4] =	sst s8  }
0x11: {  	[smem:$0x3FB5] =	sst s9;
	s0 =	simm.s32 @!p0 $0x0  }
0x12: {  	s1 =	sld [smem:$0x3F9B];
	s0 =	simm.s32 @p0 $0x1  }
0x13: {  	[smem:$0x3FB6] =	sst s0;
	s0 =	simm.s32 @!p1 $0x0  }
0x14: {  	s2 =	sld [smem:$0x3F9A];
	s0 =	simm.s32 @p1 $0x1  }
0x15: {  	[smem:$0x3FB7] =	sst s0;
	s0 =	simm.s32 @!p2 $0x0  }
0x16: {  	s3 =	sld [smem:$0x3FDB];
	s0 =	simm.s32 @p2 $0x1  }
0x17: {  	s4 =	simm.s32 $0x1BF5;
	[smem:$0x3FB9] =	sst s0  }
0x18: {  	s0 =	sld [smem:$0x3F9C];
	_ =	swait.ge [sflag:s4], $0x0  }
0x19: {  	s7 =	sld [smem:$0x3F9D]  }
0x1a: {  	s8 =	sadd.s32 $0xFFFFE003, lr  }
0x1b: {  	s9 =	sadd.s32 $0xFFFFFEF7, lr;
	s5 =	simm.s32 $0xFFFFFFFF;
	p2 =	slt.u32 s8, $0xFFFFF086  }
0x1c: {  	p1 =	slt.u32 s9, $0xF7A;
	s5 =	simm.s32 @!p2 $0x0  }
0x1d: {  	s5 =	simm.s32 @p1 $0x1;
	p0 =	seq.s32 s7, s2  }
0x1e: {  	s7 =	smul.u32 @!p0 $0xF7A, s2;
	p2 =	seq.s32 @!p0 s5, $0x0  }
0x1f: {  	s9 =	smul.u32 $0xF7A, s1;
	s8 =	simm.s32 @!p0 $0x1BF5;
	p2 =	por !p2, p0  }
0x20: {  	[sflag:s8] =	ssyncset.s32 @!p0 $0xFFFFF086;
	s6 =	sadd.s32 @!p0 s3, s7;
	s7 =	simm.s32 @!p0 $0x108  }
0x21: {  	s3 =	sadd.s32 s3, s9;
	s6 =	sadd.s32 @!p0 $0x88, s6;
	s7 =	simm.s32 @p2 $0x1082  }
0x22: {  	[simem:s7], [sflag:s8] =	dma.local @!p0 [hbm:s6], $0xF7A  }
0x23: {  	s9 =	sor.u32 $0xD0000000, s2;
	s6 =	simm.s32 $0x108;
	_ =	swait.ge @!p0 [sflag:s8], $0x0  }
0x24: {  	s3 =	sadd.s32 $0x88, s3;
	s6 =	simm.s32 @!p1 $0x1082;
	[sflag:s4] =	ssyncset.s32 $0xFFFFF086  }
0x25: {  	[simem:s6], [sflag:s4] =	dma.local [hbm:s3], $0xF7A  }
0x26: {  	[smem:$0x3F9D] =	sst s1;
	(tag) =	ssettag s2;
	_ =	strace s9  }
0x27: {  	s1 =	sld [smem:$0x3FAD]  }
0x28: {  	s2 =	sld [smem:$0x3FAE]  }
0x29: {  	s4 =	sld [smem:$0x3FB0]  }
0x2a: {  	p0 =	seq.s32 s5, $0x0;
	s5 =	sld [smem:$0x3FB1]  }
0x2b: {  	s6 =	sld [smem:$0x3FB2]  }
0x2c: {  	s7 =	sld [smem:$0x3FB3]  }
0x2d: {  	s3 =	simm.s32 $0x108;
	s8 =	sld [smem:$0x3FB4]  }
0x2e: {  	s3 =	simm.s32 @!p0 $0x1082;
	s9 =	sld [smem:$0x3FB5]  }
0x2f: {  	lr =	sadd.s32 s0, s3;
	s0 =	sld [smem:$0x3FAC]  }
0x30: {  	s3 =	sld [smem:$0x3FAF]  }
0x31: {  	[smem:$0x3FB8] =	sst s10  }
0x32: {  	s10 =	sld [smem:$0x3FB6];
	_ =	sdelay $0x3  }
0x33: {  	p0 =	seq.s32 s10, $0x1;
	s10 =	sld [smem:$0x3FB8];
	_ =	sdelay $0x3  }
0x34: {  	[smem:$0x3FB8] =	sst s10  }
0x35: {  	s10 =	sld [smem:$0x3FB7];
	_ =	sdelay $0x3  }
0x36: {  	p1 =	seq.s32 s10, $0x1;
	s10 =	sld [smem:$0x3FB8];
	_ =	sdelay $0x3  }
0x37: {  	[smem:$0x3FB8] =	sst s10  }
0x38: {  	s10 =	sld [smem:$0x3FB9]  }
0x39: {  	_ = 	snop;
	(pc) =	sbr.ind lr, $3  }
0x3a: {  	_ = 	snop  }
0x3b: {  	_ = 	snop  }
0x3c: {  	p2 =	seq.s32 s10, $0x1;
	s10 =	sld [smem:$0x3FB8]  }
0x3d: {  	_ =	shalt  }
0x3e: {  	_ =	shalt  }
0x3f: {  	_ =	shalt  }
0x40: {  	_ =	shalt  }
0x41: {  	_ =	shalt  }
0x42: {  	_ =	shalt  }
0x43: {  	_ =	shalt  }
0x44: {  	_ =	shalt  }
0x45: {  	_ =	shalt  }
0x46: {  	_ =	shalt  }
0x47: {  	_ =	shalt  }
0x48: {  	_ =	shalt  }
0x49: {  	_ =	shalt  }
0x4a: {  	_ =	shalt  }
0x4b: {  	_ =	shalt  }
0x4c: {  	_ =	shalt  }
0x4d: {  	_ =	shalt  }
0x4e: {  	_ =	shalt  }
0x4f: {  	_ =	shalt  }
0x50: {  	_ =	shalt  }
0x51: {  	_ =	shalt  }
0x52: {  	_ =	shalt  }
0x53: {  	_ =	shalt  }
0x54: {  	_ =	shalt  }
0x55: {  	_ =	shalt  }
0x56: {  	_ =	shalt  }
0x57: {  	_ =	shalt  }
0x58: {  	_ =	shalt  }
0x59: {  	_ =	shalt  }
0x5a: {  	_ =	shalt  }
0x5b: {  	_ =	shalt  }
0x5c: {  	_ =	shalt  }
0x5d: {  	_ =	shalt  }
0x5e: {  	_ =	shalt  }
0x5f: {  	_ =	shalt  }
0x60: {  	_ =	shalt  }
0x61: {  	_ =	shalt  }
0x62: {  	_ =	shalt  }
0x63: {  	_ =	shalt  }
0x64: {  	_ =	shalt  }
0x65: {  	_ =	shalt  }
0x66: {  	_ =	shalt  }
0x67: {  	_ =	shalt  }
0x68: {  	_ =	shalt  }
0x69: {  	_ =	shalt  }
0x6a: {  	_ =	shalt  }
0x6b: {  	_ =	shalt  }
0x6c: {  	_ =	shalt  }
0x6d: {  	_ =	shalt  }
0x6e: {  	_ =	shalt  }
0x6f: {  	_ =	shalt  }
0x70: {  	_ =	shalt  }
0x71: {  	_ =	shalt  }
0x72: {  	_ =	shalt  }
0x73: {  	_ =	shalt  }
0x74: {  	_ =	shalt  }
0x75: {  	_ =	shalt  }
0x76: {  	_ =	shalt  }
0x77: {  	_ =	shalt  }
0x78: {  	_ =	shalt  }
0x79: {  	_ =	shalt  }
0x7a: {  	_ =	shalt  }
0x7b: {  	_ =	shalt  }
0x7c: {  	_ =	shalt  }
0x7d: {  	_ =	shalt  }
0x7e: {  	_ =	shalt  }
0x7f: {  	_ =	shalt  }
0x80: {  	_ =	shalt  }
0x81: {  	_ =	shalt  }
0x82: {  	_ =	shalt  }
0x83: {  	_ =	shalt  }
0x84: {  	_ =	shalt  }
0x85: {  	_ =	shalt  }
0x86: {  	_ =	shalt  }
0x87: {  	_ =	shalt  }
.Lfunc_end0:
.L_simem_size_0:
called_computation.3_lowered:
.L_overlay_start_0:
0x88: {  	s2 =	sld [smem:$0x3FD9]  }
0x89: {  	s3 =	sld [smem:$0x3FFE];
	_ =	sdelay $0x1  }
0x8a: {  	s1 =	srdreg.scid  }
0x8b: {  	s0 =	sand.u32 $0x1, s1  }
0x8c: {  	s14 =	sshll.u32 s0, $0xA;
	s2 =	sadd.s32 s3, s2  }
0x8d: {  	s2 =	sadd.s32 s2, s14  }
0x8e: {  	[smem:$0x3FC4] =	sst s2  }
0x8f: {  	_ = 	snop  }
0x90: {  	s2 =	sld [smem:$0x3FD0];
	_ =	sdelay $0x2  }
0x91: {  	s15 =	simm.s32 $0xA;
	s4 =	simm.s32 $0x10  }
0x92: {  	[smem:s4], [sflag:s15] =	dma.local [hbm:s2], $0x1  }
0x93: {  	_ =	swait.eq [sflag:s15], $0x1  }
0x94: {  	[sflag:s15] =	ssyncset.done $0x0  }
0x95: {  	[sflag:s15] =	ssyncadd.s32 $0xFFFFFFFF  }
0x96: {  	s16 =	sld [smem:$0x10];
	(tm) =	ssettm $0x1  }
0x97: {  	s17 =	sld [smem:$0x3FFB];
	_ =	sdelay $0x3  }
0x98: {  	_ =	strace s17  }
0x99: {  	s3 =	sld [smem:$0x3FFC];
	_ =	sdelay $0x3  }
0x9a: {  	_ =	strace s3  }
0x9b: {  	s3 =	sld [smem:$0x3FFD];
	_ =	sdelay $0x3  }
0x9c: {  	_ =	strace s3  }
0x9d: {  	_ =	strace $0x8FFFFFFF  }
0x9e: {  	s18 =	sld [smem:$0x3FDB];
	_ =	sdelay $0x1  }
0x9f: {  	s19 =	simm.s32 $_scs_section_size  }
0xa0: {  	s5 =	simm.s32 $_size__tile_overlayer_lowered;
	s6 =	simm.s32 $_tile_overlayer_lowered  }
0xa1: {  	s22 =	simm.s32 $0x1BFF;
	s21 =	sshll.u32 s6, $0x1;
	s3 =	sadd.s32 s19, s18  }
0xa2: {  	s7 =	simm.s32 $0x0;
	s20 =	sshll.u32 s5, $0x1;
	s5 =	sadd.s32 s21, s3  }
0xa3: {  	[timem:s7], [sflag:s22] =	dma.local [hbm:s5], s20  }
0xa4: {  	_ =	swait.ge [sflag:s22], s20  }
0xa5: {  	s4 =	ssub.s32 $0x0, s20;
	[sflag:s22] =	ssyncset.done $0x0  }
0xa6: {  	[sflag:s22] =	ssyncadd.s32 s4;
	_ =	sdelay $0x1  }
0xa7: {  	s23 =	simm.s32 $0x1B8B  }
0xa8: {  	_ =	swait.ge [sflag:s23], $0x1  }
0xa9: {  	[sflag:s23] =	ssyncset.done $0x0  }
0xaa: {  	s25 =	simm.s32 $0x1B8E;
	s24 =	sld [smem:$0x3FFE];
	[sflag:s23] =	ssyncadd.s32 $0xFFFFFFFF  }
0xab: {  	s26 =	simm.s32 $execute0_lowered;
	[smem:$0x3FD2] =	sst s25  }
0xac: {  	s5 =	sshll.u32 s26, $0x1;
	_ =	strace $0x8000004F;
	[dreg:$0x1] =	wrdreg $0xFFFFFFFF  }
0xad: {  	s28 =	simm.s32 $_size_execute0_lowered;
	s3 =	sadd.s32 s3, s5;
	[dreg:$0x0] =	wrdreg $0x0  }
0xae: {  	s5 =	sshll.u32 s28, $0x1;
	[dreg:$0x2] =	wrdreg s3  }
0xaf: {  	[dreg:$0x3] =	wrdreg s5  }
0xb0: {  	[dreg:$0x4] =	wrdreg $0xC0  }
0xb1: {  	_ =	task [dreg:s7], $0x5FFFF  }
0xb2: {  	[dreg:$0x1] =	wrdreg $0xFFFFFFFF  }
0xb3: {  	[dreg:$0x0] =	wrdreg $0x60  }
0xb4: {  	[dreg:$0x2] =	wrdreg s16  }
0xb5: {  	[dreg:$0x3] =	wrdreg s24  }
0xb6: {  	[dreg:$0x4] =	wrdreg $0x166800  }
0xb7: {  	[dreg:$0x5] =	wrdreg $0x17A800  }
0xb8: {  	[dreg:$0x6] =	wrdreg $0x9  }
0xb9: {  	_ =	task.clear_ibuf [dreg:s7], $0x7FFFF;
	_ =	strace $0x9000004F  }
0xba: {  	s29 =	simm.s32 $0x9;
	_ =	strace $0x80000051  }
0xbb: {  	_ =	swait.ge [sflag:s29], $0x1  }
0xbc: {  	[sflag:s29] =	ssyncadd.s32 $0xFFFFFFFF  }
0xbd: {  	_ =	strace $0x90000051  }
0xbe: {  	_ =	sfence  }
0xbf: {  	s30 =	sld [smem:$0x0];
	_ =	sdelay $0x2  }
0xc0: {  	s31 =	sshll.u32 s1, $0xD;
	s1 =	sshrl.u32 s1, $0x2  }
0xc1: {  	s3 =	sand.u32 $0x4000, s31;
	s1 =	sadd.s32 s1, s30  }
0xc2: {  	s0 =	sor.u32 s3, s0;
	s1 =	sshll.u32 s1, $0x11  }
0xc3: {  	s0 =	sor.u32 s1, s0  }
0xc4: {  	s0 =	sadd.s32 $0x8F2B, s0  }
0xc5: {  	[sflag:s0] =	ssyncadd.remote.s32 $0x1  }
0xc6: {  	_ =	sfence.sel $0xFFFF  }
0xc7: {  	[dreg:$0x0] =	wrdreg $0xFFFFFFFF;
	(pc) =	sbr.abs _section_cstart, $3  }
0xc8: {  	[dreg:$0x1] =	wrdreg $0xFFFFFFFF  }
0xc9: {  	_ =	task.clear_ibuf [dreg:s7], $0x2FFFF;
	_ =	strace $0x9FFFFFFF  }
0xca: {  	(tm) =	ssettm $0x7FFFFFFF  }
0xcb: {  	_ =	shalt  }
tec
execute0_lowered:
.L_overlay_start_1:
0x0: {  	(tag) =	ssettag $0x1  }
0x1: {  	s0 =	rddreg [dreg:$0x0]  }
0x2: {  	s3 =	rddreg [dreg:$0x1]  }
0x3: {  	s1 =	rddreg [dreg:$0x2]  }
0x4: {  	s2 =	rddreg [dreg:$0x3]  }
0x5: {  	s4 =	simm.s32 $0x0;
	s5 =	srdreg.scid;
	s7 =	stileid.u32  }
0x6: {  	s17 =	simm.s32 $0x6680;
	s18 =	simm.s32 $0x7;
	s28 =	simm.s32 $0x5  }
0x7: {  	s29 =	simm.s32 $0x3;
	s30 =	simm.s32 $0x2;
	s31 =	simm.s32 $0x12680  }
0x8: {  	s19 =	simm.s32 $0x4;
	[smem:$0x7FF] =	sst s4;
	s5 =	sand.u32 $0x1, s5  }
0x9: {  	s6 =	sshll.u32 s7, $0x1;
	s9 =	smul.u32 $0x1400, s7;
	s20 =	sadd.s32 $0x32800, s3  }
0xa: {  	s21 =	sadd.s32 $0x32E00, s3;
	s7 =	sadd.s32 $0x4C00, s3;
	_ =	strace $0x80000050  }
0xb: {  	s6 =	sor.u32 s5, s6;
	s8 =	smul.u32 $0x14000, s5;
	[dreg:$0x5] =	wrdreg s20  }
0xc: {  	[dreg:$0x6] =	wrdreg s21;
	s5 =	ssub.s32 $0x2, s5;
	s6 =	smul.u32 $0x280, s6  }
0xd: {  	s20 =	simm.s32 $0x2800;
	s21 =	simm.s32 $0x3C00;
	s11 =	sshrl.u32 s5, $0x1  }
0xe: {  	s8 =	sadd.s32 s9, s8;
	s5 =	ssub.s32 s5, s11;
	s10 =	sadd.s32 s6, s3  }
0xf: {  	s8 =	sshrl.u32 s8, $0x3;
	s0 =	sadd.s32 s0, s6;
	s16 =	smax.u32 s5, $0x1  }
0x10: {  	s3 =	sadd.s32 s8, s3;
	[dreg:$0x7] =	wrdreg s0;
	s22 =	sadd.s32 $0x2D800, s10  }
0x11: {  	s8 =	sadd.s32 s9, s1;
	s23 =	sadd.s32 $0x34800, s10;
	[dreg:$0x8] =	wrdreg s22  }
.Ltmp0:
0x12: {  	s24 =	sadd.s32 $0x43800, s10;
	[dreg:$0x9] =	wrdreg s23;
	(pc) =	sbr.rel .LBB2_1-.Ltmp0, $4  }
0x13: {  	s9 =	sadd.s32 s9, s2;
	s0 =	simm.s32 $0x6;
	[dreg:$0xa] =	wrdreg s24  }
0x14: {  	s25 =	sadd.s32 $0x39800, s3;
	s26 =	sadd.s32 $0x3E800, s3;
	s22 =	simm.s32 $0x6400  }
0x15: {  	s23 =	simm.s32 $0x80;
	s24 =	simm.s32 $0xA680;
	[dreg:$0xb] =	wrdreg s25  }
0x16: {  	v0 =	vimm.f32 $0.0e+00;
	[dreg:$0xc] =	wrdreg s26;
	s25 =	simm.s32 $0x1;
	s26 =	simm.s32 $0xE680  }
.LBB2_14:
0x17: {  	[bflag:$0x0] =	sbarrier.arrive $0xFFFF;
	s3 =	stileid.u32  }
0x18: {  	s3 =	sshll.u32 s3, $0x6;
	[bflag:$0x0] =	sbarrier.arrive $0xFFFF  }
0x19: {  	s5 =	sshrl.u32 s8, $0x3;
	s3 =	sor.u32 $0x1C07, s3;
	s6 =	rddreg [dreg:$0xb]  }
0x1a: {  	[hbm:s6], [sflag:s3] =	dma.local [spmem:s5], $0x280  }
0x1b: {  	s4 =	sadd.s32 $0x1, s4;
	_ =	swait.ge [sflag:s18], $0x280  }
0x1c: {  	s14 =	sshrl.u32 s9, $0x3;
	p0 =	sne.s32 s4, s16;
	[sflag:s18] =	ssyncset.done $0x0  }
.Ltmp1:
0x1d: {  	s15 =	rddreg [dreg:$0xc];
	[sflag:s18] =	ssyncadd.s32 $0xFFFFFD80;
	(pc) =	sbr.rel @!p0 .LBB2_15-.Ltmp1, $4  }
0x1e: {  	[hbm:s15], [sflag:s3] =	dma.local [spmem:s14], $0x280  }
0x1f: {  	_ =	swait.ge [sflag:s18], $0x280  }
0x20: {  	[sflag:s18] =	ssyncset.done $0x0  }
0x21: {  	[sflag:s18] =	ssyncadd.s32 $0xFFFFFD80  }
.LBB2_1:
0x22: {  	s3 =	simm.s32 $0x0;
	s5 =	simm.s32 $0x200  }
.LBB2_2:
0x23: {  	p0 =	sne.s32 s5, $0xFE00;
	[tilespmem:s3+$0x66F0] =	vst v0  }
0x24: {  	[tilespmem:s3+$0x6680] =	vst v0  }
0x25: {  	[tilespmem:s3+$0x6690] =	vst v0  }
.Ltmp2:
0x26: {  	[tilespmem:s3+$0x66A0] =	vst v0;
	(pc) =	sbr.rel @p0 .LBB2_2-.Ltmp2, $4  }
0x27: {  	[tilespmem:s3+$0x66B0] =	vst v0  }
0x28: {  	[tilespmem:s3+$0x66C0] =	vst v0  }
0x29: {  	[tilespmem:s3+$0x66D0] =	vst v0  }
0x2a: {  	[tilespmem:s3+$0x66E0] =	vst v0;
	s3 =	sshra.s32 s5, $0x2;
	s5 =	sadd.s32 $0x200, s5  }
0x2b: {  	[tilespmem:s3+$0x66F0] =	vst v0  }
0x2c: {  	[tilespmem:s3+$0x6680] =	vst v0  }
0x2d: {  	[tilespmem:s3+$0x6690] =	vst v0  }
0x2e: {  	[tilespmem:s3+$0x66A0] =	vst v0  }
0x2f: {  	[tilespmem:s3+$0x66B0] =	vst v0  }
0x30: {  	[tilespmem:s3+$0x66C0] =	vst v0  }
0x31: {  	[tilespmem:s3+$0x66D0] =	vst v0  }
0x32: {  	[tilespmem:s3+$0x66E0] =	vst v0  }
0x33: {  	[spmem:s8] =	stream.linear.scatter [tilespmem:s17], [sflag:$0x7], $0x1400, $0x38;
	[tilespmem:$0x18E80] =	vst v63  }
0x34: {  	_ =	swait.ge [sflag:s18], $0x1400  }
0x35: {  	[sflag:s18] =	ssyncset.done $0x0  }
0x36: {  	[sflag:s18] =	ssyncadd.s32 $0xFFFFEC00  }
0x37: {  	[spmem:s9] =	stream.linear.scatter [tilespmem:s17], [sflag:$0x7], $0x1400, $0x38;
	[tilespmem:$0x18E80] =	vst v63  }
0x38: {  	_ =	swait.ge [sflag:s18], $0x1400  }
0x39: {  	[sflag:s18] =	ssyncset.done $0x0  }
0x3a: {  	s11 =	simm.s32 $0x0;
	s5 =	rddreg [dreg:$0x7];
	[sflag:s18] =	ssyncadd.s32 $0xFFFFEC00  }
0x3b: {  	[tilespmem:s11], [sflag:$0x7] =	stream.linear.gather [hbm4b:s5+s11], $0x1400, $0x38;
	[tilespmem:$0x18E80] =	vst v63  }
0x3c: {  	_ =	swait.ge [sflag:s18], $0x1400  }
0x3d: {  	[sflag:s18] =	ssyncset.done $0x0  }
0x3e: {  	s6 =	simm.s32 $0x1400;
	s12 =	rddreg [dreg:$0x8];
	[sflag:s18] =	ssyncadd.s32 $0xFFFFEC00  }
0x3f: {  	[tilespmem:s6], [sflag:$0x7] =	stream.linear.gather [hbm4b:s12+s11], $0x1400, $0x38;
	[tilespmem:$0x18E80] =	vst v63  }
0x40: {  	_ =	swait.ge [sflag:s18], $0x1400  }
0x41: {  	[sflag:s18] =	ssyncset.done $0x0  }
0x42: {  	s13 =	rddreg [dreg:$0x9];
	[sflag:s18] =	ssyncadd.s32 $0xFFFFEC00  }
0x43: {  	[tilespmem:s20], [sflag:$0x7] =	stream.linear.gather [hbm4b:s13+s11], $0x1400, $0x38;
	[tilespmem:$0x18E80] =	vst v63  }
0x44: {  	_ =	swait.ge [sflag:s18], $0x1400  }
0x45: {  	[sflag:s18] =	ssyncset.done $0x0  }
0x46: {  	s14 =	rddreg [dreg:$0x5];
	[sflag:s18] =	ssyncadd.s32 $0xFFFFEC00  }
0x47: {  	[tilespmem:s21], [sflag:$0x7] =	stream.linear.gather [hbm4b:s14+s11], $0x2800, $0x38;
	[tilespmem:$0x18E80] =	vst v63  }
0x48: {  	_ =	swait.ge [sflag:s18], $0x2800  }
0x49: {  	[sflag:s18] =	ssyncset.done $0x0  }
0x4a: {  	s15 =	rddreg [dreg:$0x6];
	[sflag:s18] =	ssyncadd.s32 $0xFFFFD800  }
0x4b: {  	[tilespmem:s22], [sflag:$0x7] =	stream.linear.gather [hbm4b:s15+s11], $0x280, $0x38;
	[tilespmem:$0x18E80] =	vst v63  }
0x4c: {  	_ =	swait.ge [sflag:s18], $0x280  }
0x4d: {  	[sflag:s18] =	ssyncset.done $0x0  }
0x4e: {  	s3 =	simm.s32 $0x0;
	[sflag:s18] =	ssyncadd.s32 $0xFFFFFD80  }
0x4f: {  	v1 =	vld [tilespmem:s3+$0x0];
	_ =	sdelay $0x5  }
0x50: {  	v2 =	vld [tilespmem:s3+$0x10]  }
0x51: {  	v3 =	vld [tilespmem:s3+$0x2800]  }
0x52: {  	v1 =	vld.idx.msk [tilespmem:v1+s21+$0x0], $0xffff;
	_ =	sdelay $0x4  }
0x53: {  	v1 =	vmul.f32 v1, v3;
	_ =	sdelay $0x1  }
0x54: {  	v3 =	vld [tilespmem:s3+$0x20];
	[tilespmem:s3+$0x2800] =	vst v1  }
0x55: {  	v1 =	vld.idx.msk [tilespmem:v2+s21+$0x0], $0xffff  }
0x56: {  	v2 =	vld [tilespmem:s3+$0x2810];
	_ =	sdelay $0x4  }
0x57: {  	v1 =	vmul.f32 v1, v2;
	_ =	sdelay $0x1  }
0x58: {  	[tilespmem:s3+$0x2810] =	vst v1;
	v1 =	vld [tilespmem:s3+$0x30]  }
0x59: {  	v2 =	vld.idx.msk [tilespmem:v3+s21+$0x0], $0xffff  }
0x5a: {  	v3 =	vld [tilespmem:s3+$0x2820];
	_ =	sdelay $0x4  }
0x5b: {  	v2 =	vmul.f32 v2, v3  }
0x5c: {  	v3 =	vld [tilespmem:s3+$0x40]  }
0x5d: {  	[tilespmem:s3+$0x2820] =	vst v2;
	v2 =	vld [tilespmem:s3+$0x2830]  }
0x5e: {  	v1 =	vld.idx.msk [tilespmem:v1+s21+$0x0], $0xffff;
	_ =	sdelay $0x4  }
0x5f: {  	v1 =	vmul.f32 v1, v2;
	_ =	sdelay $0x1  }
0x60: {  	[tilespmem:s3+$0x2830] =	vst v1;
	v1 =	vld [tilespmem:s3+$0x50]  }
0x61: {  	v2 =	vld.idx.msk [tilespmem:v3+s21+$0x0], $0xffff  }
0x62: {  	v3 =	vld [tilespmem:s3+$0x2840];
	_ =	sdelay $0x4  }
0x63: {  	v2 =	vmul.f32 v2, v3  }
0x64: {  	v3 =	vld [tilespmem:s3+$0x60]  }
0x65: {  	[tilespmem:s3+$0x2840] =	vst v2;
	v2 =	vld [tilespmem:s3+$0x2850]  }
0x66: {  	v1 =	vld.idx.msk [tilespmem:v1+s21+$0x0], $0xffff;
	_ =	sdelay $0x4  }
0x67: {  	v1 =	vmul.f32 v1, v2;
	_ =	sdelay $0x1  }
0x68: {  	v2 =	vld [tilespmem:s3+$0x70];
	[tilespmem:s3+$0x2850] =	vst v1  }
0x69: {  	v1 =	vld.idx.msk [tilespmem:v3+s21+$0x0], $0xffff  }
0x6a: {  	v3 =	vld [tilespmem:s3+$0x2860];
	_ =	sdelay $0x4  }
0x6b: {  	v3 =	vmul.f32 v1, v3  }
0x6c: {  	s6 =	simm.s32 $0x80  }
0x6d: {  	v1 =	vld [tilespmem:s6+$0x0];
	[tilespmem:s3+$0x2860] =	vst v3  }
0x6e: {  	s5 =	simm.s32 $0x400;
	v2 =	vld.idx.msk [tilespmem:v2+s21+$0x0], $0xffff  }
.LBB2_4:
0x6f: {  	p0 =	sne.s32 s5, $0x4E00;
	v3 =	vld [tilespmem:s3+$0x2870];
	_ =	sdelay $0x4  }
0x70: {  	v2 =	vmul.f32 v2, v3;
	_ =	sdelay $0x1  }
0x71: {  	v3 =	vld [tilespmem:s6+$0x10];
	[tilespmem:s3+$0x2870] =	vst v2;
	s3 =	smov.u32 s6  }
0x72: {  	v1 =	vld.idx.msk [tilespmem:v1+s21+$0x0], $0xffff  }
0x73: {  	v2 =	vld [tilespmem:s3+$0x2800];
	_ =	sdelay $0x4  }
0x74: {  	v1 =	vmul.f32 v1, v2;
	_ =	sdelay $0x1  }
0x75: {  	[tilespmem:s3+$0x2800] =	vst v1;
	v1 =	vld [tilespmem:s3+$0x20]  }
0x76: {  	v2 =	vld.idx.msk [tilespmem:v3+s21+$0x0], $0xffff  }
0x77: {  	v3 =	vld [tilespmem:s3+$0x2810];
	_ =	sdelay $0x4  }
0x78: {  	v2 =	vmul.f32 v2, v3;
	_ =	sdelay $0x1  }
0x79: {  	[tilespmem:s3+$0x2810] =	vst v2;
	v2 =	vld [tilespmem:s3+$0x30]  }
0x7a: {  	v1 =	vld.idx.msk [tilespmem:v1+s21+$0x0], $0xffff  }
0x7b: {  	v3 =	vld [tilespmem:s3+$0x2820];
	_ =	sdelay $0x4  }
0x7c: {  	v1 =	vmul.f32 v1, v3;
	_ =	sdelay $0x1  }
0x7d: {  	[tilespmem:s3+$0x2820] =	vst v1;
	v1 =	vld [tilespmem:s3+$0x40]  }
0x7e: {  	v2 =	vld.idx.msk [tilespmem:v2+s21+$0x0], $0xffff  }
0x7f: {  	v3 =	vld [tilespmem:s3+$0x2830];
	_ =	sdelay $0x4  }
0x80: {  	v2 =	vmul.f32 v2, v3;
	_ =	sdelay $0x1  }
0x81: {  	[tilespmem:s3+$0x2830] =	vst v2;
	v2 =	vld [tilespmem:s3+$0x50]  }
0x82: {  	v1 =	vld.idx.msk [tilespmem:v1+s21+$0x0], $0xffff  }
0x83: {  	v3 =	vld [tilespmem:s3+$0x2840];
	_ =	sdelay $0x4  }
0x84: {  	v1 =	vmul.f32 v1, v3;
	_ =	sdelay $0x1  }
0x85: {  	[tilespmem:s3+$0x2840] =	vst v1;
	v1 =	vld [tilespmem:s3+$0x60]  }
0x86: {  	v2 =	vld.idx.msk [tilespmem:v2+s21+$0x0], $0xffff  }
0x87: {  	v3 =	vld [tilespmem:s3+$0x2850];
	_ =	sdelay $0x4  }
0x88: {  	v2 =	vmul.f32 v2, v3;
	_ =	sdelay $0x1  }
0x89: {  	[tilespmem:s3+$0x2850] =	vst v2;
	v2 =	vld [tilespmem:s3+$0x70]  }
0x8a: {  	v1 =	vld.idx.msk [tilespmem:v1+s21+$0x0], $0xffff  }
0x8b: {  	v3 =	vld [tilespmem:s3+$0x2860];
	_ =	sdelay $0x3  }
.Ltmp3:
0x8c: {  	(pc) =	sbr.rel @p0 .LBB2_4-.Ltmp3, $4  }
0x8d: {  	v3 =	vmul.f32 v1, v3  }
0x8e: {  	s6 =	sshra.s32 s5, $0x2  }
0x8f: {  	v1 =	vld [tilespmem:s6+$0x0];
	[tilespmem:s3+$0x2860] =	vst v3  }
0x90: {  	s5 =	sadd.s32 $0x200, s5;
	v2 =	vld.idx.msk [tilespmem:v2+s21+$0x0], $0xffff  }
0x91: {  	v3 =	vld [tilespmem:s3+$0x2870];
	_ =	sdelay $0x4  }
0x92: {  	v2 =	vmul.f32 v2, v3;
	_ =	sdelay $0x1  }
0x93: {  	v3 =	vld [tilespmem:s6+$0x10];
	[tilespmem:s3+$0x2870] =	vst v2  }
0x94: {  	v1 =	vld.idx.msk [tilespmem:v1+s21+$0x0], $0xffff  }
0x95: {  	v2 =	vld [tilespmem:s6+$0x2800];
	_ =	sdelay $0x4  }
0x96: {  	v1 =	vmul.f32 v1, v2;
	_ =	sdelay $0x1  }
0x97: {  	v2 =	vld [tilespmem:s6+$0x2810];
	[tilespmem:s6+$0x2800] =	vst v1  }
0x98: {  	v1 =	vld.idx.msk [tilespmem:v3+s21+$0x0], $0xffff  }
0x99: {  	v3 =	vld [tilespmem:s6+$0x20];
	_ =	sdelay $0x4  }
0x9a: {  	v1 =	vmul.f32 v1, v2;
	_ =	sdelay $0x1  }
0x9b: {  	[tilespmem:s6+$0x2810] =	vst v1;
	v1 =	vld [tilespmem:s6+$0x30]  }
0x9c: {  	v2 =	vld.idx.msk [tilespmem:v3+s21+$0x0], $0xffff  }
0x9d: {  	v3 =	vld [tilespmem:s6+$0x2820];
	_ =	sdelay $0x4  }
0x9e: {  	v2 =	vmul.f32 v2, v3  }
0x9f: {  	v3 =	vld [tilespmem:s6+$0x40]  }
0xa0: {  	[tilespmem:s6+$0x2820] =	vst v2;
	v2 =	vld [tilespmem:s6+$0x2830]  }
0xa1: {  	v1 =	vld.idx.msk [tilespmem:v1+s21+$0x0], $0xffff;
	_ =	sdelay $0x4  }
0xa2: {  	v1 =	vmul.f32 v1, v2;
	_ =	sdelay $0x1  }
0xa3: {  	[tilespmem:s6+$0x2830] =	vst v1;
	v1 =	vld [tilespmem:s6+$0x50]  }
0xa4: {  	v2 =	vld.idx.msk [tilespmem:v3+s21+$0x0], $0xffff  }
0xa5: {  	v3 =	vld [tilespmem:s6+$0x2840];
	_ =	sdelay $0x4  }
0xa6: {  	v2 =	vmul.f32 v2, v3  }
0xa7: {  	v3 =	vld [tilespmem:s6+$0x60]  }
0xa8: {  	[tilespmem:s6+$0x2840] =	vst v2;
	v2 =	vld [tilespmem:s6+$0x2850]  }
0xa9: {  	v1 =	vld.idx.msk [tilespmem:v1+s21+$0x0], $0xffff;
	_ =	sdelay $0x4  }
0xaa: {  	v1 =	vmul.f32 v1, v2;
	_ =	sdelay $0x1  }
0xab: {  	[tilespmem:s6+$0x2850] =	vst v1;
	v1 =	vld [tilespmem:s6+$0x70]  }
0xac: {  	v2 =	vld.idx.msk [tilespmem:v3+s21+$0x0], $0xffff  }
0xad: {  	v3 =	vld [tilespmem:s6+$0x2860];
	_ =	sdelay $0x4  }
0xae: {  	v2 =	vmul.f32 v2, v3;
	_ =	sdelay $0x1  }
0xaf: {  	[tilespmem:s6+$0x2860] =	vst v2;
	v2 =	vld [tilespmem:s6+$0x2870]  }
0xb0: {  	v1 =	vld.idx.msk [tilespmem:v1+s21+$0x0], $0xffff;
	_ =	sdelay $0x4  }
0xb1: {  	v1 =	vmul.f32 v1, v2;
	_ =	sdelay $0x1  }
0xb2: {  	s15 =	simm.s32 $0x0;
	s5 =	rddreg [dreg:$0xa];
	[tilespmem:s6+$0x2870] =	vst v1  }
0xb3: {  	[hbm4b:s5+s15] =	stream.linear.scatter [tilespmem:s20], [sflag:$0x7], $0x1400, $0x38;
	[tilespmem:$0x18E80] =	vst v63  }
0xb4: {  	_ =	swait.ge [sflag:s18], $0x1400  }
0xb5: {  	[sflag:s18] =	ssyncset.done $0x0  }
0xb6: {  	s3 =	simm.s32 $0x0;
	[sflag:s18] =	ssyncadd.s32 $0xFFFFEC00  }
0xb7: {  	v1 =	vld [tilespmem:s3+$0x1400];
	_ =	sdelay $0x5  }
0xb8: {  	v2 =	vld [tilespmem:s3+$0x1410]  }
0xb9: {  	v3 =	vld [tilespmem:s3+$0x2800]  }
0xba: {  	v1 =	vld.idx.msk [tilespmem:v1+s22+$0x0], $0xffff;
	_ =	sdelay $0x4  }
0xbb: {  	v1 =	vmul.f32 v1, v3;
	_ =	sdelay $0x1  }
0xbc: {  	v3 =	vld [tilespmem:s3+$0x1420];
	[tilespmem:s3+$0x2800] =	vst v1  }
0xbd: {  	v1 =	vld.idx.msk [tilespmem:v2+s22+$0x0], $0xffff  }
0xbe: {  	v2 =	vld [tilespmem:s3+$0x2810];
	_ =	sdelay $0x4  }
0xbf: {  	v1 =	vmul.f32 v1, v2;
	_ =	sdelay $0x1  }
0xc0: {  	[tilespmem:s3+$0x2810] =	vst v1;
	v1 =	vld [tilespmem:s3+$0x1430]  }
0xc1: {  	v2 =	vld.idx.msk [tilespmem:v3+s22+$0x0], $0xffff  }
0xc2: {  	v3 =	vld [tilespmem:s3+$0x2820];
	_ =	sdelay $0x4  }
0xc3: {  	v2 =	vmul.f32 v2, v3  }
0xc4: {  	v3 =	vld [tilespmem:s3+$0x1440]  }
0xc5: {  	[tilespmem:s3+$0x2820] =	vst v2;
	v2 =	vld [tilespmem:s3+$0x2830]  }
0xc6: {  	v1 =	vld.idx.msk [tilespmem:v1+s22+$0x0], $0xffff;
	_ =	sdelay $0x4  }
0xc7: {  	v1 =	vmul.f32 v1, v2;
	_ =	sdelay $0x1  }
0xc8: {  	[tilespmem:s3+$0x2830] =	vst v1;
	v1 =	vld [tilespmem:s3+$0x1450]  }
0xc9: {  	v2 =	vld.idx.msk [tilespmem:v3+s22+$0x0], $0xffff  }
0xca: {  	v3 =	vld [tilespmem:s3+$0x2840];
	_ =	sdelay $0x4  }
0xcb: {  	v2 =	vmul.f32 v2, v3  }
0xcc: {  	v3 =	vld [tilespmem:s3+$0x1460]  }
0xcd: {  	[tilespmem:s3+$0x2840] =	vst v2;
	v2 =	vld [tilespmem:s3+$0x2850]  }
0xce: {  	v1 =	vld.idx.msk [tilespmem:v1+s22+$0x0], $0xffff;
	_ =	sdelay $0x4  }
0xcf: {  	v1 =	vmul.f32 v1, v2;
	_ =	sdelay $0x1  }
0xd0: {  	v2 =	vld [tilespmem:s3+$0x1470];
	[tilespmem:s3+$0x2850] =	vst v1  }
0xd1: {  	v1 =	vld.idx.msk [tilespmem:v3+s22+$0x0], $0xffff  }
0xd2: {  	v3 =	vld [tilespmem:s3+$0x2860];
	_ =	sdelay $0x4  }
0xd3: {  	v3 =	vmul.f32 v1, v3  }
0xd4: {  	s6 =	simm.s32 $0x80  }
0xd5: {  	v1 =	vld [tilespmem:s6+$0x1400];
	[tilespmem:s3+$0x2860] =	vst v3  }
0xd6: {  	s5 =	simm.s32 $0x400;
	v2 =	vld.idx.msk [tilespmem:v2+s22+$0x0], $0xffff  }
.LBB2_6:
0xd7: {  	p0 =	sne.s32 s5, $0x4E00;
	v3 =	vld [tilespmem:s3+$0x2870];
	_ =	sdelay $0x4  }
0xd8: {  	v2 =	vmul.f32 v2, v3;
	_ =	sdelay $0x1  }
0xd9: {  	v3 =	vld [tilespmem:s6+$0x1410];
	[tilespmem:s3+$0x2870] =	vst v2;
	s3 =	smov.u32 s6  }
0xda: {  	v1 =	vld.idx.msk [tilespmem:v1+s22+$0x0], $0xffff  }
0xdb: {  	v2 =	vld [tilespmem:s3+$0x2800];
	_ =	sdelay $0x4  }
0xdc: {  	v1 =	vmul.f32 v1, v2;
	_ =	sdelay $0x1  }
0xdd: {  	[tilespmem:s3+$0x2800] =	vst v1;
	v1 =	vld [tilespmem:s3+$0x1420]  }
0xde: {  	v2 =	vld.idx.msk [tilespmem:v3+s22+$0x0], $0xffff  }
0xdf: {  	v3 =	vld [tilespmem:s3+$0x2810];
	_ =	sdelay $0x4  }
0xe0: {  	v2 =	vmul.f32 v2, v3;
	_ =	sdelay $0x1  }
0xe1: {  	[tilespmem:s3+$0x2810] =	vst v2;
	v2 =	vld [tilespmem:s3+$0x1430]  }
0xe2: {  	v1 =	vld.idx.msk [tilespmem:v1+s22+$0x0], $0xffff  }
0xe3: {  	v3 =	vld [tilespmem:s3+$0x2820];
	_ =	sdelay $0x4  }
0xe4: {  	v1 =	vmul.f32 v1, v3;
	_ =	sdelay $0x1  }
0xe5: {  	[tilespmem:s3+$0x2820] =	vst v1;
	v1 =	vld [tilespmem:s3+$0x1440]  }
0xe6: {  	v2 =	vld.idx.msk [tilespmem:v2+s22+$0x0], $0xffff  }
0xe7: {  	v3 =	vld [tilespmem:s3+$0x2830];
	_ =	sdelay $0x4  }
0xe8: {  	v2 =	vmul.f32 v2, v3;
	_ =	sdelay $0x1  }
0xe9: {  	[tilespmem:s3+$0x2830] =	vst v2;
	v2 =	vld [tilespmem:s3+$0x1450]  }
0xea: {  	v1 =	vld.idx.msk [tilespmem:v1+s22+$0x0], $0xffff  }
0xeb: {  	v3 =	vld [tilespmem:s3+$0x2840];
	_ =	sdelay $0x4  }
0xec: {  	v1 =	vmul.f32 v1, v3;
	_ =	sdelay $0x1  }
0xed: {  	[tilespmem:s3+$0x2840] =	vst v1;
	v1 =	vld [tilespmem:s3+$0x1460]  }
0xee: {  	v2 =	vld.idx.msk [tilespmem:v2+s22+$0x0], $0xffff  }
0xef: {  	v3 =	vld [tilespmem:s3+$0x2850];
	_ =	sdelay $0x4  }
0xf0: {  	v2 =	vmul.f32 v2, v3;
	_ =	sdelay $0x1  }
0xf1: {  	[tilespmem:s3+$0x2850] =	vst v2;
	v2 =	vld [tilespmem:s3+$0x1470]  }
0xf2: {  	v1 =	vld.idx.msk [tilespmem:v1+s22+$0x0], $0xffff  }
0xf3: {  	v3 =	vld [tilespmem:s3+$0x2860];
	_ =	sdelay $0x3  }
.Ltmp4:
0xf4: {  	(pc) =	sbr.rel @p0 .LBB2_6-.Ltmp4, $4  }
0xf5: {  	v3 =	vmul.f32 v1, v3  }
0xf6: {  	s6 =	sshra.s32 s5, $0x2  }
0xf7: {  	v1 =	vld [tilespmem:s6+$0x1400];
	[tilespmem:s3+$0x2860] =	vst v3  }
0xf8: {  	s5 =	sadd.s32 $0x200, s5;
	v2 =	vld.idx.msk [tilespmem:v2+s22+$0x0], $0xffff  }
0xf9: {  	v3 =	vld [tilespmem:s3+$0x2870];
	_ =	sdelay $0x4  }
0xfa: {  	v2 =	vmul.f32 v2, v3;
	_ =	sdelay $0x1  }
0xfb: {  	v3 =	vld [tilespmem:s6+$0x1410];
	[tilespmem:s3+$0x2870] =	vst v2  }
0xfc: {  	v1 =	vld.idx.msk [tilespmem:v1+s22+$0x0], $0xffff  }
0xfd: {  	v2 =	vld [tilespmem:s6+$0x2800];
	_ =	sdelay $0x4  }
0xfe: {  	v1 =	vmul.f32 v1, v2;
	_ =	sdelay $0x1  }
0xff: {  	v2 =	vld [tilespmem:s6+$0x2810];
	[tilespmem:s6+$0x2800] =	vst v1  }
0x100: {  	v1 =	vld.idx.msk [tilespmem:v3+s22+$0x0], $0xffff  }
0x101: {  	v3 =	vld [tilespmem:s6+$0x1420];
	_ =	sdelay $0x4  }
0x102: {  	v1 =	vmul.f32 v1, v2;
	_ =	sdelay $0x1  }
0x103: {  	[tilespmem:s6+$0x2810] =	vst v1;
	v1 =	vld [tilespmem:s6+$0x1430]  }
0x104: {  	v2 =	vld.idx.msk [tilespmem:v3+s22+$0x0], $0xffff  }
0x105: {  	v3 =	vld [tilespmem:s6+$0x2820];
	_ =	sdelay $0x4  }
0x106: {  	v2 =	vmul.f32 v2, v3  }
0x107: {  	v3 =	vld [tilespmem:s6+$0x1440]  }
0x108: {  	[tilespmem:s6+$0x2820] =	vst v2;
	v2 =	vld [tilespmem:s6+$0x2830]  }
0x109: {  	v1 =	vld.idx.msk [tilespmem:v1+s22+$0x0], $0xffff;
	_ =	sdelay $0x4  }
0x10a: {  	v1 =	vmul.f32 v1, v2;
	_ =	sdelay $0x1  }
0x10b: {  	[tilespmem:s6+$0x2830] =	vst v1;
	v1 =	vld [tilespmem:s6+$0x1450]  }
0x10c: {  	v2 =	vld.idx.msk [tilespmem:v3+s22+$0x0], $0xffff  }
0x10d: {  	v3 =	vld [tilespmem:s6+$0x2840];
	_ =	sdelay $0x4  }
0x10e: {  	v2 =	vmul.f32 v2, v3  }
0x10f: {  	v3 =	vld [tilespmem:s6+$0x1460]  }
0x110: {  	[tilespmem:s6+$0x2840] =	vst v2;
	v2 =	vld [tilespmem:s6+$0x2850]  }
0x111: {  	v1 =	vld.idx.msk [tilespmem:v1+s22+$0x0], $0xffff;
	_ =	sdelay $0x4  }
0x112: {  	v1 =	vmul.f32 v1, v2;
	_ =	sdelay $0x1  }
0x113: {  	[tilespmem:s6+$0x2850] =	vst v1;
	v1 =	vld [tilespmem:s6+$0x1470]  }
0x114: {  	v2 =	vld.idx.msk [tilespmem:v3+s22+$0x0], $0xffff  }
0x115: {  	v3 =	vld [tilespmem:s6+$0x2860];
	_ =	sdelay $0x4  }
0x116: {  	v2 =	vmul.f32 v2, v3;
	_ =	sdelay $0x1  }
0x117: {  	[tilespmem:s6+$0x2860] =	vst v2;
	v2 =	vld [tilespmem:s6+$0x2870]  }
0x118: {  	v1 =	vld.idx.msk [tilespmem:v1+s22+$0x0], $0xffff;
	_ =	sdelay $0x4  }
0x119: {  	v1 =	vmul.f32 v1, v2;
	_ =	sdelay $0x1  }
0x11a: {  	[tilespmem:s6+$0x2870] =	vst v1  }
0x11b: {  	s3 =	simm.s32 $0x0;
	[bflag:$0x0] =	sbarrier.arrive $0xFFFF  }
0x11c: {  	[tilespmem:s17], [sflag:$0x1] =	stream.indirect.gather [hbm4b:s7+s23], $0x80, s3, s23, $0xb8;
	[tilespmem:$0x18E80] =	vst v63  }
0x11d: {  	s5 =	simm.s32 $0x0  }
0x11e: {  	[tilespmem:s24], [sflag:$0x2] =	stream.indirect.gather [hbm4b:s7+s23], $0x80, s23, s23, $0xb8;
	[tilespmem:$0x18E80] =	vst v63  }
.LBB2_8:
0x11f: {  	s6 =	sshll.u32 s5, $0x8;
	v2 =	vmov s3  }
0x120: {  	v1 =	vmov s6;
	v2 =	vand.u32 $0x7F, v2  }
0x121: {  	v2 =	vadd.s32 v1, v2  }
0x122: {  	v2 =	vbroadcast v2, $0x0  }
0x123: {  	_ =	swait.ge [sflag:s25], $0x4000;
	s10 =	sshll.u32 s5, $0xA  }
0x124: {  	[sflag:s25] =	ssyncset.done $0x0;
	s6 =	sshrl.u32 s10, $0x2  }
0x125: {  	s13 =	simm.s32 $0x66C0;
	[sflag:s25] =	ssyncadd.s32 $0xFFFFC000;
	s11 =	sadd.s32 $0x1400, s6  }
0x126: {  	[spmem:s2] =	stream.indirect.scatter.add.f32 [tilespmem:s17], [sflag:$0x5], $0x80, s11, s23, $0xb8;
	[tilespmem:$0x18E80] =	vst v63  }
0x127: {  	v3 =	vld [tilespmem:s13+$0xFFFFFFC0]  }
0x128: {  	v2 =	vld.idx.msk [tilespmem:v2+s20+$0x0], $0xffff;
	_ =	sdelay $0x4  }
0x129: {  	v3 =	vmul.f32 v3, v2  }
0x12a: {  	s14 =	simm.s32 $0xE6C0  }
0x12b: {  	[tilespmem:s14+$0xFFFFFFC0] =	vst v3  }
0x12c: {  	v3 =	vld [tilespmem:s13+$0xFFFFFFD0];
	_ =	sdelay $0x4  }
0x12d: {  	v3 =	vmul.f32 v3, v2;
	_ =	sdelay $0x1  }
0x12e: {  	[tilespmem:s14+$0xFFFFFFD0] =	vst v3  }
0x12f: {  	v3 =	vld [tilespmem:s13+$0xFFFFFFE0];
	_ =	sdelay $0x4  }
0x130: {  	v3 =	vmul.f32 v3, v2;
	_ =	sdelay $0x1  }
0x131: {  	[tilespmem:s14+$0xFFFFFFE0] =	vst v3  }
0x132: {  	v3 =	vld [tilespmem:s13+$0xFFFFFFF0];
	_ =	sdelay $0x4  }
0x133: {  	v3 =	vmul.f32 v3, v2;
	_ =	sdelay $0x1  }
0x134: {  	[tilespmem:s14+$0xFFFFFFF0] =	vst v3  }
0x135: {  	v3 =	vld [tilespmem:s13+$0x0];
	_ =	sdelay $0x4  }
0x136: {  	v3 =	vmul.f32 v3, v2;
	_ =	sdelay $0x1  }
0x137: {  	[tilespmem:s14+$0x0] =	vst v3  }
0x138: {  	v3 =	vld [tilespmem:s13+$0x10];
	_ =	sdelay $0x4  }
0x139: {  	v3 =	vmul.f32 v3, v2;
	_ =	sdelay $0x1  }
0x13a: {  	[tilespmem:s14+$0x10] =	vst v3  }
0x13b: {  	v3 =	vld [tilespmem:s13+$0x20];
	_ =	sdelay $0x4  }
0x13c: {  	v4 =	vmul.f32 v3, v2  }
0x13d: {  	s15 =	simm.s32 $0x1  }
0x13e: {  	s12 =	sshll.u32 s5, $0x1;
	v3 =	vmov s15;
	s15 =	simm.s32 $0x2;
	[tilespmem:s14+$0x20] =	vst v4  }
.LBB2_9:
0x13f: {  	p0 =	sne.s32 s15, $0x7F;
	v3 =	vand.u32 $0x7F, v3;
	v4 =	vld [tilespmem:s13+$0x30]  }
0x140: {  	v3 =	vadd.s32 v1, v3  }
0x141: {  	v3 =	vbroadcast v3, $0x0;
	_ =	sdelay $0x2  }
0x142: {  	v2 =	vmul.f32 v4, v2;
	_ =	sdelay $0x1  }
0x143: {  	[tilespmem:s14+$0x30] =	vst v2  }
0x144: {  	s13 =	sadd.s32 $0x80, s13;
	v2 =	vld.idx.msk [tilespmem:v3+s20+$0x0], $0xffff  }
0x145: {  	v3 =	vld [tilespmem:s13+$0xFFFFFFC0];
	_ =	sdelay $0x4  }
0x146: {  	v3 =	vmul.f32 v3, v2  }
0x147: {  	s14 =	sadd.s32 $0x80, s14  }
0x148: {  	[tilespmem:s14+$0xFFFFFFC0] =	vst v3  }
0x149: {  	v3 =	vld [tilespmem:s13+$0xFFFFFFD0];
	_ =	sdelay $0x4  }
0x14a: {  	v3 =	vmul.f32 v3, v2;
	_ =	sdelay $0x1  }
0x14b: {  	[tilespmem:s14+$0xFFFFFFD0] =	vst v3  }
0x14c: {  	v3 =	vld [tilespmem:s13+$0xFFFFFFE0];
	_ =	sdelay $0x4  }
0x14d: {  	v3 =	vmul.f32 v3, v2;
	_ =	sdelay $0x1  }
0x14e: {  	[tilespmem:s14+$0xFFFFFFE0] =	vst v3  }
0x14f: {  	v3 =	vld [tilespmem:s13+$0xFFFFFFF0];
	_ =	sdelay $0x4  }
0x150: {  	v3 =	vmul.f32 v3, v2;
	_ =	sdelay $0x1  }
0x151: {  	[tilespmem:s14+$0xFFFFFFF0] =	vst v3  }
0x152: {  	v3 =	vld [tilespmem:s13+$0x0];
	_ =	sdelay $0x4  }
0x153: {  	v3 =	vmul.f32 v3, v2;
	_ =	sdelay $0x1  }
0x154: {  	[tilespmem:s14+$0x0] =	vst v3  }
0x155: {  	v3 =	vld [tilespmem:s13+$0x10];
	_ =	sdelay $0x4  }
0x156: {  	v3 =	vmul.f32 v3, v2;
	_ =	sdelay $0x1  }
0x157: {  	[tilespmem:s14+$0x10] =	vst v3  }
0x158: {  	v3 =	vld [tilespmem:s13+$0x20];
	_ =	sdelay $0x2  }
.Ltmp5:
0x159: {  	(pc) =	sbr.rel @p0 .LBB2_9-.Ltmp5, $3  }
0x15a: {  	_ = 	snop  }
0x15b: {  	v4 =	vmul.f32 v3, v2;
	_ =	sdelay $0x1  }
0x15c: {  	v3 =	vmov s15;
	s15 =	sadd.s32 $0x1, s15;
	[tilespmem:s14+$0x20] =	vst v4  }
0x15d: {  	v3 =	vand.u32 $0x7F, v3;
	v4 =	vld [tilespmem:s13+$0x30]  }
0x15e: {  	v1 =	vadd.s32 v1, v3  }
0x15f: {  	v1 =	vbroadcast v1, $0x0;
	_ =	sdelay $0x2  }
0x160: {  	v2 =	vmul.f32 v4, v2;
	_ =	sdelay $0x1  }
0x161: {  	[tilespmem:s14+$0x30] =	vst v2  }
0x162: {  	s13 =	sadd.s32 $0x80, s13;
	v1 =	vld.idx.msk [tilespmem:v1+s20+$0x0], $0xffff  }
0x163: {  	v2 =	vld [tilespmem:s13+$0xFFFFFFC0];
	_ =	sdelay $0x4  }
0x164: {  	v2 =	vmul.f32 v2, v1  }
0x165: {  	s15 =	sadd.s32 $0x80, s14  }
0x166: {  	[tilespmem:s15+$0xFFFFFFC0] =	vst v2  }
0x167: {  	v2 =	vld [tilespmem:s13+$0xFFFFFFD0];
	_ =	sdelay $0x4  }
0x168: {  	v2 =	vmul.f32 v2, v1;
	_ =	sdelay $0x1  }
0x169: {  	[tilespmem:s15+$0xFFFFFFD0] =	vst v2  }
0x16a: {  	v2 =	vld [tilespmem:s13+$0xFFFFFFE0];
	_ =	sdelay $0x4  }
0x16b: {  	v2 =	vmul.f32 v2, v1;
	_ =	sdelay $0x1  }
0x16c: {  	[tilespmem:s15+$0xFFFFFFE0] =	vst v2  }
0x16d: {  	v2 =	vld [tilespmem:s13+$0xFFFFFFF0];
	_ =	sdelay $0x4  }
0x16e: {  	v2 =	vmul.f32 v2, v1;
	_ =	sdelay $0x1  }
0x16f: {  	[tilespmem:s15+$0xFFFFFFF0] =	vst v2  }
0x170: {  	v2 =	vld [tilespmem:s13+$0x0];
	_ =	sdelay $0x4  }
0x171: {  	v2 =	vmul.f32 v2, v1;
	_ =	sdelay $0x1  }
0x172: {  	[tilespmem:s15+$0x0] =	vst v2  }
0x173: {  	v2 =	vld [tilespmem:s13+$0x10];
	_ =	sdelay $0x4  }
0x174: {  	v2 =	vmul.f32 v2, v1;
	_ =	sdelay $0x1  }
0x175: {  	[tilespmem:s15+$0x10] =	vst v2  }
0x176: {  	v2 =	vld [tilespmem:s13+$0x20];
	_ =	sdelay $0x4  }
0x177: {  	v2 =	vmul.f32 v2, v1;
	_ =	sdelay $0x1  }
0x178: {  	[tilespmem:s15+$0x20] =	vst v2  }
0x179: {  	v2 =	vld [tilespmem:s13+$0x30];
	_ =	sdelay $0x4  }
0x17a: {  	v1 =	vmul.f32 v2, v1;
	_ =	sdelay $0x1  }
0x17b: {  	[tilespmem:s15+$0x30] =	vst v1  }
0x17c: {  	[spmem:s1] =	stream.indirect.scatter.add.f32 [tilespmem:s26], [sflag:$0x3], $0x80, s11, s23, $0xb8;
	[tilespmem:$0x18E80] =	vst v63  }
0x17d: {  	_ =	swait.ge [sflag:s28], $0x4000  }
0x17e: {  	s12 =	sshll.u32 s12, $0x7;
	s13 =	simm.s32 $0x0;
	[sflag:s28] =	ssyncset.done $0x0  }
0x17f: {  	p0 =	seq.s32 s5, $0x13;
	v2 =	vmov s13;
	s11 =	sor.u32 $0x80, s12;
	[sflag:s28] =	ssyncadd.s32 $0xFFFFC000  }
0x180: {  	s10 =	sshrl.u32 @!p0 s10, $0x2;
	v2 =	vand.u32 $0x7F, v2;
	v1 =	vmov s11;
	_ =	swait.ge [sflag:s29], $0x4000  }
0x181: {  	s10 =	sadd.s32 @!p0 $0x100, s10;
	v2 =	vadd.s32 v1, v2;
	[sflag:s29] =	ssyncset.done $0x0  }
0x182: {  	s13 =	simm.s32 @!p0 $0x6680;
	s12 =	simm.s32 @!p0 $0x80;
	v2 =	vbroadcast v2, $0x0;
	[sflag:s29] =	ssyncadd.s32 $0xFFFFC000  }
0x183: {  	[tilespmem:s13], [sflag:$0x1] =	stream.indirect.gather @!p0 [hbm4b:s7+s12], $0x80, s10, s12, $0xb8;
	[tilespmem:$0x18E80] =	vst v63  }
0x184: {  	_ =	swait.ge [sflag:s30], $0x4000  }
0x185: {  	s14 =	sand.u32 $0x3FFFFF80, s11;
	[sflag:s30] =	ssyncset.done $0x0  }
0x186: {  	s10 =	sadd.s32 $0x1400, s14;
	[sflag:s30] =	ssyncadd.s32 $0xFFFFC000  }
0x187: {  	[spmem:s2] =	stream.indirect.scatter.add.f32 [tilespmem:s24], [sflag:$0x6], $0x80, s10, s23, $0xb8;
	[tilespmem:$0x18E80] =	vst v63  }
0x188: {  	s11 =	simm.s32 $0xA6C0;
	v2 =	vld.idx.msk [tilespmem:v2+s20+$0x0], $0xffff  }
0x189: {  	v3 =	vld [tilespmem:s11+$0xFFFFFFC0];
	_ =	sdelay $0x4  }
0x18a: {  	v3 =	vmul.f32 v3, v2  }
0x18b: {  	s12 =	simm.s32 $0x126C0  }
0x18c: {  	[tilespmem:s12+$0xFFFFFFC0] =	vst v3  }
0x18d: {  	v3 =	vld [tilespmem:s11+$0xFFFFFFD0];
	_ =	sdelay $0x4  }
0x18e: {  	v3 =	vmul.f32 v3, v2;
	_ =	sdelay $0x1  }
0x18f: {  	[tilespmem:s12+$0xFFFFFFD0] =	vst v3  }
0x190: {  	v3 =	vld [tilespmem:s11+$0xFFFFFFE0];
	_ =	sdelay $0x4  }
0x191: {  	v3 =	vmul.f32 v3, v2;
	_ =	sdelay $0x1  }
0x192: {  	[tilespmem:s12+$0xFFFFFFE0] =	vst v3  }
0x193: {  	v3 =	vld [tilespmem:s11+$0xFFFFFFF0];
	_ =	sdelay $0x4  }
0x194: {  	v3 =	vmul.f32 v3, v2;
	_ =	sdelay $0x1  }
0x195: {  	[tilespmem:s12+$0xFFFFFFF0] =	vst v3  }
0x196: {  	v3 =	vld [tilespmem:s11+$0x0];
	_ =	sdelay $0x4  }
0x197: {  	v3 =	vmul.f32 v3, v2;
	_ =	sdelay $0x1  }
0x198: {  	[tilespmem:s12+$0x0] =	vst v3  }
0x199: {  	v3 =	vld [tilespmem:s11+$0x10];
	_ =	sdelay $0x4  }
0x19a: {  	v3 =	vmul.f32 v3, v2;
	_ =	sdelay $0x1  }
0x19b: {  	[tilespmem:s12+$0x10] =	vst v3  }
0x19c: {  	v3 =	vld [tilespmem:s11+$0x20];
	_ =	sdelay $0x4  }
0x19d: {  	v4 =	vmul.f32 v3, v2  }
0x19e: {  	s15 =	simm.s32 $0x1  }
0x19f: {  	s13 =	simm.s32 $0x2;
	v3 =	vmov s15;
	[tilespmem:s12+$0x20] =	vst v4  }
.LBB2_11:
0x1a0: {  	p1 =	sne.s32 s13, $0x7F;
	v3 =	vand.u32 $0x7F, v3;
	v4 =	vld [tilespmem:s11+$0x30]  }
0x1a1: {  	v3 =	vadd.s32 v1, v3  }
0x1a2: {  	v3 =	vbroadcast v3, $0x0;
	_ =	sdelay $0x2  }
0x1a3: {  	v2 =	vmul.f32 v4, v2;
	_ =	sdelay $0x1  }
0x1a4: {  	[tilespmem:s12+$0x30] =	vst v2  }
0x1a5: {  	s11 =	sadd.s32 $0x80, s11;
	v2 =	vld.idx.msk [tilespmem:v3+s20+$0x0], $0xffff  }
0x1a6: {  	v3 =	vld [tilespmem:s11+$0xFFFFFFC0];
	_ =	sdelay $0x4  }
0x1a7: {  	v3 =	vmul.f32 v3, v2  }
0x1a8: {  	s12 =	sadd.s32 $0x80, s12  }
0x1a9: {  	[tilespmem:s12+$0xFFFFFFC0] =	vst v3  }
0x1aa: {  	v3 =	vld [tilespmem:s11+$0xFFFFFFD0];
	_ =	sdelay $0x4  }
0x1ab: {  	v3 =	vmul.f32 v3, v2;
	_ =	sdelay $0x1  }
0x1ac: {  	[tilespmem:s12+$0xFFFFFFD0] =	vst v3  }
0x1ad: {  	v3 =	vld [tilespmem:s11+$0xFFFFFFE0];
	_ =	sdelay $0x4  }
0x1ae: {  	v3 =	vmul.f32 v3, v2;
	_ =	sdelay $0x1  }
0x1af: {  	[tilespmem:s12+$0xFFFFFFE0] =	vst v3  }
0x1b0: {  	v3 =	vld [tilespmem:s11+$0xFFFFFFF0];
	_ =	sdelay $0x4  }
0x1b1: {  	v3 =	vmul.f32 v3, v2;
	_ =	sdelay $0x1  }
0x1b2: {  	[tilespmem:s12+$0xFFFFFFF0] =	vst v3  }
0x1b3: {  	v3 =	vld [tilespmem:s11+$0x0];
	_ =	sdelay $0x4  }
0x1b4: {  	v3 =	vmul.f32 v3, v2;
	_ =	sdelay $0x1  }
0x1b5: {  	[tilespmem:s12+$0x0] =	vst v3  }
0x1b6: {  	v3 =	vld [tilespmem:s11+$0x10];
	_ =	sdelay $0x4  }
0x1b7: {  	v3 =	vmul.f32 v3, v2;
	_ =	sdelay $0x1  }
0x1b8: {  	[tilespmem:s12+$0x10] =	vst v3  }
0x1b9: {  	v3 =	vld [tilespmem:s11+$0x20];
	_ =	sdelay $0x2  }
.Ltmp6:
0x1ba: {  	(pc) =	sbr.rel @p1 .LBB2_11-.Ltmp6, $3  }
0x1bb: {  	_ = 	snop  }
0x1bc: {  	v4 =	vmul.f32 v3, v2;
	_ =	sdelay $0x1  }
0x1bd: {  	v3 =	vmov s13;
	s13 =	sadd.s32 $0x1, s13;
	[tilespmem:s12+$0x20] =	vst v4  }
0x1be: {  	v3 =	vand.u32 $0x7F, v3;
	v4 =	vld [tilespmem:s11+$0x30]  }
0x1bf: {  	v1 =	vadd.s32 v1, v3  }
0x1c0: {  	v1 =	vbroadcast v1, $0x0;
	_ =	sdelay $0x2  }
0x1c1: {  	v2 =	vmul.f32 v4, v2;
	_ =	sdelay $0x1  }
0x1c2: {  	[tilespmem:s12+$0x30] =	vst v2  }
0x1c3: {  	s14 =	sadd.s32 $0x80, s11;
	v1 =	vld.idx.msk [tilespmem:v1+s20+$0x0], $0xffff  }
0x1c4: {  	v2 =	vld [tilespmem:s14+$0xFFFFFFC0];
	_ =	sdelay $0x4  }
0x1c5: {  	v2 =	vmul.f32 v2, v1  }
0x1c6: {  	s15 =	sadd.s32 $0x80, s12  }
0x1c7: {  	[tilespmem:s15+$0xFFFFFFC0] =	vst v2  }
0x1c8: {  	v2 =	vld [tilespmem:s14+$0xFFFFFFD0];
	_ =	sdelay $0x4  }
0x1c9: {  	v2 =	vmul.f32 v2, v1;
	_ =	sdelay $0x1  }
0x1ca: {  	[tilespmem:s15+$0xFFFFFFD0] =	vst v2  }
0x1cb: {  	v2 =	vld [tilespmem:s14+$0xFFFFFFE0];
	_ =	sdelay $0x4  }
0x1cc: {  	v2 =	vmul.f32 v2, v1;
	_ =	sdelay $0x1  }
0x1cd: {  	[tilespmem:s15+$0xFFFFFFE0] =	vst v2  }
0x1ce: {  	v2 =	vld [tilespmem:s14+$0xFFFFFFF0];
	_ =	sdelay $0x4  }
0x1cf: {  	v2 =	vmul.f32 v2, v1;
	_ =	sdelay $0x1  }
0x1d0: {  	[tilespmem:s15+$0xFFFFFFF0] =	vst v2  }
0x1d1: {  	v2 =	vld [tilespmem:s14+$0x0];
	_ =	sdelay $0x4  }
0x1d2: {  	v2 =	vmul.f32 v2, v1;
	_ =	sdelay $0x1  }
0x1d3: {  	[tilespmem:s15+$0x0] =	vst v2  }
0x1d4: {  	v2 =	vld [tilespmem:s14+$0x10];
	_ =	sdelay $0x4  }
0x1d5: {  	v2 =	vmul.f32 v2, v1;
	_ =	sdelay $0x1  }
0x1d6: {  	[tilespmem:s15+$0x10] =	vst v2  }
0x1d7: {  	v2 =	vld [tilespmem:s14+$0x20];
	_ =	sdelay $0x4  }
0x1d8: {  	v2 =	vmul.f32 v2, v1;
	_ =	sdelay $0x1  }
0x1d9: {  	[tilespmem:s15+$0x20] =	vst v2  }
0x1da: {  	v2 =	vld [tilespmem:s14+$0x30];
	_ =	sdelay $0x4  }
0x1db: {  	v1 =	vmul.f32 v2, v1;
	_ =	sdelay $0x1  }
0x1dc: {  	[tilespmem:s15+$0x30] =	vst v1  }
0x1dd: {  	[spmem:s1] =	stream.indirect.scatter.add.f32 [tilespmem:s31], [sflag:$0x4], $0x80, s10, s23, $0xb8;
	[tilespmem:$0x18E80] =	vst v63  }
0x1de: {  	_ =	swait.ge [sflag:s0], $0x4000  }
.Ltmp7:
0x1df: {  	[sflag:s0] =	ssyncset.done $0x0;
	(pc) =	sbr.rel @p0 .LBB2_14-.Ltmp7, $4  }
0x1e0: {  	[sflag:s0] =	ssyncadd.s32 $0xFFFFC000  }
0x1e1: {  	_ =	swait.ge [sflag:s19], $0x4000  }
0x1e2: {  	[sflag:s19] =	ssyncset.done $0x0  }
0x1e3: {  	[sflag:s19] =	ssyncadd.s32 $0xFFFFC000  }
.Ltmp8:
0x1e4: {  	(pc) =	sbr.rel .LBB2_8-.Ltmp8, $3  }
0x1e5: {  	_ =	sdelay $0x1  }
0x1e6: {  	s6 =	sadd.s32 $0x180, s6;
	s5 =	sadd.s32 $0x1, s5  }
0x1e7: {  	[tilespmem:s24], [sflag:$0x2] =	stream.indirect.gather [hbm4b:s7+s23], $0x80, s6, s23, $0xb8;
	[tilespmem:$0x18E80] =	vst v63  }
.LBB2_15:
0x1e8: {  	_ =	sfence.sel $0x180000  }
0x1e9: {  	[bflag:$0x0] =	sbarrier.arrive $0xFFFF  }
0x1ea: {  	_ =	strace $0x90000050  }
0x1eb: {  	s0 =	stileid.u32;
	[bflag:$0x2] =	sbarrier.arrive $0xFFFF  }
0x1ec: {  	p0 =	sne.s32 s0, $0x0;
	s0 =	rddreg [dreg:$0x4]  }
0x1ed: {  	s0 =	sadd.s32 @!p0 $0x100000, s0  }
0x1ee: {  	[sflag:s0] =	ssyncadd.tile.s32 @!p0 $0x1;
	_ =	shalt  }
.Lfunc_end2:
_tile_overlayer_lowered:
.L_overlay_start_2:
0x1ef: {  	(tag) =	ssettag $0x2  }
0x1f0: {  	s0 =	rddreg [dreg:$0x0];
	s2 =	stileid.u32  }
0x1f1: {  	s1 =	rddreg [dreg:$0x1];
	p0 =	sne.s32 s2, $0x0  }
0x1f2: {  	s3 =	rddreg [dreg:$0x2];
	[bflag:$0x3] =	sbarrier.arrive $0xFFFF;
	s2 =	simm.s32 @!p0 $0x1C07  }
0x1f3: {  	[timem:s3], [sflag:s2] =	dma.local @!p0 [hbm:s0], s1  }
0x1f4: {  	s0 =	simm.s32 @!p0 $0x7  }
0x1f5: {  	_ =	swait.ge @!p0 [sflag:s0], s1  }
0x1f6: {  	s1 =	ssub.s32 @!p0 $0x0, s1;
	[sflag:s0] =	ssyncset.done @!p0 $0x0  }
0x1f7: {  	[sflag:s0] =	ssyncadd.s32 @!p0 s1  }
0x1f8: {  	[bflag:$0x3] =	sbarrier.arrive $0xFFFF  }
0x1f9: {  	_ =	shalt  }

// kernel: kernel.25.cloned.1.call-start
scs
__scs_entry_jumppad:
0x0: {  	(pc) =	sbr.rel $0x88, $3  }
0x1: {  	(tag) =	ssettag $0x0;
	lr =	simm.s32 $0x1  }
0x2: {  	[smem:$0x3F9D] =	sst lr;
	_ =	strace $0xD0000000  }
0x3: {  	_ = 	snop  }
0x4: {  	_ = 	snop  }
0x5: {  	_ = 	snop  }
0x6: {  	_ = 	snop  }
0x7: {  	_ = 	snop  }
__scs_overlays_trampoline_lowered:
0x8: {  	[smem:$0x3FAC] =	sst s0  }
0x9: {  	[smem:$0x3FAD] =	sst s1  }
0xa: {  	[smem:$0x3FAE] =	sst s2  }
0xb: {  	[smem:$0x3FAF] =	sst s3  }
0xc: {  	[smem:$0x3FB0] =	sst s4  }
0xd: {  	[smem:$0x3FB1] =	sst s5  }
0xe: {  	[smem:$0x3FB2] =	sst s6  }
0xf: {  	[smem:$0x3FB3] =	sst s7  }
0x10: {  	[smem:$0x3FB4] =	sst s8  }
0x11: {  	[smem:$0x3FB5] =	sst s9;
	s0 =	simm.s32 @!p0 $0x0  }
0x12: {  	s1 =	sld [smem:$0x3F9B];
	s0 =	simm.s32 @p0 $0x1  }
0x13: {  	[smem:$0x3FB6] =	sst s0;
	s0 =	simm.s32 @!p1 $0x0  }
0x14: {  	s2 =	sld [smem:$0x3F9A];
	s0 =	simm.s32 @p1 $0x1  }
0x15: {  	[smem:$0x3FB7] =	sst s0;
	s0 =	simm.s32 @!p2 $0x0  }
0x16: {  	s3 =	sld [smem:$0x3FDB];
	s0 =	simm.s32 @p2 $0x1  }
0x17: {  	s4 =	simm.s32 $0x1BF5;
	[smem:$0x3FB9] =	sst s0  }
0x18: {  	s0 =	sld [smem:$0x3F9C];
	_ =	swait.ge [sflag:s4], $0x0  }
0x19: {  	s7 =	sld [smem:$0x3F9D]  }
0x1a: {  	s8 =	sadd.s32 $0xFFFFE003, lr  }
0x1b: {  	s9 =	sadd.s32 $0xFFFFFEF7, lr;
	s5 =	simm.s32 $0xFFFFFFFF;
	p2 =	slt.u32 s8, $0xFFFFF086  }
0x1c: {  	p1 =	slt.u32 s9, $0xF7A;
	s5 =	simm.s32 @!p2 $0x0  }
0x1d: {  	s5 =	simm.s32 @p1 $0x1;
	p0 =	seq.s32 s7, s2  }
0x1e: {  	s7 =	smul.u32 @!p0 $0xF7A, s2;
	p2 =	seq.s32 @!p0 s5, $0x0  }
0x1f: {  	s9 =	smul.u32 $0xF7A, s1;
	s8 =	simm.s32 @!p0 $0x1BF5;
	p2 =	por !p2, p0  }
0x20: {  	[sflag:s8] =	ssyncset.s32 @!p0 $0xFFFFF086;
	s6 =	sadd.s32 @!p0 s3, s7;
	s7 =	simm.s32 @!p0 $0x108  }
0x21: {  	s3 =	sadd.s32 s3, s9;
	s6 =	sadd.s32 @!p0 $0x88, s6;
	s7 =	simm.s32 @p2 $0x1082  }
0x22: {  	[simem:s7], [sflag:s8] =	dma.local @!p0 [hbm:s6], $0xF7A  }
0x23: {  	s9 =	sor.u32 $0xD0000000, s2;
	s6 =	simm.s32 $0x108;
	_ =	swait.ge @!p0 [sflag:s8], $0x0  }
0x24: {  	s3 =	sadd.s32 $0x88, s3;
	s6 =	simm.s32 @!p1 $0x1082;
	[sflag:s4] =	ssyncset.s32 $0xFFFFF086  }
0x25: {  	[simem:s6], [sflag:s4] =	dma.local [hbm:s3], $0xF7A  }
0x26: {  	[smem:$0x3F9D] =	sst s1;
	(tag) =	ssettag s2;
	_ =	strace s9  }
0x27: {  	s1 =	sld [smem:$0x3FAD]  }
0x28: {  	s2 =	sld [smem:$0x3FAE]  }
0x29: {  	s4 =	sld [smem:$0x3FB0]  }
0x2a: {  	p0 =	seq.s32 s5, $0x0;
	s5 =	sld [smem:$0x3FB1]  }
0x2b: {  	s6 =	sld [smem:$0x3FB2]  }
0x2c: {  	s7 =	sld [smem:$0x3FB3]  }
0x2d: {  	s3 =	simm.s32 $0x108;
	s8 =	sld [smem:$0x3FB4]  }
0x2e: {  	s3 =	simm.s32 @!p0 $0x1082;
	s9 =	sld [smem:$0x3FB5]  }
0x2f: {  	lr =	sadd.s32 s0, s3;
	s0 =	sld [smem:$0x3FAC]  }
0x30: {  	s3 =	sld [smem:$0x3FAF]  }
0x31: {  	[smem:$0x3FB8] =	sst s10  }
0x32: {  	s10 =	sld [smem:$0x3FB6];
	_ =	sdelay $0x3  }
0x33: {  	p0 =	seq.s32 s10, $0x1;
	s10 =	sld [smem:$0x3FB8];
	_ =	sdelay $0x3  }
0x34: {  	[smem:$0x3FB8] =	sst s10  }
0x35: {  	s10 =	sld [smem:$0x3FB7];
	_ =	sdelay $0x3  }
0x36: {  	p1 =	seq.s32 s10, $0x1;
	s10 =	sld [smem:$0x3FB8];
	_ =	sdelay $0x3  }
0x37: {  	[smem:$0x3FB8] =	sst s10  }
0x38: {  	s10 =	sld [smem:$0x3FB9]  }
0x39: {  	_ = 	snop;
	(pc) =	sbr.ind lr, $3  }
0x3a: {  	_ = 	snop  }
0x3b: {  	_ = 	snop  }
0x3c: {  	p2 =	seq.s32 s10, $0x1;
	s10 =	sld [smem:$0x3FB8]  }
0x3d: {  	_ =	shalt  }
0x3e: {  	_ =	shalt  }
0x3f: {  	_ =	shalt  }
0x40: {  	_ =	shalt  }
0x41: {  	_ =	shalt  }
0x42: {  	_ =	shalt  }
0x43: {  	_ =	shalt  }
0x44: {  	_ =	shalt  }
0x45: {  	_ =	shalt  }
0x46: {  	_ =	shalt  }
0x47: {  	_ =	shalt  }
0x48: {  	_ =	shalt  }
0x49: {  	_ =	shalt  }
0x4a: {  	_ =	shalt  }
0x4b: {  	_ =	shalt  }
0x4c: {  	_ =	shalt  }
0x4d: {  	_ =	shalt  }
0x4e: {  	_ =	shalt  }
0x4f: {  	_ =	shalt  }
0x50: {  	_ =	shalt  }
0x51: {  	_ =	shalt  }
0x52: {  	_ =	shalt  }
0x53: {  	_ =	shalt  }
0x54: {  	_ =	shalt  }
0x55: {  	_ =	shalt  }
0x56: {  	_ =	shalt  }
0x57: {  	_ =	shalt  }
0x58: {  	_ =	shalt  }
0x59: {  	_ =	shalt  }
0x5a: {  	_ =	shalt  }
0x5b: {  	_ =	shalt  }
0x5c: {  	_ =	shalt  }
0x5d: {  	_ =	shalt  }
0x5e: {  	_ =	shalt  }
0x5f: {  	_ =	shalt  }
0x60: {  	_ =	shalt  }
0x61: {  	_ =	shalt  }
0x62: {  	_ =	shalt  }
0x63: {  	_ =	shalt  }
0x64: {  	_ =	shalt  }
0x65: {  	_ =	shalt  }
0x66: {  	_ =	shalt  }
0x67: {  	_ =	shalt  }
0x68: {  	_ =	shalt  }
0x69: {  	_ =	shalt  }
0x6a: {  	_ =	shalt  }
0x6b: {  	_ =	shalt  }
0x6c: {  	_ =	shalt  }
0x6d: {  	_ =	shalt  }
0x6e: {  	_ =	shalt  }
0x6f: {  	_ =	shalt  }
0x70: {  	_ =	shalt  }
0x71: {  	_ =	shalt  }
0x72: {  	_ =	shalt  }
0x73: {  	_ =	shalt  }
0x74: {  	_ =	shalt  }
0x75: {  	_ =	shalt  }
0x76: {  	_ =	shalt  }
0x77: {  	_ =	shalt  }
0x78: {  	_ =	shalt  }
0x79: {  	_ =	shalt  }
0x7a: {  	_ =	shalt  }
0x7b: {  	_ =	shalt  }
0x7c: {  	_ =	shalt  }
0x7d: {  	_ =	shalt  }
0x7e: {  	_ =	shalt  }
0x7f: {  	_ =	shalt  }
0x80: {  	_ =	shalt  }
0x81: {  	_ =	shalt  }
0x82: {  	_ =	shalt  }
0x83: {  	_ =	shalt  }
0x84: {  	_ =	shalt  }
0x85: {  	_ =	shalt  }
0x86: {  	_ =	shalt  }
0x87: {  	_ =	shalt  }
.Lfunc_end0:
.L_simem_size_0:
called_computation.4_lowered:
.L_overlay_start_0:
0x88: {  	s2 =	sld [smem:$0x3FD9]  }
0x89: {  	s3 =	sld [smem:$0x3FFE];
	_ =	sdelay $0x1  }
0x8a: {  	s1 =	srdreg.scid  }
0x8b: {  	s0 =	sand.u32 $0x1, s1  }
0x8c: {  	s14 =	sshll.u32 s0, $0xA;
	s2 =	sadd.s32 s3, s2  }
0x8d: {  	s2 =	sadd.s32 s2, s14  }
0x8e: {  	[smem:$0x3FC4] =	sst s2  }
0x8f: {  	_ = 	snop  }
0x90: {  	s2 =	sld [smem:$0x3FD0];
	_ =	sdelay $0x2  }
0x91: {  	s15 =	simm.s32 $0xA;
	s4 =	simm.s32 $0x10  }
0x92: {  	[smem:s4], [sflag:s15] =	dma.local [hbm:s2], $0x1  }
0x93: {  	_ =	swait.eq [sflag:s15], $0x1  }
0x94: {  	[sflag:s15] =	ssyncset.done $0x0  }
0x95: {  	[sflag:s15] =	ssyncadd.s32 $0xFFFFFFFF  }
0x96: {  	s16 =	sld [smem:$0x10];
	(tm) =	ssettm $0x1  }
0x97: {  	s17 =	sld [smem:$0x3FFB];
	_ =	sdelay $0x3  }
0x98: {  	_ =	strace s17  }
0x99: {  	s3 =	sld [smem:$0x3FFC];
	_ =	sdelay $0x3  }
0x9a: {  	_ =	strace s3  }
0x9b: {  	s3 =	sld [smem:$0x3FFD];
	_ =	sdelay $0x3  }
0x9c: {  	_ =	strace s3  }
0x9d: {  	_ =	strace $0x8FFFFFFF  }
0x9e: {  	s18 =	sld [smem:$0x3FDB];
	_ =	sdelay $0x1  }
0x9f: {  	s19 =	simm.s32 $_scs_section_size  }
0xa0: {  	s5 =	simm.s32 $_size__tile_overlayer_lowered;
	s6 =	simm.s32 $_tile_overlayer_lowered  }
0xa1: {  	s22 =	simm.s32 $0x1BFF;
	s21 =	sshll.u32 s6, $0x1;
	s3 =	sadd.s32 s19, s18  }
0xa2: {  	s7 =	simm.s32 $0x0;
	s20 =	sshll.u32 s5, $0x1;
	s5 =	sadd.s32 s21, s3  }
0xa3: {  	[timem:s7], [sflag:s22] =	dma.local [hbm:s5], s20  }
0xa4: {  	_ =	swait.ge [sflag:s22], s20  }
0xa5: {  	s4 =	ssub.s32 $0x0, s20;
	[sflag:s22] =	ssyncset.done $0x0  }
0xa6: {  	[sflag:s22] =	ssyncadd.s32 s4;
	_ =	sdelay $0x1  }
0xa7: {  	s23 =	simm.s32 $0x1B8B  }
0xa8: {  	_ =	swait.ge [sflag:s23], $0x1  }
0xa9: {  	[sflag:s23] =	ssyncset.done $0x0  }
0xaa: {  	s25 =	simm.s32 $0x1B8E;
	s24 =	sld [smem:$0x3FFE];
	[sflag:s23] =	ssyncadd.s32 $0xFFFFFFFF  }
0xab: {  	s26 =	simm.s32 $execute0_lowered;
	[smem:$0x3FD2] =	sst s25  }
0xac: {  	s5 =	sshll.u32 s26, $0x1;
	_ =	strace $0x80000052;
	[dreg:$0x1] =	wrdreg $0xFFFFFFFF  }
0xad: {  	s28 =	simm.s32 $_size_execute0_lowered;
	s3 =	sadd.s32 s3, s5;
	[dreg:$0x0] =	wrdreg $0x0  }
0xae: {  	s5 =	sshll.u32 s28, $0x1;
	[dreg:$0x2] =	wrdreg s3  }
0xaf: {  	[dreg:$0x3] =	wrdreg s5  }
0xb0: {  	[dreg:$0x4] =	wrdreg $0xC0  }
0xb1: {  	_ =	task [dreg:s7], $0x5FFFF  }
0xb2: {  	[dreg:$0x1] =	wrdreg $0xFFFFFFFF  }
0xb3: {  	[dreg:$0x0] =	wrdreg $0x60  }
0xb4: {  	[dreg:$0x2] =	wrdreg s16  }
0xb5: {  	[dreg:$0x3] =	wrdreg s24  }
0xb6: {  	[dreg:$0x4] =	wrdreg $0xBC000  }
0xb7: {  	[dreg:$0x5] =	wrdreg $0x9  }
0xb8: {  	_ =	task.clear_ibuf [dreg:s7], $0x6FFFF;
	_ =	strace $0x90000052  }
0xb9: {  	s29 =	simm.s32 $0x9;
	_ =	strace $0x80000054  }
0xba: {  	_ =	swait.ge [sflag:s29], $0x1  }
0xbb: {  	[sflag:s29] =	ssyncadd.s32 $0xFFFFFFFF  }
0xbc: {  	_ =	strace $0x90000054  }
0xbd: {  	_ =	sfence  }
0xbe: {  	s30 =	sld [smem:$0x0];
	_ =	sdelay $0x2  }
0xbf: {  	s31 =	sshll.u32 s1, $0xD;
	s1 =	sshrl.u32 s1, $0x2  }
0xc0: {  	s3 =	sand.u32 $0x4000, s31;
	s1 =	sadd.s32 s1, s30  }
0xc1: {  	s0 =	sor.u32 s3, s0;
	s1 =	sshll.u32 s1, $0x11  }
0xc2: {  	s0 =	sor.u32 s1, s0  }
0xc3: {  	s0 =	sadd.s32 $0x8F2B, s0  }
0xc4: {  	[sflag:s0] =	ssyncadd.remote.s32 $0x1  }
0xc5: {  	_ =	sfence.sel $0xFFFF  }
0xc6: {  	[dreg:$0x0] =	wrdreg $0xFFFFFFFF;
	(pc) =	sbr.abs _section_cstart, $3  }
0xc7: {  	[dreg:$0x1] =	wrdreg $0xFFFFFFFF  }
0xc8: {  	_ =	task.clear_ibuf [dreg:s7], $0x2FFFF;
	_ =	strace $0x9FFFFFFF  }
0xc9: {  	(tm) =	ssettm $0x7FFFFFFF  }
tec
execute0_lowered:
.L_overlay_start_1:
0x0: {  	(tag) =	ssettag $0x1  }
0x1: {  	s1 =	srdreg.scid;
	s10 =	rddreg [dreg:$0x0]  }
0x2: {  	s0 =	stileid.u32;
	s5 =	rddreg [dreg:$0x1]  }
0x3: {  	s15 =	simm.s32 $0x3C00;
	s16 =	simm.s32 $0x5;
	s17 =	simm.s32 $0x1400  }
0x4: {  	s18 =	simm.s32 $0x2800;
	s19 =	simm.s32 $0x80;
	s21 =	simm.s32 $0x7C00  }
0x5: {  	s22 =	simm.s32 $0x1;
	s23 =	simm.s32 $0x3;
	s24 =	simm.s32 $0x2  }
0x6: {  	s25 =	simm.s32 $0x4;
	s26 =	simm.s32 $0x0;
	s7 =	smul.u32 $0x14000, s0  }
0x7: {  	s1 =	sand.u32 $0x1, s1;
	s2 =	sshll.u32 s0, $0x1;
	s8 =	smul.u32 $0x50000, s0  }
0x8: {  	s4 =	sadd.s32 $0x33C00, s5;
	s3 =	sor.u32 s1, s2;
	s6 =	smul.u32 $0x140000, s1  }
0x9: {  	s2 =	rddreg [dreg:$0x2];
	s1 =	ssub.s32 $0x2, s1;
	s11 =	smul.u32 $0x280, s3  }
0xa: {  	s3 =	simm.s32 $0x0;
	s30 =	sshrl.u32 s8, $0x2;
	s31 =	sshrl.u32 s1, $0x1  }
0xb: {  	[smem:$0x7FF] =	sst s3;
	s6 =	sadd.s32 s7, s6;
	s1 =	ssub.s32 s1, s31  }
.Ltmp0:
0xc: {  	_ =	strace $0x80000053;
	s12 =	sadd.s32 s11, s5;
	(pc) =	sbr.rel .LBB2_1-.Ltmp0, $4  }
0xd: {  	s6 =	sshrl.u32 s6, $0x3;
	s10 =	sadd.s32 s10, s11;
	s14 =	smax.u32 s1, $0x1  }
0xe: {  	s13 =	sadd.s32 s6, s5;
	s5 =	sadd.s32 s30, s2;
	s11 =	sadd.s32 $0x2D800, s12  }
0xf: {  	s12 =	sadd.s32 $0x43800, s12;
	s6 =	sadd.s32 $0x4000, s5;
	s7 =	sadd.s32 $0x8000, s5  }
0x10: {  	v0 =	vimm.f32 $0.0e+00;
	s8 =	sadd.s32 $0xC000, s5;
	s9 =	sadd.s32 $0x10000, s5;
	s13 =	sadd.s32 $0x48800, s13  }
.LBB2_10:
0x11: {  	[bflag:$0x0] =	sbarrier.arrive $0xFFFF;
	s0 =	stileid.u32;
	s3 =	sadd.s32 $0x1, s3  }
0x12: {  	s1 =	sshrl.u32 s5, $0x3;
	s0 =	sshll.u32 s0, $0x6;
	p0 =	sne.s32 s3, s14  }
.Ltmp1:
0x13: {  	[bflag:$0x0] =	sbarrier.arrive $0xFFFF;
	s0 =	sor.u32 $0x1C05, s0;
	(pc) =	sbr.rel @!p0 .LBB2_11-.Ltmp1, $4  }
0x14: {  	[hbm:s13], [sflag:s0] =	dma.local [spmem:s1], $0x2800  }
0x15: {  	_ =	swait.ge [sflag:s16], $0x2800  }
0x16: {  	[sflag:s16] =	ssyncset.done $0x0  }
0x17: {  	[sflag:s16] =	ssyncadd.s32 $0xFFFFD800  }
.LBB2_1:
0x18: {  	s1 =	simm.s32 $0x0;
	s20 =	simm.s32 $0x200  }
.LBB2_2:
0x19: {  	p0 =	sne.s32 s20, $0xFE00;
	[tilespmem:s1+$0x3C70] =	vst v0  }
0x1a: {  	[tilespmem:s1+$0x3C00] =	vst v0  }
0x1b: {  	[tilespmem:s1+$0x3C10] =	vst v0  }
.Ltmp2:
0x1c: {  	[tilespmem:s1+$0x3C20] =	vst v0;
	(pc) =	sbr.rel @p0 .LBB2_2-.Ltmp2, $4  }
0x1d: {  	[tilespmem:s1+$0x3C30] =	vst v0  }
0x1e: {  	[tilespmem:s1+$0x3C40] =	vst v0  }
0x1f: {  	[tilespmem:s1+$0x3C50] =	vst v0  }
0x20: {  	[tilespmem:s1+$0x3C60] =	vst v0;
	s1 =	sshra.s32 s20, $0x2;
	s20 =	sadd.s32 $0x200, s20  }
0x21: {  	[tilespmem:s1+$0x3C70] =	vst v0  }
0x22: {  	[tilespmem:s1+$0x3C00] =	vst v0  }
0x23: {  	[tilespmem:s1+$0x3C10] =	vst v0  }
0x24: {  	[tilespmem:s1+$0x3C20] =	vst v0  }
0x25: {  	[tilespmem:s1+$0x3C30] =	vst v0  }
0x26: {  	[tilespmem:s1+$0x3C40] =	vst v0  }
0x27: {  	[tilespmem:s1+$0x3C50] =	vst v0  }
0x28: {  	[tilespmem:s1+$0x3C60] =	vst v0  }
0x29: {  	[spmem:s5] =	stream.linear.scatter [tilespmem:s15], [sflag:$0x5], $0x4000, $0x38;
	[tilespmem:$0x1FC00] =	vst v63  }
0x2a: {  	_ =	swait.ge [sflag:s16], $0x4000  }
0x2b: {  	[sflag:s16] =	ssyncset.done $0x0  }
0x2c: {  	[sflag:s16] =	ssyncadd.s32 $0xFFFFC000  }
0x2d: {  	[spmem:s6] =	stream.linear.scatter [tilespmem:s15], [sflag:$0x5], $0x4000, $0x38;
	[tilespmem:$0x1FC00] =	vst v63  }
0x2e: {  	_ =	swait.ge [sflag:s16], $0x4000  }
0x2f: {  	[sflag:s16] =	ssyncset.done $0x0  }
0x30: {  	[sflag:s16] =	ssyncadd.s32 $0xFFFFC000  }
0x31: {  	[spmem:s7] =	stream.linear.scatter [tilespmem:s15], [sflag:$0x5], $0x4000, $0x38;
	[tilespmem:$0x1FC00] =	vst v63  }
0x32: {  	_ =	swait.ge [sflag:s16], $0x4000  }
0x33: {  	[sflag:s16] =	ssyncset.done $0x0  }
0x34: {  	[sflag:s16] =	ssyncadd.s32 $0xFFFFC000  }
0x35: {  	[spmem:s8] =	stream.linear.scatter [tilespmem:s15], [sflag:$0x5], $0x4000, $0x38;
	[tilespmem:$0x1FC00] =	vst v63  }
0x36: {  	_ =	swait.ge [sflag:s16], $0x4000  }
0x37: {  	[sflag:s16] =	ssyncset.done $0x0  }
0x38: {  	[sflag:s16] =	ssyncadd.s32 $0xFFFFC000  }
0x39: {  	[spmem:s9] =	stream.linear.scatter [tilespmem:s15], [sflag:$0x5], $0x4000, $0x38;
	[tilespmem:$0x1FC00] =	vst v63  }
0x3a: {  	_ =	swait.ge [sflag:s16], $0x4000  }
0x3b: {  	[sflag:s16] =	ssyncset.done $0x0  }
0x3c: {  	[sflag:s16] =	ssyncadd.s32 $0xFFFFC000  }
0x3d: {  	[tilespmem:s26], [sflag:$0x5] =	stream.linear.gather [hbm4b:s10+s26], $0x1400, $0x38;
	[tilespmem:$0x1FC00] =	vst v63  }
0x3e: {  	_ =	swait.ge [sflag:s16], $0x1400  }
0x3f: {  	[sflag:s16] =	ssyncset.done $0x0  }
0x40: {  	[sflag:s16] =	ssyncadd.s32 $0xFFFFEC00  }
0x41: {  	[tilespmem:s17], [sflag:$0x5] =	stream.linear.gather [hbm4b:s11+s26], $0x1400, $0x38;
	[tilespmem:$0x1FC00] =	vst v63  }
0x42: {  	_ =	swait.ge [sflag:s16], $0x1400  }
0x43: {  	[sflag:s16] =	ssyncset.done $0x0  }
0x44: {  	[sflag:s16] =	ssyncadd.s32 $0xFFFFEC00  }
0x45: {  	[tilespmem:s18], [sflag:$0x5] =	stream.linear.gather [hbm4b:s12+s26], $0x1400, $0x38;
	[tilespmem:$0x1FC00] =	vst v63  }
0x46: {  	_ =	swait.ge [sflag:s16], $0x1400  }
0x47: {  	[sflag:s16] =	ssyncset.done $0x0  }
0x48: {  	[sflag:s16] =	ssyncadd.s32 $0xFFFFEC00  }
0x49: {  	[bflag:$0x0] =	sbarrier.arrive $0xFFFF  }
0x4a: {  	[tilespmem:s15], [sflag:$0x1] =	stream.indirect.gather [hbm4b:s4+s19], $0x80, s17, s19, $0xb8;
	[tilespmem:$0x1FC00] =	vst v63  }
0x4b: {  	s0 =	simm.s32 $0x1480;
	s28 =	simm.s32 $0x0  }
0x4c: {  	[tilespmem:s21], [sflag:$0x2] =	stream.indirect.gather [hbm4b:s4+s19], $0x80, s0, s19, $0xb8;
	[tilespmem:$0x1FC00] =	vst v63  }
.LBB2_4:
0x4d: {  	s1 =	sshll.u32 s28, $0x8;
	v2 =	vmov s26  }
0x4e: {  	v1 =	vmov s1;
	v2 =	vand.u32 $0x7F, v2  }
0x4f: {  	v2 =	vadd.s32 v1, v2  }
0x50: {  	_ =	swait.ge [sflag:s22], $0x4000;
	v2 =	vbroadcast v2, $0x0  }
0x51: {  	[sflag:s22] =	ssyncset.done $0x0  }
0x52: {  	s29 =	simm.s32 $0x3C40;
	[sflag:s22] =	ssyncadd.s32 $0xFFFFC000  }
0x53: {  	v6 =	vld [tilespmem:s29+$0x30]  }
0x54: {  	v9 =	vld [tilespmem:s29+$0x10]  }
0x55: {  	v7 =	vld [tilespmem:s29+$0xFFFFFFC0]  }
0x56: {  	v3 =	vld.idx.msk [tilespmem:v2+s18+$0x0], $0xffff  }
0x57: {  	v12 =	vld [tilespmem:s29+$0xFFFFFFE0]  }
0x58: {  	v4 =	vld [tilespmem:s29+$0x20]  }
0x59: {  	v5 =	vld [tilespmem:s29+$0xFFFFFFD0]  }
0x5a: {  	v2 =	vld [tilespmem:s29+$0xFFFFFFF0]  }
0x5b: {  	v10 =	vmul.f32 v6, v3;
	v6 =	vld [tilespmem:s29+$0x0]  }
0x5c: {  	s20 =	simm.s32 $0x1;
	v8 =	vmul.f32 v7, v3  }
0x5d: {  	s30 =	sshll.u32 s28, $0x1;
	s31 =	simm.s32 $0x3C40;
	s1 =	simm.s32 $0x2;
	v11 =	vmov s20;
	v7 =	vmul.f32 v12, v3;
	v9 =	vmul.f32 v9, v3  }
.LBB2_5:
0x5e: {  	p0 =	sne.s32 s1, $0x7F  }
0x5f: {  	v11 =	vand.u32 $0x7F, v11;
	v5 =	vmul.f32 v5, v3;
	v4 =	vmul.f32 v4, v3;
	[tilespmem:s29+$0x30] =	vst v10;
	s31 =	sadd.s32 $0x80, s31;
	s20 =	smov.u32 s1;
	s1 =	sadd.s32 $0x1, s1  }
0x60: {  	v10 =	vadd.s32 v1, v11;
	[tilespmem:s29+$0xFFFFFFC0] =	vst v8;
	v8 =	vmul.f32 v2, v3;
	v3 =	vmul.f32 v6, v3  }
0x61: {  	v6 =	vbroadcast v10, $0x0;
	[tilespmem:s29+$0x10] =	vst v9  }
0x62: {  	[tilespmem:s29+$0xFFFFFFE0] =	vst v7  }
0x63: {  	v2 =	vld [tilespmem:s31+$0xFFFFFFF0];
	[tilespmem:s29+$0xFFFFFFF0] =	vst v8  }
0x64: {  	v7 =	vld [tilespmem:s31+$0x30];
	[tilespmem:s29+$0x0] =	vst v3  }
0x65: {  	v9 =	vld [tilespmem:s31+$0x10];
	[tilespmem:s29+$0x20] =	vst v4  }
0x66: {  	v8 =	vld [tilespmem:s31+$0xFFFFFFC0];
	[tilespmem:s29+$0xFFFFFFD0] =	vst v5;
	s29 =	smov.u32 s31  }
0x67: {  	v3 =	vld.idx.msk [tilespmem:v6+s18+$0x0], $0xffff  }
0x68: {  	v12 =	vld [tilespmem:s31+$0xFFFFFFE0]  }
0x69: {  	v4 =	vld [tilespmem:s31+$0x20]  }
.Ltmp3:
0x6a: {  	v5 =	vld [tilespmem:s31+$0xFFFFFFD0];
	(pc) =	sbr.rel @p0 .LBB2_5-.Ltmp3, $3  }
0x6b: {  	v6 =	vld [tilespmem:s31+$0x0];
	_ =	sdelay $0x1  }
0x6c: {  	v8 =	vmul.f32 v8, v3;
	v10 =	vmul.f32 v7, v3  }
0x6d: {  	v11 =	vmov s20;
	v9 =	vmul.f32 v9, v3;
	v7 =	vmul.f32 v12, v3  }
0x6e: {  	[tilespmem:s29+$0xFFFFFFC0] =	vst v8;
	v8 =	vand.u32 $0x7F, v11  }
0x6f: {  	[tilespmem:s29+$0x30] =	vst v10;
	v1 =	vadd.s32 v1, v8  }
0x70: {  	v2 =	vmul.f32 v2, v3;
	[tilespmem:s29+$0x10] =	vst v9;
	v1 =	vbroadcast v1, $0x0  }
0x71: {  	s1 =	sadd.s32 $0x80, s31;
	[tilespmem:s29+$0xFFFFFFE0] =	vst v7;
	v6 =	vmul.f32 v6, v3  }
0x72: {  	v4 =	vmul.f32 v4, v3;
	v7 =	vld [tilespmem:s1+$0xFFFFFFF0];
	[tilespmem:s29+$0xFFFFFFF0] =	vst v2  }
0x73: {  	v3 =	vmul.f32 v5, v3;
	v2 =	vld [tilespmem:s1+$0x30];
	[tilespmem:s29+$0x0] =	vst v6  }
0x74: {  	v5 =	vld [tilespmem:s1+$0x10];
	[tilespmem:s29+$0x20] =	vst v4  }
0x75: {  	v4 =	vld [tilespmem:s1+$0xFFFFFFC0];
	[tilespmem:s29+$0xFFFFFFD0] =	vst v3  }
0x76: {  	v1 =	vld.idx.msk [tilespmem:v1+s18+$0x0], $0xffff;
	_ =	sdelay $0x2  }
0x77: {  	v3 =	vld [tilespmem:s1+$0xFFFFFFE0];
	_ =	sdelay $0x1  }
0x78: {  	v6 =	vld [tilespmem:s1+$0x0];
	v2 =	vmul.f32 v2, v1  }
0x79: {  	v8 =	vld [tilespmem:s1+$0x20];
	v4 =	vmul.f32 v4, v1  }
0x7a: {  	v9 =	vld [tilespmem:s1+$0xFFFFFFD0];
	v5 =	vmul.f32 v5, v1;
	[tilespmem:s1+$0x30] =	vst v2  }
0x7b: {  	v2 =	vmul.f32 v3, v1;
	[tilespmem:s1+$0xFFFFFFC0] =	vst v4  }
0x7c: {  	v3 =	vmul.f32 v7, v1;
	[tilespmem:s1+$0x10] =	vst v5  }
0x7d: {  	v4 =	vmul.f32 v6, v1;
	[tilespmem:s1+$0xFFFFFFE0] =	vst v2  }
0x7e: {  	v2 =	vmul.f32 v8, v1;
	[tilespmem:s1+$0xFFFFFFF0] =	vst v3  }
0x7f: {  	v1 =	vmul.f32 v9, v1;
	[tilespmem:s1+$0x0] =	vst v4  }
0x80: {  	s20 =	sshll.u32 s28, $0xA;
	[tilespmem:s1+$0x20] =	vst v2  }
0x81: {  	p0 =	seq.s32 s28, $0x13;
	s0 =	sor.u32 $0x1, s30;
	s29 =	sshrl.u32 s20, $0x2;
	[tilespmem:s1+$0xFFFFFFD0] =	vst v1  }
0x82: {  	[spmem:s2] =	stream.indirect.scatter.add.f32 [tilespmem:s15], [sflag:$0x3], $0x80, s29, s19, $0xb8;
	[tilespmem:$0x1FC00] =	vst v63  }
0x83: {  	s31 =	simm.s32 $0x0;
	s20 =	sshrl.u32 @!p0 s20, $0x2;
	_ =	swait.ge [sflag:s23], $0x4000  }
0x84: {  	s30 =	sshll.u32 s0, $0x7;
	v2 =	vmov s31;
	s1 =	sadd.s32 @!p0 $0x1500, s20;
	[sflag:s23] =	ssyncset.done $0x0  }
0x85: {  	s20 =	simm.s32 @!p0 $0x80;
	s31 =	simm.s32 @!p0 $0x3C00;
	v1 =	vmov s30;
	v2 =	vand.u32 $0x7F, v2;
	[sflag:s23] =	ssyncadd.s32 $0xFFFFC000  }
0x86: {  	v2 =	vadd.s32 v1, v2;
	[tilespmem:s31], [sflag:$0x1] =	stream.indirect.gather @!p0 [hbm4b:s4+s20], $0x80, s1, s20, $0xb8;
	[tilespmem:$0x1FC00] =	vst v63  }
0x87: {  	v2 =	vbroadcast v2, $0x0;
	_ =	swait.ge [sflag:s24], $0x4000  }
0x88: {  	[sflag:s24] =	ssyncset.done $0x0  }
0x89: {  	s31 =	simm.s32 $0x7C40;
	[sflag:s24] =	ssyncadd.s32 $0xFFFFC000  }
0x8a: {  	v6 =	vld [tilespmem:s31+$0x30]  }
0x8b: {  	v9 =	vld [tilespmem:s31+$0x10]  }
0x8c: {  	v7 =	vld [tilespmem:s31+$0xFFFFFFC0]  }
0x8d: {  	v3 =	vld.idx.msk [tilespmem:v2+s18+$0x0], $0xffff  }
0x8e: {  	v12 =	vld [tilespmem:s31+$0xFFFFFFE0]  }
0x8f: {  	v2 =	vld [tilespmem:s31+$0xFFFFFFF0]  }
0x90: {  	v4 =	vld [tilespmem:s31+$0x20]  }
0x91: {  	v5 =	vld [tilespmem:s31+$0xFFFFFFD0]  }
0x92: {  	v10 =	vmul.f32 v6, v3;
	v6 =	vld [tilespmem:s31+$0x0]  }
0x93: {  	s0 =	simm.s32 $0x1;
	v8 =	vmul.f32 v7, v3  }
0x94: {  	v11 =	vmov s0;
	s20 =	simm.s32 $0x2;
	s1 =	simm.s32 $0x7C40;
	v7 =	vmul.f32 v12, v3;
	v9 =	vmul.f32 v9, v3  }
.LBB2_7:
0x95: {  	p1 =	sne.s32 s20, $0x7F  }
0x96: {  	v11 =	vand.u32 $0x7F, v11;
	v5 =	vmul.f32 v5, v3;
	v4 =	vmul.f32 v4, v3;
	[tilespmem:s31+$0x30] =	vst v10;
	s1 =	sadd.s32 $0x80, s1;
	s0 =	smov.u32 s20;
	s20 =	sadd.s32 $0x1, s20  }
0x97: {  	v10 =	vadd.s32 v1, v11;
	[tilespmem:s31+$0xFFFFFFC0] =	vst v8;
	v8 =	vmul.f32 v2, v3;
	v3 =	vmul.f32 v6, v3  }
0x98: {  	v6 =	vbroadcast v10, $0x0;
	[tilespmem:s31+$0x10] =	vst v9  }
0x99: {  	[tilespmem:s31+$0xFFFFFFE0] =	vst v7  }
0x9a: {  	v2 =	vld [tilespmem:s1+$0xFFFFFFF0];
	[tilespmem:s31+$0xFFFFFFF0] =	vst v8  }
0x9b: {  	v7 =	vld [tilespmem:s1+$0x30];
	[tilespmem:s31+$0x0] =	vst v3  }
0x9c: {  	v9 =	vld [tilespmem:s1+$0x10];
	[tilespmem:s31+$0x20] =	vst v4  }
0x9d: {  	v8 =	vld [tilespmem:s1+$0xFFFFFFC0];
	[tilespmem:s31+$0xFFFFFFD0] =	vst v5;
	s31 =	smov.u32 s1  }
0x9e: {  	v3 =	vld.idx.msk [tilespmem:v6+s18+$0x0], $0xffff  }
0x9f: {  	v12 =	vld [tilespmem:s1+$0xFFFFFFE0]  }
0xa0: {  	v4 =	vld [tilespmem:s1+$0x20]  }
.Ltmp4:
0xa1: {  	v5 =	vld [tilespmem:s1+$0xFFFFFFD0];
	(pc) =	sbr.rel @p1 .LBB2_7-.Ltmp4, $3  }
0xa2: {  	v6 =	vld [tilespmem:s1+$0x0];
	_ =	sdelay $0x1  }
0xa3: {  	v8 =	vmul.f32 v8, v3;
	v10 =	vmul.f32 v7, v3  }
0xa4: {  	v11 =	vmov s0;
	v9 =	vmul.f32 v9, v3;
	v7 =	vmul.f32 v12, v3  }
0xa5: {  	[tilespmem:s31+$0x30] =	vst v10;
	v58 =	vand.u32 $0x7F, v11  }
0xa6: {  	[tilespmem:s31+$0xFFFFFFC0] =	vst v8;
	v1 =	vadd.s32 v1, v58  }
0xa7: {  	v2 =	vmul.f32 v2, v3;
	[tilespmem:s31+$0x10] =	vst v9;
	v1 =	vbroadcast v1, $0x0  }
0xa8: {  	s0 =	sadd.s32 $0x80, s1;
	[tilespmem:s31+$0xFFFFFFE0] =	vst v7;
	v6 =	vmul.f32 v6, v3  }
0xa9: {  	v4 =	vmul.f32 v4, v3;
	v3 =	vmul.f32 v5, v3;
	v7 =	vld [tilespmem:s0+$0xFFFFFFF0];
	[tilespmem:s31+$0xFFFFFFF0] =	vst v2  }
0xaa: {  	v2 =	vld [tilespmem:s0+$0x30];
	[tilespmem:s31+$0x0] =	vst v6  }
0xab: {  	v60 =	vld [tilespmem:s0+$0xFFFFFFC0];
	[tilespmem:s31+$0xFFFFFFD0] =	vst v3  }
0xac: {  	v59 =	vld [tilespmem:s0+$0x10];
	[tilespmem:s31+$0x20] =	vst v4  }
0xad: {  	v1 =	vld.idx.msk [tilespmem:v1+s18+$0x0], $0xffff;
	_ =	sdelay $0x2  }
0xae: {  	v6 =	vld [tilespmem:s0+$0x0]  }
0xaf: {  	v3 =	vld [tilespmem:s0+$0xFFFFFFE0]  }
0xb0: {  	v2 =	vmul.f32 v2, v1  }
0xb1: {  	v61 =	vld [tilespmem:s0+$0x20];
	v4 =	vmul.f32 v60, v1  }
0xb2: {  	v62 =	vld [tilespmem:s0+$0xFFFFFFD0];
	v5 =	vmul.f32 v59, v1;
	[tilespmem:s0+$0x30] =	vst v2  }
0xb3: {  	v63 =	vmul.f32 v6, v1;
	[tilespmem:s0+$0xFFFFFFC0] =	vst v4  }
0xb4: {  	v2 =	vmul.f32 v3, v1;
	[tilespmem:s0+$0x10] =	vst v5  }
0xb5: {  	v3 =	vmul.f32 v7, v1;
	[tilespmem:s0+$0x0] =	vst v63  }
0xb6: {  	[tilespmem:s0+$0xFFFFFFE0] =	vst v2;
	v2 =	vmul.f32 v61, v1  }
0xb7: {  	[tilespmem:s0+$0xFFFFFFF0] =	vst v3;
	v1 =	vmul.f32 v62, v1  }
0xb8: {  	[tilespmem:s0+$0x20] =	vst v2  }
.Ltmp5:
0xb9: {  	s31 =	sand.u32 $0x3FFFFF80, s30;
	[tilespmem:s0+$0xFFFFFFD0] =	vst v1;
	(pc) =	sbr.rel @p0 .LBB2_10-.Ltmp5, $4  }
0xba: {  	[spmem:s2] =	stream.indirect.scatter.add.f32 [tilespmem:s21], [sflag:$0x4], $0x80, s31, s19, $0xb8;
	[tilespmem:$0x1FC00] =	vst v63  }
0xbb: {  	_ =	swait.ge [sflag:s25], $0x4000  }
0xbc: {  	[sflag:s25] =	ssyncset.done $0x0  }
0xbd: {  	[sflag:s25] =	ssyncadd.s32 $0xFFFFC000  }
.Ltmp6:
0xbe: {  	(pc) =	sbr.rel .LBB2_4-.Ltmp6, $3  }
0xbf: {  	_ =	sdelay $0x1  }
0xc0: {  	s0 =	sadd.s32 $0x1580, s29;
	s28 =	sadd.s32 $0x1, s28  }
0xc1: {  	[tilespmem:s21], [sflag:$0x2] =	stream.indirect.gather [hbm4b:s4+s19], $0x80, s0, s19, $0xb8;
	[tilespmem:$0x1FC00] =	vst v63  }
.LBB2_11:
0xc2: {  	_ =	sfence.sel $0x180000  }
0xc3: {  	[bflag:$0x0] =	sbarrier.arrive $0xFFFF  }
0xc4: {  	_ =	strace $0x90000053  }
0xc5: {  	s0 =	stileid.u32;
	[bflag:$0x2] =	sbarrier.arrive $0xFFFF  }
0xc6: {  	p0 =	sne.s32 s0, $0x0;
	s0 =	rddreg [dreg:$0x3]  }
0xc7: {  	s0 =	sadd.s32 @!p0 $0x100000, s0  }
0xc8: {  	[sflag:s0] =	ssyncadd.tile.s32 @!p0 $0x1;
	_ =	shalt  }
.Lfunc_end2:
_tile_overlayer_lowered:
.L_overlay_start_2:
0xc9: {  	(tag) =	ssettag $0x2  }
0xca: {  	s0 =	rddreg [dreg:$0x0];
	s2 =	stileid.u32  }
0xcb: {  	s1 =	rddreg [dreg:$0x1];
	p0 =	sne.s32 s2, $0x0  }
0xcc: {  	s3 =	rddreg [dreg:$0x2];
	[bflag:$0x3] =	sbarrier.arrive $0xFFFF;
	s2 =	simm.s32 @!p0 $0x1C05  }
0xcd: {  	[timem:s3], [sflag:s2] =	dma.local @!p0 [hbm:s0], s1  }
0xce: {  	s0 =	simm.s32 @!p0 $0x5  }
0xcf: {  	_ =	swait.ge @!p0 [sflag:s0], s1  }
0xd0: {  	s1 =	ssub.s32 @!p0 $0x0, s1;
	[sflag:s0] =	ssyncset.done @!p0 $0x0  }
0xd1: {  	[sflag:s0] =	ssyncadd.s32 @!p0 s1  }
0xd2: {  	[bflag:$0x3] =	sbarrier.arrive $0xFFFF  }
0xd3: {  	_ =	shalt  }

</sc_bundles>
